<compile_context>
chip_gen: v7x
topology: tpu7x:2x2x1
jax: 0.10.2.dev20260603
libtpu: 0.0.44.dev20260713+nightly
codegen_flags: <defaults>
</compile_context>

<pallas_src>
import functools

import jax
import jax.numpy as jnp
from jax import lax
from jax.experimental import pallas as pl
from jax.experimental.pallas import tpu as pltpu
from jax.experimental.pallas import tpu_sc as plsc

N_HASHES = 8
BLK = 128
R = 1.0

_NC = 2
_NS = 16
_NW = _NC * _NS



def _sc_gather_body(per_w, chunk, table_hbm, idx2_hbm, out_hbm,
                    idx_all, rows0, rows1, sw0, sw1, sg0, sg1):
    wid = lax.axis_index("s") * _NC + lax.axis_index("c")
    base = wid * per_w
    nst = per_w // chunk
    pltpu.sync_copy(idx2_hbm.at[pl.ds(base, per_w)], idx_all)

    def step(i, carry):
        off0 = base + (2 * i) * chunk
        off1 = off0 + chunk

        @pl.when(i > 0)
        def _():
            pltpu.make_async_copy(
                rows0, out_hbm.at[pl.ds(base, chunk)], sw0).wait()

        pltpu.async_copy(
            table_hbm.at[idx_all.at[pl.ds((2 * i) * chunk, chunk)]],
            rows0, sg0).wait()
        pltpu.async_copy(rows0, out_hbm.at[pl.ds(off0, chunk)], sw0)

        @pl.when(i > 0)
        def _():
            pltpu.make_async_copy(
                rows1, out_hbm.at[pl.ds(base, chunk)], sw1).wait()

        pltpu.async_copy(
            table_hbm.at[idx_all.at[pl.ds((2 * i + 1) * chunk, chunk)]],
            rows1, sg1).wait()
        pltpu.async_copy(rows1, out_hbm.at[pl.ds(off1, chunk)], sw1)
        return carry

    lax.fori_loop(0, nst // 2, step, 0)
    pltpu.make_async_copy(rows0, out_hbm.at[pl.ds(base, chunk)], sw0).wait()
    pltpu.make_async_copy(rows1, out_hbm.at[pl.ds(base, chunk)], sw1).wait()


def _sc_gather(table, idx, chunk=256):
    n = idx.shape[0]
    d = table.shape[1]
    per_w = n // _NW
    mesh = plsc.VectorSubcoreMesh(core_axis_name="c", subcore_axis_name="s")
    f = pl.kernel(
        functools.partial(_sc_gather_body, per_w, chunk),
        out_type=jax.ShapeDtypeStruct((n, d), table.dtype),
        mesh=mesh,
        scratch_types=[
            pltpu.VMEM((per_w,), jnp.int32),
            pltpu.VMEM((chunk, d), table.dtype),
            pltpu.VMEM((chunk, d), table.dtype),
            pltpu.SemaphoreType.DMA,
            pltpu.SemaphoreType.DMA,
            pltpu.SemaphoreType.DMA,
            pltpu.SemaphoreType.DMA,
        ],
    )
    return f(table, idx)



def _attn_body(q_ref, kv_ref, o_ref):
    q = q_ref[:, :, :64]
    k = kv_ref[:, :, :64]
    v = kv_ref[:, :, 64:]
    inner = jax.lax.dot_general(
        q, k, (((2,), (2,)), ((0,), (0,))), preferred_element_type=jnp.float32)
    m = jnp.max(inner, axis=-1, keepdims=True)
    e = jnp.exp(inner - m)
    s = jnp.sum(e, axis=-1, keepdims=True)
    o = jax.lax.dot_general(
        e, v, (((2,), (1,)), ((0,), (0,))), preferred_element_type=jnp.float32)
    lse = jnp.log(s) + m
    o_ref[...] = jnp.concatenate(
        [o / s, jnp.broadcast_to(lse, o.shape)], axis=-1)


def _block_attention(s_all, g=32):
    nb = s_all.shape[0] // 2
    kv_off = nb // g
    return pl.pallas_call(
        _attn_body,
        grid=(nb // g,),
        in_specs=[
            pl.BlockSpec((g, BLK, 128), lambda i: (i, 0, 0)),
            pl.BlockSpec((g, BLK, 128), lambda i: (i + kv_off, 0, 0)),
        ],
        out_specs=pl.BlockSpec((g, BLK, 128), lambda i: (i, 0, 0)),
        out_shape=jax.ShapeDtypeStruct((nb, BLK, 128), jnp.float32),
    )(s_all, s_all)



def _combine_body(*refs):
    out_ref = refs[-1]
    oa = jnp.concatenate([r[...] for r in refs[:-1]], axis=0)
    o = oa[:, :, :64]
    logits = oa[:, :, 64]
    m = jnp.max(logits, axis=0, keepdims=True)
    e = jnp.exp(logits - m)
    probs = e / jnp.sum(e, axis=0, keepdims=True)
    out_ref[...] = jnp.sum(o * probs[..., None], axis=0)


def _combine(parts, p=512):
    r = parts[0].shape[0]
    n = parts[0].shape[1]
    return pl.pallas_call(
        _combine_body,
        grid=(n // p,),
        in_specs=[pl.BlockSpec((r, p, 128), lambda i: (0, i, 0))
                  for _ in parts],
        out_specs=pl.BlockSpec((p, 64), lambda i: (i, 0)),
        out_shape=jax.ShapeDtypeStruct((n, 64), jnp.float32),
    )(*parts)



def _lsh_hashes(q, k):
    bs, t, dim = q.shape
    qs = jax.lax.stop_gradient(q)
    ks = jax.lax.stop_gradient(k)
    q_norm_sq = jnp.sum(qs * qs, axis=-1, keepdims=True)
    k_norm_sq = jnp.sum(ks * ks, axis=-1, keepdims=True)
    q_max_sq = jnp.max(q_norm_sq, axis=1, keepdims=True)
    k_max_sq = jnp.max(k_norm_sq, axis=1, keepdims=True)
    q_ext = jnp.sqrt(jnp.maximum(q_max_sq - q_norm_sq, 0.0))
    k_ext = jnp.sqrt(jnp.maximum(k_max_sq - k_norm_sq, 0.0))
    Queries = jnp.concatenate([qs, q_ext, jnp.zeros_like(q_ext)], axis=-1)
    Keys = jnp.concatenate([ks, jnp.zeros_like(k_ext), k_ext], axis=-1)
    lkey = jax.random.key(42)
    alpha = jax.random.normal(
        jax.random.fold_in(lkey, 0), (dim + 2, N_HASHES), dtype=jnp.float32)
    beta = jax.random.uniform(
        jax.random.fold_in(lkey, 1), (N_HASHES,), minval=0.0, maxval=R,
        dtype=jnp.float32)
    q_hash = jnp.transpose(Queries @ alpha + beta, (2, 0, 1))
    k_hash = jnp.transpose(Keys @ alpha + beta, (2, 0, 1))
    return q_hash, k_hash


def kernel(query, key, value):
    b, t, h, e = query.shape
    bs = b * h
    q = jnp.transpose(query, (0, 2, 1, 3)).reshape(bs, t, e)
    k = jnp.transpose(key, (0, 2, 1, 3)).reshape(bs, t, e)
    v = jnp.transpose(value, (0, 2, 1, 3)).reshape(bs, t, e)

    q_hash, k_hash = _lsh_hashes(q, k)

    ch = 4
    r = N_HASHES // ch

    offset = (jnp.arange(bs, dtype=jnp.int32) * t)[None, :, None]
    offset2 = (jnp.arange(r * bs, dtype=jnp.int32) * t)[:, None]

    q_tab = jnp.pad(q.reshape(-1, e), ((0, 0), (0, 128 - e)))
    kv_tab = jnp.concatenate(
        [k.reshape(-1, e), v.reshape(-1, e)], axis=1)
    qkv_tab = jnp.concatenate([q_tab, kv_tab], axis=0)

    qk_pos = jnp.argsort(
        jnp.concatenate([q_hash, k_hash], axis=0), axis=-1).astype(jnp.int32)
    q_pos_a, k_pos_a = qk_pos[:N_HASHES], qk_pos[N_HASHES:]
    q_rev_a = jnp.argsort(q_pos_a, axis=-1).astype(jnp.int32)

    parts = []
    for c in range(ch):
        sl = slice(c * r, (c + 1) * r)
        q_pos = q_pos_a[sl]
        k_pos = k_pos_a[sl]
        q_rev = q_rev_a[sl]
        q_flat = (q_pos + offset).reshape(-1)
        k_flat = (k_pos + offset + bs * t).reshape(-1)
        idx_fwd = jnp.concatenate([q_flat, k_flat])
        q_rev_flat = (q_rev.reshape(r * bs, t) + offset2).reshape(-1)

        s_all = _sc_gather(qkv_tab, idx_fwd)
        bo = _block_attention(s_all.reshape(-1, BLK, 128))
        o_aug = _sc_gather(bo.reshape(-1, 128), q_rev_flat)
        parts.append(o_aug.reshape(r, bs * t, 128))

    out = _combine(parts)
    out = jnp.transpose(out.reshape(b, h, t, e), (0, 2, 1, 3))
    return out

# --- scband reference (transcript-rebuilt; emitter-appended) ---
"""Pipeline reference for scband-smyrf-attention-20942260535709 (READ-ONLY COPY).

The authoritative reference and input builder live on the scoring server;
editing this copy changes nothing except your own understanding.
"""

import jax, jax.numpy as jnp
import numpy as np

N_HASHES = 8
Q_ATTN = 128
K_ATTN = 128
R = 1.0


def setup_inputs(seed: int = 0):
    key = jax.random.key(seed)
    k1, k2, k3 = jax.random.split(key, 3)
    query = jax.random.normal(k1, (1, 2048, 16, 64), dtype=jnp.float32)
    key_t = jax.random.normal(k2, (1, 2048, 16, 64), dtype=jnp.float32)
    value = jax.random.normal(k3, (1, 2048, 16, 64), dtype=jnp.float32)
    return {"query": query, "key": key_t, "value": value}


def _smyrf_forward(query, key, value):
    b, q_seqlen_og, n_head, e = query.shape
    # rearrange 'b t h e -> (b h) t e'
    q = jnp.transpose(query, (0, 2, 1, 3)).reshape(b * n_head, q_seqlen_og, e)
    k = jnp.transpose(key, (0, 2, 1, 3)).reshape(b * n_head, key.shape[1], e)
    v = jnp.transpose(value, (0, 2, 1, 3)).reshape(b * n_head, value.shape[1], value.shape[-1])
    bs, q_seqlen, dim = q.shape
    k_seqlen = k.shape[1]
    v_dim = v.shape[-1]
    # XBOX+ asymmetric transform (computed under no_grad in the original)
    qs = jax.lax.stop_gradient(q)
    ks = jax.lax.stop_gradient(k)
    q_norm_sq = jnp.sum(qs * qs, axis=-1, keepdims=True)
    k_norm_sq = jnp.sum(ks * ks, axis=-1, keepdims=True)
    q_max_sq = jnp.max(q_norm_sq, axis=1, keepdims=True)
    k_max_sq = jnp.max(k_norm_sq, axis=1, keepdims=True)
    q_ext = jnp.sqrt(jnp.maximum(q_max_sq - q_norm_sq, 0.0))
    k_ext = jnp.sqrt(jnp.maximum(k_max_sq - k_norm_sq, 0.0))
    Queries = jnp.concatenate([qs, q_ext, jnp.zeros_like(q_ext)], axis=-1)
    Keys = jnp.concatenate([ks, jnp.zeros_like(k_ext), k_ext], axis=-1)
    # E2LSH: random projection + uniform shift; argsort of hash values gives cluster order
    lkey = jax.random.key(42)
    alpha = jax.random.normal(jax.random.fold_in(lkey, 0), (dim + 2, N_HASHES), dtype=jnp.float32)
    beta = jax.random.uniform(jax.random.fold_in(lkey, 1), (N_HASHES,), minval=0.0, maxval=R, dtype=jnp.float32)
    q_hash = jnp.transpose(Queries @ alpha + beta, (2, 0, 1))  # (n_hashes, bs, N)
    k_hash = jnp.transpose(Keys @ alpha + beta, (2, 0, 1))
    q_positions = jnp.argsort(q_hash, axis=-1).reshape(N_HASHES, bs, -1)
    k_positions = jnp.argsort(k_hash, axis=-1).reshape(N_HASHES, bs, -1)
    q_rev_positions = jnp.argsort(q_positions, axis=-1)
    q_offset = (jnp.arange(bs) * q_seqlen)[:, None]
    k_offset = (jnp.arange(bs) * k_seqlen)[:, None]
    q_flat = (q_positions + q_offset).reshape(-1)
    k_flat = (k_positions + k_offset).reshape(-1)
    s_queries = jnp.take(q.reshape(-1, dim), q_flat, axis=0).reshape(-1, Q_ATTN, dim)
    s_keys = jnp.take(k.reshape(-1, dim), k_flat, axis=0).reshape(-1, K_ATTN, dim)
    s_values = jnp.take(v.reshape(-1, v_dim), k_flat, axis=0).reshape(-1, K_ATTN, v_dim)
    inner = jnp.einsum('bqd,bkd->bqk', s_queries, s_keys)  # norm_factor = 1
    dots_logsumexp = jax.scipy.special.logsumexp(inner, axis=-1, keepdims=True)
    dots = jnp.exp(inner - dots_logsumexp)
    bo = jnp.einsum('bqk,bkd->bqd', dots, s_values).reshape(N_HASHES, bs, q_seqlen, -1)
    q_offset2 = (jnp.arange(bs * N_HASHES) * q_seqlen)[:, None]
    q_rev_flat = (q_rev_positions.reshape(-1, q_seqlen) + q_offset2).reshape(-1)
    o = jnp.take(bo.reshape(-1, v_dim), q_rev_flat, axis=0).reshape(N_HASHES, bs, q_seqlen, -1)
    slogits = dots_logsumexp.reshape(N_HASHES, bs, -1)
    logits = jnp.take_along_axis(slogits, q_rev_positions, axis=2)
    probs = jnp.exp(logits - jax.scipy.special.logsumexp(logits, axis=0, keepdims=True))
    out = jnp.sum(o * probs[..., None], axis=0)
    out = jnp.transpose(out.reshape(b, n_head, q_seqlen, v_dim), (0, 2, 1, 3))
    return out


def reference(query, key, value):
    return _smyrf_forward(query, key, value)

if __name__ == "__main__":
    import jax
    _d = setup_inputs()
    print(jax.jit(kernel)(*tuple(_d.values())))

</pallas_src>

<mosaic_0001>
#map = affine_map<(d0, d1) -> (0, 0)>
#map1 = affine_map<(d0, d1) -> (0)>
module attributes {stable_mosaic.version = 14 : i64} {
  func.func @_sc_gather_body(%arg0: i32, %arg1: i32, %arg2: memref<65536x128xf32, #tpu.memory_space<hbm>>, %arg3: memref<131072xi32, #tpu.memory_space<hbm>>, %arg4: memref<131072x128xf32, #tpu.memory_space<hbm>>, %arg5: memref<4096xi32, #tpu.memory_space<vmem>>, %arg6: memref<256x128xf32, #tpu.memory_space<vmem>>, %arg7: memref<256x128xf32, #tpu.memory_space<vmem>>, %arg8: memref<!tpu.dma_semaphore, #tpu.memory_space<semaphore_mem>>, %arg9: memref<!tpu.dma_semaphore, #tpu.memory_space<semaphore_mem>>, %arg10: memref<!tpu.dma_semaphore, #tpu.memory_space<semaphore_mem>>, %arg11: memref<!tpu.dma_semaphore, #tpu.memory_space<semaphore_mem>>) attributes {dimension_semantics = [#tpu.dimension_semantics<core_parallel>, #tpu.dimension_semantics<subcore_parallel>], iteration_bounds = array<i64: 2, 16>, scalar_prefetch = 0 : i64, scratch_operands = 7 : i64, tpu.core_type = #tpu.core_type<sc_vector_subcore>, window_params = [{transform_indices = #map}, {transform_indices = #map1}, {transform_indices = #map}]} {
    %mul3A = arith.constant 2 : i32
    %mul3A_0 = arith.muli %arg1, %mul3A : i32
    %add3A = arith.addi %mul3A_0, %arg0 : i32
    %mul3A_1 = arith.constant 4096 : i32
    %mul3A_2 = arith.muli %add3A, %mul3A_1 : i32
    "tpu.region"() ({
      %run_scoped3A = tpu.sem_alloc : memref<!tpu.dma_semaphore, #tpu.memory_space<semaphore_mem>>
      %dma_start3A = tpu.memref_slice %arg3[%mul3A_2] : memref<131072xi32, #tpu.memory_space<hbm>> -> memref<4096xi32, #tpu.memory_space<hbm>>
      %dma_start3A_15 = tpu.memref_slice %arg3[%mul3A_2] : memref<131072xi32, #tpu.memory_space<hbm>> -> memref<4096xi32, #tpu.memory_space<hbm>>
      tpu.enqueue_dma source(%dma_start3A_15 : memref<4096xi32, #tpu.memory_space<hbm>>) target(%arg5 : memref<4096xi32, #tpu.memory_space<vmem>>) target_semaphore(%run_scoped3A : memref<!tpu.dma_semaphore, #tpu.memory_space<semaphore_mem>>)
      %dma_wait3A_16 = tpu.memref_slice %arg3[%mul3A_2] : memref<131072xi32, #tpu.memory_space<hbm>> -> memref<4096xi32, #tpu.memory_space<hbm>>
      %dma_wait3A_17 = tpu.memref_slice %arg3[%mul3A_2] : memref<131072xi32, #tpu.memory_space<hbm>> -> memref<4096xi32, #tpu.memory_space<hbm>>
      tpu.wait_dma2 semaphore(%run_scoped3A : memref<!tpu.dma_semaphore, #tpu.memory_space<semaphore_mem>>) src(%dma_wait3A_17 : memref<4096xi32, #tpu.memory_space<hbm>>) dst(%arg5 : memref<4096xi32, #tpu.memory_space<vmem>>)
      tpu.yield
    }) : () -> ()
    %scan3A = arith.constant 0 : i32
    %scan3A_3 = arith.constant 0 : i32
    %scan3A_4 = arith.constant 8 : i32
    %scan3A_5 = arith.addi %scan3A_3, %scan3A_4 : i32
    %scan3A_6 = arith.constant 1 : i32
    scf.for %scan3A_15 = %scan3A_3 to %scan3A_5 step %scan3A_6  : i32 {
      %mul3A_16 = arith.constant 2 : i32
      %mul3A_17 = arith.muli %mul3A_16, %scan3A_15 : i32
      %mul3A_18 = arith.constant 256 : i32
      %mul3A_19 = arith.muli %mul3A_17, %mul3A_18 : i32
      %add3A_20 = arith.addi %mul3A_2, %mul3A_19 : i32
      %add3A_21 = arith.constant 256 : i32
      %add3A_22 = arith.addi %add3A_20, %add3A_21 : i32
      %gt3A = arith.constant 0 : i32
      %gt3A_23 = arith.cmpi sgt, %scan3A_15, %gt3A : i32
      %convert_element_type3A = arith.extui %gt3A_23 : i1 to i32
      %cond3A = arith.constant 0 : i32
      %cond3A_24 = arith.cmpi ne, %convert_element_type3A, %cond3A : i32
      scf.if %cond3A_24 {
        %dma_wait3A_63 = arith.constant 0 : i32
        %dma_wait3A_64 = tpu.memref_slice %arg4[%mul3A_2, %dma_wait3A_63] : memref<131072x128xf32, #tpu.memory_space<hbm>> -> memref<256x128xf32, #tpu.memory_space<hbm>>
        %dma_wait3A_65 = arith.constant 0 : i32
        %dma_wait3A_66 = tpu.memref_slice %arg4[%mul3A_2, %dma_wait3A_65] : memref<131072x128xf32, #tpu.memory_space<hbm>> -> memref<256x128xf32, #tpu.memory_space<hbm>>
        tpu.wait_dma2 semaphore(%arg8 : memref<!tpu.dma_semaphore, #tpu.memory_space<semaphore_mem>>) src(%arg6 : memref<256x128xf32, #tpu.memory_space<vmem>>) dst(%dma_wait3A_66 : memref<256x128xf32, #tpu.memory_space<hbm>>)
      } else {
      }
      %mul3A_25 = arith.constant 2 : i32
      %mul3A_26 = arith.muli %mul3A_25, %scan3A_15 : i32
      %mul3A_27 = arith.constant 256 : i32
      %mul3A_28 = arith.muli %mul3A_26, %mul3A_27 : i32
      %dma_start3A = tpu.memref_slice %arg5[%mul3A_28] : memref<4096xi32, #tpu.memory_space<vmem>> -> memref<256xi32, #tpu.memory_space<vmem>>
      %dma_start3A_29 = arith.constant 0 : i32
      %dma_start3A_30 = arith.constant 0 : i32
      %dma_start3A_31 = tpu.memref_slice %arg2[%dma_start3A_29, %dma_start3A_30] : memref<65536x128xf32, #tpu.memory_space<hbm>> -> memref<65536x128xf32, #tpu.memory_space<hbm>>
      tpu.enqueue_indirect_dma source(%dma_start3A_31 : memref<65536x128xf32, #tpu.memory_space<hbm>>) target(%arg6 : memref<256x128xf32, #tpu.memory_space<vmem>>) offsets(%dma_start3A : memref<256xi32, #tpu.memory_space<vmem>>) semaphore(%arg10 : memref<!tpu.dma_semaphore, #tpu.memory_space<semaphore_mem>>)
      %dma_wait3A_32 = tpu.memref_slice %arg5[%mul3A_28] : memref<4096xi32, #tpu.memory_space<vmem>> -> memref<256xi32, #tpu.memory_space<vmem>>
      %dma_wait3A_33 = arith.constant 0 : i32
      %dma_wait3A_34 = arith.constant 0 : i32
      %dma_wait3A_35 = tpu.memref_slice %arg2[%dma_wait3A_33, %dma_wait3A_34] : memref<65536x128xf32, #tpu.memory_space<hbm>> -> memref<65536x128xf32, #tpu.memory_space<hbm>>
      tpu.wait_indirect_dma semaphore(%arg10 : memref<!tpu.dma_semaphore, #tpu.memory_space<semaphore_mem>>) src(%dma_wait3A_35 : memref<65536x128xf32, #tpu.memory_space<hbm>>) dst(%arg6 : memref<256x128xf32, #tpu.memory_space<vmem>>)
      %dma_start3A_36 = arith.constant 0 : i32
      %dma_start3A_37 = tpu.memref_slice %arg4[%add3A_20, %dma_start3A_36] : memref<131072x128xf32, #tpu.memory_space<hbm>> -> memref<256x128xf32, #tpu.memory_space<hbm>>
      %dma_start3A_38 = arith.constant 0 : i32
      %dma_start3A_39 = tpu.memref_slice %arg4[%add3A_20, %dma_start3A_38] : memref<131072x128xf32, #tpu.memory_space<hbm>> -> memref<256x128xf32, #tpu.memory_space<hbm>>
      tpu.enqueue_dma source(%arg6 : memref<256x128xf32, #tpu.memory_space<vmem>>) target(%dma_start3A_39 : memref<256x128xf32, #tpu.memory_space<hbm>>) target_semaphore(%arg8 : memref<!tpu.dma_semaphore, #tpu.memory_space<semaphore_mem>>)
      %gt3A_40 = arith.constant 0 : i32
      %gt3A_41 = arith.cmpi sgt, %scan3A_15, %gt3A_40 : i32
      %convert_element_type3A_42 = arith.extui %gt3A_41 : i1 to i32
      %cond3A_43 = arith.constant 0 : i32
      %cond3A_44 = arith.cmpi ne, %convert_element_type3A_42, %cond3A_43 : i32
      scf.if %cond3A_44 {
        %dma_wait3A_63 = arith.constant 0 : i32
        %dma_wait3A_64 = tpu.memref_slice %arg4[%mul3A_2, %dma_wait3A_63] : memref<131072x128xf32, #tpu.memory_space<hbm>> -> memref<256x128xf32, #tpu.memory_space<hbm>>
        %dma_wait3A_65 = arith.constant 0 : i32
        %dma_wait3A_66 = tpu.memref_slice %arg4[%mul3A_2, %dma_wait3A_65] : memref<131072x128xf32, #tpu.memory_space<hbm>> -> memref<256x128xf32, #tpu.memory_space<hbm>>
        tpu.wait_dma2 semaphore(%arg9 : memref<!tpu.dma_semaphore, #tpu.memory_space<semaphore_mem>>) src(%arg7 : memref<256x128xf32, #tpu.memory_space<vmem>>) dst(%dma_wait3A_66 : memref<256x128xf32, #tpu.memory_space<hbm>>)
      } else {
      }
      %mul3A_45 = arith.constant 2 : i32
      %mul3A_46 = arith.muli %mul3A_45, %scan3A_15 : i32
      %add3A_47 = arith.constant 1 : i32
      %add3A_48 = arith.addi %mul3A_46, %add3A_47 : i32
      %mul3A_49 = arith.constant 256 : i32
      %mul3A_50 = arith.muli %add3A_48, %mul3A_49 : i32
      %dma_start3A_51 = tpu.memref_slice %arg5[%mul3A_50] : memref<4096xi32, #tpu.memory_space<vmem>> -> memref<256xi32, #tpu.memory_space<vmem>>
      %dma_start3A_52 = arith.constant 0 : i32
      %dma_start3A_53 = arith.constant 0 : i32
      %dma_start3A_54 = tpu.memref_slice %arg2[%dma_start3A_52, %dma_start3A_53] : memref<65536x128xf32, #tpu.memory_space<hbm>> -> memref<65536x128xf32, #tpu.memory_space<hbm>>
      tpu.enqueue_indirect_dma source(%dma_start3A_54 : memref<65536x128xf32, #tpu.memory_space<hbm>>) target(%arg7 : memref<256x128xf32, #tpu.memory_space<vmem>>) offsets(%dma_start3A_51 : memref<256xi32, #tpu.memory_space<vmem>>) semaphore(%arg11 : memref<!tpu.dma_semaphore, #tpu.memory_space<semaphore_mem>>)
      %dma_wait3A_55 = tpu.memref_slice %arg5[%mul3A_50] : memref<4096xi32, #tpu.memory_space<vmem>> -> memref<256xi32, #tpu.memory_space<vmem>>
      %dma_wait3A_56 = arith.constant 0 : i32
      %dma_wait3A_57 = arith.constant 0 : i32
      %dma_wait3A_58 = tpu.memref_slice %arg2[%dma_wait3A_56, %dma_wait3A_57] : memref<65536x128xf32, #tpu.memory_space<hbm>> -> memref<65536x128xf32, #tpu.memory_space<hbm>>
      tpu.wait_indirect_dma semaphore(%arg11 : memref<!tpu.dma_semaphore, #tpu.memory_space<semaphore_mem>>) src(%dma_wait3A_58 : memref<65536x128xf32, #tpu.memory_space<hbm>>) dst(%arg7 : memref<256x128xf32, #tpu.memory_space<vmem>>)
      %dma_start3A_59 = arith.constant 0 : i32
      %dma_start3A_60 = tpu.memref_slice %arg4[%add3A_22, %dma_start3A_59] : memref<131072x128xf32, #tpu.memory_space<hbm>> -> memref<256x128xf32, #tpu.memory_space<hbm>>
      %dma_start3A_61 = arith.constant 0 : i32
      %dma_start3A_62 = tpu.memref_slice %arg4[%add3A_22, %dma_start3A_61] : memref<131072x128xf32, #tpu.memory_space<hbm>> -> memref<256x128xf32, #tpu.memory_space<hbm>>
      tpu.enqueue_dma source(%arg7 : memref<256x128xf32, #tpu.memory_space<vmem>>) target(%dma_start3A_62 : memref<256x128xf32, #tpu.memory_space<hbm>>) target_semaphore(%arg9 : memref<!tpu.dma_semaphore, #tpu.memory_space<semaphore_mem>>)
    }
    %scan3A_7 = arith.constant 8 : i32
    %dma_wait3A = arith.constant 0 : i32
    %dma_wait3A_8 = tpu.memref_slice %arg4[%mul3A_2, %dma_wait3A] : memref<131072x128xf32, #tpu.memory_space<hbm>> -> memref<256x128xf32, #tpu.memory_space<hbm>>
    %dma_wait3A_9 = arith.constant 0 : i32
    %dma_wait3A_10 = tpu.memref_slice %arg4[%mul3A_2, %dma_wait3A_9] : memref<131072x128xf32, #tpu.memory_space<hbm>> -> memref<256x128xf32, #tpu.memory_space<hbm>>
    tpu.wait_dma2 semaphore(%arg8 : memref<!tpu.dma_semaphore, #tpu.memory_space<semaphore_mem>>) src(%arg6 : memref<256x128xf32, #tpu.memory_space<vmem>>) dst(%dma_wait3A_10 : memref<256x128xf32, #tpu.memory_space<hbm>>)
    %dma_wait3A_11 = arith.constant 0 : i32
    %dma_wait3A_12 = tpu.memref_slice %arg4[%mul3A_2, %dma_wait3A_11] : memref<131072x128xf32, #tpu.memory_space<hbm>> -> memref<256x128xf32, #tpu.memory_space<hbm>>
    %dma_wait3A_13 = arith.constant 0 : i32
    %dma_wait3A_14 = tpu.memref_slice %arg4[%mul3A_2, %dma_wait3A_13] : memref<131072x128xf32, #tpu.memory_space<hbm>> -> memref<256x128xf32, #tpu.memory_space<hbm>>
    tpu.wait_dma2 semaphore(%arg9 : memref<!tpu.dma_semaphore, #tpu.memory_space<semaphore_mem>>) src(%arg7 : memref<256x128xf32, #tpu.memory_space<vmem>>) dst(%dma_wait3A_14 : memref<256x128xf32, #tpu.memory_space<hbm>>)
    return
  }
}

#map = affine_map<(d0, d1) -> (0, 0)>
#map1 = affine_map<(d0, d1) -> (0)>
module attributes {stable_mosaic.version = 14 : i64} {
  func.func @_sc_gather_body(%arg0: i32, %arg1: i32, %arg2: memref<65536x128xf32, #tpu.memory_space<hbm>>, %arg3: memref<131072xi32, #tpu.memory_space<hbm>>, %arg4: memref<131072x128xf32, #tpu.memory_space<hbm>>, %arg5: memref<4096xi32, #tpu.memory_space<vmem>>, %arg6: memref<256x128xf32, #tpu.memory_space<vmem>>, %arg7: memref<256x128xf32, #tpu.memory_space<vmem>>, %arg8: memref<!tpu.dma_semaphore, #tpu.memory_space<semaphore_mem>>, %arg9: memref<!tpu.dma_semaphore, #tpu.memory_space<semaphore_mem>>, %arg10: memref<!tpu.dma_semaphore, #tpu.memory_space<semaphore_mem>>, %arg11: memref<!tpu.dma_semaphore, #tpu.memory_space<semaphore_mem>>) attributes {dimension_semantics = [#tpu.dimension_semantics<core_parallel>, #tpu.dimension_semantics<subcore_parallel>], iteration_bounds = array<i64: 2, 16>, scalar_prefetch = 0 : i64, scratch_operands = 7 : i64, tpu.core_type = #tpu.core_type<sc_vector_subcore>, window_params = [{transform_indices = #map}, {transform_indices = #map1}, {transform_indices = #map}]} {
    %mul3A = arith.constant 2 : i32
    %mul3A_0 = arith.muli %arg1, %mul3A : i32
    %add3A = arith.addi %mul3A_0, %arg0 : i32
    %mul3A_1 = arith.constant 4096 : i32
    %mul3A_2 = arith.muli %add3A, %mul3A_1 : i32
    "tpu.region"() ({
      %run_scoped3A = tpu.sem_alloc : memref<!tpu.dma_semaphore, #tpu.memory_space<semaphore_mem>>
      %dma_start3A = tpu.memref_slice %arg3[%mul3A_2] : memref<131072xi32, #tpu.memory_space<hbm>> -> memref<4096xi32, #tpu.memory_space<hbm>>
      %dma_start3A_15 = tpu.memref_slice %arg3[%mul3A_2] : memref<131072xi32, #tpu.memory_space<hbm>> -> memref<4096xi32, #tpu.memory_space<hbm>>
      tpu.enqueue_dma source(%dma_start3A_15 : memref<4096xi32, #tpu.memory_space<hbm>>) target(%arg5 : memref<4096xi32, #tpu.memory_space<vmem>>) target_semaphore(%run_scoped3A : memref<!tpu.dma_semaphore, #tpu.memory_space<semaphore_mem>>)
      %dma_wait3A_16 = tpu.memref_slice %arg3[%mul3A_2] : memref<131072xi32, #tpu.memory_space<hbm>> -> memref<4096xi32, #tpu.memory_space<hbm>>
      %dma_wait3A_17 = tpu.memref_slice %arg3[%mul3A_2] : memref<131072xi32, #tpu.memory_space<hbm>> -> memref<4096xi32, #tpu.memory_space<hbm>>
      tpu.wait_dma2 semaphore(%run_scoped3A : memref<!tpu.dma_semaphore, #tpu.memory_space<semaphore_mem>>) src(%dma_wait3A_17 : memref<4096xi32, #tpu.memory_space<hbm>>) dst(%arg5 : memref<4096xi32, #tpu.memory_space<vmem>>)
      tpu.yield
    }) : () -> ()
    %scan3A = arith.constant 0 : i32
    %scan3A_3 = arith.constant 0 : i32
    %scan3A_4 = arith.constant 8 : i32
    %scan3A_5 = arith.addi %scan3A_3, %scan3A_4 : i32
    %scan3A_6 = arith.constant 1 : i32
    scf.for %scan3A_15 = %scan3A_3 to %scan3A_5 step %scan3A_6  : i32 {
      %mul3A_16 = arith.constant 2 : i32
      %mul3A_17 = arith.muli %mul3A_16, %scan3A_15 : i32
      %mul3A_18 = arith.constant 256 : i32
      %mul3A_19 = arith.muli %mul3A_17, %mul3A_18 : i32
      %add3A_20 = arith.addi %mul3A_2, %mul3A_19 : i32
      %add3A_21 = arith.constant 256 : i32
      %add3A_22 = arith.addi %add3A_20, %add3A_21 : i32
      %gt3A = arith.constant 0 : i32
      %gt3A_23 = arith.cmpi sgt, %scan3A_15, %gt3A : i32
      %convert_element_type3A = arith.extui %gt3A_23 : i1 to i32
      %cond3A = arith.constant 0 : i32
      %cond3A_24 = arith.cmpi ne, %convert_element_type3A, %cond3A : i32
      scf.if %cond3A_24 {
        %dma_wait3A_63 = arith.constant 0 : i32
        %dma_wait3A_64 = tpu.memref_slice %arg4[%mul3A_2, %dma_wait3A_63] : memref<131072x128xf32, #tpu.memory_space<hbm>> -> memref<256x128xf32, #tpu.memory_space<hbm>>
        %dma_wait3A_65 = arith.constant 0 : i32
        %dma_wait3A_66 = tpu.memref_slice %arg4[%mul3A_2, %dma_wait3A_65] : memref<131072x128xf32, #tpu.memory_space<hbm>> -> memref<256x128xf32, #tpu.memory_space<hbm>>
        tpu.wait_dma2 semaphore(%arg8 : memref<!tpu.dma_semaphore, #tpu.memory_space<semaphore_mem>>) src(%arg6 : memref<256x128xf32, #tpu.memory_space<vmem>>) dst(%dma_wait3A_66 : memref<256x128xf32, #tpu.memory_space<hbm>>)
      } else {
      }
      %mul3A_25 = arith.constant 2 : i32
      %mul3A_26 = arith.muli %mul3A_25, %scan3A_15 : i32
      %mul3A_27 = arith.constant 256 : i32
      %mul3A_28 = arith.muli %mul3A_26, %mul3A_27 : i32
      %dma_start3A = tpu.memref_slice %arg5[%mul3A_28] : memref<4096xi32, #tpu.memory_space<vmem>> -> memref<256xi32, #tpu.memory_space<vmem>>
      %dma_start3A_29 = arith.constant 0 : i32
      %dma_start3A_30 = arith.constant 0 : i32
      %dma_start3A_31 = tpu.memref_slice %arg2[%dma_start3A_29, %dma_start3A_30] : memref<65536x128xf32, #tpu.memory_space<hbm>> -> memref<65536x128xf32, #tpu.memory_space<hbm>>
      tpu.enqueue_indirect_dma source(%dma_start3A_31 : memref<65536x128xf32, #tpu.memory_space<hbm>>) target(%arg6 : memref<256x128xf32, #tpu.memory_space<vmem>>) offsets(%dma_start3A : memref<256xi32, #tpu.memory_space<vmem>>) semaphore(%arg10 : memref<!tpu.dma_semaphore, #tpu.memory_space<semaphore_mem>>)
      %dma_wait3A_32 = tpu.memref_slice %arg5[%mul3A_28] : memref<4096xi32, #tpu.memory_space<vmem>> -> memref<256xi32, #tpu.memory_space<vmem>>
      %dma_wait3A_33 = arith.constant 0 : i32
      %dma_wait3A_34 = arith.constant 0 : i32
      %dma_wait3A_35 = tpu.memref_slice %arg2[%dma_wait3A_33, %dma_wait3A_34] : memref<65536x128xf32, #tpu.memory_space<hbm>> -> memref<65536x128xf32, #tpu.memory_space<hbm>>
      tpu.wait_indirect_dma semaphore(%arg10 : memref<!tpu.dma_semaphore, #tpu.memory_space<semaphore_mem>>) src(%dma_wait3A_35 : memref<65536x128xf32, #tpu.memory_space<hbm>>) dst(%arg6 : memref<256x128xf32, #tpu.memory_space<vmem>>)
      %dma_start3A_36 = arith.constant 0 : i32
      %dma_start3A_37 = tpu.memref_slice %arg4[%add3A_20, %dma_start3A_36] : memref<131072x128xf32, #tpu.memory_space<hbm>> -> memref<256x128xf32, #tpu.memory_space<hbm>>
      %dma_start3A_38 = arith.constant 0 : i32
      %dma_start3A_39 = tpu.memref_slice %arg4[%add3A_20, %dma_start3A_38] : memref<131072x128xf32, #tpu.memory_space<hbm>> -> memref<256x128xf32, #tpu.memory_space<hbm>>
      tpu.enqueue_dma source(%arg6 : memref<256x128xf32, #tpu.memory_space<vmem>>) target(%dma_start3A_39 : memref<256x128xf32, #tpu.memory_space<hbm>>) target_semaphore(%arg8 : memref<!tpu.dma_semaphore, #tpu.memory_space<semaphore_mem>>)
      %gt3A_40 = arith.constant 0 : i32
      %gt3A_41 = arith.cmpi sgt, %scan3A_15, %gt3A_40 : i32
      %convert_element_type3A_42 = arith.extui %gt3A_41 : i1 to i32
      %cond3A_43 = arith.constant 0 : i32
      %cond3A_44 = arith.cmpi ne, %convert_element_type3A_42, %cond3A_43 : i32
      scf.if %cond3A_44 {
        %dma_wait3A_63 = arith.constant 0 : i32
        %dma_wait3A_64 = tpu.memref_slice %arg4[%mul3A_2, %dma_wait3A_63] : memref<131072x128xf32, #tpu.memory_space<hbm>> -> memref<256x128xf32, #tpu.memory_space<hbm>>
        %dma_wait3A_65 = arith.constant 0 : i32
        %dma_wait3A_66 = tpu.memref_slice %arg4[%mul3A_2, %dma_wait3A_65] : memref<131072x128xf32, #tpu.memory_space<hbm>> -> memref<256x128xf32, #tpu.memory_space<hbm>>
        tpu.wait_dma2 semaphore(%arg9 : memref<!tpu.dma_semaphore, #tpu.memory_space<semaphore_mem>>) src(%arg7 : memref<256x128xf32, #tpu.memory_space<vmem>>) dst(%dma_wait3A_66 : memref<256x128xf32, #tpu.memory_space<hbm>>)
      } else {
      }
      %mul3A_45 = arith.constant 2 : i32
      %mul3A_46 = arith.muli %mul3A_45, %scan3A_15 : i32
      %add3A_47 = arith.constant 1 : i32
      %add3A_48 = arith.addi %mul3A_46, %add3A_47 : i32
      %mul3A_49 = arith.constant 256 : i32
      %mul3A_50 = arith.muli %add3A_48, %mul3A_49 : i32
      %dma_start3A_51 = tpu.memref_slice %arg5[%mul3A_50] : memref<4096xi32, #tpu.memory_space<vmem>> -> memref<256xi32, #tpu.memory_space<vmem>>
      %dma_start3A_52 = arith.constant 0 : i32
      %dma_start3A_53 = arith.constant 0 : i32
      %dma_start3A_54 = tpu.memref_slice %arg2[%dma_start3A_52, %dma_start3A_53] : memref<65536x128xf32, #tpu.memory_space<hbm>> -> memref<65536x128xf32, #tpu.memory_space<hbm>>
      tpu.enqueue_indirect_dma source(%dma_start3A_54 : memref<65536x128xf32, #tpu.memory_space<hbm>>) target(%arg7 : memref<256x128xf32, #tpu.memory_space<vmem>>) offsets(%dma_start3A_51 : memref<256xi32, #tpu.memory_space<vmem>>) semaphore(%arg11 : memref<!tpu.dma_semaphore, #tpu.memory_space<semaphore_mem>>)
      %dma_wait3A_55 = tpu.memref_slice %arg5[%mul3A_50] : memref<4096xi32, #tpu.memory_space<vmem>> -> memref<256xi32, #tpu.memory_space<vmem>>
      %dma_wait3A_56 = arith.constant 0 : i32
      %dma_wait3A_57 = arith.constant 0 : i32
      %dma_wait3A_58 = tpu.memref_slice %arg2[%dma_wait3A_56, %dma_wait3A_57] : memref<65536x128xf32, #tpu.memory_space<hbm>> -> memref<65536x128xf32, #tpu.memory_space<hbm>>
      tpu.wait_indirect_dma semaphore(%arg11 : memref<!tpu.dma_semaphore, #tpu.memory_space<semaphore_mem>>) src(%dma_wait3A_58 : memref<65536x128xf32, #tpu.memory_space<hbm>>) dst(%arg7 : memref<256x128xf32, #tpu.memory_space<vmem>>)
      %dma_start3A_59 = arith.constant 0 : i32
      %dma_start3A_60 = tpu.memref_slice %arg4[%add3A_22, %dma_start3A_59] : memref<131072x128xf32, #tpu.memory_space<hbm>> -> memref<256x128xf32, #tpu.memory_space<hbm>>
      %dma_start3A_61 = arith.constant 0 : i32
      %dma_start3A_62 = tpu.memref_slice %arg4[%add3A_22, %dma_start3A_61] : memref<131072x128xf32, #tpu.memory_space<hbm>> -> memref<256x128xf32, #tpu.memory_space<hbm>>
      tpu.enqueue_dma source(%arg7 : memref<256x128xf32, #tpu.memory_space<vmem>>) target(%dma_start3A_62 : memref<256x128xf32, #tpu.memory_space<hbm>>) target_semaphore(%arg9 : memref<!tpu.dma_semaphore, #tpu.memory_space<semaphore_mem>>)
    }
    %scan3A_7 = arith.constant 8 : i32
    %dma_wait3A = arith.constant 0 : i32
    %dma_wait3A_8 = tpu.memref_slice %arg4[%mul3A_2, %dma_wait3A] : memref<131072x128xf32, #tpu.memory_space<hbm>> -> memref<256x128xf32, #tpu.memory_space<hbm>>
    %dma_wait3A_9 = arith.constant 0 : i32
    %dma_wait3A_10 = tpu.memref_slice %arg4[%mul3A_2, %dma_wait3A_9] : memref<131072x128xf32, #tpu.memory_space<hbm>> -> memref<256x128xf32, #tpu.memory_space<hbm>>
    tpu.wait_dma2 semaphore(%arg8 : memref<!tpu.dma_semaphore, #tpu.memory_space<semaphore_mem>>) src(%arg6 : memref<256x128xf32, #tpu.memory_space<vmem>>) dst(%dma_wait3A_10 : memref<256x128xf32, #tpu.memory_space<hbm>>)
    %dma_wait3A_11 = arith.constant 0 : i32
    %dma_wait3A_12 = tpu.memref_slice %arg4[%mul3A_2, %dma_wait3A_11] : memref<131072x128xf32, #tpu.memory_space<hbm>> -> memref<256x128xf32, #tpu.memory_space<hbm>>
    %dma_wait3A_13 = arith.constant 0 : i32
    %dma_wait3A_14 = tpu.memref_slice %arg4[%mul3A_2, %dma_wait3A_13] : memref<131072x128xf32, #tpu.memory_space<hbm>> -> memref<256x128xf32, #tpu.memory_space<hbm>>
    tpu.wait_dma2 semaphore(%arg9 : memref<!tpu.dma_semaphore, #tpu.memory_space<semaphore_mem>>) src(%arg7 : memref<256x128xf32, #tpu.memory_space<vmem>>) dst(%dma_wait3A_14 : memref<256x128xf32, #tpu.memory_space<hbm>>)
    return
  }
}

#map = affine_map<(d0, d1) -> (0, 0)>
#map1 = affine_map<(d0, d1) -> (0)>
module attributes {stable_mosaic.version = 14 : i64} {
  func.func @_sc_gather_body(%arg0: i32, %arg1: i32, %arg2: memref<65536x128xf32, #tpu.memory_space<hbm>>, %arg3: memref<131072xi32, #tpu.memory_space<hbm>>, %arg4: memref<131072x128xf32, #tpu.memory_space<hbm>>, %arg5: memref<4096xi32, #tpu.memory_space<vmem>>, %arg6: memref<256x128xf32, #tpu.memory_space<vmem>>, %arg7: memref<256x128xf32, #tpu.memory_space<vmem>>, %arg8: memref<!tpu.dma_semaphore, #tpu.memory_space<semaphore_mem>>, %arg9: memref<!tpu.dma_semaphore, #tpu.memory_space<semaphore_mem>>, %arg10: memref<!tpu.dma_semaphore, #tpu.memory_space<semaphore_mem>>, %arg11: memref<!tpu.dma_semaphore, #tpu.memory_space<semaphore_mem>>) attributes {dimension_semantics = [#tpu.dimension_semantics<core_parallel>, #tpu.dimension_semantics<subcore_parallel>], iteration_bounds = array<i64: 2, 16>, scalar_prefetch = 0 : i64, scratch_operands = 7 : i64, tpu.core_type = #tpu.core_type<sc_vector_subcore>, window_params = [{transform_indices = #map}, {transform_indices = #map1}, {transform_indices = #map}]} {
    %mul3A = arith.constant 2 : i32
    %mul3A_0 = arith.muli %arg1, %mul3A : i32
    %add3A = arith.addi %mul3A_0, %arg0 : i32
    %mul3A_1 = arith.constant 4096 : i32
    %mul3A_2 = arith.muli %add3A, %mul3A_1 : i32
    "tpu.region"() ({
      %run_scoped3A = tpu.sem_alloc : memref<!tpu.dma_semaphore, #tpu.memory_space<semaphore_mem>>
      %dma_start3A = tpu.memref_slice %arg3[%mul3A_2] : memref<131072xi32, #tpu.memory_space<hbm>> -> memref<4096xi32, #tpu.memory_space<hbm>>
      %dma_start3A_15 = tpu.memref_slice %arg3[%mul3A_2] : memref<131072xi32, #tpu.memory_space<hbm>> -> memref<4096xi32, #tpu.memory_space<hbm>>
      tpu.enqueue_dma source(%dma_start3A_15 : memref<4096xi32, #tpu.memory_space<hbm>>) target(%arg5 : memref<4096xi32, #tpu.memory_space<vmem>>) target_semaphore(%run_scoped3A : memref<!tpu.dma_semaphore, #tpu.memory_space<semaphore_mem>>)
      %dma_wait3A_16 = tpu.memref_slice %arg3[%mul3A_2] : memref<131072xi32, #tpu.memory_space<hbm>> -> memref<4096xi32, #tpu.memory_space<hbm>>
      %dma_wait3A_17 = tpu.memref_slice %arg3[%mul3A_2] : memref<131072xi32, #tpu.memory_space<hbm>> -> memref<4096xi32, #tpu.memory_space<hbm>>
      tpu.wait_dma2 semaphore(%run_scoped3A : memref<!tpu.dma_semaphore, #tpu.memory_space<semaphore_mem>>) src(%dma_wait3A_17 : memref<4096xi32, #tpu.memory_space<hbm>>) dst(%arg5 : memref<4096xi32, #tpu.memory_space<vmem>>)
      tpu.yield
    }) : () -> ()
    %scan3A = arith.constant 0 : i32
    %scan3A_3 = arith.constant 0 : i32
    %scan3A_4 = arith.constant 8 : i32
    %scan3A_5 = arith.addi %scan3A_3, %scan3A_4 : i32
    %scan3A_6 = arith.constant 1 : i32
    scf.for %scan3A_15 = %scan3A_3 to %scan3A_5 step %scan3A_6  : i32 {
      %mul3A_16 = arith.constant 2 : i32
      %mul3A_17 = arith.muli %mul3A_16, %scan3A_15 : i32
      %mul3A_18 = arith.constant 256 : i32
      %mul3A_19 = arith.muli %mul3A_17, %mul3A_18 : i32
      %add3A_20 = arith.addi %mul3A_2, %mul3A_19 : i32
      %add3A_21 = arith.constant 256 : i32
      %add3A_22 = arith.addi %add3A_20, %add3A_21 : i32
      %gt3A = arith.constant 0 : i32
      %gt3A_23 = arith.cmpi sgt, %scan3A_15, %gt3A : i32
      %convert_element_type3A = arith.extui %gt3A_23 : i1 to i32
      %cond3A = arith.constant 0 : i32
      %cond3A_24 = arith.cmpi ne, %convert_element_type3A, %cond3A : i32
      scf.if %cond3A_24 {
        %dma_wait3A_63 = arith.constant 0 : i32
        %dma_wait3A_64 = tpu.memref_slice %arg4[%mul3A_2, %dma_wait3A_63] : memref<131072x128xf32, #tpu.memory_space<hbm>> -> memref<256x128xf32, #tpu.memory_space<hbm>>
        %dma_wait3A_65 = arith.constant 0 : i32
        %dma_wait3A_66 = tpu.memref_slice %arg4[%mul3A_2, %dma_wait3A_65] : memref<131072x128xf32, #tpu.memory_space<hbm>> -> memref<256x128xf32, #tpu.memory_space<hbm>>
        tpu.wait_dma2 semaphore(%arg8 : memref<!tpu.dma_semaphore, #tpu.memory_space<semaphore_mem>>) src(%arg6 : memref<256x128xf32, #tpu.memory_space<vmem>>) dst(%dma_wait3A_66 : memref<256x128xf32, #tpu.memory_space<hbm>>)
      } else {
      }
      %mul3A_25 = arith.constant 2 : i32
      %mul3A_26 = arith.muli %mul3A_25, %scan3A_15 : i32
      %mul3A_27 = arith.constant 256 : i32
      %mul3A_28 = arith.muli %mul3A_26, %mul3A_27 : i32
      %dma_start3A = tpu.memref_slice %arg5[%mul3A_28] : memref<4096xi32, #tpu.memory_space<vmem>> -> memref<256xi32, #tpu.memory_space<vmem>>
      %dma_start3A_29 = arith.constant 0 : i32
      %dma_start3A_30 = arith.constant 0 : i32
      %dma_start3A_31 = tpu.memref_slice %arg2[%dma_start3A_29, %dma_start3A_30] : memref<65536x128xf32, #tpu.memory_space<hbm>> -> memref<65536x128xf32, #tpu.memory_space<hbm>>
      tpu.enqueue_indirect_dma source(%dma_start3A_31 : memref<65536x128xf32, #tpu.memory_space<hbm>>) target(%arg6 : memref<256x128xf32, #tpu.memory_space<vmem>>) offsets(%dma_start3A : memref<256xi32, #tpu.memory_space<vmem>>) semaphore(%arg10 : memref<!tpu.dma_semaphore, #tpu.memory_space<semaphore_mem>>)
      %dma_wait3A_32 = tpu.memref_slice %arg5[%mul3A_28] : memref<4096xi32, #tpu.memory_space<vmem>> -> memref<256xi32, #tpu.memory_space<vmem>>
      %dma_wait3A_33 = arith.constant 0 : i32
      %dma_wait3A_34 = arith.constant 0 : i32
      %dma_wait3A_35 = tpu.memref_slice %arg2[%dma_wait3A_33, %dma_wait3A_34] : memref<65536x128xf32, #tpu.memory_space<hbm>> -> memref<65536x128xf32, #tpu.memory_space<hbm>>
      tpu.wait_indirect_dma semaphore(%arg10 : memref<!tpu.dma_semaphore, #tpu.memory_space<semaphore_mem>>) src(%dma_wait3A_35 : memref<65536x128xf32, #tpu.memory_space<hbm>>) dst(%arg6 : memref<256x128xf32, #tpu.memory_space<vmem>>)
      %dma_start3A_36 = arith.constant 0 : i32
      %dma_start3A_37 = tpu.memref_slice %arg4[%add3A_20, %dma_start3A_36] : memref<131072x128xf32, #tpu.memory_space<hbm>> -> memref<256x128xf32, #tpu.memory_space<hbm>>
      %dma_start3A_38 = arith.constant 0 : i32
      %dma_start3A_39 = tpu.memref_slice %arg4[%add3A_20, %dma_start3A_38] : memref<131072x128xf32, #tpu.memory_space<hbm>> -> memref<256x128xf32, #tpu.memory_space<hbm>>
      tpu.enqueue_dma source(%arg6 : memref<256x128xf32, #tpu.memory_space<vmem>>) target(%dma_start3A_39 : memref<256x128xf32, #tpu.memory_space<hbm>>) target_semaphore(%arg8 : memref<!tpu.dma_semaphore, #tpu.memory_space<semaphore_mem>>)
      %gt3A_40 = arith.constant 0 : i32
      %gt3A_41 = arith.cmpi sgt, %scan3A_15, %gt3A_40 : i32
      %convert_element_type3A_42 = arith.extui %gt3A_41 : i1 to i32
      %cond3A_43 = arith.constant 0 : i32
      %cond3A_44 = arith.cmpi ne, %convert_element_type3A_42, %cond3A_43 : i32
      scf.if %cond3A_44 {
        %dma_wait3A_63 = arith.constant 0 : i32
        %dma_wait3A_64 = tpu.memref_slice %arg4[%mul3A_2, %dma_wait3A_63] : memref<131072x128xf32, #tpu.memory_space<hbm>> -> memref<256x128xf32, #tpu.memory_space<hbm>>
        %dma_wait3A_65 = arith.constant 0 : i32
        %dma_wait3A_66 = tpu.memref_slice %arg4[%mul3A_2, %dma_wait3A_65] : memref<131072x128xf32, #tpu.memory_space<hbm>> -> memref<256x128xf32, #tpu.memory_space<hbm>>
        tpu.wait_dma2 semaphore(%arg9 : memref<!tpu.dma_semaphore, #tpu.memory_space<semaphore_mem>>) src(%arg7 : memref<256x128xf32, #tpu.memory_space<vmem>>) dst(%dma_wait3A_66 : memref<256x128xf32, #tpu.memory_space<hbm>>)
      } else {
      }
      %mul3A_45 = arith.constant 2 : i32
      %mul3A_46 = arith.muli %mul3A_45, %scan3A_15 : i32
      %add3A_47 = arith.constant 1 : i32
      %add3A_48 = arith.addi %mul3A_46, %add3A_47 : i32
      %mul3A_49 = arith.constant 256 : i32
      %mul3A_50 = arith.muli %add3A_48, %mul3A_49 : i32
      %dma_start3A_51 = tpu.memref_slice %arg5[%mul3A_50] : memref<4096xi32, #tpu.memory_space<vmem>> -> memref<256xi32, #tpu.memory_space<vmem>>
      %dma_start3A_52 = arith.constant 0 : i32
      %dma_start3A_53 = arith.constant 0 : i32
      %dma_start3A_54 = tpu.memref_slice %arg2[%dma_start3A_52, %dma_start3A_53] : memref<65536x128xf32, #tpu.memory_space<hbm>> -> memref<65536x128xf32, #tpu.memory_space<hbm>>
      tpu.enqueue_indirect_dma source(%dma_start3A_54 : memref<65536x128xf32, #tpu.memory_space<hbm>>) target(%arg7 : memref<256x128xf32, #tpu.memory_space<vmem>>) offsets(%dma_start3A_51 : memref<256xi32, #tpu.memory_space<vmem>>) semaphore(%arg11 : memref<!tpu.dma_semaphore, #tpu.memory_space<semaphore_mem>>)
      %dma_wait3A_55 = tpu.memref_slice %arg5[%mul3A_50] : memref<4096xi32, #tpu.memory_space<vmem>> -> memref<256xi32, #tpu.memory_space<vmem>>
      %dma_wait3A_56 = arith.constant 0 : i32
      %dma_wait3A_57 = arith.constant 0 : i32
      %dma_wait3A_58 = tpu.memref_slice %arg2[%dma_wait3A_56, %dma_wait3A_57] : memref<65536x128xf32, #tpu.memory_space<hbm>> -> memref<65536x128xf32, #tpu.memory_space<hbm>>
      tpu.wait_indirect_dma semaphore(%arg11 : memref<!tpu.dma_semaphore, #tpu.memory_space<semaphore_mem>>) src(%dma_wait3A_58 : memref<65536x128xf32, #tpu.memory_space<hbm>>) dst(%arg7 : memref<256x128xf32, #tpu.memory_space<vmem>>)
      %dma_start3A_59 = arith.constant 0 : i32
      %dma_start3A_60 = tpu.memref_slice %arg4[%add3A_22, %dma_start3A_59] : memref<131072x128xf32, #tpu.memory_space<hbm>> -> memref<256x128xf32, #tpu.memory_space<hbm>>
      %dma_start3A_61 = arith.constant 0 : i32
      %dma_start3A_62 = tpu.memref_slice %arg4[%add3A_22, %dma_start3A_61] : memref<131072x128xf32, #tpu.memory_space<hbm>> -> memref<256x128xf32, #tpu.memory_space<hbm>>
      tpu.enqueue_dma source(%arg7 : memref<256x128xf32, #tpu.memory_space<vmem>>) target(%dma_start3A_62 : memref<256x128xf32, #tpu.memory_space<hbm>>) target_semaphore(%arg9 : memref<!tpu.dma_semaphore, #tpu.memory_space<semaphore_mem>>)
    }
    %scan3A_7 = arith.constant 8 : i32
    %dma_wait3A = arith.constant 0 : i32
    %dma_wait3A_8 = tpu.memref_slice %arg4[%mul3A_2, %dma_wait3A] : memref<131072x128xf32, #tpu.memory_space<hbm>> -> memref<256x128xf32, #tpu.memory_space<hbm>>
    %dma_wait3A_9 = arith.constant 0 : i32
    %dma_wait3A_10 = tpu.memref_slice %arg4[%mul3A_2, %dma_wait3A_9] : memref<131072x128xf32, #tpu.memory_space<hbm>> -> memref<256x128xf32, #tpu.memory_space<hbm>>
    tpu.wait_dma2 semaphore(%arg8 : memref<!tpu.dma_semaphore, #tpu.memory_space<semaphore_mem>>) src(%arg6 : memref<256x128xf32, #tpu.memory_space<vmem>>) dst(%dma_wait3A_10 : memref<256x128xf32, #tpu.memory_space<hbm>>)
    %dma_wait3A_11 = arith.constant 0 : i32
    %dma_wait3A_12 = tpu.memref_slice %arg4[%mul3A_2, %dma_wait3A_11] : memref<131072x128xf32, #tpu.memory_space<hbm>> -> memref<256x128xf32, #tpu.memory_space<hbm>>
    %dma_wait3A_13 = arith.constant 0 : i32
    %dma_wait3A_14 = tpu.memref_slice %arg4[%mul3A_2, %dma_wait3A_13] : memref<131072x128xf32, #tpu.memory_space<hbm>> -> memref<256x128xf32, #tpu.memory_space<hbm>>
    tpu.wait_dma2 semaphore(%arg9 : memref<!tpu.dma_semaphore, #tpu.memory_space<semaphore_mem>>) src(%arg7 : memref<256x128xf32, #tpu.memory_space<vmem>>) dst(%dma_wait3A_14 : memref<256x128xf32, #tpu.memory_space<hbm>>)
    return
  }
}

#map = affine_map<(d0, d1) -> (0, 0)>
#map1 = affine_map<(d0, d1) -> (0)>
module attributes {stable_mosaic.version = 14 : i64} {
  func.func @_sc_gather_body(%arg0: i32, %arg1: i32, %arg2: memref<65536x128xf32, #tpu.memory_space<hbm>>, %arg3: memref<131072xi32, #tpu.memory_space<hbm>>, %arg4: memref<131072x128xf32, #tpu.memory_space<hbm>>, %arg5: memref<4096xi32, #tpu.memory_space<vmem>>, %arg6: memref<256x128xf32, #tpu.memory_space<vmem>>, %arg7: memref<256x128xf32, #tpu.memory_space<vmem>>, %arg8: memref<!tpu.dma_semaphore, #tpu.memory_space<semaphore_mem>>, %arg9: memref<!tpu.dma_semaphore, #tpu.memory_space<semaphore_mem>>, %arg10: memref<!tpu.dma_semaphore, #tpu.memory_space<semaphore_mem>>, %arg11: memref<!tpu.dma_semaphore, #tpu.memory_space<semaphore_mem>>) attributes {dimension_semantics = [#tpu.dimension_semantics<core_parallel>, #tpu.dimension_semantics<subcore_parallel>], iteration_bounds = array<i64: 2, 16>, scalar_prefetch = 0 : i64, scratch_operands = 7 : i64, tpu.core_type = #tpu.core_type<sc_vector_subcore>, window_params = [{transform_indices = #map}, {transform_indices = #map1}, {transform_indices = #map}]} {
    %mul3A = arith.constant 2 : i32
    %mul3A_0 = arith.muli %arg1, %mul3A : i32
    %add3A = arith.addi %mul3A_0, %arg0 : i32
    %mul3A_1 = arith.constant 4096 : i32
    %mul3A_2 = arith.muli %add3A, %mul3A_1 : i32
    "tpu.region"() ({
      %run_scoped3A = tpu.sem_alloc : memref<!tpu.dma_semaphore, #tpu.memory_space<semaphore_mem>>
      %dma_start3A = tpu.memref_slice %arg3[%mul3A_2] : memref<131072xi32, #tpu.memory_space<hbm>> -> memref<4096xi32, #tpu.memory_space<hbm>>
      %dma_start3A_15 = tpu.memref_slice %arg3[%mul3A_2] : memref<131072xi32, #tpu.memory_space<hbm>> -> memref<4096xi32, #tpu.memory_space<hbm>>
      tpu.enqueue_dma source(%dma_start3A_15 : memref<4096xi32, #tpu.memory_space<hbm>>) target(%arg5 : memref<4096xi32, #tpu.memory_space<vmem>>) target_semaphore(%run_scoped3A : memref<!tpu.dma_semaphore, #tpu.memory_space<semaphore_mem>>)
      %dma_wait3A_16 = tpu.memref_slice %arg3[%mul3A_2] : memref<131072xi32, #tpu.memory_space<hbm>> -> memref<4096xi32, #tpu.memory_space<hbm>>
      %dma_wait3A_17 = tpu.memref_slice %arg3[%mul3A_2] : memref<131072xi32, #tpu.memory_space<hbm>> -> memref<4096xi32, #tpu.memory_space<hbm>>
      tpu.wait_dma2 semaphore(%run_scoped3A : memref<!tpu.dma_semaphore, #tpu.memory_space<semaphore_mem>>) src(%dma_wait3A_17 : memref<4096xi32, #tpu.memory_space<hbm>>) dst(%arg5 : memref<4096xi32, #tpu.memory_space<vmem>>)
      tpu.yield
    }) : () -> ()
    %scan3A = arith.constant 0 : i32
    %scan3A_3 = arith.constant 0 : i32
    %scan3A_4 = arith.constant 8 : i32
    %scan3A_5 = arith.addi %scan3A_3, %scan3A_4 : i32
    %scan3A_6 = arith.constant 1 : i32
    scf.for %scan3A_15 = %scan3A_3 to %scan3A_5 step %scan3A_6  : i32 {
      %mul3A_16 = arith.constant 2 : i32
      %mul3A_17 = arith.muli %mul3A_16, %scan3A_15 : i32
      %mul3A_18 = arith.constant 256 : i32
      %mul3A_19 = arith.muli %mul3A_17, %mul3A_18 : i32
      %add3A_20 = arith.addi %mul3A_2, %mul3A_19 : i32
      %add3A_21 = arith.constant 256 : i32
      %add3A_22 = arith.addi %add3A_20, %add3A_21 : i32
      %gt3A = arith.constant 0 : i32
      %gt3A_23 = arith.cmpi sgt, %scan3A_15, %gt3A : i32
      %convert_element_type3A = arith.extui %gt3A_23 : i1 to i32
      %cond3A = arith.constant 0 : i32
      %cond3A_24 = arith.cmpi ne, %convert_element_type3A, %cond3A : i32
      scf.if %cond3A_24 {
        %dma_wait3A_63 = arith.constant 0 : i32
        %dma_wait3A_64 = tpu.memref_slice %arg4[%mul3A_2, %dma_wait3A_63] : memref<131072x128xf32, #tpu.memory_space<hbm>> -> memref<256x128xf32, #tpu.memory_space<hbm>>
        %dma_wait3A_65 = arith.constant 0 : i32
        %dma_wait3A_66 = tpu.memref_slice %arg4[%mul3A_2, %dma_wait3A_65] : memref<131072x128xf32, #tpu.memory_space<hbm>> -> memref<256x128xf32, #tpu.memory_space<hbm>>
        tpu.wait_dma2 semaphore(%arg8 : memref<!tpu.dma_semaphore, #tpu.memory_space<semaphore_mem>>) src(%arg6 : memref<256x128xf32, #tpu.memory_space<vmem>>) dst(%dma_wait3A_66 : memref<256x128xf32, #tpu.memory_space<hbm>>)
      } else {
      }
      %mul3A_25 = arith.constant 2 : i32
      %mul3A_26 = arith.muli %mul3A_25, %scan3A_15 : i32
      %mul3A_27 = arith.constant 256 : i32
      %mul3A_28 = arith.muli %mul3A_26, %mul3A_27 : i32
      %dma_start3A = tpu.memref_slice %arg5[%mul3A_28] : memref<4096xi32, #tpu.memory_space<vmem>> -> memref<256xi32, #tpu.memory_space<vmem>>
      %dma_start3A_29 = arith.constant 0 : i32
      %dma_start3A_30 = arith.constant 0 : i32
      %dma_start3A_31 = tpu.memref_slice %arg2[%dma_start3A_29, %dma_start3A_30] : memref<65536x128xf32, #tpu.memory_space<hbm>> -> memref<65536x128xf32, #tpu.memory_space<hbm>>
      tpu.enqueue_indirect_dma source(%dma_start3A_31 : memref<65536x128xf32, #tpu.memory_space<hbm>>) target(%arg6 : memref<256x128xf32, #tpu.memory_space<vmem>>) offsets(%dma_start3A : memref<256xi32, #tpu.memory_space<vmem>>) semaphore(%arg10 : memref<!tpu.dma_semaphore, #tpu.memory_space<semaphore_mem>>)
      %dma_wait3A_32 = tpu.memref_slice %arg5[%mul3A_28] : memref<4096xi32, #tpu.memory_space<vmem>> -> memref<256xi32, #tpu.memory_space<vmem>>
      %dma_wait3A_33 = arith.constant 0 : i32
      %dma_wait3A_34 = arith.constant 0 : i32
      %dma_wait3A_35 = tpu.memref_slice %arg2[%dma_wait3A_33, %dma_wait3A_34] : memref<65536x128xf32, #tpu.memory_space<hbm>> -> memref<65536x128xf32, #tpu.memory_space<hbm>>
      tpu.wait_indirect_dma semaphore(%arg10 : memref<!tpu.dma_semaphore, #tpu.memory_space<semaphore_mem>>) src(%dma_wait3A_35 : memref<65536x128xf32, #tpu.memory_space<hbm>>) dst(%arg6 : memref<256x128xf32, #tpu.memory_space<vmem>>)
      %dma_start3A_36 = arith.constant 0 : i32
      %dma_start3A_37 = tpu.memref_slice %arg4[%add3A_20, %dma_start3A_36] : memref<131072x128xf32, #tpu.memory_space<hbm>> -> memref<256x128xf32, #tpu.memory_space<hbm>>
      %dma_start3A_38 = arith.constant 0 : i32
      %dma_start3A_39 = tpu.memref_slice %arg4[%add3A_20, %dma_start3A_38] : memref<131072x128xf32, #tpu.memory_space<hbm>> -> memref<256x128xf32, #tpu.memory_space<hbm>>
      tpu.enqueue_dma source(%arg6 : memref<256x128xf32, #tpu.memory_space<vmem>>) target(%dma_start3A_39 : memref<256x128xf32, #tpu.memory_space<hbm>>) target_semaphore(%arg8 : memref<!tpu.dma_semaphore, #tpu.memory_space<semaphore_mem>>)
      %gt3A_40 = arith.constant 0 : i32
      %gt3A_41 = arith.cmpi sgt, %scan3A_15, %gt3A_40 : i32
      %convert_element_type3A_42 = arith.extui %gt3A_41 : i1 to i32
      %cond3A_43 = arith.constant 0 : i32
      %cond3A_44 = arith.cmpi ne, %convert_element_type3A_42, %cond3A_43 : i32
      scf.if %cond3A_44 {
        %dma_wait3A_63 = arith.constant 0 : i32
        %dma_wait3A_64 = tpu.memref_slice %arg4[%mul3A_2, %dma_wait3A_63] : memref<131072x128xf32, #tpu.memory_space<hbm>> -> memref<256x128xf32, #tpu.memory_space<hbm>>
        %dma_wait3A_65 = arith.constant 0 : i32
        %dma_wait3A_66 = tpu.memref_slice %arg4[%mul3A_2, %dma_wait3A_65] : memref<131072x128xf32, #tpu.memory_space<hbm>> -> memref<256x128xf32, #tpu.memory_space<hbm>>
        tpu.wait_dma2 semaphore(%arg9 : memref<!tpu.dma_semaphore, #tpu.memory_space<semaphore_mem>>) src(%arg7 : memref<256x128xf32, #tpu.memory_space<vmem>>) dst(%dma_wait3A_66 : memref<256x128xf32, #tpu.memory_space<hbm>>)
      } else {
      }
      %mul3A_45 = arith.constant 2 : i32
      %mul3A_46 = arith.muli %mul3A_45, %scan3A_15 : i32
      %add3A_47 = arith.constant 1 : i32
      %add3A_48 = arith.addi %mul3A_46, %add3A_47 : i32
      %mul3A_49 = arith.constant 256 : i32
      %mul3A_50 = arith.muli %add3A_48, %mul3A_49 : i32
      %dma_start3A_51 = tpu.memref_slice %arg5[%mul3A_50] : memref<4096xi32, #tpu.memory_space<vmem>> -> memref<256xi32, #tpu.memory_space<vmem>>
      %dma_start3A_52 = arith.constant 0 : i32
      %dma_start3A_53 = arith.constant 0 : i32
      %dma_start3A_54 = tpu.memref_slice %arg2[%dma_start3A_52, %dma_start3A_53] : memref<65536x128xf32, #tpu.memory_space<hbm>> -> memref<65536x128xf32, #tpu.memory_space<hbm>>
      tpu.enqueue_indirect_dma source(%dma_start3A_54 : memref<65536x128xf32, #tpu.memory_space<hbm>>) target(%arg7 : memref<256x128xf32, #tpu.memory_space<vmem>>) offsets(%dma_start3A_51 : memref<256xi32, #tpu.memory_space<vmem>>) semaphore(%arg11 : memref<!tpu.dma_semaphore, #tpu.memory_space<semaphore_mem>>)
      %dma_wait3A_55 = tpu.memref_slice %arg5[%mul3A_50] : memref<4096xi32, #tpu.memory_space<vmem>> -> memref<256xi32, #tpu.memory_space<vmem>>
      %dma_wait3A_56 = arith.constant 0 : i32
      %dma_wait3A_57 = arith.constant 0 : i32
      %dma_wait3A_58 = tpu.memref_slice %arg2[%dma_wait3A_56, %dma_wait3A_57] : memref<65536x128xf32, #tpu.memory_space<hbm>> -> memref<65536x128xf32, #tpu.memory_space<hbm>>
      tpu.wait_indirect_dma semaphore(%arg11 : memref<!tpu.dma_semaphore, #tpu.memory_space<semaphore_mem>>) src(%dma_wait3A_58 : memref<65536x128xf32, #tpu.memory_space<hbm>>) dst(%arg7 : memref<256x128xf32, #tpu.memory_space<vmem>>)
      %dma_start3A_59 = arith.constant 0 : i32
      %dma_start3A_60 = tpu.memref_slice %arg4[%add3A_22, %dma_start3A_59] : memref<131072x128xf32, #tpu.memory_space<hbm>> -> memref<256x128xf32, #tpu.memory_space<hbm>>
      %dma_start3A_61 = arith.constant 0 : i32
      %dma_start3A_62 = tpu.memref_slice %arg4[%add3A_22, %dma_start3A_61] : memref<131072x128xf32, #tpu.memory_space<hbm>> -> memref<256x128xf32, #tpu.memory_space<hbm>>
      tpu.enqueue_dma source(%arg7 : memref<256x128xf32, #tpu.memory_space<vmem>>) target(%dma_start3A_62 : memref<256x128xf32, #tpu.memory_space<hbm>>) target_semaphore(%arg9 : memref<!tpu.dma_semaphore, #tpu.memory_space<semaphore_mem>>)
    }
    %scan3A_7 = arith.constant 8 : i32
    %dma_wait3A = arith.constant 0 : i32
    %dma_wait3A_8 = tpu.memref_slice %arg4[%mul3A_2, %dma_wait3A] : memref<131072x128xf32, #tpu.memory_space<hbm>> -> memref<256x128xf32, #tpu.memory_space<hbm>>
    %dma_wait3A_9 = arith.constant 0 : i32
    %dma_wait3A_10 = tpu.memref_slice %arg4[%mul3A_2, %dma_wait3A_9] : memref<131072x128xf32, #tpu.memory_space<hbm>> -> memref<256x128xf32, #tpu.memory_space<hbm>>
    tpu.wait_dma2 semaphore(%arg8 : memref<!tpu.dma_semaphore, #tpu.memory_space<semaphore_mem>>) src(%arg6 : memref<256x128xf32, #tpu.memory_space<vmem>>) dst(%dma_wait3A_10 : memref<256x128xf32, #tpu.memory_space<hbm>>)
    %dma_wait3A_11 = arith.constant 0 : i32
    %dma_wait3A_12 = tpu.memref_slice %arg4[%mul3A_2, %dma_wait3A_11] : memref<131072x128xf32, #tpu.memory_space<hbm>> -> memref<256x128xf32, #tpu.memory_space<hbm>>
    %dma_wait3A_13 = arith.constant 0 : i32
    %dma_wait3A_14 = tpu.memref_slice %arg4[%mul3A_2, %dma_wait3A_13] : memref<131072x128xf32, #tpu.memory_space<hbm>> -> memref<256x128xf32, #tpu.memory_space<hbm>>
    tpu.wait_dma2 semaphore(%arg9 : memref<!tpu.dma_semaphore, #tpu.memory_space<semaphore_mem>>) src(%arg7 : memref<256x128xf32, #tpu.memory_space<vmem>>) dst(%dma_wait3A_14 : memref<256x128xf32, #tpu.memory_space<hbm>>)
    return
  }
}

#map = affine_map<(d0, d1) -> (0, 0)>
#map1 = affine_map<(d0, d1) -> (0)>
module attributes {stable_mosaic.version = 14 : i64} {
  func.func @_sc_gather_body(%arg0: i32, %arg1: i32, %arg2: memref<65536x128xf32, #tpu.memory_space<hbm>>, %arg3: memref<65536xi32, #tpu.memory_space<hbm>>, %arg4: memref<65536x128xf32, #tpu.memory_space<hbm>>, %arg5: memref<2048xi32, #tpu.memory_space<vmem>>, %arg6: memref<256x128xf32, #tpu.memory_space<vmem>>, %arg7: memref<256x128xf32, #tpu.memory_space<vmem>>, %arg8: memref<!tpu.dma_semaphore, #tpu.memory_space<semaphore_mem>>, %arg9: memref<!tpu.dma_semaphore, #tpu.memory_space<semaphore_mem>>, %arg10: memref<!tpu.dma_semaphore, #tpu.memory_space<semaphore_mem>>, %arg11: memref<!tpu.dma_semaphore, #tpu.memory_space<semaphore_mem>>) attributes {dimension_semantics = [#tpu.dimension_semantics<core_parallel>, #tpu.dimension_semantics<subcore_parallel>], iteration_bounds = array<i64: 2, 16>, scalar_prefetch = 0 : i64, scratch_operands = 7 : i64, tpu.core_type = #tpu.core_type<sc_vector_subcore>, window_params = [{transform_indices = #map}, {transform_indices = #map1}, {transform_indices = #map}]} {
    %mul3A = arith.constant 2 : i32
    %mul3A_0 = arith.muli %arg1, %mul3A : i32
    %add3A = arith.addi %mul3A_0, %arg0 : i32
    %mul3A_1 = arith.constant 2048 : i32
    %mul3A_2 = arith.muli %add3A, %mul3A_1 : i32
    "tpu.region"() ({
      %run_scoped3A = tpu.sem_alloc : memref<!tpu.dma_semaphore, #tpu.memory_space<semaphore_mem>>
      %dma_start3A = tpu.memref_slice %arg3[%mul3A_2] : memref<65536xi32, #tpu.memory_space<hbm>> -> memref<2048xi32, #tpu.memory_space<hbm>>
      %dma_start3A_15 = tpu.memref_slice %arg3[%mul3A_2] : memref<65536xi32, #tpu.memory_space<hbm>> -> memref<2048xi32, #tpu.memory_space<hbm>>
      tpu.enqueue_dma source(%dma_start3A_15 : memref<2048xi32, #tpu.memory_space<hbm>>) target(%arg5 : memref<2048xi32, #tpu.memory_space<vmem>>) target_semaphore(%run_scoped3A : memref<!tpu.dma_semaphore, #tpu.memory_space<semaphore_mem>>)
      %dma_wait3A_16 = tpu.memref_slice %arg3[%mul3A_2] : memref<65536xi32, #tpu.memory_space<hbm>> -> memref<2048xi32, #tpu.memory_space<hbm>>
      %dma_wait3A_17 = tpu.memref_slice %arg3[%mul3A_2] : memref<65536xi32, #tpu.memory_space<hbm>> -> memref<2048xi32, #tpu.memory_space<hbm>>
      tpu.wait_dma2 semaphore(%run_scoped3A : memref<!tpu.dma_semaphore, #tpu.memory_space<semaphore_mem>>) src(%dma_wait3A_17 : memref<2048xi32, #tpu.memory_space<hbm>>) dst(%arg5 : memref<2048xi32, #tpu.memory_space<vmem>>)
      tpu.yield
    }) : () -> ()
    %scan3A = arith.constant 0 : i32
    %scan3A_3 = arith.constant 0 : i32
    %scan3A_4 = arith.constant 4 : i32
    %scan3A_5 = arith.addi %scan3A_3, %scan3A_4 : i32
    %scan3A_6 = arith.constant 1 : i32
    scf.for %scan3A_15 = %scan3A_3 to %scan3A_5 step %scan3A_6  : i32 {
      %mul3A_16 = arith.constant 2 : i32
      %mul3A_17 = arith.muli %mul3A_16, %scan3A_15 : i32
      %mul3A_18 = arith.constant 256 : i32
      %mul3A_19 = arith.muli %mul3A_17, %mul3A_18 : i32
      %add3A_20 = arith.addi %mul3A_2, %mul3A_19 : i32
      %add3A_21 = arith.constant 256 : i32
      %add3A_22 = arith.addi %add3A_20, %add3A_21 : i32
      %gt3A = arith.constant 0 : i32
      %gt3A_23 = arith.cmpi sgt, %scan3A_15, %gt3A : i32
      %convert_element_type3A = arith.extui %gt3A_23 : i1 to i32
      %cond3A = arith.constant 0 : i32
      %cond3A_24 = arith.cmpi ne, %convert_element_type3A, %cond3A : i32
      scf.if %cond3A_24 {
        %dma_wait3A_63 = arith.constant 0 : i32
        %dma_wait3A_64 = tpu.memref_slice %arg4[%mul3A_2, %dma_wait3A_63] : memref<65536x128xf32, #tpu.memory_space<hbm>> -> memref<256x128xf32, #tpu.memory_space<hbm>>
        %dma_wait3A_65 = arith.constant 0 : i32
        %dma_wait3A_66 = tpu.memref_slice %arg4[%mul3A_2, %dma_wait3A_65] : memref<65536x128xf32, #tpu.memory_space<hbm>> -> memref<256x128xf32, #tpu.memory_space<hbm>>
        tpu.wait_dma2 semaphore(%arg8 : memref<!tpu.dma_semaphore, #tpu.memory_space<semaphore_mem>>) src(%arg6 : memref<256x128xf32, #tpu.memory_space<vmem>>) dst(%dma_wait3A_66 : memref<256x128xf32, #tpu.memory_space<hbm>>)
      } else {
      }
      %mul3A_25 = arith.constant 2 : i32
      %mul3A_26 = arith.muli %mul3A_25, %scan3A_15 : i32
      %mul3A_27 = arith.constant 256 : i32
      %mul3A_28 = arith.muli %mul3A_26, %mul3A_27 : i32
      %dma_start3A = tpu.memref_slice %arg5[%mul3A_28] : memref<2048xi32, #tpu.memory_space<vmem>> -> memref<256xi32, #tpu.memory_space<vmem>>
      %dma_start3A_29 = arith.constant 0 : i32
      %dma_start3A_30 = arith.constant 0 : i32
      %dma_start3A_31 = tpu.memref_slice %arg2[%dma_start3A_29, %dma_start3A_30] : memref<65536x128xf32, #tpu.memory_space<hbm>> -> memref<65536x128xf32, #tpu.memory_space<hbm>>
      tpu.enqueue_indirect_dma source(%dma_start3A_31 : memref<65536x128xf32, #tpu.memory_space<hbm>>) target(%arg6 : memref<256x128xf32, #tpu.memory_space<vmem>>) offsets(%dma_start3A : memref<256xi32, #tpu.memory_space<vmem>>) semaphore(%arg10 : memref<!tpu.dma_semaphore, #tpu.memory_space<semaphore_mem>>)
      %dma_wait3A_32 = tpu.memref_slice %arg5[%mul3A_28] : memref<2048xi32, #tpu.memory_space<vmem>> -> memref<256xi32, #tpu.memory_space<vmem>>
      %dma_wait3A_33 = arith.constant 0 : i32
      %dma_wait3A_34 = arith.constant 0 : i32
      %dma_wait3A_35 = tpu.memref_slice %arg2[%dma_wait3A_33, %dma_wait3A_34] : memref<65536x128xf32, #tpu.memory_space<hbm>> -> memref<65536x128xf32, #tpu.memory_space<hbm>>
      tpu.wait_indirect_dma semaphore(%arg10 : memref<!tpu.dma_semaphore, #tpu.memory_space<semaphore_mem>>) src(%dma_wait3A_35 : memref<65536x128xf32, #tpu.memory_space<hbm>>) dst(%arg6 : memref<256x128xf32, #tpu.memory_space<vmem>>)
      %dma_start3A_36 = arith.constant 0 : i32
      %dma_start3A_37 = tpu.memref_slice %arg4[%add3A_20, %dma_start3A_36] : memref<65536x128xf32, #tpu.memory_space<hbm>> -> memref<256x128xf32, #tpu.memory_space<hbm>>
      %dma_start3A_38 = arith.constant 0 : i32
      %dma_start3A_39 = tpu.memref_slice %arg4[%add3A_20, %dma_start3A_38] : memref<65536x128xf32, #tpu.memory_space<hbm>> -> memref<256x128xf32, #tpu.memory_space<hbm>>
      tpu.enqueue_dma source(%arg6 : memref<256x128xf32, #tpu.memory_space<vmem>>) target(%dma_start3A_39 : memref<256x128xf32, #tpu.memory_space<hbm>>) target_semaphore(%arg8 : memref<!tpu.dma_semaphore, #tpu.memory_space<semaphore_mem>>)
      %gt3A_40 = arith.constant 0 : i32
      %gt3A_41 = arith.cmpi sgt, %scan3A_15, %gt3A_40 : i32
      %convert_element_type3A_42 = arith.extui %gt3A_41 : i1 to i32
      %cond3A_43 = arith.constant 0 : i32
      %cond3A_44 = arith.cmpi ne, %convert_element_type3A_42, %cond3A_43 : i32
      scf.if %cond3A_44 {
        %dma_wait3A_63 = arith.constant 0 : i32
        %dma_wait3A_64 = tpu.memref_slice %arg4[%mul3A_2, %dma_wait3A_63] : memref<65536x128xf32, #tpu.memory_space<hbm>> -> memref<256x128xf32, #tpu.memory_space<hbm>>
        %dma_wait3A_65 = arith.constant 0 : i32
        %dma_wait3A_66 = tpu.memref_slice %arg4[%mul3A_2, %dma_wait3A_65] : memref<65536x128xf32, #tpu.memory_space<hbm>> -> memref<256x128xf32, #tpu.memory_space<hbm>>
        tpu.wait_dma2 semaphore(%arg9 : memref<!tpu.dma_semaphore, #tpu.memory_space<semaphore_mem>>) src(%arg7 : memref<256x128xf32, #tpu.memory_space<vmem>>) dst(%dma_wait3A_66 : memref<256x128xf32, #tpu.memory_space<hbm>>)
      } else {
      }
      %mul3A_45 = arith.constant 2 : i32
      %mul3A_46 = arith.muli %mul3A_45, %scan3A_15 : i32
      %add3A_47 = arith.constant 1 : i32
      %add3A_48 = arith.addi %mul3A_46, %add3A_47 : i32
      %mul3A_49 = arith.constant 256 : i32
      %mul3A_50 = arith.muli %add3A_48, %mul3A_49 : i32
      %dma_start3A_51 = tpu.memref_slice %arg5[%mul3A_50] : memref<2048xi32, #tpu.memory_space<vmem>> -> memref<256xi32, #tpu.memory_space<vmem>>
      %dma_start3A_52 = arith.constant 0 : i32
      %dma_start3A_53 = arith.constant 0 : i32
      %dma_start3A_54 = tpu.memref_slice %arg2[%dma_start3A_52, %dma_start3A_53] : memref<65536x128xf32, #tpu.memory_space<hbm>> -> memref<65536x128xf32, #tpu.memory_space<hbm>>
      tpu.enqueue_indirect_dma source(%dma_start3A_54 : memref<65536x128xf32, #tpu.memory_space<hbm>>) target(%arg7 : memref<256x128xf32, #tpu.memory_space<vmem>>) offsets(%dma_start3A_51 : memref<256xi32, #tpu.memory_space<vmem>>) semaphore(%arg11 : memref<!tpu.dma_semaphore, #tpu.memory_space<semaphore_mem>>)
      %dma_wait3A_55 = tpu.memref_slice %arg5[%mul3A_50] : memref<2048xi32, #tpu.memory_space<vmem>> -> memref<256xi32, #tpu.memory_space<vmem>>
      %dma_wait3A_56 = arith.constant 0 : i32
      %dma_wait3A_57 = arith.constant 0 : i32
      %dma_wait3A_58 = tpu.memref_slice %arg2[%dma_wait3A_56, %dma_wait3A_57] : memref<65536x128xf32, #tpu.memory_space<hbm>> -> memref<65536x128xf32, #tpu.memory_space<hbm>>
      tpu.wait_indirect_dma semaphore(%arg11 : memref<!tpu.dma_semaphore, #tpu.memory_space<semaphore_mem>>) src(%dma_wait3A_58 : memref<65536x128xf32, #tpu.memory_space<hbm>>) dst(%arg7 : memref<256x128xf32, #tpu.memory_space<vmem>>)
      %dma_start3A_59 = arith.constant 0 : i32
      %dma_start3A_60 = tpu.memref_slice %arg4[%add3A_22, %dma_start3A_59] : memref<65536x128xf32, #tpu.memory_space<hbm>> -> memref<256x128xf32, #tpu.memory_space<hbm>>
      %dma_start3A_61 = arith.constant 0 : i32
      %dma_start3A_62 = tpu.memref_slice %arg4[%add3A_22, %dma_start3A_61] : memref<65536x128xf32, #tpu.memory_space<hbm>> -> memref<256x128xf32, #tpu.memory_space<hbm>>
      tpu.enqueue_dma source(%arg7 : memref<256x128xf32, #tpu.memory_space<vmem>>) target(%dma_start3A_62 : memref<256x128xf32, #tpu.memory_space<hbm>>) target_semaphore(%arg9 : memref<!tpu.dma_semaphore, #tpu.memory_space<semaphore_mem>>)
    }
    %scan3A_7 = arith.constant 4 : i32
    %dma_wait3A = arith.constant 0 : i32
    %dma_wait3A_8 = tpu.memref_slice %arg4[%mul3A_2, %dma_wait3A] : memref<65536x128xf32, #tpu.memory_space<hbm>> -> memref<256x128xf32, #tpu.memory_space<hbm>>
    %dma_wait3A_9 = arith.constant 0 : i32
    %dma_wait3A_10 = tpu.memref_slice %arg4[%mul3A_2, %dma_wait3A_9] : memref<65536x128xf32, #tpu.memory_space<hbm>> -> memref<256x128xf32, #tpu.memory_space<hbm>>
    tpu.wait_dma2 semaphore(%arg8 : memref<!tpu.dma_semaphore, #tpu.memory_space<semaphore_mem>>) src(%arg6 : memref<256x128xf32, #tpu.memory_space<vmem>>) dst(%dma_wait3A_10 : memref<256x128xf32, #tpu.memory_space<hbm>>)
    %dma_wait3A_11 = arith.constant 0 : i32
    %dma_wait3A_12 = tpu.memref_slice %arg4[%mul3A_2, %dma_wait3A_11] : memref<65536x128xf32, #tpu.memory_space<hbm>> -> memref<256x128xf32, #tpu.memory_space<hbm>>
    %dma_wait3A_13 = arith.constant 0 : i32
    %dma_wait3A_14 = tpu.memref_slice %arg4[%mul3A_2, %dma_wait3A_13] : memref<65536x128xf32, #tpu.memory_space<hbm>> -> memref<256x128xf32, #tpu.memory_space<hbm>>
    tpu.wait_dma2 semaphore(%arg9 : memref<!tpu.dma_semaphore, #tpu.memory_space<semaphore_mem>>) src(%arg7 : memref<256x128xf32, #tpu.memory_space<vmem>>) dst(%dma_wait3A_14 : memref<256x128xf32, #tpu.memory_space<hbm>>)
    return
  }
}

#map = affine_map<(d0, d1) -> (0, 0)>
#map1 = affine_map<(d0, d1) -> (0)>
module attributes {stable_mosaic.version = 14 : i64} {
  func.func @_sc_gather_body(%arg0: i32, %arg1: i32, %arg2: memref<65536x128xf32, #tpu.memory_space<hbm>>, %arg3: memref<65536xi32, #tpu.memory_space<hbm>>, %arg4: memref<65536x128xf32, #tpu.memory_space<hbm>>, %arg5: memref<2048xi32, #tpu.memory_space<vmem>>, %arg6: memref<256x128xf32, #tpu.memory_space<vmem>>, %arg7: memref<256x128xf32, #tpu.memory_space<vmem>>, %arg8: memref<!tpu.dma_semaphore, #tpu.memory_space<semaphore_mem>>, %arg9: memref<!tpu.dma_semaphore, #tpu.memory_space<semaphore_mem>>, %arg10: memref<!tpu.dma_semaphore, #tpu.memory_space<semaphore_mem>>, %arg11: memref<!tpu.dma_semaphore, #tpu.memory_space<semaphore_mem>>) attributes {dimension_semantics = [#tpu.dimension_semantics<core_parallel>, #tpu.dimension_semantics<subcore_parallel>], iteration_bounds = array<i64: 2, 16>, scalar_prefetch = 0 : i64, scratch_operands = 7 : i64, tpu.core_type = #tpu.core_type<sc_vector_subcore>, window_params = [{transform_indices = #map}, {transform_indices = #map1}, {transform_indices = #map}]} {
    %mul3A = arith.constant 2 : i32
    %mul3A_0 = arith.muli %arg1, %mul3A : i32
    %add3A = arith.addi %mul3A_0, %arg0 : i32
    %mul3A_1 = arith.constant 2048 : i32
    %mul3A_2 = arith.muli %add3A, %mul3A_1 : i32
    "tpu.region"() ({
      %run_scoped3A = tpu.sem_alloc : memref<!tpu.dma_semaphore, #tpu.memory_space<semaphore_mem>>
      %dma_start3A = tpu.memref_slice %arg3[%mul3A_2] : memref<65536xi32, #tpu.memory_space<hbm>> -> memref<2048xi32, #tpu.memory_space<hbm>>
      %dma_start3A_15 = tpu.memref_slice %arg3[%mul3A_2] : memref<65536xi32, #tpu.memory_space<hbm>> -> memref<2048xi32, #tpu.memory_space<hbm>>
      tpu.enqueue_dma source(%dma_start3A_15 : memref<2048xi32, #tpu.memory_space<hbm>>) target(%arg5 : memref<2048xi32, #tpu.memory_space<vmem>>) target_semaphore(%run_scoped3A : memref<!tpu.dma_semaphore, #tpu.memory_space<semaphore_mem>>)
      %dma_wait3A_16 = tpu.memref_slice %arg3[%mul3A_2] : memref<65536xi32, #tpu.memory_space<hbm>> -> memref<2048xi32, #tpu.memory_space<hbm>>
      %dma_wait3A_17 = tpu.memref_slice %arg3[%mul3A_2] : memref<65536xi32, #tpu.memory_space<hbm>> -> memref<2048xi32, #tpu.memory_space<hbm>>
      tpu.wait_dma2 semaphore(%run_scoped3A : memref<!tpu.dma_semaphore, #tpu.memory_space<semaphore_mem>>) src(%dma_wait3A_17 : memref<2048xi32, #tpu.memory_space<hbm>>) dst(%arg5 : memref<2048xi32, #tpu.memory_space<vmem>>)
      tpu.yield
    }) : () -> ()
    %scan3A = arith.constant 0 : i32
    %scan3A_3 = arith.constant 0 : i32
    %scan3A_4 = arith.constant 4 : i32
    %scan3A_5 = arith.addi %scan3A_3, %scan3A_4 : i32
    %scan3A_6 = arith.constant 1 : i32
    scf.for %scan3A_15 = %scan3A_3 to %scan3A_5 step %scan3A_6  : i32 {
      %mul3A_16 = arith.constant 2 : i32
      %mul3A_17 = arith.muli %mul3A_16, %scan3A_15 : i32
      %mul3A_18 = arith.constant 256 : i32
      %mul3A_19 = arith.muli %mul3A_17, %mul3A_18 : i32
      %add3A_20 = arith.addi %mul3A_2, %mul3A_19 : i32
      %add3A_21 = arith.constant 256 : i32
      %add3A_22 = arith.addi %add3A_20, %add3A_21 : i32
      %gt3A = arith.constant 0 : i32
      %gt3A_23 = arith.cmpi sgt, %scan3A_15, %gt3A : i32
      %convert_element_type3A = arith.extui %gt3A_23 : i1 to i32
      %cond3A = arith.constant 0 : i32
      %cond3A_24 = arith.cmpi ne, %convert_element_type3A, %cond3A : i32
      scf.if %cond3A_24 {
        %dma_wait3A_63 = arith.constant 0 : i32
        %dma_wait3A_64 = tpu.memref_slice %arg4[%mul3A_2, %dma_wait3A_63] : memref<65536x128xf32, #tpu.memory_space<hbm>> -> memref<256x128xf32, #tpu.memory_space<hbm>>
        %dma_wait3A_65 = arith.constant 0 : i32
        %dma_wait3A_66 = tpu.memref_slice %arg4[%mul3A_2, %dma_wait3A_65] : memref<65536x128xf32, #tpu.memory_space<hbm>> -> memref<256x128xf32, #tpu.memory_space<hbm>>
        tpu.wait_dma2 semaphore(%arg8 : memref<!tpu.dma_semaphore, #tpu.memory_space<semaphore_mem>>) src(%arg6 : memref<256x128xf32, #tpu.memory_space<vmem>>) dst(%dma_wait3A_66 : memref<256x128xf32, #tpu.memory_space<hbm>>)
      } else {
      }
      %mul3A_25 = arith.constant 2 : i32
      %mul3A_26 = arith.muli %mul3A_25, %scan3A_15 : i32
      %mul3A_27 = arith.constant 256 : i32
      %mul3A_28 = arith.muli %mul3A_26, %mul3A_27 : i32
      %dma_start3A = tpu.memref_slice %arg5[%mul3A_28] : memref<2048xi32, #tpu.memory_space<vmem>> -> memref<256xi32, #tpu.memory_space<vmem>>
      %dma_start3A_29 = arith.constant 0 : i32
      %dma_start3A_30 = arith.constant 0 : i32
      %dma_start3A_31 = tpu.memref_slice %arg2[%dma_start3A_29, %dma_start3A_30] : memref<65536x128xf32, #tpu.memory_space<hbm>> -> memref<65536x128xf32, #tpu.memory_space<hbm>>
      tpu.enqueue_indirect_dma source(%dma_start3A_31 : memref<65536x128xf32, #tpu.memory_space<hbm>>) target(%arg6 : memref<256x128xf32, #tpu.memory_space<vmem>>) offsets(%dma_start3A : memref<256xi32, #tpu.memory_space<vmem>>) semaphore(%arg10 : memref<!tpu.dma_semaphore, #tpu.memory_space<semaphore_mem>>)
      %dma_wait3A_32 = tpu.memref_slice %arg5[%mul3A_28] : memref<2048xi32, #tpu.memory_space<vmem>> -> memref<256xi32, #tpu.memory_space<vmem>>
      %dma_wait3A_33 = arith.constant 0 : i32
      %dma_wait3A_34 = arith.constant 0 : i32
      %dma_wait3A_35 = tpu.memref_slice %arg2[%dma_wait3A_33, %dma_wait3A_34] : memref<65536x128xf32, #tpu.memory_space<hbm>> -> memref<65536x128xf32, #tpu.memory_space<hbm>>
      tpu.wait_indirect_dma semaphore(%arg10 : memref<!tpu.dma_semaphore, #tpu.memory_space<semaphore_mem>>) src(%dma_wait3A_35 : memref<65536x128xf32, #tpu.memory_space<hbm>>) dst(%arg6 : memref<256x128xf32, #tpu.memory_space<vmem>>)
      %dma_start3A_36 = arith.constant 0 : i32
      %dma_start3A_37 = tpu.memref_slice %arg4[%add3A_20, %dma_start3A_36] : memref<65536x128xf32, #tpu.memory_space<hbm>> -> memref<256x128xf32, #tpu.memory_space<hbm>>
      %dma_start3A_38 = arith.constant 0 : i32
      %dma_start3A_39 = tpu.memref_slice %arg4[%add3A_20, %dma_start3A_38] : memref<65536x128xf32, #tpu.memory_space<hbm>> -> memref<256x128xf32, #tpu.memory_space<hbm>>
      tpu.enqueue_dma source(%arg6 : memref<256x128xf32, #tpu.memory_space<vmem>>) target(%dma_start3A_39 : memref<256x128xf32, #tpu.memory_space<hbm>>) target_semaphore(%arg8 : memref<!tpu.dma_semaphore, #tpu.memory_space<semaphore_mem>>)
      %gt3A_40 = arith.constant 0 : i32
      %gt3A_41 = arith.cmpi sgt, %scan3A_15, %gt3A_40 : i32
      %convert_element_type3A_42 = arith.extui %gt3A_41 : i1 to i32
      %cond3A_43 = arith.constant 0 : i32
      %cond3A_44 = arith.cmpi ne, %convert_element_type3A_42, %cond3A_43 : i32
      scf.if %cond3A_44 {
        %dma_wait3A_63 = arith.constant 0 : i32
        %dma_wait3A_64 = tpu.memref_slice %arg4[%mul3A_2, %dma_wait3A_63] : memref<65536x128xf32, #tpu.memory_space<hbm>> -> memref<256x128xf32, #tpu.memory_space<hbm>>
        %dma_wait3A_65 = arith.constant 0 : i32
        %dma_wait3A_66 = tpu.memref_slice %arg4[%mul3A_2, %dma_wait3A_65] : memref<65536x128xf32, #tpu.memory_space<hbm>> -> memref<256x128xf32, #tpu.memory_space<hbm>>
        tpu.wait_dma2 semaphore(%arg9 : memref<!tpu.dma_semaphore, #tpu.memory_space<semaphore_mem>>) src(%arg7 : memref<256x128xf32, #tpu.memory_space<vmem>>) dst(%dma_wait3A_66 : memref<256x128xf32, #tpu.memory_space<hbm>>)
      } else {
      }
      %mul3A_45 = arith.constant 2 : i32
      %mul3A_46 = arith.muli %mul3A_45, %scan3A_15 : i32
      %add3A_47 = arith.constant 1 : i32
      %add3A_48 = arith.addi %mul3A_46, %add3A_47 : i32
      %mul3A_49 = arith.constant 256 : i32
      %mul3A_50 = arith.muli %add3A_48, %mul3A_49 : i32
      %dma_start3A_51 = tpu.memref_slice %arg5[%mul3A_50] : memref<2048xi32, #tpu.memory_space<vmem>> -> memref<256xi32, #tpu.memory_space<vmem>>
      %dma_start3A_52 = arith.constant 0 : i32
      %dma_start3A_53 = arith.constant 0 : i32
      %dma_start3A_54 = tpu.memref_slice %arg2[%dma_start3A_52, %dma_start3A_53] : memref<65536x128xf32, #tpu.memory_space<hbm>> -> memref<65536x128xf32, #tpu.memory_space<hbm>>
      tpu.enqueue_indirect_dma source(%dma_start3A_54 : memref<65536x128xf32, #tpu.memory_space<hbm>>) target(%arg7 : memref<256x128xf32, #tpu.memory_space<vmem>>) offsets(%dma_start3A_51 : memref<256xi32, #tpu.memory_space<vmem>>) semaphore(%arg11 : memref<!tpu.dma_semaphore, #tpu.memory_space<semaphore_mem>>)
      %dma_wait3A_55 = tpu.memref_slice %arg5[%mul3A_50] : memref<2048xi32, #tpu.memory_space<vmem>> -> memref<256xi32, #tpu.memory_space<vmem>>
      %dma_wait3A_56 = arith.constant 0 : i32
      %dma_wait3A_57 = arith.constant 0 : i32
      %dma_wait3A_58 = tpu.memref_slice %arg2[%dma_wait3A_56, %dma_wait3A_57] : memref<65536x128xf32, #tpu.memory_space<hbm>> -> memref<65536x128xf32, #tpu.memory_space<hbm>>
      tpu.wait_indirect_dma semaphore(%arg11 : memref<!tpu.dma_semaphore, #tpu.memory_space<semaphore_mem>>) src(%dma_wait3A_58 : memref<65536x128xf32, #tpu.memory_space<hbm>>) dst(%arg7 : memref<256x128xf32, #tpu.memory_space<vmem>>)
      %dma_start3A_59 = arith.constant 0 : i32
      %dma_start3A_60 = tpu.memref_slice %arg4[%add3A_22, %dma_start3A_59] : memref<65536x128xf32, #tpu.memory_space<hbm>> -> memref<256x128xf32, #tpu.memory_space<hbm>>
      %dma_start3A_61 = arith.constant 0 : i32
      %dma_start3A_62 = tpu.memref_slice %arg4[%add3A_22, %dma_start3A_61] : memref<65536x128xf32, #tpu.memory_space<hbm>> -> memref<256x128xf32, #tpu.memory_space<hbm>>
      tpu.enqueue_dma source(%arg7 : memref<256x128xf32, #tpu.memory_space<vmem>>) target(%dma_start3A_62 : memref<256x128xf32, #tpu.memory_space<hbm>>) target_semaphore(%arg9 : memref<!tpu.dma_semaphore, #tpu.memory_space<semaphore_mem>>)
    }
    %scan3A_7 = arith.constant 4 : i32
    %dma_wait3A = arith.constant 0 : i32
    %dma_wait3A_8 = tpu.memref_slice %arg4[%mul3A_2, %dma_wait3A] : memref<65536x128xf32, #tpu.memory_space<hbm>> -> memref<256x128xf32, #tpu.memory_space<hbm>>
    %dma_wait3A_9 = arith.constant 0 : i32
    %dma_wait3A_10 = tpu.memref_slice %arg4[%mul3A_2, %dma_wait3A_9] : memref<65536x128xf32, #tpu.memory_space<hbm>> -> memref<256x128xf32, #tpu.memory_space<hbm>>
    tpu.wait_dma2 semaphore(%arg8 : memref<!tpu.dma_semaphore, #tpu.memory_space<semaphore_mem>>) src(%arg6 : memref<256x128xf32, #tpu.memory_space<vmem>>) dst(%dma_wait3A_10 : memref<256x128xf32, #tpu.memory_space<hbm>>)
    %dma_wait3A_11 = arith.constant 0 : i32
    %dma_wait3A_12 = tpu.memref_slice %arg4[%mul3A_2, %dma_wait3A_11] : memref<65536x128xf32, #tpu.memory_space<hbm>> -> memref<256x128xf32, #tpu.memory_space<hbm>>
    %dma_wait3A_13 = arith.constant 0 : i32
    %dma_wait3A_14 = tpu.memref_slice %arg4[%mul3A_2, %dma_wait3A_13] : memref<65536x128xf32, #tpu.memory_space<hbm>> -> memref<256x128xf32, #tpu.memory_space<hbm>>
    tpu.wait_dma2 semaphore(%arg9 : memref<!tpu.dma_semaphore, #tpu.memory_space<semaphore_mem>>) src(%arg7 : memref<256x128xf32, #tpu.memory_space<vmem>>) dst(%dma_wait3A_14 : memref<256x128xf32, #tpu.memory_space<hbm>>)
    return
  }
}

#map = affine_map<(d0, d1) -> (0, 0)>
#map1 = affine_map<(d0, d1) -> (0)>
module attributes {stable_mosaic.version = 14 : i64} {
  func.func @_sc_gather_body(%arg0: i32, %arg1: i32, %arg2: memref<65536x128xf32, #tpu.memory_space<hbm>>, %arg3: memref<65536xi32, #tpu.memory_space<hbm>>, %arg4: memref<65536x128xf32, #tpu.memory_space<hbm>>, %arg5: memref<2048xi32, #tpu.memory_space<vmem>>, %arg6: memref<256x128xf32, #tpu.memory_space<vmem>>, %arg7: memref<256x128xf32, #tpu.memory_space<vmem>>, %arg8: memref<!tpu.dma_semaphore, #tpu.memory_space<semaphore_mem>>, %arg9: memref<!tpu.dma_semaphore, #tpu.memory_space<semaphore_mem>>, %arg10: memref<!tpu.dma_semaphore, #tpu.memory_space<semaphore_mem>>, %arg11: memref<!tpu.dma_semaphore, #tpu.memory_space<semaphore_mem>>) attributes {dimension_semantics = [#tpu.dimension_semantics<core_parallel>, #tpu.dimension_semantics<subcore_parallel>], iteration_bounds = array<i64: 2, 16>, scalar_prefetch = 0 : i64, scratch_operands = 7 : i64, tpu.core_type = #tpu.core_type<sc_vector_subcore>, window_params = [{transform_indices = #map}, {transform_indices = #map1}, {transform_indices = #map}]} {
    %mul3A = arith.constant 2 : i32
    %mul3A_0 = arith.muli %arg1, %mul3A : i32
    %add3A = arith.addi %mul3A_0, %arg0 : i32
    %mul3A_1 = arith.constant 2048 : i32
    %mul3A_2 = arith.muli %add3A, %mul3A_1 : i32
    "tpu.region"() ({
      %run_scoped3A = tpu.sem_alloc : memref<!tpu.dma_semaphore, #tpu.memory_space<semaphore_mem>>
      %dma_start3A = tpu.memref_slice %arg3[%mul3A_2] : memref<65536xi32, #tpu.memory_space<hbm>> -> memref<2048xi32, #tpu.memory_space<hbm>>
      %dma_start3A_15 = tpu.memref_slice %arg3[%mul3A_2] : memref<65536xi32, #tpu.memory_space<hbm>> -> memref<2048xi32, #tpu.memory_space<hbm>>
      tpu.enqueue_dma source(%dma_start3A_15 : memref<2048xi32, #tpu.memory_space<hbm>>) target(%arg5 : memref<2048xi32, #tpu.memory_space<vmem>>) target_semaphore(%run_scoped3A : memref<!tpu.dma_semaphore, #tpu.memory_space<semaphore_mem>>)
      %dma_wait3A_16 = tpu.memref_slice %arg3[%mul3A_2] : memref<65536xi32, #tpu.memory_space<hbm>> -> memref<2048xi32, #tpu.memory_space<hbm>>
      %dma_wait3A_17 = tpu.memref_slice %arg3[%mul3A_2] : memref<65536xi32, #tpu.memory_space<hbm>> -> memref<2048xi32, #tpu.memory_space<hbm>>
      tpu.wait_dma2 semaphore(%run_scoped3A : memref<!tpu.dma_semaphore, #tpu.memory_space<semaphore_mem>>) src(%dma_wait3A_17 : memref<2048xi32, #tpu.memory_space<hbm>>) dst(%arg5 : memref<2048xi32, #tpu.memory_space<vmem>>)
      tpu.yield
    }) : () -> ()
    %scan3A = arith.constant 0 : i32
    %scan3A_3 = arith.constant 0 : i32
    %scan3A_4 = arith.constant 4 : i32
    %scan3A_5 = arith.addi %scan3A_3, %scan3A_4 : i32
    %scan3A_6 = arith.constant 1 : i32
    scf.for %scan3A_15 = %scan3A_3 to %scan3A_5 step %scan3A_6  : i32 {
      %mul3A_16 = arith.constant 2 : i32
      %mul3A_17 = arith.muli %mul3A_16, %scan3A_15 : i32
      %mul3A_18 = arith.constant 256 : i32
      %mul3A_19 = arith.muli %mul3A_17, %mul3A_18 : i32
      %add3A_20 = arith.addi %mul3A_2, %mul3A_19 : i32
      %add3A_21 = arith.constant 256 : i32
      %add3A_22 = arith.addi %add3A_20, %add3A_21 : i32
      %gt3A = arith.constant 0 : i32
      %gt3A_23 = arith.cmpi sgt, %scan3A_15, %gt3A : i32
      %convert_element_type3A = arith.extui %gt3A_23 : i1 to i32
      %cond3A = arith.constant 0 : i32
      %cond3A_24 = arith.cmpi ne, %convert_element_type3A, %cond3A : i32
      scf.if %cond3A_24 {
        %dma_wait3A_63 = arith.constant 0 : i32
        %dma_wait3A_64 = tpu.memref_slice %arg4[%mul3A_2, %dma_wait3A_63] : memref<65536x128xf32, #tpu.memory_space<hbm>> -> memref<256x128xf32, #tpu.memory_space<hbm>>
        %dma_wait3A_65 = arith.constant 0 : i32
        %dma_wait3A_66 = tpu.memref_slice %arg4[%mul3A_2, %dma_wait3A_65] : memref<65536x128xf32, #tpu.memory_space<hbm>> -> memref<256x128xf32, #tpu.memory_space<hbm>>
        tpu.wait_dma2 semaphore(%arg8 : memref<!tpu.dma_semaphore, #tpu.memory_space<semaphore_mem>>) src(%arg6 : memref<256x128xf32, #tpu.memory_space<vmem>>) dst(%dma_wait3A_66 : memref<256x128xf32, #tpu.memory_space<hbm>>)
      } else {
      }
      %mul3A_25 = arith.constant 2 : i32
      %mul3A_26 = arith.muli %mul3A_25, %scan3A_15 : i32
      %mul3A_27 = arith.constant 256 : i32
      %mul3A_28 = arith.muli %mul3A_26, %mul3A_27 : i32
      %dma_start3A = tpu.memref_slice %arg5[%mul3A_28] : memref<2048xi32, #tpu.memory_space<vmem>> -> memref<256xi32, #tpu.memory_space<vmem>>
      %dma_start3A_29 = arith.constant 0 : i32
      %dma_start3A_30 = arith.constant 0 : i32
      %dma_start3A_31 = tpu.memref_slice %arg2[%dma_start3A_29, %dma_start3A_30] : memref<65536x128xf32, #tpu.memory_space<hbm>> -> memref<65536x128xf32, #tpu.memory_space<hbm>>
      tpu.enqueue_indirect_dma source(%dma_start3A_31 : memref<65536x128xf32, #tpu.memory_space<hbm>>) target(%arg6 : memref<256x128xf32, #tpu.memory_space<vmem>>) offsets(%dma_start3A : memref<256xi32, #tpu.memory_space<vmem>>) semaphore(%arg10 : memref<!tpu.dma_semaphore, #tpu.memory_space<semaphore_mem>>)
      %dma_wait3A_32 = tpu.memref_slice %arg5[%mul3A_28] : memref<2048xi32, #tpu.memory_space<vmem>> -> memref<256xi32, #tpu.memory_space<vmem>>
      %dma_wait3A_33 = arith.constant 0 : i32
      %dma_wait3A_34 = arith.constant 0 : i32
      %dma_wait3A_35 = tpu.memref_slice %arg2[%dma_wait3A_33, %dma_wait3A_34] : memref<65536x128xf32, #tpu.memory_space<hbm>> -> memref<65536x128xf32, #tpu.memory_space<hbm>>
      tpu.wait_indirect_dma semaphore(%arg10 : memref<!tpu.dma_semaphore, #tpu.memory_space<semaphore_mem>>) src(%dma_wait3A_35 : memref<65536x128xf32, #tpu.memory_space<hbm>>) dst(%arg6 : memref<256x128xf32, #tpu.memory_space<vmem>>)
      %dma_start3A_36 = arith.constant 0 : i32
      %dma_start3A_37 = tpu.memref_slice %arg4[%add3A_20, %dma_start3A_36] : memref<65536x128xf32, #tpu.memory_space<hbm>> -> memref<256x128xf32, #tpu.memory_space<hbm>>
      %dma_start3A_38 = arith.constant 0 : i32
      %dma_start3A_39 = tpu.memref_slice %arg4[%add3A_20, %dma_start3A_38] : memref<65536x128xf32, #tpu.memory_space<hbm>> -> memref<256x128xf32, #tpu.memory_space<hbm>>
      tpu.enqueue_dma source(%arg6 : memref<256x128xf32, #tpu.memory_space<vmem>>) target(%dma_start3A_39 : memref<256x128xf32, #tpu.memory_space<hbm>>) target_semaphore(%arg8 : memref<!tpu.dma_semaphore, #tpu.memory_space<semaphore_mem>>)
      %gt3A_40 = arith.constant 0 : i32
      %gt3A_41 = arith.cmpi sgt, %scan3A_15, %gt3A_40 : i32
      %convert_element_type3A_42 = arith.extui %gt3A_41 : i1 to i32
      %cond3A_43 = arith.constant 0 : i32
      %cond3A_44 = arith.cmpi ne, %convert_element_type3A_42, %cond3A_43 : i32
      scf.if %cond3A_44 {
        %dma_wait3A_63 = arith.constant 0 : i32
        %dma_wait3A_64 = tpu.memref_slice %arg4[%mul3A_2, %dma_wait3A_63] : memref<65536x128xf32, #tpu.memory_space<hbm>> -> memref<256x128xf32, #tpu.memory_space<hbm>>
        %dma_wait3A_65 = arith.constant 0 : i32
        %dma_wait3A_66 = tpu.memref_slice %arg4[%mul3A_2, %dma_wait3A_65] : memref<65536x128xf32, #tpu.memory_space<hbm>> -> memref<256x128xf32, #tpu.memory_space<hbm>>
        tpu.wait_dma2 semaphore(%arg9 : memref<!tpu.dma_semaphore, #tpu.memory_space<semaphore_mem>>) src(%arg7 : memref<256x128xf32, #tpu.memory_space<vmem>>) dst(%dma_wait3A_66 : memref<256x128xf32, #tpu.memory_space<hbm>>)
      } else {
      }
      %mul3A_45 = arith.constant 2 : i32
      %mul3A_46 = arith.muli %mul3A_45, %scan3A_15 : i32
      %add3A_47 = arith.constant 1 : i32
      %add3A_48 = arith.addi %mul3A_46, %add3A_47 : i32
      %mul3A_49 = arith.constant 256 : i32
      %mul3A_50 = arith.muli %add3A_48, %mul3A_49 : i32
      %dma_start3A_51 = tpu.memref_slice %arg5[%mul3A_50] : memref<2048xi32, #tpu.memory_space<vmem>> -> memref<256xi32, #tpu.memory_space<vmem>>
      %dma_start3A_52 = arith.constant 0 : i32
      %dma_start3A_53 = arith.constant 0 : i32
      %dma_start3A_54 = tpu.memref_slice %arg2[%dma_start3A_52, %dma_start3A_53] : memref<65536x128xf32, #tpu.memory_space<hbm>> -> memref<65536x128xf32, #tpu.memory_space<hbm>>
      tpu.enqueue_indirect_dma source(%dma_start3A_54 : memref<65536x128xf32, #tpu.memory_space<hbm>>) target(%arg7 : memref<256x128xf32, #tpu.memory_space<vmem>>) offsets(%dma_start3A_51 : memref<256xi32, #tpu.memory_space<vmem>>) semaphore(%arg11 : memref<!tpu.dma_semaphore, #tpu.memory_space<semaphore_mem>>)
      %dma_wait3A_55 = tpu.memref_slice %arg5[%mul3A_50] : memref<2048xi32, #tpu.memory_space<vmem>> -> memref<256xi32, #tpu.memory_space<vmem>>
      %dma_wait3A_56 = arith.constant 0 : i32
      %dma_wait3A_57 = arith.constant 0 : i32
      %dma_wait3A_58 = tpu.memref_slice %arg2[%dma_wait3A_56, %dma_wait3A_57] : memref<65536x128xf32, #tpu.memory_space<hbm>> -> memref<65536x128xf32, #tpu.memory_space<hbm>>
      tpu.wait_indirect_dma semaphore(%arg11 : memref<!tpu.dma_semaphore, #tpu.memory_space<semaphore_mem>>) src(%dma_wait3A_58 : memref<65536x128xf32, #tpu.memory_space<hbm>>) dst(%arg7 : memref<256x128xf32, #tpu.memory_space<vmem>>)
      %dma_start3A_59 = arith.constant 0 : i32
      %dma_start3A_60 = tpu.memref_slice %arg4[%add3A_22, %dma_start3A_59] : memref<65536x128xf32, #tpu.memory_space<hbm>> -> memref<256x128xf32, #tpu.memory_space<hbm>>
      %dma_start3A_61 = arith.constant 0 : i32
      %dma_start3A_62 = tpu.memref_slice %arg4[%add3A_22, %dma_start3A_61] : memref<65536x128xf32, #tpu.memory_space<hbm>> -> memref<256x128xf32, #tpu.memory_space<hbm>>
      tpu.enqueue_dma source(%arg7 : memref<256x128xf32, #tpu.memory_space<vmem>>) target(%dma_start3A_62 : memref<256x128xf32, #tpu.memory_space<hbm>>) target_semaphore(%arg9 : memref<!tpu.dma_semaphore, #tpu.memory_space<semaphore_mem>>)
    }
    %scan3A_7 = arith.constant 4 : i32
    %dma_wait3A = arith.constant 0 : i32
    %dma_wait3A_8 = tpu.memref_slice %arg4[%mul3A_2, %dma_wait3A] : memref<65536x128xf32, #tpu.memory_space<hbm>> -> memref<256x128xf32, #tpu.memory_space<hbm>>
    %dma_wait3A_9 = arith.constant 0 : i32
    %dma_wait3A_10 = tpu.memref_slice %arg4[%mul3A_2, %dma_wait3A_9] : memref<65536x128xf32, #tpu.memory_space<hbm>> -> memref<256x128xf32, #tpu.memory_space<hbm>>
    tpu.wait_dma2 semaphore(%arg8 : memref<!tpu.dma_semaphore, #tpu.memory_space<semaphore_mem>>) src(%arg6 : memref<256x128xf32, #tpu.memory_space<vmem>>) dst(%dma_wait3A_10 : memref<256x128xf32, #tpu.memory_space<hbm>>)
    %dma_wait3A_11 = arith.constant 0 : i32
    %dma_wait3A_12 = tpu.memref_slice %arg4[%mul3A_2, %dma_wait3A_11] : memref<65536x128xf32, #tpu.memory_space<hbm>> -> memref<256x128xf32, #tpu.memory_space<hbm>>
    %dma_wait3A_13 = arith.constant 0 : i32
    %dma_wait3A_14 = tpu.memref_slice %arg4[%mul3A_2, %dma_wait3A_13] : memref<65536x128xf32, #tpu.memory_space<hbm>> -> memref<256x128xf32, #tpu.memory_space<hbm>>
    tpu.wait_dma2 semaphore(%arg9 : memref<!tpu.dma_semaphore, #tpu.memory_space<semaphore_mem>>) src(%arg7 : memref<256x128xf32, #tpu.memory_space<vmem>>) dst(%dma_wait3A_14 : memref<256x128xf32, #tpu.memory_space<hbm>>)
    return
  }
}

#map = affine_map<(d0, d1) -> (0, 0)>
#map1 = affine_map<(d0, d1) -> (0)>
module attributes {stable_mosaic.version = 14 : i64} {
  func.func @_sc_gather_body(%arg0: i32, %arg1: i32, %arg2: memref<65536x128xf32, #tpu.memory_space<hbm>>, %arg3: memref<65536xi32, #tpu.memory_space<hbm>>, %arg4: memref<65536x128xf32, #tpu.memory_space<hbm>>, %arg5: memref<2048xi32, #tpu.memory_space<vmem>>, %arg6: memref<256x128xf32, #tpu.memory_space<vmem>>, %arg7: memref<256x128xf32, #tpu.memory_space<vmem>>, %arg8: memref<!tpu.dma_semaphore, #tpu.memory_space<semaphore_mem>>, %arg9: memref<!tpu.dma_semaphore, #tpu.memory_space<semaphore_mem>>, %arg10: memref<!tpu.dma_semaphore, #tpu.memory_space<semaphore_mem>>, %arg11: memref<!tpu.dma_semaphore, #tpu.memory_space<semaphore_mem>>) attributes {dimension_semantics = [#tpu.dimension_semantics<core_parallel>, #tpu.dimension_semantics<subcore_parallel>], iteration_bounds = array<i64: 2, 16>, scalar_prefetch = 0 : i64, scratch_operands = 7 : i64, tpu.core_type = #tpu.core_type<sc_vector_subcore>, window_params = [{transform_indices = #map}, {transform_indices = #map1}, {transform_indices = #map}]} {
    %mul3A = arith.constant 2 : i32
    %mul3A_0 = arith.muli %arg1, %mul3A : i32
    %add3A = arith.addi %mul3A_0, %arg0 : i32
    %mul3A_1 = arith.constant 2048 : i32
    %mul3A_2 = arith.muli %add3A, %mul3A_1 : i32
    "tpu.region"() ({
      %run_scoped3A = tpu.sem_alloc : memref<!tpu.dma_semaphore, #tpu.memory_space<semaphore_mem>>
      %dma_start3A = tpu.memref_slice %arg3[%mul3A_2] : memref<65536xi32, #tpu.memory_space<hbm>> -> memref<2048xi32, #tpu.memory_space<hbm>>
      %dma_start3A_15 = tpu.memref_slice %arg3[%mul3A_2] : memref<65536xi32, #tpu.memory_space<hbm>> -> memref<2048xi32, #tpu.memory_space<hbm>>
      tpu.enqueue_dma source(%dma_start3A_15 : memref<2048xi32, #tpu.memory_space<hbm>>) target(%arg5 : memref<2048xi32, #tpu.memory_space<vmem>>) target_semaphore(%run_scoped3A : memref<!tpu.dma_semaphore, #tpu.memory_space<semaphore_mem>>)
      %dma_wait3A_16 = tpu.memref_slice %arg3[%mul3A_2] : memref<65536xi32, #tpu.memory_space<hbm>> -> memref<2048xi32, #tpu.memory_space<hbm>>
      %dma_wait3A_17 = tpu.memref_slice %arg3[%mul3A_2] : memref<65536xi32, #tpu.memory_space<hbm>> -> memref<2048xi32, #tpu.memory_space<hbm>>
      tpu.wait_dma2 semaphore(%run_scoped3A : memref<!tpu.dma_semaphore, #tpu.memory_space<semaphore_mem>>) src(%dma_wait3A_17 : memref<2048xi32, #tpu.memory_space<hbm>>) dst(%arg5 : memref<2048xi32, #tpu.memory_space<vmem>>)
      tpu.yield
    }) : () -> ()
    %scan3A = arith.constant 0 : i32
    %scan3A_3 = arith.constant 0 : i32
    %scan3A_4 = arith.constant 4 : i32
    %scan3A_5 = arith.addi %scan3A_3, %scan3A_4 : i32
    %scan3A_6 = arith.constant 1 : i32
    scf.for %scan3A_15 = %scan3A_3 to %scan3A_5 step %scan3A_6  : i32 {
      %mul3A_16 = arith.constant 2 : i32
      %mul3A_17 = arith.muli %mul3A_16, %scan3A_15 : i32
      %mul3A_18 = arith.constant 256 : i32
      %mul3A_19 = arith.muli %mul3A_17, %mul3A_18 : i32
      %add3A_20 = arith.addi %mul3A_2, %mul3A_19 : i32
      %add3A_21 = arith.constant 256 : i32
      %add3A_22 = arith.addi %add3A_20, %add3A_21 : i32
      %gt3A = arith.constant 0 : i32
      %gt3A_23 = arith.cmpi sgt, %scan3A_15, %gt3A : i32
      %convert_element_type3A = arith.extui %gt3A_23 : i1 to i32
      %cond3A = arith.constant 0 : i32
      %cond3A_24 = arith.cmpi ne, %convert_element_type3A, %cond3A : i32
      scf.if %cond3A_24 {
        %dma_wait3A_63 = arith.constant 0 : i32
        %dma_wait3A_64 = tpu.memref_slice %arg4[%mul3A_2, %dma_wait3A_63] : memref<65536x128xf32, #tpu.memory_space<hbm>> -> memref<256x128xf32, #tpu.memory_space<hbm>>
        %dma_wait3A_65 = arith.constant 0 : i32
        %dma_wait3A_66 = tpu.memref_slice %arg4[%mul3A_2, %dma_wait3A_65] : memref<65536x128xf32, #tpu.memory_space<hbm>> -> memref<256x128xf32, #tpu.memory_space<hbm>>
        tpu.wait_dma2 semaphore(%arg8 : memref<!tpu.dma_semaphore, #tpu.memory_space<semaphore_mem>>) src(%arg6 : memref<256x128xf32, #tpu.memory_space<vmem>>) dst(%dma_wait3A_66 : memref<256x128xf32, #tpu.memory_space<hbm>>)
      } else {
      }
      %mul3A_25 = arith.constant 2 : i32
      %mul3A_26 = arith.muli %mul3A_25, %scan3A_15 : i32
      %mul3A_27 = arith.constant 256 : i32
      %mul3A_28 = arith.muli %mul3A_26, %mul3A_27 : i32
      %dma_start3A = tpu.memref_slice %arg5[%mul3A_28] : memref<2048xi32, #tpu.memory_space<vmem>> -> memref<256xi32, #tpu.memory_space<vmem>>
      %dma_start3A_29 = arith.constant 0 : i32
      %dma_start3A_30 = arith.constant 0 : i32
      %dma_start3A_31 = tpu.memref_slice %arg2[%dma_start3A_29, %dma_start3A_30] : memref<65536x128xf32, #tpu.memory_space<hbm>> -> memref<65536x128xf32, #tpu.memory_space<hbm>>
      tpu.enqueue_indirect_dma source(%dma_start3A_31 : memref<65536x128xf32, #tpu.memory_space<hbm>>) target(%arg6 : memref<256x128xf32, #tpu.memory_space<vmem>>) offsets(%dma_start3A : memref<256xi32, #tpu.memory_space<vmem>>) semaphore(%arg10 : memref<!tpu.dma_semaphore, #tpu.memory_space<semaphore_mem>>)
      %dma_wait3A_32 = tpu.memref_slice %arg5[%mul3A_28] : memref<2048xi32, #tpu.memory_space<vmem>> -> memref<256xi32, #tpu.memory_space<vmem>>
      %dma_wait3A_33 = arith.constant 0 : i32
      %dma_wait3A_34 = arith.constant 0 : i32
      %dma_wait3A_35 = tpu.memref_slice %arg2[%dma_wait3A_33, %dma_wait3A_34] : memref<65536x128xf32, #tpu.memory_space<hbm>> -> memref<65536x128xf32, #tpu.memory_space<hbm>>
      tpu.wait_indirect_dma semaphore(%arg10 : memref<!tpu.dma_semaphore, #tpu.memory_space<semaphore_mem>>) src(%dma_wait3A_35 : memref<65536x128xf32, #tpu.memory_space<hbm>>) dst(%arg6 : memref<256x128xf32, #tpu.memory_space<vmem>>)
      %dma_start3A_36 = arith.constant 0 : i32
      %dma_start3A_37 = tpu.memref_slice %arg4[%add3A_20, %dma_start3A_36] : memref<65536x128xf32, #tpu.memory_space<hbm>> -> memref<256x128xf32, #tpu.memory_space<hbm>>
      %dma_start3A_38 = arith.constant 0 : i32
      %dma_start3A_39 = tpu.memref_slice %arg4[%add3A_20, %dma_start3A_38] : memref<65536x128xf32, #tpu.memory_space<hbm>> -> memref<256x128xf32, #tpu.memory_space<hbm>>
      tpu.enqueue_dma source(%arg6 : memref<256x128xf32, #tpu.memory_space<vmem>>) target(%dma_start3A_39 : memref<256x128xf32, #tpu.memory_space<hbm>>) target_semaphore(%arg8 : memref<!tpu.dma_semaphore, #tpu.memory_space<semaphore_mem>>)
      %gt3A_40 = arith.constant 0 : i32
      %gt3A_41 = arith.cmpi sgt, %scan3A_15, %gt3A_40 : i32
      %convert_element_type3A_42 = arith.extui %gt3A_41 : i1 to i32
      %cond3A_43 = arith.constant 0 : i32
      %cond3A_44 = arith.cmpi ne, %convert_element_type3A_42, %cond3A_43 : i32
      scf.if %cond3A_44 {
        %dma_wait3A_63 = arith.constant 0 : i32
        %dma_wait3A_64 = tpu.memref_slice %arg4[%mul3A_2, %dma_wait3A_63] : memref<65536x128xf32, #tpu.memory_space<hbm>> -> memref<256x128xf32, #tpu.memory_space<hbm>>
        %dma_wait3A_65 = arith.constant 0 : i32
        %dma_wait3A_66 = tpu.memref_slice %arg4[%mul3A_2, %dma_wait3A_65] : memref<65536x128xf32, #tpu.memory_space<hbm>> -> memref<256x128xf32, #tpu.memory_space<hbm>>
        tpu.wait_dma2 semaphore(%arg9 : memref<!tpu.dma_semaphore, #tpu.memory_space<semaphore_mem>>) src(%arg7 : memref<256x128xf32, #tpu.memory_space<vmem>>) dst(%dma_wait3A_66 : memref<256x128xf32, #tpu.memory_space<hbm>>)
      } else {
      }
      %mul3A_45 = arith.constant 2 : i32
      %mul3A_46 = arith.muli %mul3A_45, %scan3A_15 : i32
      %add3A_47 = arith.constant 1 : i32
      %add3A_48 = arith.addi %mul3A_46, %add3A_47 : i32
      %mul3A_49 = arith.constant 256 : i32
      %mul3A_50 = arith.muli %add3A_48, %mul3A_49 : i32
      %dma_start3A_51 = tpu.memref_slice %arg5[%mul3A_50] : memref<2048xi32, #tpu.memory_space<vmem>> -> memref<256xi32, #tpu.memory_space<vmem>>
      %dma_start3A_52 = arith.constant 0 : i32
      %dma_start3A_53 = arith.constant 0 : i32
      %dma_start3A_54 = tpu.memref_slice %arg2[%dma_start3A_52, %dma_start3A_53] : memref<65536x128xf32, #tpu.memory_space<hbm>> -> memref<65536x128xf32, #tpu.memory_space<hbm>>
      tpu.enqueue_indirect_dma source(%dma_start3A_54 : memref<65536x128xf32, #tpu.memory_space<hbm>>) target(%arg7 : memref<256x128xf32, #tpu.memory_space<vmem>>) offsets(%dma_start3A_51 : memref<256xi32, #tpu.memory_space<vmem>>) semaphore(%arg11 : memref<!tpu.dma_semaphore, #tpu.memory_space<semaphore_mem>>)
      %dma_wait3A_55 = tpu.memref_slice %arg5[%mul3A_50] : memref<2048xi32, #tpu.memory_space<vmem>> -> memref<256xi32, #tpu.memory_space<vmem>>
      %dma_wait3A_56 = arith.constant 0 : i32
      %dma_wait3A_57 = arith.constant 0 : i32
      %dma_wait3A_58 = tpu.memref_slice %arg2[%dma_wait3A_56, %dma_wait3A_57] : memref<65536x128xf32, #tpu.memory_space<hbm>> -> memref<65536x128xf32, #tpu.memory_space<hbm>>
      tpu.wait_indirect_dma semaphore(%arg11 : memref<!tpu.dma_semaphore, #tpu.memory_space<semaphore_mem>>) src(%dma_wait3A_58 : memref<65536x128xf32, #tpu.memory_space<hbm>>) dst(%arg7 : memref<256x128xf32, #tpu.memory_space<vmem>>)
      %dma_start3A_59 = arith.constant 0 : i32
      %dma_start3A_60 = tpu.memref_slice %arg4[%add3A_22, %dma_start3A_59] : memref<65536x128xf32, #tpu.memory_space<hbm>> -> memref<256x128xf32, #tpu.memory_space<hbm>>
      %dma_start3A_61 = arith.constant 0 : i32
      %dma_start3A_62 = tpu.memref_slice %arg4[%add3A_22, %dma_start3A_61] : memref<65536x128xf32, #tpu.memory_space<hbm>> -> memref<256x128xf32, #tpu.memory_space<hbm>>
      tpu.enqueue_dma source(%arg7 : memref<256x128xf32, #tpu.memory_space<vmem>>) target(%dma_start3A_62 : memref<256x128xf32, #tpu.memory_space<hbm>>) target_semaphore(%arg9 : memref<!tpu.dma_semaphore, #tpu.memory_space<semaphore_mem>>)
    }
    %scan3A_7 = arith.constant 4 : i32
    %dma_wait3A = arith.constant 0 : i32
    %dma_wait3A_8 = tpu.memref_slice %arg4[%mul3A_2, %dma_wait3A] : memref<65536x128xf32, #tpu.memory_space<hbm>> -> memref<256x128xf32, #tpu.memory_space<hbm>>
    %dma_wait3A_9 = arith.constant 0 : i32
    %dma_wait3A_10 = tpu.memref_slice %arg4[%mul3A_2, %dma_wait3A_9] : memref<65536x128xf32, #tpu.memory_space<hbm>> -> memref<256x128xf32, #tpu.memory_space<hbm>>
    tpu.wait_dma2 semaphore(%arg8 : memref<!tpu.dma_semaphore, #tpu.memory_space<semaphore_mem>>) src(%arg6 : memref<256x128xf32, #tpu.memory_space<vmem>>) dst(%dma_wait3A_10 : memref<256x128xf32, #tpu.memory_space<hbm>>)
    %dma_wait3A_11 = arith.constant 0 : i32
    %dma_wait3A_12 = tpu.memref_slice %arg4[%mul3A_2, %dma_wait3A_11] : memref<65536x128xf32, #tpu.memory_space<hbm>> -> memref<256x128xf32, #tpu.memory_space<hbm>>
    %dma_wait3A_13 = arith.constant 0 : i32
    %dma_wait3A_14 = tpu.memref_slice %arg4[%mul3A_2, %dma_wait3A_13] : memref<65536x128xf32, #tpu.memory_space<hbm>> -> memref<256x128xf32, #tpu.memory_space<hbm>>
    tpu.wait_dma2 semaphore(%arg9 : memref<!tpu.dma_semaphore, #tpu.memory_space<semaphore_mem>>) src(%arg7 : memref<256x128xf32, #tpu.memory_space<vmem>>) dst(%dma_wait3A_14 : memref<256x128xf32, #tpu.memory_space<hbm>>)
    return
  }
}

module attributes {stable_mosaic.version = 14 : i64} {
  func.func @_attn_body(%arg0: i32, %arg1: memref<32x128x128xf32, #tpu.memory_space<vmem>>, %arg2: memref<32x128x128xf32, #tpu.memory_space<vmem>>, %arg3: memref<32x128x128xf32, #tpu.memory_space<vmem>>) attributes {dimension_semantics = [#tpu.dimension_semantics<arbitrary>], iteration_bounds = array<i64: 16>, scalar_prefetch = 0 : i64, scratch_operands = 0 : i64, tpu.core_type = #tpu.core_type<tc>, window_params = [{transform_indices = @transform_0, window_bounds = array<i64: 32, 128, 128>}, {transform_indices = @transform_1, window_bounds = array<i64: 32, 128, 128>}, {transform_indices = @transform_2, window_bounds = array<i64: 32, 128, 128>}]} {
    %get3A = arith.constant 0 : index
    %get3A_0 = arith.constant 0 : index
    %get3A_1 = arith.constant 0 : index
    %get3A_2 = vector.load %arg1[%get3A, %get3A_0, %get3A_1] : memref<32x128x128xf32, #tpu.memory_space<vmem>>, vector<32x128x64xf32>
    %get3A_3 = arith.constant 0 : index
    %get3A_4 = arith.constant 0 : index
    %get3A_5 = arith.constant 0 : index
    %get3A_6 = vector.load %arg2[%get3A_3, %get3A_4, %get3A_5] : memref<32x128x128xf32, #tpu.memory_space<vmem>>, vector<32x128x64xf32>
    %get3A_7 = arith.constant 0 : index
    %get3A_8 = arith.constant 0 : index
    %get3A_9 = arith.constant 64 : index
    %get3A_10 = vector.load %arg2[%get3A_7, %get3A_8, %get3A_9] : memref<32x128x128xf32, #tpu.memory_space<vmem>>, vector<32x128x64xf32>
    %dot_general3A = arith.constant dense<0.000000e+00> : vector<32x128x128xf32>
    %dot_general3A_11 = tpu.matmul %get3A_2, %get3A_6, %dot_general3A {dimension_numbers = #tpu.dot_dimension_numbers<[2], [2], [1], [1], [0, 0, 0, 1, 1, 1], [0], [0]>, transpose_lhs_hint = false} : vector<32x128x64xf32>, vector<32x128x64xf32>, vector<32x128x128xf32> -> vector<32x128x128xf32>
    %reduce_max3A = arith.constant dense<0xFF800000> : vector<32x128xf32>
    %reduce_max3A_12 = vector.multi_reduction <maximumf>, %dot_general3A_11, %reduce_max3A [2] : vector<32x128x128xf32> to vector<32x128xf32>
    %broadcast_in_dim3A = vector.shape_cast %reduce_max3A_12 : vector<32x128xf32> to vector<32x128x1xf32>
    %sub3A = vector.broadcast %broadcast_in_dim3A : vector<32x128x1xf32> to vector<32x128x128xf32>
    %sub3A_13 = arith.subf %dot_general3A_11, %sub3A : vector<32x128x128xf32>
    %exp3A = math.exp %sub3A_13 : vector<32x128x128xf32>
    %reduce_sum3A = arith.constant dense<0.000000e+00> : vector<32x128xf32>
    %reduce_sum3A_14 = vector.multi_reduction <add>, %exp3A, %reduce_sum3A [2] : vector<32x128x128xf32> to vector<32x128xf32>
    %broadcast_in_dim3A_15 = vector.shape_cast %reduce_sum3A_14 : vector<32x128xf32> to vector<32x128x1xf32>
    %dot_general3A_16 = arith.constant dense<0.000000e+00> : vector<32x128x64xf32>
    %dot_general3A_17 = tpu.matmul %exp3A, %get3A_10, %dot_general3A_16 {dimension_numbers = #tpu.dot_dimension_numbers<[2], [1], [1], [2], [0, 0, 0, 1, 1, 2], [0], [0]>, transpose_lhs_hint = false} : vector<32x128x128xf32>, vector<32x128x64xf32>, vector<32x128x64xf32> -> vector<32x128x64xf32>
    %log3A = math.log %broadcast_in_dim3A_15 : vector<32x128x1xf32>
    %add3A = arith.addf %log3A, %broadcast_in_dim3A : vector<32x128x1xf32>
    %div3A = vector.broadcast %broadcast_in_dim3A_15 : vector<32x128x1xf32> to vector<32x128x64xf32>
    %div3A_18 = arith.divf %dot_general3A_17, %div3A : vector<32x128x64xf32>
    %broadcast_in_dim3A_19 = vector.shape_cast %add3A : vector<32x128x1xf32> to vector<32x128x1xf32>
    %broadcast_in_dim3A_20 = vector.broadcast %broadcast_in_dim3A_19 : vector<32x128x1xf32> to vector<32x128x64xf32>
    %concatenate3A = tpu.concatenate %div3A_18, %broadcast_in_dim3A_20 in 2 : vector<32x128x64xf32>, vector<32x128x64xf32> -> vector<32x128x128xf32>
    %swap3A = arith.constant 0 : index
    %swap3A_21 = arith.constant 0 : index
    %swap3A_22 = arith.constant 0 : index
    %swap3A_23 = vector.load %arg3[%swap3A, %swap3A_21, %swap3A_22] : memref<32x128x128xf32, #tpu.memory_space<vmem>>, vector<32x128x128xf32>
    tpu.vector_store %arg3[%swap3A, %swap3A_21, %swap3A_22], %concatenate3A {strides = array<i32>} : memref<32x128x128xf32, #tpu.memory_space<vmem>>, vector<32x128x128xf32>,
    return
  }
  func.func @transform_0(%arg0: i32) -> (i32, i32, i32) {
    %c0_i32 = arith.constant 0 : i32
    %c0_i32_0 = arith.constant 0 : i32
    %c0_i32_1 = arith.constant 0 : i32
    return %arg0, %c0_i32, %c0_i32_0 : i32, i32, i32
  }
  func.func @transform_1(%arg0: i32) -> (i32, i32, i32) {
    %add3A = arith.constant 16 : i32
    %add3A_0 = arith.addi %arg0, %add3A : i32
    %c0_i32 = arith.constant 0 : i32
    %c0_i32_1 = arith.constant 0 : i32
    %c0_i32_2 = arith.constant 0 : i32
    return %add3A_0, %c0_i32, %c0_i32_1 : i32, i32, i32
  }
  func.func @transform_2(%arg0: i32) -> (i32, i32, i32) {
    %c0_i32 = arith.constant 0 : i32
    %c0_i32_0 = arith.constant 0 : i32
    %c0_i32_1 = arith.constant 0 : i32
    return %arg0, %c0_i32, %c0_i32_0 : i32, i32, i32
  }
}

module attributes {stable_mosaic.version = 14 : i64} {
  func.func @_combine_body(%arg0: i32, %arg1: memref<2x512x128xf32, #tpu.memory_space<vmem>>, %arg2: memref<2x512x128xf32, #tpu.memory_space<vmem>>, %arg3: memref<2x512x128xf32, #tpu.memory_space<vmem>>, %arg4: memref<2x512x128xf32, #tpu.memory_space<vmem>>, %arg5: memref<512x64xf32, #tpu.memory_space<vmem>>) attributes {dimension_semantics = [#tpu.dimension_semantics<arbitrary>], iteration_bounds = array<i64: 64>, scalar_prefetch = 0 : i64, scratch_operands = 0 : i64, tpu.core_type = #tpu.core_type<tc>, window_params = [{transform_indices = @transform_0, window_bounds = array<i64: 2, 512, 128>}, {transform_indices = @transform_1, window_bounds = array<i64: 2, 512, 128>}, {transform_indices = @transform_2, window_bounds = array<i64: 2, 512, 128>}, {transform_indices = @transform_3, window_bounds = array<i64: 2, 512, 128>}, {transform_indices = @transform_4, window_bounds = array<i64: 512, 64>}]} {
    %get3A = arith.constant 0 : index
    %get3A_0 = arith.constant 0 : index
    %get3A_1 = arith.constant 0 : index
    %get3A_2 = vector.load %arg1[%get3A, %get3A_0, %get3A_1] : memref<2x512x128xf32, #tpu.memory_space<vmem>>, vector<2x512x128xf32>
    %get3A_3 = arith.constant 0 : index
    %get3A_4 = arith.constant 0 : index
    %get3A_5 = arith.constant 0 : index
    %get3A_6 = vector.load %arg2[%get3A_3, %get3A_4, %get3A_5] : memref<2x512x128xf32, #tpu.memory_space<vmem>>, vector<2x512x128xf32>
    %get3A_7 = arith.constant 0 : index
    %get3A_8 = arith.constant 0 : index
    %get3A_9 = arith.constant 0 : index
    %get3A_10 = vector.load %arg3[%get3A_7, %get3A_8, %get3A_9] : memref<2x512x128xf32, #tpu.memory_space<vmem>>, vector<2x512x128xf32>
    %get3A_11 = arith.constant 0 : index
    %get3A_12 = arith.constant 0 : index
    %get3A_13 = arith.constant 0 : index
    %get3A_14 = vector.load %arg4[%get3A_11, %get3A_12, %get3A_13] : memref<2x512x128xf32, #tpu.memory_space<vmem>>, vector<2x512x128xf32>
    %concatenate3A = tpu.concatenate %get3A_2, %get3A_6, %get3A_10, %get3A_14 in 0 : vector<2x512x128xf32>, vector<2x512x128xf32>, vector<2x512x128xf32>, vector<2x512x128xf32> -> vector<8x512x128xf32>
    %slice3A = vector.extract_strided_slice %concatenate3A {offsets = [0, 0, 0], sizes = [8, 512, 64], strides = [1, 1, 1]} : vector<8x512x128xf32> to vector<8x512x64xf32>
    %slice3A_15 = vector.extract_strided_slice %concatenate3A {offsets = [0, 0, 64], sizes = [8, 512, 1], strides = [1, 1, 1]} : vector<8x512x128xf32> to vector<8x512x1xf32>
    %squeeze3A = vector.shape_cast %slice3A_15 : vector<8x512x1xf32> to vector<8x512xf32>
    %reduce_max3A = arith.constant dense<0xFF800000> : vector<512xf32>
    %reduce_max3A_16 = vector.multi_reduction <maximumf>, %squeeze3A, %reduce_max3A [0] : vector<8x512xf32> to vector<512xf32>
    %broadcast_in_dim3A = vector.shape_cast %reduce_max3A_16 : vector<512xf32> to vector<1x512xf32>
    %sub3A = vector.broadcast %broadcast_in_dim3A : vector<1x512xf32> to vector<8x512xf32>
    %sub3A_17 = arith.subf %squeeze3A, %sub3A : vector<8x512xf32>
    %exp3A = math.exp %sub3A_17 : vector<8x512xf32>
    %reduce_sum3A = arith.constant dense<0.000000e+00> : vector<512xf32>
    %reduce_sum3A_18 = vector.multi_reduction <add>, %exp3A, %reduce_sum3A [0] : vector<8x512xf32> to vector<512xf32>
    %broadcast_in_dim3A_19 = vector.shape_cast %reduce_sum3A_18 : vector<512xf32> to vector<1x512xf32>
    %div3A = vector.broadcast %broadcast_in_dim3A_19 : vector<1x512xf32> to vector<8x512xf32>
    %div3A_20 = arith.divf %exp3A, %div3A : vector<8x512xf32>
    %broadcast_in_dim3A_21 = vector.shape_cast %div3A_20 : vector<8x512xf32> to vector<8x512x1xf32>
    %mul3A = vector.broadcast %broadcast_in_dim3A_21 : vector<8x512x1xf32> to vector<8x512x64xf32>
    %mul3A_22 = arith.mulf %slice3A, %mul3A : vector<8x512x64xf32>
    %reduce_sum3A_23 = arith.constant dense<0.000000e+00> : vector<512x64xf32>
    %reduce_sum3A_24 = vector.multi_reduction <add>, %mul3A_22, %reduce_sum3A_23 [0] : vector<8x512x64xf32> to vector<512x64xf32>
    %swap3A = arith.constant 0 : index
    %swap3A_25 = arith.constant 0 : index
    %swap3A_26 = vector.load %arg5[%swap3A, %swap3A_25] : memref<512x64xf32, #tpu.memory_space<vmem>>, vector<512x64xf32>
    tpu.vector_store %arg5[%swap3A, %swap3A_25], %reduce_sum3A_24 {strides = array<i32>} : memref<512x64xf32, #tpu.memory_space<vmem>>, vector<512x64xf32>,
    return
  }
  func.func @transform_0(%arg0: i32) -> (i32, i32, i32) {
    %c0_i32 = arith.constant 0 : i32
    %c0_i32_0 = arith.constant 0 : i32
    %c0_i32_1 = arith.constant 0 : i32
    return %c0_i32, %arg0, %c0_i32_0 : i32, i32, i32
  }
  func.func @transform_1(%arg0: i32) -> (i32, i32, i32) {
    %c0_i32 = arith.constant 0 : i32
    %c0_i32_0 = arith.constant 0 : i32
    %c0_i32_1 = arith.constant 0 : i32
    return %c0_i32, %arg0, %c0_i32_0 : i32, i32, i32
  }
  func.func @transform_2(%arg0: i32) -> (i32, i32, i32) {
    %c0_i32 = arith.constant 0 : i32
    %c0_i32_0 = arith.constant 0 : i32
    %c0_i32_1 = arith.constant 0 : i32
    return %c0_i32, %arg0, %c0_i32_0 : i32, i32, i32
  }
  func.func @transform_3(%arg0: i32) -> (i32, i32, i32) {
    %c0_i32 = arith.constant 0 : i32
    %c0_i32_0 = arith.constant 0 : i32
    %c0_i32_1 = arith.constant 0 : i32
    return %c0_i32, %arg0, %c0_i32_0 : i32, i32, i32
  }
  func.func @transform_4(%arg0: i32) -> (i32, i32) {
    %c0_i32 = arith.constant 0 : i32
    %c0_i32_0 = arith.constant 0 : i32
    return %arg0, %c0_i32 : i32, i32
  }
}

</mosaic_0001>

<sc_bundles>
// kernel: kernel.15.cloned.1.call-start
scs
__scs_entry_jumppad:
0x0: {  	(pc) =	sbr.rel $0x88, $3  }
0x1: {  	(tag) =	ssettag $0x0;
	lr =	simm.s32 $0x1  }
0x2: {  	[smem:$0x3F9E] =	sst lr;
	_ =	strace $0xD0000000  }
0x3: {  	_ = 	snop  }
0x4: {  	_ = 	snop  }
0x5: {  	_ = 	snop  }
0x6: {  	_ = 	snop  }
0x7: {  	_ = 	snop  }
__scs_overlays_trampoline_lowered:
0x8: {  	[smem:$0x3FAD] =	sst s0  }
0x9: {  	[smem:$0x3FAE] =	sst s1  }
0xa: {  	[smem:$0x3FAF] =	sst s2  }
0xb: {  	[smem:$0x3FB0] =	sst s3  }
0xc: {  	[smem:$0x3FB1] =	sst s4  }
0xd: {  	[smem:$0x3FB2] =	sst s5  }
0xe: {  	[smem:$0x3FB3] =	sst s6  }
0xf: {  	[smem:$0x3FB4] =	sst s7  }
0x10: {  	[smem:$0x3FB5] =	sst s8  }
0x11: {  	[smem:$0x3FB6] =	sst s9;
	s0 =	simm.s32 @!p0 $0x0  }
0x12: {  	s1 =	sld [smem:$0x3F9C];
	s0 =	simm.s32 @p0 $0x1  }
0x13: {  	[smem:$0x3FB7] =	sst s0;
	s0 =	simm.s32 @!p1 $0x0  }
0x14: {  	s2 =	sld [smem:$0x3F9B];
	s0 =	simm.s32 @p1 $0x1  }
0x15: {  	[smem:$0x3FB8] =	sst s0;
	s0 =	simm.s32 @!p2 $0x0  }
0x16: {  	s3 =	sld [smem:$0x3FDB];
	s0 =	simm.s32 @p2 $0x1  }
0x17: {  	s4 =	simm.s32 $0x1BF5;
	[smem:$0x3FBA] =	sst s0  }
0x18: {  	s0 =	sld [smem:$0x3F9D];
	_ =	swait.ge [sflag:s4], $0x0  }
0x19: {  	s7 =	sld [smem:$0x3F9E]  }
0x1a: {  	s8 =	sadd.s32 $0xFFFFE003, lr  }
0x1b: {  	s9 =	sadd.s32 $0xFFFFFEF7, lr;
	s5 =	simm.s32 $0xFFFFFFFF;
	p2 =	slt.u32 s8, $0xFFFFF086  }
0x1c: {  	p1 =	slt.u32 s9, $0xF7A;
	s5 =	simm.s32 @!p2 $0x0  }
0x1d: {  	s5 =	simm.s32 @p1 $0x1;
	p0 =	seq.s32 s7, s2  }
0x1e: {  	s7 =	smul.u32 @!p0 $0xF7A, s2;
	p2 =	seq.s32 @!p0 s5, $0x0  }
0x1f: {  	s9 =	smul.u32 $0xF7A, s1;
	s8 =	simm.s32 @!p0 $0x1BF5;
	p2 =	por !p2, p0  }
0x20: {  	[sflag:s8] =	ssyncset.s32 @!p0 $0xFFFFF086;
	s6 =	sadd.s32 @!p0 s3, s7;
	s7 =	simm.s32 @!p0 $0x108  }
0x21: {  	s3 =	sadd.s32 s3, s9;
	s6 =	sadd.s32 @!p0 $0x88, s6;
	s7 =	simm.s32 @p2 $0x1082  }
0x22: {  	[simem:s7], [sflag:s8] =	dma.local @!p0 [hbm:s6], $0xF7A  }
0x23: {  	s9 =	sor.u32 $0xD0000000, s2;
	s6 =	simm.s32 $0x108;
	_ =	swait.ge @!p0 [sflag:s8], $0x0  }
0x24: {  	s3 =	sadd.s32 $0x88, s3;
	s6 =	simm.s32 @!p1 $0x1082;
	[sflag:s4] =	ssyncset.s32 $0xFFFFF086  }
0x25: {  	[simem:s6], [sflag:s4] =	dma.local [hbm:s3], $0xF7A  }
0x26: {  	[smem:$0x3F9E] =	sst s1;
	(tag) =	ssettag s2;
	_ =	strace s9  }
0x27: {  	s1 =	sld [smem:$0x3FAE]  }
0x28: {  	s2 =	sld [smem:$0x3FAF]  }
0x29: {  	s4 =	sld [smem:$0x3FB1]  }
0x2a: {  	p0 =	seq.s32 s5, $0x0;
	s5 =	sld [smem:$0x3FB2]  }
0x2b: {  	s6 =	sld [smem:$0x3FB3]  }
0x2c: {  	s7 =	sld [smem:$0x3FB4]  }
0x2d: {  	s3 =	simm.s32 $0x108;
	s8 =	sld [smem:$0x3FB5]  }
0x2e: {  	s3 =	simm.s32 @!p0 $0x1082;
	s9 =	sld [smem:$0x3FB6]  }
0x2f: {  	lr =	sadd.s32 s0, s3;
	s0 =	sld [smem:$0x3FAD]  }
0x30: {  	s3 =	sld [smem:$0x3FB0]  }
0x31: {  	[smem:$0x3FB9] =	sst s10  }
0x32: {  	s10 =	sld [smem:$0x3FB7];
	_ =	sdelay $0x3  }
0x33: {  	p0 =	seq.s32 s10, $0x1;
	s10 =	sld [smem:$0x3FB9];
	_ =	sdelay $0x3  }
0x34: {  	[smem:$0x3FB9] =	sst s10  }
0x35: {  	s10 =	sld [smem:$0x3FB8];
	_ =	sdelay $0x3  }
0x36: {  	p1 =	seq.s32 s10, $0x1;
	s10 =	sld [smem:$0x3FB9];
	_ =	sdelay $0x3  }
0x37: {  	[smem:$0x3FB9] =	sst s10  }
0x38: {  	s10 =	sld [smem:$0x3FBA]  }
0x39: {  	_ = 	snop;
	(pc) =	sbr.ind lr, $3  }
0x3a: {  	_ = 	snop  }
0x3b: {  	_ = 	snop  }
0x3c: {  	p2 =	seq.s32 s10, $0x1;
	s10 =	sld [smem:$0x3FB9]  }
0x3d: {  	_ =	shalt  }
0x3e: {  	_ =	shalt  }
0x3f: {  	_ =	shalt  }
0x40: {  	_ =	shalt  }
0x41: {  	_ =	shalt  }
0x42: {  	_ =	shalt  }
0x43: {  	_ =	shalt  }
0x44: {  	_ =	shalt  }
0x45: {  	_ =	shalt  }
0x46: {  	_ =	shalt  }
0x47: {  	_ =	shalt  }
0x48: {  	_ =	shalt  }
0x49: {  	_ =	shalt  }
0x4a: {  	_ =	shalt  }
0x4b: {  	_ =	shalt  }
0x4c: {  	_ =	shalt  }
0x4d: {  	_ =	shalt  }
0x4e: {  	_ =	shalt  }
0x4f: {  	_ =	shalt  }
0x50: {  	_ =	shalt  }
0x51: {  	_ =	shalt  }
0x52: {  	_ =	shalt  }
0x53: {  	_ =	shalt  }
0x54: {  	_ =	shalt  }
0x55: {  	_ =	shalt  }
0x56: {  	_ =	shalt  }
0x57: {  	_ =	shalt  }
0x58: {  	_ =	shalt  }
0x59: {  	_ =	shalt  }
0x5a: {  	_ =	shalt  }
0x5b: {  	_ =	shalt  }
0x5c: {  	_ =	shalt  }
0x5d: {  	_ =	shalt  }
0x5e: {  	_ =	shalt  }
0x5f: {  	_ =	shalt  }
0x60: {  	_ =	shalt  }
0x61: {  	_ =	shalt  }
0x62: {  	_ =	shalt  }
0x63: {  	_ =	shalt  }
0x64: {  	_ =	shalt  }
0x65: {  	_ =	shalt  }
0x66: {  	_ =	shalt  }
0x67: {  	_ =	shalt  }
0x68: {  	_ =	shalt  }
0x69: {  	_ =	shalt  }
0x6a: {  	_ =	shalt  }
0x6b: {  	_ =	shalt  }
0x6c: {  	_ =	shalt  }
0x6d: {  	_ =	shalt  }
0x6e: {  	_ =	shalt  }
0x6f: {  	_ =	shalt  }
0x70: {  	_ =	shalt  }
0x71: {  	_ =	shalt  }
0x72: {  	_ =	shalt  }
0x73: {  	_ =	shalt  }
0x74: {  	_ =	shalt  }
0x75: {  	_ =	shalt  }
0x76: {  	_ =	shalt  }
0x77: {  	_ =	shalt  }
0x78: {  	_ =	shalt  }
0x79: {  	_ =	shalt  }
0x7a: {  	_ =	shalt  }
0x7b: {  	_ =	shalt  }
0x7c: {  	_ =	shalt  }
0x7d: {  	_ =	shalt  }
0x7e: {  	_ =	shalt  }
0x7f: {  	_ =	shalt  }
0x80: {  	_ =	shalt  }
0x81: {  	_ =	shalt  }
0x82: {  	_ =	shalt  }
0x83: {  	_ =	shalt  }
0x84: {  	_ =	shalt  }
0x85: {  	_ =	shalt  }
0x86: {  	_ =	shalt  }
0x87: {  	_ =	shalt  }
.Lfunc_end0:
.L_simem_size_0:
called_computation_lowered:
.L_overlay_start_0:
0x88: {  	s2 =	sld [smem:$0x3FD9]  }
0x89: {  	s3 =	sld [smem:$0x3FFE];
	_ =	sdelay $0x1  }
0x8a: {  	s1 =	srdreg.scid  }
0x8b: {  	s0 =	sand.u32 $0x1, s1  }
0x8c: {  	s17 =	sshll.u32 s0, $0xA;
	s2 =	sadd.s32 s3, s2  }
0x8d: {  	s2 =	sadd.s32 s2, s17  }
0x8e: {  	[smem:$0x3FC5] =	sst s2  }
0x8f: {  	_ = 	snop  }
0x90: {  	(tm) =	ssettm $0x1  }
0x91: {  	s18 =	sld [smem:$0x3FFB];
	_ =	sdelay $0x3  }
0x92: {  	_ =	strace s18  }
0x93: {  	s2 =	sld [smem:$0x3FFC];
	_ =	sdelay $0x3  }
0x94: {  	_ =	strace s2  }
0x95: {  	s2 =	sld [smem:$0x3FFD];
	_ =	sdelay $0x3  }
0x96: {  	_ =	strace s2  }
0x97: {  	_ =	strace $0x8FFFFFFF  }
0x98: {  	s19 =	sld [smem:$0x3FDB];
	_ =	sdelay $0x1  }
0x99: {  	s20 =	simm.s32 $_scs_section_size  }
0x9a: {  	s4 =	simm.s32 $_size__tile_overlayer_lowered;
	s5 =	simm.s32 $_tile_overlayer_lowered  }
0x9b: {  	s6 =	simm.s32 $0x1BFF;
	s21 =	sshll.u32 s5, $0x1;
	s3 =	sadd.s32 s20, s19  }
0x9c: {  	s22 =	simm.s32 $0x0;
	s4 =	sshll.u32 s4, $0x1;
	s5 =	sadd.s32 s21, s3  }
0x9d: {  	[timem:s22], [sflag:s6] =	dma.local [hbm:s5], s4  }
0x9e: {  	_ =	swait.ge [sflag:s6], s4  }
0x9f: {  	s4 =	ssub.s32 $0x0, s4;
	[sflag:s6] =	ssyncset.done $0x0  }
0xa0: {  	[sflag:s6] =	ssyncadd.s32 s4;
	_ =	sdelay $0x1  }
0xa1: {  	s23 =	simm.s32 $0x1B8B  }
0xa2: {  	_ =	swait.ge [sflag:s23], $0x1  }
0xa3: {  	[sflag:s23] =	ssyncset.done $0x0  }
0xa4: {  	[sflag:s23] =	ssyncadd.s32 $0xFFFFFFFF  }
0xa5: {  	s4 =	sld [smem:$0x0]  }
0xa6: {  	s5 =	sand.u32 $0xFFFFFFFE, s1  }
0xa7: {  	p0 =	sne.s32 s1, s5  }
0xa8: {  	s5 =	sshll.u32 @p0 s5, $0xE  }
0xa9: {  	s5 =	sadd.s32 @p0 $0x11B8D, s5;
	s6 =	sshll.u32 @p0 s4, $0x11  }
0xaa: {  	s5 =	sor.u32 @p0 s6, s5  }
0xab: {  	[sflag:s5] =	ssyncadd.remote.s32 @p0 $0x1;
	_ =	sdelay $0x1  }
0xac: {  	s5 =	simm.s32 @p0 $0x1B8D  }
0xad: {  	_ =	swait.eq @p0 [sflag:s5], $0x1  }
0xae: {  	[sflag:s5] =	ssyncadd.s32 @p0 $0xFFFFFFFF  }
0xaf: {  	s6 =	sshll.u32 @!p0 s1, $0xE  }
0xb0: {  	s6 =	sor.u32 @!p0 $0x4000, s6;
	s5 =	simm.s32 @!p0 $0x1B8D  }
0xb1: {  	s4 =	sshll.u32 @!p0 s4, $0x11;
	s6 =	sadd.s32 @!p0 $0x11B8D, s6;
	_ =	swait.eq @!p0 [sflag:s5], $0x1  }
0xb2: {  	s4 =	sor.u32 @!p0 s4, s6;
	[sflag:s5] =	ssyncadd.s32 @!p0 $0xFFFFFFFF  }
0xb3: {  	s25 =	simm.s32 $0x1B8E;
	s24 =	sld [smem:$0x3FFE];
	[sflag:s4] =	ssyncadd.remote.s32 @!p0 $0x1  }
0xb4: {  	s26 =	simm.s32 $execute0_lowered;
	[smem:$0x3FD2] =	sst s25  }
0xb5: {  	s5 =	sshll.u32 s26, $0x1;
	_ =	strace $0x8000004F;
	[dreg:$0x1] =	wrdreg $0xFFFFFFFF  }
0xb6: {  	s28 =	simm.s32 $_size_execute0_lowered;
	s3 =	sadd.s32 s3, s5;
	[dreg:$0x0] =	wrdreg $0x0  }
0xb7: {  	s5 =	sshll.u32 s28, $0x1;
	[dreg:$0x2] =	wrdreg s3  }
0xb8: {  	[dreg:$0x3] =	wrdreg s5  }
0xb9: {  	[dreg:$0x4] =	wrdreg $0xC0  }
0xba: {  	_ =	task [dreg:s22], $0x5FFFF  }
0xbb: {  	[dreg:$0x1] =	wrdreg $0xFFFFFFFF  }
0xbc: {  	[dreg:$0x0] =	wrdreg $0x60  }
0xbd: {  	[dreg:$0x2] =	wrdreg s24  }
0xbe: {  	[dreg:$0x3] =	wrdreg $0x9  }
0xbf: {  	_ =	task.clear_ibuf [dreg:s22], $0x4FFFF;
	_ =	strace $0x9000004F  }
0xc0: {  	s29 =	simm.s32 $0x9;
	_ =	strace $0x80000051  }
0xc1: {  	_ =	swait.ge [sflag:s29], $0x1  }
0xc2: {  	[sflag:s29] =	ssyncadd.s32 $0xFFFFFFFF  }
0xc3: {  	_ =	strace $0x90000051  }
0xc4: {  	_ =	sfence  }
0xc5: {  	s30 =	sld [smem:$0x0];
	_ =	sdelay $0x2  }
0xc6: {  	s31 =	sshll.u32 s1, $0xD;
	s1 =	sshrl.u32 s1, $0x2  }
0xc7: {  	s4 =	sand.u32 $0x4000, s31;
	s1 =	sadd.s32 s1, s30  }
0xc8: {  	s0 =	sor.u32 s4, s0;
	s1 =	sshll.u32 s1, $0x11  }
0xc9: {  	s0 =	sor.u32 s1, s0  }
0xca: {  	s0 =	sadd.s32 $0x8F2B, s0  }
0xcb: {  	[sflag:s0] =	ssyncadd.remote.s32 $0x1  }
0xcc: {  	_ =	sfence.sel $0xFFFF  }
0xcd: {  	[dreg:$0x0] =	wrdreg $0xFFFFFFFF;
	(pc) =	sbr.abs _section_cstart, $3  }
0xce: {  	[dreg:$0x1] =	wrdreg $0xFFFFFFFF  }
0xcf: {  	_ =	task.clear_ibuf [dreg:s22], $0x2FFFF;
	_ =	strace $0x9FFFFFFF  }
0xd0: {  	(tm) =	ssettm $0x7FFFFFFF  }
0xd1: {  	_ =	shalt  }
tec
execute0_lowered:
.L_overlay_start_1:
0x0: {  	(tag) =	ssettag $0x1  }
0x1: {  	s1 =	srdreg.scid  }
0x2: {  	s0 =	stileid.u32;
	s4 =	rddreg [dreg:$0x0];
	s1 =	sand.u32 $0x1, s1  }
0x3: {  	s2 =	simm.s32 $0x0;
	s3 =	sshll.u32 s0, $0xD;
	s5 =	sshll.u32 s1, $0xC  }
0x4: {  	[smem:$0x7FF] =	sst s2;
	s3 =	sor.u32 s5, s3  }
0x5: {  	s29 =	sadd.s32 $0x80C000, s4;
	s31 =	sadd.s32 $0x80D000, s4;
	s30 =	sshll.u32 s3, $0x4  }
0x6: {  	_ =	strace $0x80000050;
	s5 =	sshrl.u32 s3, $0x3;
	s3 =	sadd.s32 s29, s30  }
0x7: {  	s5 =	sadd.s32 s5, s4;
	s12 =	sadd.s32 s30, s31;
	[dreg:$0x3] =	wrdreg s3  }
0x8: {  	s13 =	sor.u32 $0x2000, s30;
	s5 =	sadd.s32 $0x4000, s5;
	[dreg:$0x4] =	wrdreg s12  }
0x9: {  	s14 =	sadd.s32 s29, s13;
	[dreg:$0x2] =	wrdreg s5  }
0xa: {  	s16 =	sor.u32 $0x4000, s30;
	s15 =	sadd.s32 s13, s31;
	[dreg:$0x5] =	wrdreg s14  }
0xb: {  	s17 =	sadd.s32 s29, s16;
	[dreg:$0x6] =	wrdreg s15  }
0xc: {  	s19 =	sor.u32 $0x6000, s30;
	s18 =	sadd.s32 s16, s31;
	[dreg:$0x7] =	wrdreg s17  }
0xd: {  	s20 =	sadd.s32 s29, s19;
	[dreg:$0x8] =	wrdreg s18  }
0xe: {  	s22 =	sor.u32 $0x8000, s30;
	s21 =	sadd.s32 s19, s31;
	[dreg:$0x9] =	wrdreg s20  }
0xf: {  	s23 =	sadd.s32 s29, s22;
	[dreg:$0xa] =	wrdreg s21  }
0x10: {  	s24 =	sadd.s32 s22, s31;
	[dreg:$0xb] =	wrdreg s23  }
0x11: {  	s22 =	sor.u32 $0xA000, s30;
	[dreg:$0xc] =	wrdreg s24  }
0x12: {  	s26 =	sadd.s32 s29, s22;
	s25 =	rddreg [dreg:$0x2]  }
0x13: {  	s3 =	simm.s32 $0x5;
	[dreg:$0xd] =	wrdreg s26  }
0x14: {  	[tilespmem:s2], [sflag:$0x5] =	stream.linear.gather [hbm4b:s25+s2], $0x1000, $0x38;
	[tilespmem:$0x11000] =	vst v63  }
0x15: {  	_ =	swait.ge [sflag:s3], $0x1000  }
0x16: {  	s6 =	simm.s32 $0x1000;
	s7 =	simm.s32 $0x3;
	[sflag:s3] =	ssyncset.done $0x0  }
0x17: {  	s4 =	sadd.s32 $0x10C000, s4;
	s5 =	simm.s32 $0x100;
	[sflag:s3] =	ssyncadd.s32 $0xFFFFF000  }
0x18: {  	[tilespmem:s6], [sflag:$0x3] =	stream.indirect.gather [hbm4b:s4+s5], $0x80, s2, s5, $0xb8;
	[tilespmem:$0x11000] =	vst v63  }
0x19: {  	_ =	swait.ge [sflag:s7], $0x8000  }
0x1a: {  	[sflag:s7] =	ssyncset.done $0x0  }
0x1b: {  	s8 =	rddreg [dreg:$0x3];
	[sflag:s7] =	ssyncadd.s32 $0xFFFF8000  }
0x1c: {  	[hbm4b:s8+s2] =	stream.linear.scatter [tilespmem:s6], [sflag:$0x1], $0x8000, $0x38;
	[tilespmem:$0x11000] =	vst v63  }
0x1d: {  	s9 =	simm.s32 $0x4;
	s8 =	simm.s32 $0x9000  }
0x1e: {  	[tilespmem:s8], [sflag:$0x4] =	stream.indirect.gather [hbm4b:s4+s5], $0x80, s5, s5, $0xb8;
	[tilespmem:$0x11000] =	vst v63  }
0x1f: {  	_ =	swait.ge [sflag:s9], $0x8000  }
0x20: {  	[sflag:s9] =	ssyncset.done $0x0  }
0x21: {  	s10 =	simm.s32 $0x1;
	s11 =	rddreg [dreg:$0x4];
	[sflag:s9] =	ssyncadd.s32 $0xFFFF8000  }
0x22: {  	[hbm4b:s11+s2] =	stream.linear.scatter [tilespmem:s8], [sflag:$0x2], $0x8000, $0x38;
	[tilespmem:$0x11000] =	vst v63  }
0x23: {  	_ =	swait.ge [sflag:s10], $0x8000  }
0x24: {  	[sflag:s10] =	ssyncset.done $0x0  }
0x25: {  	s11 =	simm.s32 $0x200;
	[sflag:s10] =	ssyncadd.s32 $0xFFFF8000  }
0x26: {  	[tilespmem:s6], [sflag:$0x3] =	stream.indirect.gather [hbm4b:s4+s5], $0x80, s11, s5, $0xb8;
	[tilespmem:$0x11000] =	vst v63  }
0x27: {  	_ =	swait.ge [sflag:s7], $0x8000  }
0x28: {  	[sflag:s7] =	ssyncset.done $0x0  }
0x29: {  	s12 =	simm.s32 $0x2;
	s13 =	rddreg [dreg:$0x5];
	[sflag:s7] =	ssyncadd.s32 $0xFFFF8000  }
0x2a: {  	[hbm4b:s13+s2] =	stream.linear.scatter [tilespmem:s6], [sflag:$0x1], $0x8000, $0x38;
	[tilespmem:$0x11000] =	vst v63  }
0x2b: {  	_ =	swait.ge [sflag:s12], $0x8000  }
0x2c: {  	[sflag:s12] =	ssyncset.done $0x0  }
0x2d: {  	s13 =	simm.s32 $0x300;
	[sflag:s12] =	ssyncadd.s32 $0xFFFF8000  }
0x2e: {  	[tilespmem:s8], [sflag:$0x4] =	stream.indirect.gather [hbm4b:s4+s5], $0x80, s13, s5, $0xb8;
	[tilespmem:$0x11000] =	vst v63  }
0x2f: {  	_ =	swait.ge [sflag:s9], $0x8000  }
0x30: {  	[sflag:s9] =	ssyncset.done $0x0  }
0x31: {  	s14 =	rddreg [dreg:$0x6];
	[sflag:s9] =	ssyncadd.s32 $0xFFFF8000  }
0x32: {  	[hbm4b:s14+s2] =	stream.linear.scatter [tilespmem:s8], [sflag:$0x2], $0x8000, $0x38;
	[tilespmem:$0x11000] =	vst v63  }
0x33: {  	_ =	swait.ge [sflag:s10], $0x8000  }
0x34: {  	[sflag:s10] =	ssyncset.done $0x0  }
0x35: {  	s14 =	simm.s32 $0x400;
	[sflag:s10] =	ssyncadd.s32 $0xFFFF8000  }
0x36: {  	[tilespmem:s6], [sflag:$0x3] =	stream.indirect.gather [hbm4b:s4+s5], $0x80, s14, s5, $0xb8;
	[tilespmem:$0x11000] =	vst v63  }
0x37: {  	_ =	swait.ge [sflag:s7], $0x8000  }
0x38: {  	[sflag:s7] =	ssyncset.done $0x0  }
0x39: {  	s15 =	rddreg [dreg:$0x7];
	[sflag:s7] =	ssyncadd.s32 $0xFFFF8000  }
0x3a: {  	[hbm4b:s15+s2] =	stream.linear.scatter [tilespmem:s6], [sflag:$0x1], $0x8000, $0x38;
	[tilespmem:$0x11000] =	vst v63  }
0x3b: {  	_ =	swait.ge [sflag:s12], $0x8000  }
0x3c: {  	[sflag:s12] =	ssyncset.done $0x0  }
0x3d: {  	s15 =	simm.s32 $0x500;
	[sflag:s12] =	ssyncadd.s32 $0xFFFF8000  }
0x3e: {  	[tilespmem:s8], [sflag:$0x4] =	stream.indirect.gather [hbm4b:s4+s5], $0x80, s15, s5, $0xb8;
	[tilespmem:$0x11000] =	vst v63  }
0x3f: {  	_ =	swait.ge [sflag:s9], $0x8000  }
0x40: {  	[sflag:s9] =	ssyncset.done $0x0  }
0x41: {  	s16 =	rddreg [dreg:$0x8];
	[sflag:s9] =	ssyncadd.s32 $0xFFFF8000  }
0x42: {  	[hbm4b:s16+s2] =	stream.linear.scatter [tilespmem:s8], [sflag:$0x2], $0x8000, $0x38;
	[tilespmem:$0x11000] =	vst v63  }
0x43: {  	_ =	swait.ge [sflag:s10], $0x8000  }
0x44: {  	[sflag:s10] =	ssyncset.done $0x0  }
0x45: {  	s16 =	simm.s32 $0x600;
	[sflag:s10] =	ssyncadd.s32 $0xFFFF8000  }
0x46: {  	[tilespmem:s6], [sflag:$0x3] =	stream.indirect.gather [hbm4b:s4+s5], $0x80, s16, s5, $0xb8;
	[tilespmem:$0x11000] =	vst v63  }
0x47: {  	_ =	swait.ge [sflag:s7], $0x8000  }
0x48: {  	[sflag:s7] =	ssyncset.done $0x0  }
0x49: {  	s17 =	rddreg [dreg:$0x9];
	[sflag:s7] =	ssyncadd.s32 $0xFFFF8000  }
0x4a: {  	[hbm4b:s17+s2] =	stream.linear.scatter [tilespmem:s6], [sflag:$0x1], $0x8000, $0x38;
	[tilespmem:$0x11000] =	vst v63  }
0x4b: {  	_ =	swait.ge [sflag:s12], $0x8000  }
0x4c: {  	[sflag:s12] =	ssyncset.done $0x0  }
0x4d: {  	s17 =	simm.s32 $0x700;
	[sflag:s12] =	ssyncadd.s32 $0xFFFF8000  }
0x4e: {  	[tilespmem:s8], [sflag:$0x4] =	stream.indirect.gather [hbm4b:s4+s5], $0x80, s17, s5, $0xb8;
	[tilespmem:$0x11000] =	vst v63  }
0x4f: {  	_ =	swait.ge [sflag:s9], $0x8000  }
0x50: {  	[sflag:s9] =	ssyncset.done $0x0  }
0x51: {  	s18 =	rddreg [dreg:$0xa];
	[sflag:s9] =	ssyncadd.s32 $0xFFFF8000  }
0x52: {  	[hbm4b:s18+s2] =	stream.linear.scatter [tilespmem:s8], [sflag:$0x2], $0x8000, $0x38;
	[tilespmem:$0x11000] =	vst v63  }
0x53: {  	_ =	swait.ge [sflag:s10], $0x8000  }
0x54: {  	[sflag:s10] =	ssyncset.done $0x0  }
0x55: {  	s18 =	simm.s32 $0x800;
	[sflag:s10] =	ssyncadd.s32 $0xFFFF8000  }
0x56: {  	[tilespmem:s6], [sflag:$0x3] =	stream.indirect.gather [hbm4b:s4+s5], $0x80, s18, s5, $0xb8;
	[tilespmem:$0x11000] =	vst v63  }
0x57: {  	_ =	swait.ge [sflag:s7], $0x8000  }
0x58: {  	[sflag:s7] =	ssyncset.done $0x0  }
0x59: {  	s19 =	rddreg [dreg:$0xb];
	[sflag:s7] =	ssyncadd.s32 $0xFFFF8000  }
0x5a: {  	[hbm4b:s19+s2] =	stream.linear.scatter [tilespmem:s6], [sflag:$0x1], $0x8000, $0x38;
	[tilespmem:$0x11000] =	vst v63  }
0x5b: {  	_ =	swait.ge [sflag:s12], $0x8000  }
0x5c: {  	[sflag:s12] =	ssyncset.done $0x0  }
0x5d: {  	s19 =	simm.s32 $0x900;
	[sflag:s12] =	ssyncadd.s32 $0xFFFF8000  }
0x5e: {  	[tilespmem:s8], [sflag:$0x4] =	stream.indirect.gather [hbm4b:s4+s5], $0x80, s19, s5, $0xb8;
	[tilespmem:$0x11000] =	vst v63  }
0x5f: {  	_ =	swait.ge [sflag:s9], $0x8000  }
0x60: {  	[sflag:s9] =	ssyncset.done $0x0  }
0x61: {  	s20 =	rddreg [dreg:$0xc];
	[sflag:s9] =	ssyncadd.s32 $0xFFFF8000  }
0x62: {  	[hbm4b:s20+s2] =	stream.linear.scatter [tilespmem:s8], [sflag:$0x2], $0x8000, $0x38;
	[tilespmem:$0x11000] =	vst v63  }
0x63: {  	_ =	swait.ge [sflag:s10], $0x8000  }
0x64: {  	[sflag:s10] =	ssyncset.done $0x0  }
0x65: {  	s20 =	simm.s32 $0xA00;
	[sflag:s10] =	ssyncadd.s32 $0xFFFF8000  }
0x66: {  	[tilespmem:s6], [sflag:$0x3] =	stream.indirect.gather [hbm4b:s4+s5], $0x80, s20, s5, $0xb8;
	[tilespmem:$0x11000] =	vst v63  }
0x67: {  	_ =	swait.ge [sflag:s7], $0x8000  }
0x68: {  	[sflag:s7] =	ssyncset.done $0x0  }
0x69: {  	s21 =	rddreg [dreg:$0xd];
	[sflag:s7] =	ssyncadd.s32 $0xFFFF8000  }
0x6a: {  	[hbm4b:s21+s2] =	stream.linear.scatter [tilespmem:s6], [sflag:$0x1], $0x8000, $0x38;
	[tilespmem:$0x11000] =	vst v63  }
0x6b: {  	_ =	swait.ge [sflag:s12], $0x8000  }
0x6c: {  	[sflag:s12] =	ssyncset.done $0x0  }
0x6d: {  	s21 =	simm.s32 $0xB00;
	[sflag:s12] =	ssyncadd.s32 $0xFFFF8000  }
0x6e: {  	[tilespmem:s8], [sflag:$0x4] =	stream.indirect.gather [hbm4b:s4+s5], $0x80, s21, s5, $0xb8;
	[tilespmem:$0x11000] =	vst v63  }
0x6f: {  	_ =	swait.ge [sflag:s9], $0x8000  }
0x70: {  	[sflag:s9] =	ssyncset.done $0x0  }
0x71: {  	s22 =	sadd.s32 s22, s31;
	[sflag:s9] =	ssyncadd.s32 $0xFFFF8000  }
0x72: {  	[hbm4b:s22+s2] =	stream.linear.scatter [tilespmem:s8], [sflag:$0x2], $0x8000, $0x38;
	[tilespmem:$0x11000] =	vst v63  }
0x73: {  	_ =	swait.ge [sflag:s10], $0x8000  }
0x74: {  	[sflag:s10] =	ssyncset.done $0x0  }
0x75: {  	s23 =	simm.s32 $0xC00;
	[sflag:s10] =	ssyncadd.s32 $0xFFFF8000  }
0x76: {  	[tilespmem:s6], [sflag:$0x3] =	stream.indirect.gather [hbm4b:s4+s5], $0x80, s23, s5, $0xb8;
	[tilespmem:$0x11000] =	vst v63  }
0x77: {  	_ =	swait.ge [sflag:s7], $0x8000  }
0x78: {  	s26 =	sor.u32 $0xC000, s30;
	[sflag:s7] =	ssyncset.done $0x0  }
0x79: {  	s24 =	sadd.s32 s29, s26;
	[sflag:s7] =	ssyncadd.s32 $0xFFFF8000  }
0x7a: {  	[hbm4b:s24+s2] =	stream.linear.scatter [tilespmem:s6], [sflag:$0x1], $0x8000, $0x38;
	[tilespmem:$0x11000] =	vst v63  }
0x7b: {  	_ =	swait.ge [sflag:s12], $0x8000  }
0x7c: {  	[sflag:s12] =	ssyncset.done $0x0  }
0x7d: {  	s25 =	simm.s32 $0xD00;
	[sflag:s12] =	ssyncadd.s32 $0xFFFF8000  }
0x7e: {  	[tilespmem:s8], [sflag:$0x4] =	stream.indirect.gather [hbm4b:s4+s5], $0x80, s25, s5, $0xb8;
	[tilespmem:$0x11000] =	vst v63  }
0x7f: {  	_ =	swait.ge [sflag:s9], $0x8000  }
0x80: {  	[sflag:s9] =	ssyncset.done $0x0  }
0x81: {  	s26 =	sadd.s32 s26, s31;
	[sflag:s9] =	ssyncadd.s32 $0xFFFF8000  }
0x82: {  	[hbm4b:s26+s2] =	stream.linear.scatter [tilespmem:s8], [sflag:$0x2], $0x8000, $0x38;
	[tilespmem:$0x11000] =	vst v63  }
0x83: {  	_ =	swait.ge [sflag:s10], $0x8000  }
0x84: {  	[sflag:s10] =	ssyncset.done $0x0  }
0x85: {  	s28 =	simm.s32 $0xE00;
	[sflag:s10] =	ssyncadd.s32 $0xFFFF8000  }
0x86: {  	[tilespmem:s6], [sflag:$0x3] =	stream.indirect.gather [hbm4b:s4+s5], $0x80, s28, s5, $0xb8;
	[tilespmem:$0x11000] =	vst v63  }
0x87: {  	_ =	swait.ge [sflag:s7], $0x8000  }
0x88: {  	s0 =	sor.u32 $0xE000, s30;
	[sflag:s7] =	ssyncset.done $0x0  }
0x89: {  	s29 =	sadd.s32 s29, s0;
	[sflag:s7] =	ssyncadd.s32 $0xFFFF8000  }
0x8a: {  	[hbm4b:s29+s2] =	stream.linear.scatter [tilespmem:s6], [sflag:$0x1], $0x8000, $0x38;
	[tilespmem:$0x11000] =	vst v63  }
0x8b: {  	_ =	swait.ge [sflag:s12], $0x8000  }
0x8c: {  	s31 =	sadd.s32 s0, s31;
	s0 =	ssub.s32 $0x2, s1;
	[sflag:s12] =	ssyncset.done $0x0  }
0x8d: {  	s30 =	simm.s32 $0xF00;
	s1 =	sshrl.u32 s0, $0x1;
	[sflag:s12] =	ssyncadd.s32 $0xFFFF8000  }
0x8e: {  	[tilespmem:s8], [sflag:$0x4] =	stream.indirect.gather [hbm4b:s4+s5], $0x80, s30, s5, $0xb8;
	[tilespmem:$0x11000] =	vst v63  }
0x8f: {  	s0 =	ssub.s32 s0, s1;
	_ =	swait.ge [sflag:s9], $0x8000  }
0x90: {  	s0 =	smax.u32 s0, $0x1;
	[sflag:s9] =	ssyncset.done $0x0  }
0x91: {  	p0 =	sne.s32 s0, $0x1;
	[sflag:s9] =	ssyncadd.s32 $0xFFFF8000  }
0x92: {  	[hbm4b:s31+s2] =	stream.linear.scatter [tilespmem:s8], [sflag:$0x2], $0x8000, $0x38;
	[tilespmem:$0x11000] =	vst v63  }
.Ltmp0:
0x93: {  	_ =	swait.ge [sflag:s10], $0x8000;
	(pc) =	sbr.rel @!p0 .LBB2_2-.Ltmp0, $4  }
0x94: {  	[sflag:s10] =	ssyncset.done $0x0  }
0x95: {  	[sflag:s10] =	ssyncadd.s32 $0xFFFF8000  }
0x96: {  	_ =	swait.ge [sflag:s12], $0x8000  }
0x97: {  	s1 =	sadd.s32 $0xFFFFFFFF, s0;
	[sflag:s12] =	ssyncset.done $0x0  }
.LBB2_1:
0x98: {  	s0 =	rddreg [dreg:$0x2];
	[sflag:s12] =	ssyncadd.s32 $0xFFFF8000  }
0x99: {  	[tilespmem:s2], [sflag:$0x5] =	stream.linear.gather [hbm4b:s0+s2], $0x1000, $0x38;
	[tilespmem:$0x11000] =	vst v63  }
0x9a: {  	_ =	swait.ge [sflag:s3], $0x1000  }
0x9b: {  	[sflag:s3] =	ssyncset.done $0x0  }
0x9c: {  	[sflag:s3] =	ssyncadd.s32 $0xFFFFF000  }
0x9d: {  	[tilespmem:s6], [sflag:$0x3] =	stream.indirect.gather [hbm4b:s4+s5], $0x80, s2, s5, $0xb8;
	[tilespmem:$0x11000] =	vst v63  }
0x9e: {  	_ =	swait.ge [sflag:s7], $0x8000  }
0x9f: {  	[sflag:s7] =	ssyncset.done $0x0  }
0xa0: {  	s0 =	rddreg [dreg:$0x3];
	[sflag:s7] =	ssyncadd.s32 $0xFFFF8000  }
0xa1: {  	[hbm4b:s0+s2] =	stream.linear.scatter [tilespmem:s6], [sflag:$0x1], $0x8000, $0x38;
	[tilespmem:$0x11000] =	vst v63  }
0xa2: {  	_ = 	snop  }
0xa3: {  	[tilespmem:s8], [sflag:$0x4] =	stream.indirect.gather [hbm4b:s4+s5], $0x80, s5, s5, $0xb8;
	[tilespmem:$0x11000] =	vst v63  }
0xa4: {  	_ =	swait.ge [sflag:s9], $0x8000  }
0xa5: {  	[sflag:s9] =	ssyncset.done $0x0  }
0xa6: {  	s0 =	rddreg [dreg:$0x4];
	[sflag:s9] =	ssyncadd.s32 $0xFFFF8000  }
0xa7: {  	[hbm4b:s0+s2] =	stream.linear.scatter [tilespmem:s8], [sflag:$0x2], $0x8000, $0x38;
	[tilespmem:$0x11000] =	vst v63  }
0xa8: {  	_ =	swait.ge [sflag:s10], $0x8000  }
0xa9: {  	[sflag:s10] =	ssyncset.done $0x0  }
0xaa: {  	[sflag:s10] =	ssyncadd.s32 $0xFFFF8000  }
0xab: {  	[tilespmem:s6], [sflag:$0x3] =	stream.indirect.gather [hbm4b:s4+s5], $0x80, s11, s5, $0xb8;
	[tilespmem:$0x11000] =	vst v63  }
0xac: {  	_ =	swait.ge [sflag:s7], $0x8000  }
0xad: {  	[sflag:s7] =	ssyncset.done $0x0  }
0xae: {  	s0 =	rddreg [dreg:$0x5];
	[sflag:s7] =	ssyncadd.s32 $0xFFFF8000  }
0xaf: {  	[hbm4b:s0+s2] =	stream.linear.scatter [tilespmem:s6], [sflag:$0x1], $0x8000, $0x38;
	[tilespmem:$0x11000] =	vst v63  }
0xb0: {  	_ =	swait.ge [sflag:s12], $0x8000  }
0xb1: {  	[sflag:s12] =	ssyncset.done $0x0  }
0xb2: {  	[sflag:s12] =	ssyncadd.s32 $0xFFFF8000  }
0xb3: {  	[tilespmem:s8], [sflag:$0x4] =	stream.indirect.gather [hbm4b:s4+s5], $0x80, s13, s5, $0xb8;
	[tilespmem:$0x11000] =	vst v63  }
0xb4: {  	_ =	swait.ge [sflag:s9], $0x8000  }
0xb5: {  	[sflag:s9] =	ssyncset.done $0x0  }
0xb6: {  	s0 =	rddreg [dreg:$0x6];
	[sflag:s9] =	ssyncadd.s32 $0xFFFF8000  }
0xb7: {  	[hbm4b:s0+s2] =	stream.linear.scatter [tilespmem:s8], [sflag:$0x2], $0x8000, $0x38;
	[tilespmem:$0x11000] =	vst v63  }
0xb8: {  	_ =	swait.ge [sflag:s10], $0x8000  }
0xb9: {  	[sflag:s10] =	ssyncset.done $0x0  }
0xba: {  	[sflag:s10] =	ssyncadd.s32 $0xFFFF8000  }
0xbb: {  	[tilespmem:s6], [sflag:$0x3] =	stream.indirect.gather [hbm4b:s4+s5], $0x80, s14, s5, $0xb8;
	[tilespmem:$0x11000] =	vst v63  }
0xbc: {  	_ =	swait.ge [sflag:s7], $0x8000  }
0xbd: {  	[sflag:s7] =	ssyncset.done $0x0  }
0xbe: {  	s0 =	rddreg [dreg:$0x7];
	[sflag:s7] =	ssyncadd.s32 $0xFFFF8000  }
0xbf: {  	[hbm4b:s0+s2] =	stream.linear.scatter [tilespmem:s6], [sflag:$0x1], $0x8000, $0x38;
	[tilespmem:$0x11000] =	vst v63  }
0xc0: {  	_ =	swait.ge [sflag:s12], $0x8000  }
0xc1: {  	[sflag:s12] =	ssyncset.done $0x0  }
0xc2: {  	[sflag:s12] =	ssyncadd.s32 $0xFFFF8000  }
0xc3: {  	[tilespmem:s8], [sflag:$0x4] =	stream.indirect.gather [hbm4b:s4+s5], $0x80, s15, s5, $0xb8;
	[tilespmem:$0x11000] =	vst v63  }
0xc4: {  	_ =	swait.ge [sflag:s9], $0x8000  }
0xc5: {  	[sflag:s9] =	ssyncset.done $0x0  }
0xc6: {  	s0 =	rddreg [dreg:$0x8];
	[sflag:s9] =	ssyncadd.s32 $0xFFFF8000  }
0xc7: {  	[hbm4b:s0+s2] =	stream.linear.scatter [tilespmem:s8], [sflag:$0x2], $0x8000, $0x38;
	[tilespmem:$0x11000] =	vst v63  }
0xc8: {  	_ =	swait.ge [sflag:s10], $0x8000  }
0xc9: {  	[sflag:s10] =	ssyncset.done $0x0  }
0xca: {  	[sflag:s10] =	ssyncadd.s32 $0xFFFF8000  }
0xcb: {  	[tilespmem:s6], [sflag:$0x3] =	stream.indirect.gather [hbm4b:s4+s5], $0x80, s16, s5, $0xb8;
	[tilespmem:$0x11000] =	vst v63  }
0xcc: {  	_ =	swait.ge [sflag:s7], $0x8000  }
0xcd: {  	[sflag:s7] =	ssyncset.done $0x0  }
0xce: {  	s0 =	rddreg [dreg:$0x9];
	[sflag:s7] =	ssyncadd.s32 $0xFFFF8000  }
0xcf: {  	[hbm4b:s0+s2] =	stream.linear.scatter [tilespmem:s6], [sflag:$0x1], $0x8000, $0x38;
	[tilespmem:$0x11000] =	vst v63  }
0xd0: {  	_ =	swait.ge [sflag:s12], $0x8000  }
0xd1: {  	[sflag:s12] =	ssyncset.done $0x0  }
0xd2: {  	[sflag:s12] =	ssyncadd.s32 $0xFFFF8000  }
0xd3: {  	[tilespmem:s8], [sflag:$0x4] =	stream.indirect.gather [hbm4b:s4+s5], $0x80, s17, s5, $0xb8;
	[tilespmem:$0x11000] =	vst v63  }
0xd4: {  	_ =	swait.ge [sflag:s9], $0x8000  }
0xd5: {  	[sflag:s9] =	ssyncset.done $0x0  }
0xd6: {  	s0 =	rddreg [dreg:$0xa];
	[sflag:s9] =	ssyncadd.s32 $0xFFFF8000  }
0xd7: {  	[hbm4b:s0+s2] =	stream.linear.scatter [tilespmem:s8], [sflag:$0x2], $0x8000, $0x38;
	[tilespmem:$0x11000] =	vst v63  }
0xd8: {  	_ =	swait.ge [sflag:s10], $0x8000  }
0xd9: {  	[sflag:s10] =	ssyncset.done $0x0  }
0xda: {  	[sflag:s10] =	ssyncadd.s32 $0xFFFF8000  }
0xdb: {  	[tilespmem:s6], [sflag:$0x3] =	stream.indirect.gather [hbm4b:s4+s5], $0x80, s18, s5, $0xb8;
	[tilespmem:$0x11000] =	vst v63  }
0xdc: {  	_ =	swait.ge [sflag:s7], $0x8000  }
0xdd: {  	[sflag:s7] =	ssyncset.done $0x0  }
0xde: {  	s0 =	rddreg [dreg:$0xb];
	[sflag:s7] =	ssyncadd.s32 $0xFFFF8000  }
0xdf: {  	[hbm4b:s0+s2] =	stream.linear.scatter [tilespmem:s6], [sflag:$0x1], $0x8000, $0x38;
	[tilespmem:$0x11000] =	vst v63  }
0xe0: {  	_ =	swait.ge [sflag:s12], $0x8000  }
0xe1: {  	[sflag:s12] =	ssyncset.done $0x0  }
0xe2: {  	[sflag:s12] =	ssyncadd.s32 $0xFFFF8000  }
0xe3: {  	[tilespmem:s8], [sflag:$0x4] =	stream.indirect.gather [hbm4b:s4+s5], $0x80, s19, s5, $0xb8;
	[tilespmem:$0x11000] =	vst v63  }
0xe4: {  	_ =	swait.ge [sflag:s9], $0x8000  }
0xe5: {  	[sflag:s9] =	ssyncset.done $0x0  }
0xe6: {  	s0 =	rddreg [dreg:$0xc];
	[sflag:s9] =	ssyncadd.s32 $0xFFFF8000  }
0xe7: {  	[hbm4b:s0+s2] =	stream.linear.scatter [tilespmem:s8], [sflag:$0x2], $0x8000, $0x38;
	[tilespmem:$0x11000] =	vst v63  }
0xe8: {  	_ =	swait.ge [sflag:s10], $0x8000  }
0xe9: {  	[sflag:s10] =	ssyncset.done $0x0  }
0xea: {  	[sflag:s10] =	ssyncadd.s32 $0xFFFF8000  }
0xeb: {  	[tilespmem:s6], [sflag:$0x3] =	stream.indirect.gather [hbm4b:s4+s5], $0x80, s20, s5, $0xb8;
	[tilespmem:$0x11000] =	vst v63  }
0xec: {  	_ =	swait.ge [sflag:s7], $0x8000  }
0xed: {  	[sflag:s7] =	ssyncset.done $0x0  }
0xee: {  	s0 =	rddreg [dreg:$0xd];
	[sflag:s7] =	ssyncadd.s32 $0xFFFF8000  }
0xef: {  	[hbm4b:s0+s2] =	stream.linear.scatter [tilespmem:s6], [sflag:$0x1], $0x8000, $0x38;
	[tilespmem:$0x11000] =	vst v63  }
0xf0: {  	_ =	swait.ge [sflag:s12], $0x8000  }
0xf1: {  	[sflag:s12] =	ssyncset.done $0x0  }
0xf2: {  	[sflag:s12] =	ssyncadd.s32 $0xFFFF8000  }
0xf3: {  	[tilespmem:s8], [sflag:$0x4] =	stream.indirect.gather [hbm4b:s4+s5], $0x80, s21, s5, $0xb8;
	[tilespmem:$0x11000] =	vst v63  }
0xf4: {  	_ =	swait.ge [sflag:s9], $0x8000  }
0xf5: {  	[sflag:s9] =	ssyncset.done $0x0  }
0xf6: {  	[sflag:s9] =	ssyncadd.s32 $0xFFFF8000  }
0xf7: {  	[hbm4b:s22+s2] =	stream.linear.scatter [tilespmem:s8], [sflag:$0x2], $0x8000, $0x38;
	[tilespmem:$0x11000] =	vst v63  }
0xf8: {  	_ =	swait.ge [sflag:s10], $0x8000  }
0xf9: {  	[sflag:s10] =	ssyncset.done $0x0  }
0xfa: {  	[sflag:s10] =	ssyncadd.s32 $0xFFFF8000  }
0xfb: {  	[tilespmem:s6], [sflag:$0x3] =	stream.indirect.gather [hbm4b:s4+s5], $0x80, s23, s5, $0xb8;
	[tilespmem:$0x11000] =	vst v63  }
0xfc: {  	_ =	swait.ge [sflag:s7], $0x8000  }
0xfd: {  	[sflag:s7] =	ssyncset.done $0x0  }
0xfe: {  	[sflag:s7] =	ssyncadd.s32 $0xFFFF8000  }
0xff: {  	[hbm4b:s24+s2] =	stream.linear.scatter [tilespmem:s6], [sflag:$0x1], $0x8000, $0x38;
	[tilespmem:$0x11000] =	vst v63  }
0x100: {  	_ =	swait.ge [sflag:s12], $0x8000  }
0x101: {  	[sflag:s12] =	ssyncset.done $0x0  }
0x102: {  	[sflag:s12] =	ssyncadd.s32 $0xFFFF8000  }
0x103: {  	[tilespmem:s8], [sflag:$0x4] =	stream.indirect.gather [hbm4b:s4+s5], $0x80, s25, s5, $0xb8;
	[tilespmem:$0x11000] =	vst v63  }
0x104: {  	_ =	swait.ge [sflag:s9], $0x8000  }
0x105: {  	[sflag:s9] =	ssyncset.done $0x0  }
0x106: {  	[sflag:s9] =	ssyncadd.s32 $0xFFFF8000  }
0x107: {  	[hbm4b:s26+s2] =	stream.linear.scatter [tilespmem:s8], [sflag:$0x2], $0x8000, $0x38;
	[tilespmem:$0x11000] =	vst v63  }
0x108: {  	_ =	swait.ge [sflag:s10], $0x8000  }
0x109: {  	[sflag:s10] =	ssyncset.done $0x0  }
0x10a: {  	[sflag:s10] =	ssyncadd.s32 $0xFFFF8000  }
0x10b: {  	[tilespmem:s6], [sflag:$0x3] =	stream.indirect.gather [hbm4b:s4+s5], $0x80, s28, s5, $0xb8;
	[tilespmem:$0x11000] =	vst v63  }
0x10c: {  	_ =	swait.ge [sflag:s7], $0x8000  }
0x10d: {  	[sflag:s7] =	ssyncset.done $0x0  }
0x10e: {  	[sflag:s7] =	ssyncadd.s32 $0xFFFF8000  }
0x10f: {  	[hbm4b:s29+s2] =	stream.linear.scatter [tilespmem:s6], [sflag:$0x1], $0x8000, $0x38;
	[tilespmem:$0x11000] =	vst v63  }
0x110: {  	_ =	swait.ge [sflag:s12], $0x8000  }
0x111: {  	[sflag:s12] =	ssyncset.done $0x0  }
0x112: {  	[sflag:s12] =	ssyncadd.s32 $0xFFFF8000  }
0x113: {  	[tilespmem:s8], [sflag:$0x4] =	stream.indirect.gather [hbm4b:s4+s5], $0x80, s30, s5, $0xb8;
	[tilespmem:$0x11000] =	vst v63  }
0x114: {  	_ =	swait.ge [sflag:s9], $0x8000  }
0x115: {  	[sflag:s9] =	ssyncset.done $0x0  }
0x116: {  	p0 =	sne.s32 s1, $0x1;
	[sflag:s9] =	ssyncadd.s32 $0xFFFF8000  }
0x117: {  	[hbm4b:s31+s2] =	stream.linear.scatter [tilespmem:s8], [sflag:$0x2], $0x8000, $0x38;
	[tilespmem:$0x11000] =	vst v63  }
.Ltmp1:
0x118: {  	_ =	swait.ge [sflag:s10], $0x8000;
	(pc) =	sbr.rel @p0 .LBB2_1-.Ltmp1, $4  }
0x119: {  	[sflag:s10] =	ssyncset.done $0x0  }
0x11a: {  	[sflag:s10] =	ssyncadd.s32 $0xFFFF8000  }
0x11b: {  	_ =	swait.ge [sflag:s12], $0x8000  }
0x11c: {  	s1 =	sadd.s32 $0xFFFFFFFF, s1;
	[sflag:s12] =	ssyncset.done $0x0  }
.LBB2_2:
0x11d: {  	[sflag:s12] =	ssyncadd.s32 $0xFFFF8000  }
0x11e: {  	_ =	sfence.sel $0x180000  }
0x11f: {  	[bflag:$0x0] =	sbarrier.arrive $0xFFFF  }
0x120: {  	_ =	strace $0x90000050  }
0x121: {  	s0 =	stileid.u32;
	[bflag:$0x2] =	sbarrier.arrive $0xFFFF  }
0x122: {  	p0 =	sne.s32 s0, $0x0;
	s0 =	rddreg [dreg:$0x1]  }
0x123: {  	s0 =	sadd.s32 @!p0 $0x100000, s0  }
0x124: {  	[sflag:s0] =	ssyncadd.tile.s32 @!p0 $0x1;
	_ =	shalt  }
.Lfunc_end2:
_tile_overlayer_lowered:
.L_overlay_start_2:
0x125: {  	(tag) =	ssettag $0x2  }
0x126: {  	s0 =	rddreg [dreg:$0x0];
	s2 =	stileid.u32  }
0x127: {  	s1 =	rddreg [dreg:$0x1];
	p0 =	sne.s32 s2, $0x0  }
0x128: {  	s3 =	rddreg [dreg:$0x2];
	[bflag:$0x3] =	sbarrier.arrive $0xFFFF;
	s2 =	simm.s32 @!p0 $0x1C05  }
0x129: {  	[timem:s3], [sflag:s2] =	dma.local @!p0 [hbm:s0], s1  }
0x12a: {  	s0 =	simm.s32 @!p0 $0x5  }
0x12b: {  	_ =	swait.ge @!p0 [sflag:s0], s1  }
0x12c: {  	s1 =	ssub.s32 @!p0 $0x0, s1;
	[sflag:s0] =	ssyncset.done @!p0 $0x0  }
0x12d: {  	[sflag:s0] =	ssyncadd.s32 @!p0 s1  }
0x12e: {  	[bflag:$0x3] =	sbarrier.arrive $0xFFFF  }
0x12f: {  	_ =	shalt  }

// kernel: kernel.18.cloned.1.call-start
scs
__scs_entry_jumppad:
0x0: {  	(pc) =	sbr.rel $0x88, $3  }
0x1: {  	(tag) =	ssettag $0x0;
	lr =	simm.s32 $0x1  }
0x2: {  	[smem:$0x3F9E] =	sst lr;
	_ =	strace $0xD0000000  }
0x3: {  	_ = 	snop  }
0x4: {  	_ = 	snop  }
0x5: {  	_ = 	snop  }
0x6: {  	_ = 	snop  }
0x7: {  	_ = 	snop  }
__scs_overlays_trampoline_lowered:
0x8: {  	[smem:$0x3FAD] =	sst s0  }
0x9: {  	[smem:$0x3FAE] =	sst s1  }
0xa: {  	[smem:$0x3FAF] =	sst s2  }
0xb: {  	[smem:$0x3FB0] =	sst s3  }
0xc: {  	[smem:$0x3FB1] =	sst s4  }
0xd: {  	[smem:$0x3FB2] =	sst s5  }
0xe: {  	[smem:$0x3FB3] =	sst s6  }
0xf: {  	[smem:$0x3FB4] =	sst s7  }
0x10: {  	[smem:$0x3FB5] =	sst s8  }
0x11: {  	[smem:$0x3FB6] =	sst s9;
	s0 =	simm.s32 @!p0 $0x0  }
0x12: {  	s1 =	sld [smem:$0x3F9C];
	s0 =	simm.s32 @p0 $0x1  }
0x13: {  	[smem:$0x3FB7] =	sst s0;
	s0 =	simm.s32 @!p1 $0x0  }
0x14: {  	s2 =	sld [smem:$0x3F9B];
	s0 =	simm.s32 @p1 $0x1  }
0x15: {  	[smem:$0x3FB8] =	sst s0;
	s0 =	simm.s32 @!p2 $0x0  }
0x16: {  	s3 =	sld [smem:$0x3FDB];
	s0 =	simm.s32 @p2 $0x1  }
0x17: {  	s4 =	simm.s32 $0x1BF5;
	[smem:$0x3FBA] =	sst s0  }
0x18: {  	s0 =	sld [smem:$0x3F9D];
	_ =	swait.ge [sflag:s4], $0x0  }
0x19: {  	s7 =	sld [smem:$0x3F9E]  }
0x1a: {  	s8 =	sadd.s32 $0xFFFFE003, lr  }
0x1b: {  	s9 =	sadd.s32 $0xFFFFFEF7, lr;
	s5 =	simm.s32 $0xFFFFFFFF;
	p2 =	slt.u32 s8, $0xFFFFF086  }
0x1c: {  	p1 =	slt.u32 s9, $0xF7A;
	s5 =	simm.s32 @!p2 $0x0  }
0x1d: {  	s5 =	simm.s32 @p1 $0x1;
	p0 =	seq.s32 s7, s2  }
0x1e: {  	s7 =	smul.u32 @!p0 $0xF7A, s2;
	p2 =	seq.s32 @!p0 s5, $0x0  }
0x1f: {  	s9 =	smul.u32 $0xF7A, s1;
	s8 =	simm.s32 @!p0 $0x1BF5;
	p2 =	por !p2, p0  }
0x20: {  	[sflag:s8] =	ssyncset.s32 @!p0 $0xFFFFF086;
	s6 =	sadd.s32 @!p0 s3, s7;
	s7 =	simm.s32 @!p0 $0x108  }
0x21: {  	s3 =	sadd.s32 s3, s9;
	s6 =	sadd.s32 @!p0 $0x88, s6;
	s7 =	simm.s32 @p2 $0x1082  }
0x22: {  	[simem:s7], [sflag:s8] =	dma.local @!p0 [hbm:s6], $0xF7A  }
0x23: {  	s9 =	sor.u32 $0xD0000000, s2;
	s6 =	simm.s32 $0x108;
	_ =	swait.ge @!p0 [sflag:s8], $0x0  }
0x24: {  	s3 =	sadd.s32 $0x88, s3;
	s6 =	simm.s32 @!p1 $0x1082;
	[sflag:s4] =	ssyncset.s32 $0xFFFFF086  }
0x25: {  	[simem:s6], [sflag:s4] =	dma.local [hbm:s3], $0xF7A  }
0x26: {  	[smem:$0x3F9E] =	sst s1;
	(tag) =	ssettag s2;
	_ =	strace s9  }
0x27: {  	s1 =	sld [smem:$0x3FAE]  }
0x28: {  	s2 =	sld [smem:$0x3FAF]  }
0x29: {  	s4 =	sld [smem:$0x3FB1]  }
0x2a: {  	p0 =	seq.s32 s5, $0x0;
	s5 =	sld [smem:$0x3FB2]  }
0x2b: {  	s6 =	sld [smem:$0x3FB3]  }
0x2c: {  	s7 =	sld [smem:$0x3FB4]  }
0x2d: {  	s3 =	simm.s32 $0x108;
	s8 =	sld [smem:$0x3FB5]  }
0x2e: {  	s3 =	simm.s32 @!p0 $0x1082;
	s9 =	sld [smem:$0x3FB6]  }
0x2f: {  	lr =	sadd.s32 s0, s3;
	s0 =	sld [smem:$0x3FAD]  }
0x30: {  	s3 =	sld [smem:$0x3FB0]  }
0x31: {  	[smem:$0x3FB9] =	sst s10  }
0x32: {  	s10 =	sld [smem:$0x3FB7];
	_ =	sdelay $0x3  }
0x33: {  	p0 =	seq.s32 s10, $0x1;
	s10 =	sld [smem:$0x3FB9];
	_ =	sdelay $0x3  }
0x34: {  	[smem:$0x3FB9] =	sst s10  }
0x35: {  	s10 =	sld [smem:$0x3FB8];
	_ =	sdelay $0x3  }
0x36: {  	p1 =	seq.s32 s10, $0x1;
	s10 =	sld [smem:$0x3FB9];
	_ =	sdelay $0x3  }
0x37: {  	[smem:$0x3FB9] =	sst s10  }
0x38: {  	s10 =	sld [smem:$0x3FBA]  }
0x39: {  	_ = 	snop;
	(pc) =	sbr.ind lr, $3  }
0x3a: {  	_ = 	snop  }
0x3b: {  	_ = 	snop  }
0x3c: {  	p2 =	seq.s32 s10, $0x1;
	s10 =	sld [smem:$0x3FB9]  }
0x3d: {  	_ =	shalt  }
0x3e: {  	_ =	shalt  }
0x3f: {  	_ =	shalt  }
0x40: {  	_ =	shalt  }
0x41: {  	_ =	shalt  }
0x42: {  	_ =	shalt  }
0x43: {  	_ =	shalt  }
0x44: {  	_ =	shalt  }
0x45: {  	_ =	shalt  }
0x46: {  	_ =	shalt  }
0x47: {  	_ =	shalt  }
0x48: {  	_ =	shalt  }
0x49: {  	_ =	shalt  }
0x4a: {  	_ =	shalt  }
0x4b: {  	_ =	shalt  }
0x4c: {  	_ =	shalt  }
0x4d: {  	_ =	shalt  }
0x4e: {  	_ =	shalt  }
0x4f: {  	_ =	shalt  }
0x50: {  	_ =	shalt  }
0x51: {  	_ =	shalt  }
0x52: {  	_ =	shalt  }
0x53: {  	_ =	shalt  }
0x54: {  	_ =	shalt  }
0x55: {  	_ =	shalt  }
0x56: {  	_ =	shalt  }
0x57: {  	_ =	shalt  }
0x58: {  	_ =	shalt  }
0x59: {  	_ =	shalt  }
0x5a: {  	_ =	shalt  }
0x5b: {  	_ =	shalt  }
0x5c: {  	_ =	shalt  }
0x5d: {  	_ =	shalt  }
0x5e: {  	_ =	shalt  }
0x5f: {  	_ =	shalt  }
0x60: {  	_ =	shalt  }
0x61: {  	_ =	shalt  }
0x62: {  	_ =	shalt  }
0x63: {  	_ =	shalt  }
0x64: {  	_ =	shalt  }
0x65: {  	_ =	shalt  }
0x66: {  	_ =	shalt  }
0x67: {  	_ =	shalt  }
0x68: {  	_ =	shalt  }
0x69: {  	_ =	shalt  }
0x6a: {  	_ =	shalt  }
0x6b: {  	_ =	shalt  }
0x6c: {  	_ =	shalt  }
0x6d: {  	_ =	shalt  }
0x6e: {  	_ =	shalt  }
0x6f: {  	_ =	shalt  }
0x70: {  	_ =	shalt  }
0x71: {  	_ =	shalt  }
0x72: {  	_ =	shalt  }
0x73: {  	_ =	shalt  }
0x74: {  	_ =	shalt  }
0x75: {  	_ =	shalt  }
0x76: {  	_ =	shalt  }
0x77: {  	_ =	shalt  }
0x78: {  	_ =	shalt  }
0x79: {  	_ =	shalt  }
0x7a: {  	_ =	shalt  }
0x7b: {  	_ =	shalt  }
0x7c: {  	_ =	shalt  }
0x7d: {  	_ =	shalt  }
0x7e: {  	_ =	shalt  }
0x7f: {  	_ =	shalt  }
0x80: {  	_ =	shalt  }
0x81: {  	_ =	shalt  }
0x82: {  	_ =	shalt  }
0x83: {  	_ =	shalt  }
0x84: {  	_ =	shalt  }
0x85: {  	_ =	shalt  }
0x86: {  	_ =	shalt  }
0x87: {  	_ =	shalt  }
.Lfunc_end0:
.L_simem_size_0:
called_computation.1_lowered:
.L_overlay_start_0:
0x88: {  	s2 =	sld [smem:$0x3FD9]  }
0x89: {  	s3 =	sld [smem:$0x3FFE];
	_ =	sdelay $0x1  }
0x8a: {  	s1 =	srdreg.scid  }
0x8b: {  	s0 =	sand.u32 $0x1, s1  }
0x8c: {  	s17 =	sshll.u32 s0, $0xA;
	s2 =	sadd.s32 s3, s2  }
0x8d: {  	s2 =	sadd.s32 s2, s17  }
0x8e: {  	[smem:$0x3FC5] =	sst s2  }
0x8f: {  	_ = 	snop  }
0x90: {  	(tm) =	ssettm $0x1  }
0x91: {  	s18 =	sld [smem:$0x3FFB];
	_ =	sdelay $0x3  }
0x92: {  	_ =	strace s18  }
0x93: {  	s2 =	sld [smem:$0x3FFC];
	_ =	sdelay $0x3  }
0x94: {  	_ =	strace s2  }
0x95: {  	s2 =	sld [smem:$0x3FFD];
	_ =	sdelay $0x3  }
0x96: {  	_ =	strace s2  }
0x97: {  	_ =	strace $0x8FFFFFFF  }
0x98: {  	s19 =	sld [smem:$0x3FDB];
	_ =	sdelay $0x1  }
0x99: {  	s20 =	simm.s32 $_scs_section_size  }
0x9a: {  	s4 =	simm.s32 $_size__tile_overlayer_lowered;
	s5 =	simm.s32 $_tile_overlayer_lowered  }
0x9b: {  	s6 =	simm.s32 $0x1BFF;
	s21 =	sshll.u32 s5, $0x1;
	s3 =	sadd.s32 s20, s19  }
0x9c: {  	s22 =	simm.s32 $0x0;
	s4 =	sshll.u32 s4, $0x1;
	s5 =	sadd.s32 s21, s3  }
0x9d: {  	[timem:s22], [sflag:s6] =	dma.local [hbm:s5], s4  }
0x9e: {  	_ =	swait.ge [sflag:s6], s4  }
0x9f: {  	s4 =	ssub.s32 $0x0, s4;
	[sflag:s6] =	ssyncset.done $0x0  }
0xa0: {  	[sflag:s6] =	ssyncadd.s32 s4;
	_ =	sdelay $0x1  }
0xa1: {  	s23 =	simm.s32 $0x1B8B  }
0xa2: {  	_ =	swait.ge [sflag:s23], $0x1  }
0xa3: {  	[sflag:s23] =	ssyncset.done $0x0  }
0xa4: {  	[sflag:s23] =	ssyncadd.s32 $0xFFFFFFFF  }
0xa5: {  	s4 =	sld [smem:$0x0]  }
0xa6: {  	s5 =	sand.u32 $0xFFFFFFFE, s1  }
0xa7: {  	p0 =	sne.s32 s1, s5  }
0xa8: {  	s5 =	sshll.u32 @p0 s5, $0xE  }
0xa9: {  	s5 =	sadd.s32 @p0 $0x11B8D, s5;
	s6 =	sshll.u32 @p0 s4, $0x11  }
0xaa: {  	s5 =	sor.u32 @p0 s6, s5  }
0xab: {  	[sflag:s5] =	ssyncadd.remote.s32 @p0 $0x1;
	_ =	sdelay $0x1  }
0xac: {  	s5 =	simm.s32 @p0 $0x1B8D  }
0xad: {  	_ =	swait.eq @p0 [sflag:s5], $0x1  }
0xae: {  	[sflag:s5] =	ssyncadd.s32 @p0 $0xFFFFFFFF  }
0xaf: {  	s6 =	sshll.u32 @!p0 s1, $0xE  }
0xb0: {  	s6 =	sor.u32 @!p0 $0x4000, s6;
	s5 =	simm.s32 @!p0 $0x1B8D  }
0xb1: {  	s4 =	sshll.u32 @!p0 s4, $0x11;
	s6 =	sadd.s32 @!p0 $0x11B8D, s6;
	_ =	swait.eq @!p0 [sflag:s5], $0x1  }
0xb2: {  	s4 =	sor.u32 @!p0 s4, s6;
	[sflag:s5] =	ssyncadd.s32 @!p0 $0xFFFFFFFF  }
0xb3: {  	s25 =	simm.s32 $0x1B8E;
	s24 =	sld [smem:$0x3FFE];
	[sflag:s4] =	ssyncadd.remote.s32 @!p0 $0x1  }
0xb4: {  	s26 =	simm.s32 $execute0_lowered;
	[smem:$0x3FD2] =	sst s25  }
0xb5: {  	s5 =	sshll.u32 s26, $0x1;
	_ =	strace $0x8000005B;
	[dreg:$0x1] =	wrdreg $0xFFFFFFFF  }
0xb6: {  	s28 =	simm.s32 $_size_execute0_lowered;
	s3 =	sadd.s32 s3, s5;
	[dreg:$0x0] =	wrdreg $0x0  }
0xb7: {  	s5 =	sshll.u32 s28, $0x1;
	[dreg:$0x2] =	wrdreg s3  }
0xb8: {  	[dreg:$0x3] =	wrdreg s5  }
0xb9: {  	[dreg:$0x4] =	wrdreg $0xC0  }
0xba: {  	_ =	task [dreg:s22], $0x5FFFF  }
0xbb: {  	[dreg:$0x1] =	wrdreg $0xFFFFFFFF  }
0xbc: {  	[dreg:$0x0] =	wrdreg $0x60  }
0xbd: {  	[dreg:$0x2] =	wrdreg s24  }
0xbe: {  	[dreg:$0x3] =	wrdreg $0x9  }
0xbf: {  	_ =	task.clear_ibuf [dreg:s22], $0x4FFFF;
	_ =	strace $0x9000005B  }
0xc0: {  	s29 =	simm.s32 $0x9;
	_ =	strace $0x8000005D  }
0xc1: {  	_ =	swait.ge [sflag:s29], $0x1  }
0xc2: {  	[sflag:s29] =	ssyncadd.s32 $0xFFFFFFFF  }
0xc3: {  	_ =	strace $0x9000005D  }
0xc4: {  	_ =	sfence  }
0xc5: {  	s30 =	sld [smem:$0x0];
	_ =	sdelay $0x2  }
0xc6: {  	s31 =	sshll.u32 s1, $0xD;
	s1 =	sshrl.u32 s1, $0x2  }
0xc7: {  	s4 =	sand.u32 $0x4000, s31;
	s1 =	sadd.s32 s1, s30  }
0xc8: {  	s0 =	sor.u32 s4, s0;
	s1 =	sshll.u32 s1, $0x11  }
0xc9: {  	s0 =	sor.u32 s1, s0  }
0xca: {  	s0 =	sadd.s32 $0x8F2B, s0  }
0xcb: {  	[sflag:s0] =	ssyncadd.remote.s32 $0x1  }
0xcc: {  	_ =	sfence.sel $0xFFFF  }
0xcd: {  	[dreg:$0x0] =	wrdreg $0xFFFFFFFF;
	(pc) =	sbr.abs _section_cstart, $3  }
0xce: {  	[dreg:$0x1] =	wrdreg $0xFFFFFFFF  }
0xcf: {  	_ =	task.clear_ibuf [dreg:s22], $0x2FFFF;
	_ =	strace $0x9FFFFFFF  }
0xd0: {  	(tm) =	ssettm $0x7FFFFFFF  }
0xd1: {  	_ =	shalt  }
tec
execute0_lowered:
.L_overlay_start_1:
0x0: {  	(tag) =	ssettag $0x1  }
0x1: {  	s1 =	srdreg.scid  }
0x2: {  	s0 =	stileid.u32;
	s28 =	sand.u32 $0x1, s1  }
0x3: {  	s30 =	sshll.u32 s0, $0xC;
	s2 =	sshll.u32 s28, $0xB  }
0x4: {  	s9 =	sor.u32 s2, s30  }
0x5: {  	s12 =	rddreg [dreg:$0x0];
	s2 =	simm.s32 $0x0;
	s3 =	sshrl.u32 s9, $0x3  }
0x6: {  	s4 =	simm.s32 $0x5;
	[smem:$0x7FF] =	sst s2;
	s3 =	sadd.s32 s3, s12  }
0x7: {  	s1 =	rddreg [dreg:$0x1];
	_ =	strace $0x8000005C;
	s3 =	sadd.s32 $0x10000, s3  }
0x8: {  	[tilespmem:s2], [sflag:$0x5] =	stream.linear.gather [hbm4b:s3+s2], $0x800, $0x38;
	[tilespmem:$0x10800] =	vst v63  }
0x9: {  	_ =	swait.ge [sflag:s4], $0x800  }
0xa: {  	s6 =	simm.s32 $0x100;
	s7 =	simm.s32 $0x800;
	[sflag:s4] =	ssyncset.done $0x0  }
0xb: {  	s8 =	simm.s32 $0x3;
	s5 =	sadd.s32 $0x70C000, s12;
	[sflag:s4] =	ssyncadd.s32 $0xFFFFF800  }
0xc: {  	[tilespmem:s7], [sflag:$0x3] =	stream.indirect.gather [hbm4b:s5+s6], $0x80, s2, s6, $0xb8;
	[tilespmem:$0x10800] =	vst v63  }
0xd: {  	_ =	swait.ge [sflag:s8], $0x8000  }
0xe: {  	s24 =	sadd.s32 $0x12000, s12;
	s25 =	sshll.u32 s9, $0x4;
	[sflag:s8] =	ssyncset.done $0x0  }
0xf: {  	s9 =	sadd.s32 s24, s25;
	[sflag:s8] =	ssyncadd.s32 $0xFFFF8000  }
0x10: {  	[hbm4b:s9+s2] =	stream.linear.scatter [tilespmem:s7], [sflag:$0x1], $0x8000, $0x38;
	[tilespmem:$0x10800] =	vst v63  }
0x11: {  	s10 =	simm.s32 $0x8800;
	s11 =	simm.s32 $0x4  }
0x12: {  	[tilespmem:s10], [sflag:$0x4] =	stream.indirect.gather [hbm4b:s5+s6], $0x80, s6, s6, $0xb8;
	[tilespmem:$0x10800] =	vst v63  }
0x13: {  	_ =	swait.ge [sflag:s11], $0x8000  }
0x14: {  	s26 =	sadd.s32 $0x13000, s12;
	[sflag:s11] =	ssyncset.done $0x0  }
0x15: {  	s13 =	simm.s32 $0x1;
	s12 =	sadd.s32 s25, s26;
	[sflag:s11] =	ssyncadd.s32 $0xFFFF8000  }
0x16: {  	[hbm4b:s12+s2] =	stream.linear.scatter [tilespmem:s10], [sflag:$0x2], $0x8000, $0x38;
	[tilespmem:$0x10800] =	vst v63  }
0x17: {  	_ =	swait.ge [sflag:s13], $0x8000  }
0x18: {  	[sflag:s13] =	ssyncset.done $0x0  }
0x19: {  	s14 =	simm.s32 $0x200;
	[sflag:s13] =	ssyncadd.s32 $0xFFFF8000  }
0x1a: {  	[tilespmem:s7], [sflag:$0x3] =	stream.indirect.gather [hbm4b:s5+s6], $0x80, s14, s6, $0xb8;
	[tilespmem:$0x10800] =	vst v63  }
0x1b: {  	_ =	swait.ge [sflag:s8], $0x8000  }
0x1c: {  	s18 =	sor.u32 $0x2000, s25;
	[sflag:s8] =	ssyncset.done $0x0  }
0x1d: {  	s15 =	simm.s32 $0x2;
	s16 =	sadd.s32 s24, s18;
	[sflag:s8] =	ssyncadd.s32 $0xFFFF8000  }
0x1e: {  	[hbm4b:s16+s2] =	stream.linear.scatter [tilespmem:s7], [sflag:$0x1], $0x8000, $0x38;
	[tilespmem:$0x10800] =	vst v63  }
0x1f: {  	_ =	swait.ge [sflag:s15], $0x8000  }
0x20: {  	[sflag:s15] =	ssyncset.done $0x0  }
0x21: {  	s17 =	simm.s32 $0x300;
	[sflag:s15] =	ssyncadd.s32 $0xFFFF8000  }
0x22: {  	[tilespmem:s10], [sflag:$0x4] =	stream.indirect.gather [hbm4b:s5+s6], $0x80, s17, s6, $0xb8;
	[tilespmem:$0x10800] =	vst v63  }
0x23: {  	_ =	swait.ge [sflag:s11], $0x8000  }
0x24: {  	[sflag:s11] =	ssyncset.done $0x0  }
0x25: {  	s18 =	sadd.s32 s18, s26;
	[sflag:s11] =	ssyncadd.s32 $0xFFFF8000  }
0x26: {  	[hbm4b:s18+s2] =	stream.linear.scatter [tilespmem:s10], [sflag:$0x2], $0x8000, $0x38;
	[tilespmem:$0x10800] =	vst v63  }
0x27: {  	_ =	swait.ge [sflag:s13], $0x8000  }
0x28: {  	[sflag:s13] =	ssyncset.done $0x0  }
0x29: {  	s19 =	simm.s32 $0x400;
	[sflag:s13] =	ssyncadd.s32 $0xFFFF8000  }
0x2a: {  	[tilespmem:s7], [sflag:$0x3] =	stream.indirect.gather [hbm4b:s5+s6], $0x80, s19, s6, $0xb8;
	[tilespmem:$0x10800] =	vst v63  }
0x2b: {  	_ =	swait.ge [sflag:s8], $0x8000  }
0x2c: {  	s22 =	sor.u32 $0x4000, s25;
	[sflag:s8] =	ssyncset.done $0x0  }
0x2d: {  	s20 =	sadd.s32 s24, s22;
	[sflag:s8] =	ssyncadd.s32 $0xFFFF8000  }
0x2e: {  	[hbm4b:s20+s2] =	stream.linear.scatter [tilespmem:s7], [sflag:$0x1], $0x8000, $0x38;
	[tilespmem:$0x10800] =	vst v63  }
0x2f: {  	_ =	swait.ge [sflag:s15], $0x8000  }
0x30: {  	[sflag:s15] =	ssyncset.done $0x0  }
0x31: {  	s21 =	simm.s32 $0x500;
	[sflag:s15] =	ssyncadd.s32 $0xFFFF8000  }
0x32: {  	[tilespmem:s10], [sflag:$0x4] =	stream.indirect.gather [hbm4b:s5+s6], $0x80, s21, s6, $0xb8;
	[tilespmem:$0x10800] =	vst v63  }
0x33: {  	_ =	swait.ge [sflag:s11], $0x8000  }
0x34: {  	[sflag:s11] =	ssyncset.done $0x0  }
0x35: {  	s22 =	sadd.s32 s22, s26;
	[sflag:s11] =	ssyncadd.s32 $0xFFFF8000  }
0x36: {  	[hbm4b:s22+s2] =	stream.linear.scatter [tilespmem:s10], [sflag:$0x2], $0x8000, $0x38;
	[tilespmem:$0x10800] =	vst v63  }
0x37: {  	_ =	swait.ge [sflag:s13], $0x8000  }
0x38: {  	[sflag:s13] =	ssyncset.done $0x0  }
0x39: {  	s23 =	simm.s32 $0x600;
	[sflag:s13] =	ssyncadd.s32 $0xFFFF8000  }
0x3a: {  	[tilespmem:s7], [sflag:$0x3] =	stream.indirect.gather [hbm4b:s5+s6], $0x80, s23, s6, $0xb8;
	[tilespmem:$0x10800] =	vst v63  }
0x3b: {  	_ =	swait.ge [sflag:s8], $0x8000  }
0x3c: {  	s29 =	sor.u32 $0x6000, s25;
	[sflag:s8] =	ssyncset.done $0x0  }
0x3d: {  	s24 =	sadd.s32 s24, s29;
	[sflag:s8] =	ssyncadd.s32 $0xFFFF8000  }
0x3e: {  	[hbm4b:s24+s2] =	stream.linear.scatter [tilespmem:s7], [sflag:$0x1], $0x8000, $0x38;
	[tilespmem:$0x10800] =	vst v63  }
0x3f: {  	_ =	swait.ge [sflag:s15], $0x8000  }
0x40: {  	s28 =	ssub.s32 $0x2, s28;
	[sflag:s15] =	ssyncset.done $0x0  }
0x41: {  	s31 =	sshrl.u32 s28, $0x1;
	s25 =	simm.s32 $0x700;
	[sflag:s15] =	ssyncadd.s32 $0xFFFF8000  }
0x42: {  	[tilespmem:s10], [sflag:$0x4] =	stream.indirect.gather [hbm4b:s5+s6], $0x80, s25, s6, $0xb8;
	[tilespmem:$0x10800] =	vst v63  }
0x43: {  	s28 =	ssub.s32 s28, s31;
	_ =	swait.ge [sflag:s11], $0x8000  }
0x44: {  	s28 =	smax.u32 s28, $0x1;
	[sflag:s11] =	ssyncset.done $0x0  }
0x45: {  	s26 =	sadd.s32 s29, s26;
	p0 =	sne.s32 s28, $0x1;
	[sflag:s11] =	ssyncadd.s32 $0xFFFF8000  }
0x46: {  	[hbm4b:s26+s2] =	stream.linear.scatter [tilespmem:s10], [sflag:$0x2], $0x8000, $0x38;
	[tilespmem:$0x10800] =	vst v63  }
.Ltmp0:
0x47: {  	_ =	swait.ge [sflag:s13], $0x8000;
	(pc) =	sbr.rel @!p0 .LBB2_2-.Ltmp0, $4  }
0x48: {  	[sflag:s13] =	ssyncset.done $0x0  }
0x49: {  	[sflag:s13] =	ssyncadd.s32 $0xFFFF8000  }
0x4a: {  	_ =	swait.ge [sflag:s15], $0x8000  }
0x4b: {  	s28 =	sadd.s32 $0xFFFFFFFF, s28;
	[sflag:s15] =	ssyncset.done $0x0  }
.LBB2_1:
0x4c: {  	p0 =	sne.s32 s28, $0x1;
	s28 =	sadd.s32 $0xFFFFFFFF, s28;
	[sflag:s15] =	ssyncadd.s32 $0xFFFF8000  }
0x4d: {  	[tilespmem:s2], [sflag:$0x5] =	stream.linear.gather [hbm4b:s3+s2], $0x800, $0x38;
	[tilespmem:$0x10800] =	vst v63  }
0x4e: {  	_ =	swait.ge [sflag:s4], $0x800  }
0x4f: {  	[sflag:s4] =	ssyncset.done $0x0  }
0x50: {  	[sflag:s4] =	ssyncadd.s32 $0xFFFFF800  }
0x51: {  	[tilespmem:s7], [sflag:$0x3] =	stream.indirect.gather [hbm4b:s5+s6], $0x80, s2, s6, $0xb8;
	[tilespmem:$0x10800] =	vst v63  }
0x52: {  	_ =	swait.ge [sflag:s8], $0x8000  }
0x53: {  	[sflag:s8] =	ssyncset.done $0x0  }
0x54: {  	[sflag:s8] =	ssyncadd.s32 $0xFFFF8000  }
0x55: {  	[hbm4b:s9+s2] =	stream.linear.scatter [tilespmem:s7], [sflag:$0x1], $0x8000, $0x38;
	[tilespmem:$0x10800] =	vst v63  }
0x56: {  	_ = 	snop  }
0x57: {  	[tilespmem:s10], [sflag:$0x4] =	stream.indirect.gather [hbm4b:s5+s6], $0x80, s6, s6, $0xb8;
	[tilespmem:$0x10800] =	vst v63  }
0x58: {  	_ =	swait.ge [sflag:s11], $0x8000  }
0x59: {  	[sflag:s11] =	ssyncset.done $0x0  }
0x5a: {  	[sflag:s11] =	ssyncadd.s32 $0xFFFF8000  }
0x5b: {  	[hbm4b:s12+s2] =	stream.linear.scatter [tilespmem:s10], [sflag:$0x2], $0x8000, $0x38;
	[tilespmem:$0x10800] =	vst v63  }
0x5c: {  	_ =	swait.ge [sflag:s13], $0x8000  }
0x5d: {  	[sflag:s13] =	ssyncset.done $0x0  }
0x5e: {  	[sflag:s13] =	ssyncadd.s32 $0xFFFF8000  }
0x5f: {  	[tilespmem:s7], [sflag:$0x3] =	stream.indirect.gather [hbm4b:s5+s6], $0x80, s14, s6, $0xb8;
	[tilespmem:$0x10800] =	vst v63  }
0x60: {  	_ =	swait.ge [sflag:s8], $0x8000  }
0x61: {  	[sflag:s8] =	ssyncset.done $0x0  }
0x62: {  	[sflag:s8] =	ssyncadd.s32 $0xFFFF8000  }
0x63: {  	[hbm4b:s16+s2] =	stream.linear.scatter [tilespmem:s7], [sflag:$0x1], $0x8000, $0x38;
	[tilespmem:$0x10800] =	vst v63  }
0x64: {  	_ =	swait.ge [sflag:s15], $0x8000  }
0x65: {  	[sflag:s15] =	ssyncset.done $0x0  }
0x66: {  	[sflag:s15] =	ssyncadd.s32 $0xFFFF8000  }
0x67: {  	[tilespmem:s10], [sflag:$0x4] =	stream.indirect.gather [hbm4b:s5+s6], $0x80, s17, s6, $0xb8;
	[tilespmem:$0x10800] =	vst v63  }
0x68: {  	_ =	swait.ge [sflag:s11], $0x8000  }
0x69: {  	[sflag:s11] =	ssyncset.done $0x0  }
0x6a: {  	[sflag:s11] =	ssyncadd.s32 $0xFFFF8000  }
0x6b: {  	[hbm4b:s18+s2] =	stream.linear.scatter [tilespmem:s10], [sflag:$0x2], $0x8000, $0x38;
	[tilespmem:$0x10800] =	vst v63  }
0x6c: {  	_ =	swait.ge [sflag:s13], $0x8000  }
0x6d: {  	[sflag:s13] =	ssyncset.done $0x0  }
0x6e: {  	[sflag:s13] =	ssyncadd.s32 $0xFFFF8000  }
0x6f: {  	[tilespmem:s7], [sflag:$0x3] =	stream.indirect.gather [hbm4b:s5+s6], $0x80, s19, s6, $0xb8;
	[tilespmem:$0x10800] =	vst v63  }
0x70: {  	_ =	swait.ge [sflag:s8], $0x8000  }
0x71: {  	[sflag:s8] =	ssyncset.done $0x0  }
0x72: {  	[sflag:s8] =	ssyncadd.s32 $0xFFFF8000  }
0x73: {  	[hbm4b:s20+s2] =	stream.linear.scatter [tilespmem:s7], [sflag:$0x1], $0x8000, $0x38;
	[tilespmem:$0x10800] =	vst v63  }
0x74: {  	_ =	swait.ge [sflag:s15], $0x8000  }
0x75: {  	[sflag:s15] =	ssyncset.done $0x0  }
0x76: {  	[sflag:s15] =	ssyncadd.s32 $0xFFFF8000  }
0x77: {  	[tilespmem:s10], [sflag:$0x4] =	stream.indirect.gather [hbm4b:s5+s6], $0x80, s21, s6, $0xb8;
	[tilespmem:$0x10800] =	vst v63  }
0x78: {  	_ =	swait.ge [sflag:s11], $0x8000  }
0x79: {  	[sflag:s11] =	ssyncset.done $0x0  }
0x7a: {  	[sflag:s11] =	ssyncadd.s32 $0xFFFF8000  }
0x7b: {  	[hbm4b:s22+s2] =	stream.linear.scatter [tilespmem:s10], [sflag:$0x2], $0x8000, $0x38;
	[tilespmem:$0x10800] =	vst v63  }
0x7c: {  	_ =	swait.ge [sflag:s13], $0x8000  }
0x7d: {  	[sflag:s13] =	ssyncset.done $0x0  }
0x7e: {  	[sflag:s13] =	ssyncadd.s32 $0xFFFF8000  }
0x7f: {  	[tilespmem:s7], [sflag:$0x3] =	stream.indirect.gather [hbm4b:s5+s6], $0x80, s23, s6, $0xb8;
	[tilespmem:$0x10800] =	vst v63  }
0x80: {  	_ =	swait.ge [sflag:s8], $0x8000  }
0x81: {  	[sflag:s8] =	ssyncset.done $0x0  }
0x82: {  	[sflag:s8] =	ssyncadd.s32 $0xFFFF8000  }
0x83: {  	[hbm4b:s24+s2] =	stream.linear.scatter [tilespmem:s7], [sflag:$0x1], $0x8000, $0x38;
	[tilespmem:$0x10800] =	vst v63  }
0x84: {  	_ =	swait.ge [sflag:s15], $0x8000  }
0x85: {  	[sflag:s15] =	ssyncset.done $0x0  }
0x86: {  	[sflag:s15] =	ssyncadd.s32 $0xFFFF8000  }
0x87: {  	[tilespmem:s10], [sflag:$0x4] =	stream.indirect.gather [hbm4b:s5+s6], $0x80, s25, s6, $0xb8;
	[tilespmem:$0x10800] =	vst v63  }
0x88: {  	_ =	swait.ge [sflag:s11], $0x8000  }
0x89: {  	[sflag:s11] =	ssyncset.done $0x0  }
0x8a: {  	[sflag:s11] =	ssyncadd.s32 $0xFFFF8000  }
0x8b: {  	[hbm4b:s26+s2] =	stream.linear.scatter [tilespmem:s10], [sflag:$0x2], $0x8000, $0x38;
	[tilespmem:$0x10800] =	vst v63  }
.Ltmp1:
0x8c: {  	_ =	swait.ge [sflag:s13], $0x8000;
	(pc) =	sbr.rel @p0 .LBB2_1-.Ltmp1, $4  }
0x8d: {  	[sflag:s13] =	ssyncset.done $0x0  }
0x8e: {  	[sflag:s13] =	ssyncadd.s32 $0xFFFF8000  }
0x8f: {  	_ =	swait.ge [sflag:s15], $0x8000  }
0x90: {  	[sflag:s15] =	ssyncset.done $0x0  }
.LBB2_2:
0x91: {  	[sflag:s15] =	ssyncadd.s32 $0xFFFF8000  }
0x92: {  	_ =	sfence.sel $0x180000  }
0x93: {  	[bflag:$0x0] =	sbarrier.arrive $0xFFFF  }
0x94: {  	p0 =	sne.s32 s0, $0x0;
	_ =	strace $0x9000005C  }
0x95: {  	s0 =	sadd.s32 @!p0 $0x100000, s1;
	[bflag:$0x2] =	sbarrier.arrive $0xFFFF  }
0x96: {  	[sflag:s0] =	ssyncadd.tile.s32 @!p0 $0x1;
	_ =	shalt  }
.Lfunc_end2:
_tile_overlayer_lowered:
.L_overlay_start_2:
0x97: {  	(tag) =	ssettag $0x2  }
0x98: {  	s0 =	rddreg [dreg:$0x0];
	s2 =	stileid.u32  }
0x99: {  	s1 =	rddreg [dreg:$0x1];
	p0 =	sne.s32 s2, $0x0  }
0x9a: {  	s3 =	rddreg [dreg:$0x2];
	[bflag:$0x3] =	sbarrier.arrive $0xFFFF;
	s2 =	simm.s32 @!p0 $0x1C05  }
0x9b: {  	[timem:s3], [sflag:s2] =	dma.local @!p0 [hbm:s0], s1  }
0x9c: {  	s0 =	simm.s32 @!p0 $0x5  }
0x9d: {  	_ =	swait.ge @!p0 [sflag:s0], s1  }
0x9e: {  	s1 =	ssub.s32 @!p0 $0x0, s1;
	[sflag:s0] =	ssyncset.done @!p0 $0x0  }
0x9f: {  	[sflag:s0] =	ssyncadd.s32 @!p0 s1  }
0xa0: {  	[bflag:$0x3] =	sbarrier.arrive $0xFFFF  }
0xa1: {  	_ =	shalt  }

// kernel: kernel.21.cloned.1.call-start
scs
__scs_entry_jumppad:
0x0: {  	(pc) =	sbr.rel $0x88, $3  }
0x1: {  	(tag) =	ssettag $0x0;
	lr =	simm.s32 $0x1  }
0x2: {  	[smem:$0x3F9E] =	sst lr;
	_ =	strace $0xD0000000  }
0x3: {  	_ = 	snop  }
0x4: {  	_ = 	snop  }
0x5: {  	_ = 	snop  }
0x6: {  	_ = 	snop  }
0x7: {  	_ = 	snop  }
__scs_overlays_trampoline_lowered:
0x8: {  	[smem:$0x3FAD] =	sst s0  }
0x9: {  	[smem:$0x3FAE] =	sst s1  }
0xa: {  	[smem:$0x3FAF] =	sst s2  }
0xb: {  	[smem:$0x3FB0] =	sst s3  }
0xc: {  	[smem:$0x3FB1] =	sst s4  }
0xd: {  	[smem:$0x3FB2] =	sst s5  }
0xe: {  	[smem:$0x3FB3] =	sst s6  }
0xf: {  	[smem:$0x3FB4] =	sst s7  }
0x10: {  	[smem:$0x3FB5] =	sst s8  }
0x11: {  	[smem:$0x3FB6] =	sst s9;
	s0 =	simm.s32 @!p0 $0x0  }
0x12: {  	s1 =	sld [smem:$0x3F9C];
	s0 =	simm.s32 @p0 $0x1  }
0x13: {  	[smem:$0x3FB7] =	sst s0;
	s0 =	simm.s32 @!p1 $0x0  }
0x14: {  	s2 =	sld [smem:$0x3F9B];
	s0 =	simm.s32 @p1 $0x1  }
0x15: {  	[smem:$0x3FB8] =	sst s0;
	s0 =	simm.s32 @!p2 $0x0  }
0x16: {  	s3 =	sld [smem:$0x3FDB];
	s0 =	simm.s32 @p2 $0x1  }
0x17: {  	s4 =	simm.s32 $0x1BF5;
	[smem:$0x3FBA] =	sst s0  }
0x18: {  	s0 =	sld [smem:$0x3F9D];
	_ =	swait.ge [sflag:s4], $0x0  }
0x19: {  	s7 =	sld [smem:$0x3F9E]  }
0x1a: {  	s8 =	sadd.s32 $0xFFFFE003, lr  }
0x1b: {  	s9 =	sadd.s32 $0xFFFFFEF7, lr;
	s5 =	simm.s32 $0xFFFFFFFF;
	p2 =	slt.u32 s8, $0xFFFFF086  }
0x1c: {  	p1 =	slt.u32 s9, $0xF7A;
	s5 =	simm.s32 @!p2 $0x0  }
0x1d: {  	s5 =	simm.s32 @p1 $0x1;
	p0 =	seq.s32 s7, s2  }
0x1e: {  	s7 =	smul.u32 @!p0 $0xF7A, s2;
	p2 =	seq.s32 @!p0 s5, $0x0  }
0x1f: {  	s9 =	smul.u32 $0xF7A, s1;
	s8 =	simm.s32 @!p0 $0x1BF5;
	p2 =	por !p2, p0  }
0x20: {  	[sflag:s8] =	ssyncset.s32 @!p0 $0xFFFFF086;
	s6 =	sadd.s32 @!p0 s3, s7;
	s7 =	simm.s32 @!p0 $0x108  }
0x21: {  	s3 =	sadd.s32 s3, s9;
	s6 =	sadd.s32 @!p0 $0x88, s6;
	s7 =	simm.s32 @p2 $0x1082  }
0x22: {  	[simem:s7], [sflag:s8] =	dma.local @!p0 [hbm:s6], $0xF7A  }
0x23: {  	s9 =	sor.u32 $0xD0000000, s2;
	s6 =	simm.s32 $0x108;
	_ =	swait.ge @!p0 [sflag:s8], $0x0  }
0x24: {  	s3 =	sadd.s32 $0x88, s3;
	s6 =	simm.s32 @!p1 $0x1082;
	[sflag:s4] =	ssyncset.s32 $0xFFFFF086  }
0x25: {  	[simem:s6], [sflag:s4] =	dma.local [hbm:s3], $0xF7A  }
0x26: {  	[smem:$0x3F9E] =	sst s1;
	(tag) =	ssettag s2;
	_ =	strace s9  }
0x27: {  	s1 =	sld [smem:$0x3FAE]  }
0x28: {  	s2 =	sld [smem:$0x3FAF]  }
0x29: {  	s4 =	sld [smem:$0x3FB1]  }
0x2a: {  	p0 =	seq.s32 s5, $0x0;
	s5 =	sld [smem:$0x3FB2]  }
0x2b: {  	s6 =	sld [smem:$0x3FB3]  }
0x2c: {  	s7 =	sld [smem:$0x3FB4]  }
0x2d: {  	s3 =	simm.s32 $0x108;
	s8 =	sld [smem:$0x3FB5]  }
0x2e: {  	s3 =	simm.s32 @!p0 $0x1082;
	s9 =	sld [smem:$0x3FB6]  }
0x2f: {  	lr =	sadd.s32 s0, s3;
	s0 =	sld [smem:$0x3FAD]  }
0x30: {  	s3 =	sld [smem:$0x3FB0]  }
0x31: {  	[smem:$0x3FB9] =	sst s10  }
0x32: {  	s10 =	sld [smem:$0x3FB7];
	_ =	sdelay $0x3  }
0x33: {  	p0 =	seq.s32 s10, $0x1;
	s10 =	sld [smem:$0x3FB9];
	_ =	sdelay $0x3  }
0x34: {  	[smem:$0x3FB9] =	sst s10  }
0x35: {  	s10 =	sld [smem:$0x3FB8];
	_ =	sdelay $0x3  }
0x36: {  	p1 =	seq.s32 s10, $0x1;
	s10 =	sld [smem:$0x3FB9];
	_ =	sdelay $0x3  }
0x37: {  	[smem:$0x3FB9] =	sst s10  }
0x38: {  	s10 =	sld [smem:$0x3FBA]  }
0x39: {  	_ = 	snop;
	(pc) =	sbr.ind lr, $3  }
0x3a: {  	_ = 	snop  }
0x3b: {  	_ = 	snop  }
0x3c: {  	p2 =	seq.s32 s10, $0x1;
	s10 =	sld [smem:$0x3FB9]  }
0x3d: {  	_ =	shalt  }
0x3e: {  	_ =	shalt  }
0x3f: {  	_ =	shalt  }
0x40: {  	_ =	shalt  }
0x41: {  	_ =	shalt  }
0x42: {  	_ =	shalt  }
0x43: {  	_ =	shalt  }
0x44: {  	_ =	shalt  }
0x45: {  	_ =	shalt  }
0x46: {  	_ =	shalt  }
0x47: {  	_ =	shalt  }
0x48: {  	_ =	shalt  }
0x49: {  	_ =	shalt  }
0x4a: {  	_ =	shalt  }
0x4b: {  	_ =	shalt  }
0x4c: {  	_ =	shalt  }
0x4d: {  	_ =	shalt  }
0x4e: {  	_ =	shalt  }
0x4f: {  	_ =	shalt  }
0x50: {  	_ =	shalt  }
0x51: {  	_ =	shalt  }
0x52: {  	_ =	shalt  }
0x53: {  	_ =	shalt  }
0x54: {  	_ =	shalt  }
0x55: {  	_ =	shalt  }
0x56: {  	_ =	shalt  }
0x57: {  	_ =	shalt  }
0x58: {  	_ =	shalt  }
0x59: {  	_ =	shalt  }
0x5a: {  	_ =	shalt  }
0x5b: {  	_ =	shalt  }
0x5c: {  	_ =	shalt  }
0x5d: {  	_ =	shalt  }
0x5e: {  	_ =	shalt  }
0x5f: {  	_ =	shalt  }
0x60: {  	_ =	shalt  }
0x61: {  	_ =	shalt  }
0x62: {  	_ =	shalt  }
0x63: {  	_ =	shalt  }
0x64: {  	_ =	shalt  }
0x65: {  	_ =	shalt  }
0x66: {  	_ =	shalt  }
0x67: {  	_ =	shalt  }
0x68: {  	_ =	shalt  }
0x69: {  	_ =	shalt  }
0x6a: {  	_ =	shalt  }
0x6b: {  	_ =	shalt  }
0x6c: {  	_ =	shalt  }
0x6d: {  	_ =	shalt  }
0x6e: {  	_ =	shalt  }
0x6f: {  	_ =	shalt  }
0x70: {  	_ =	shalt  }
0x71: {  	_ =	shalt  }
0x72: {  	_ =	shalt  }
0x73: {  	_ =	shalt  }
0x74: {  	_ =	shalt  }
0x75: {  	_ =	shalt  }
0x76: {  	_ =	shalt  }
0x77: {  	_ =	shalt  }
0x78: {  	_ =	shalt  }
0x79: {  	_ =	shalt  }
0x7a: {  	_ =	shalt  }
0x7b: {  	_ =	shalt  }
0x7c: {  	_ =	shalt  }
0x7d: {  	_ =	shalt  }
0x7e: {  	_ =	shalt  }
0x7f: {  	_ =	shalt  }
0x80: {  	_ =	shalt  }
0x81: {  	_ =	shalt  }
0x82: {  	_ =	shalt  }
0x83: {  	_ =	shalt  }
0x84: {  	_ =	shalt  }
0x85: {  	_ =	shalt  }
0x86: {  	_ =	shalt  }
0x87: {  	_ =	shalt  }
.Lfunc_end0:
.L_simem_size_0:
called_computation.2_lowered:
.L_overlay_start_0:
0x88: {  	s2 =	sld [smem:$0x3FD9]  }
0x89: {  	s3 =	sld [smem:$0x3FFE];
	_ =	sdelay $0x1  }
0x8a: {  	s1 =	srdreg.scid  }
0x8b: {  	s0 =	sand.u32 $0x1, s1  }
0x8c: {  	s17 =	sshll.u32 s0, $0xA;
	s2 =	sadd.s32 s3, s2  }
0x8d: {  	s2 =	sadd.s32 s2, s17  }
0x8e: {  	[smem:$0x3FC5] =	sst s2  }
0x8f: {  	_ = 	snop  }
0x90: {  	(tm) =	ssettm $0x1  }
0x91: {  	s18 =	sld [smem:$0x3FFB];
	_ =	sdelay $0x3  }
0x92: {  	_ =	strace s18  }
0x93: {  	s2 =	sld [smem:$0x3FFC];
	_ =	sdelay $0x3  }
0x94: {  	_ =	strace s2  }
0x95: {  	s2 =	sld [smem:$0x3FFD];
	_ =	sdelay $0x3  }
0x96: {  	_ =	strace s2  }
0x97: {  	_ =	strace $0x8FFFFFFF  }
0x98: {  	s19 =	sld [smem:$0x3FDB];
	_ =	sdelay $0x1  }
0x99: {  	s20 =	simm.s32 $_scs_section_size  }
0x9a: {  	s4 =	simm.s32 $_size__tile_overlayer_lowered;
	s5 =	simm.s32 $_tile_overlayer_lowered  }
0x9b: {  	s6 =	simm.s32 $0x1BFF;
	s21 =	sshll.u32 s5, $0x1;
	s3 =	sadd.s32 s20, s19  }
0x9c: {  	s22 =	simm.s32 $0x0;
	s4 =	sshll.u32 s4, $0x1;
	s5 =	sadd.s32 s21, s3  }
0x9d: {  	[timem:s22], [sflag:s6] =	dma.local [hbm:s5], s4  }
0x9e: {  	_ =	swait.ge [sflag:s6], s4  }
0x9f: {  	s4 =	ssub.s32 $0x0, s4;
	[sflag:s6] =	ssyncset.done $0x0  }
0xa0: {  	[sflag:s6] =	ssyncadd.s32 s4;
	_ =	sdelay $0x1  }
0xa1: {  	s23 =	simm.s32 $0x1B8B  }
0xa2: {  	_ =	swait.ge [sflag:s23], $0x1  }
0xa3: {  	[sflag:s23] =	ssyncset.done $0x0  }
0xa4: {  	[sflag:s23] =	ssyncadd.s32 $0xFFFFFFFF  }
0xa5: {  	s4 =	sld [smem:$0x0]  }
0xa6: {  	s5 =	sand.u32 $0xFFFFFFFE, s1  }
0xa7: {  	p0 =	sne.s32 s1, s5  }
0xa8: {  	s5 =	sshll.u32 @p0 s5, $0xE  }
0xa9: {  	s5 =	sadd.s32 @p0 $0x11B8D, s5;
	s6 =	sshll.u32 @p0 s4, $0x11  }
0xaa: {  	s5 =	sor.u32 @p0 s6, s5  }
0xab: {  	[sflag:s5] =	ssyncadd.remote.s32 @p0 $0x1;
	_ =	sdelay $0x1  }
0xac: {  	s5 =	simm.s32 @p0 $0x1B8D  }
0xad: {  	_ =	swait.eq @p0 [sflag:s5], $0x1  }
0xae: {  	[sflag:s5] =	ssyncadd.s32 @p0 $0xFFFFFFFF  }
0xaf: {  	s6 =	sshll.u32 @!p0 s1, $0xE  }
0xb0: {  	s6 =	sor.u32 @!p0 $0x4000, s6;
	s5 =	simm.s32 @!p0 $0x1B8D  }
0xb1: {  	s4 =	sshll.u32 @!p0 s4, $0x11;
	s6 =	sadd.s32 @!p0 $0x11B8D, s6;
	_ =	swait.eq @!p0 [sflag:s5], $0x1  }
0xb2: {  	s4 =	sor.u32 @!p0 s4, s6;
	[sflag:s5] =	ssyncadd.s32 @!p0 $0xFFFFFFFF  }
0xb3: {  	s25 =	simm.s32 $0x1B8E;
	s24 =	sld [smem:$0x3FFE];
	[sflag:s4] =	ssyncadd.remote.s32 @!p0 $0x1  }
0xb4: {  	s26 =	simm.s32 $execute0_lowered;
	[smem:$0x3FD2] =	sst s25  }
0xb5: {  	s5 =	sshll.u32 s26, $0x1;
	_ =	strace $0x8000004C;
	[dreg:$0x1] =	wrdreg $0xFFFFFFFF  }
0xb6: {  	s28 =	simm.s32 $_size_execute0_lowered;
	s3 =	sadd.s32 s3, s5;
	[dreg:$0x0] =	wrdreg $0x0  }
0xb7: {  	s5 =	sshll.u32 s28, $0x1;
	[dreg:$0x2] =	wrdreg s3  }
0xb8: {  	[dreg:$0x3] =	wrdreg s5  }
0xb9: {  	[dreg:$0x4] =	wrdreg $0xC0  }
0xba: {  	_ =	task [dreg:s22], $0x5FFFF  }
0xbb: {  	[dreg:$0x1] =	wrdreg $0xFFFFFFFF  }
0xbc: {  	[dreg:$0x0] =	wrdreg $0x60  }
0xbd: {  	[dreg:$0x2] =	wrdreg s24  }
0xbe: {  	[dreg:$0x3] =	wrdreg $0xB  }
0xbf: {  	_ =	task.clear_ibuf [dreg:s22], $0x4FFFF;
	_ =	strace $0x9000004C  }
0xc0: {  	s29 =	simm.s32 $0xB;
	_ =	strace $0x8000004E  }
0xc1: {  	_ =	swait.ge [sflag:s29], $0x1  }
0xc2: {  	[sflag:s29] =	ssyncadd.s32 $0xFFFFFFFF  }
0xc3: {  	_ =	strace $0x9000004E  }
0xc4: {  	_ =	sfence  }
0xc5: {  	s30 =	sld [smem:$0x0];
	_ =	sdelay $0x2  }
0xc6: {  	s31 =	sshll.u32 s1, $0xD;
	s1 =	sshrl.u32 s1, $0x2  }
0xc7: {  	s4 =	sand.u32 $0x4000, s31;
	s1 =	sadd.s32 s1, s30  }
0xc8: {  	s0 =	sor.u32 s4, s0;
	s1 =	sshll.u32 s1, $0x11  }
0xc9: {  	s0 =	sor.u32 s1, s0  }
0xca: {  	s0 =	sadd.s32 $0x8F2B, s0  }
0xcb: {  	[sflag:s0] =	ssyncadd.remote.s32 $0x1  }
0xcc: {  	_ =	sfence.sel $0xFFFF  }
0xcd: {  	[dreg:$0x0] =	wrdreg $0xFFFFFFFF;
	(pc) =	sbr.abs _section_cstart, $3  }
0xce: {  	[dreg:$0x1] =	wrdreg $0xFFFFFFFF  }
0xcf: {  	_ =	task.clear_ibuf [dreg:s22], $0x2FFFF;
	_ =	strace $0x9FFFFFFF  }
0xd0: {  	(tm) =	ssettm $0x7FFFFFFF  }
0xd1: {  	_ =	shalt  }
tec
execute0_lowered:
.L_overlay_start_1:
0x0: {  	(tag) =	ssettag $0x1  }
0x1: {  	s0 =	srdreg.scid  }
0x2: {  	s1 =	stileid.u32;
	s0 =	sand.u32 $0x1, s0  }
0x3: {  	s3 =	sshll.u32 s1, $0xD;
	s5 =	sshll.u32 s0, $0xC  }
0x4: {  	s4 =	rddreg [dreg:$0x0];
	s2 =	simm.s32 $0x0;
	s3 =	sor.u32 s5, s3  }
0x5: {  	[smem:$0x7FF] =	sst s2;
	s29 =	sadd.s32 $0x60C000, s4;
	s5 =	sshrl.u32 s3, $0x3  }
0x6: {  	s31 =	sadd.s32 $0x60D000, s4;
	s30 =	sshll.u32 s3, $0x4;
	s5 =	sadd.s32 s4, s5  }
0x7: {  	_ =	strace $0x8000004D;
	s3 =	sadd.s32 s29, s30;
	[dreg:$0x2] =	wrdreg s5  }
0x8: {  	s12 =	sadd.s32 s30, s31;
	s13 =	sor.u32 $0x2000, s30;
	[dreg:$0x3] =	wrdreg s3  }
0x9: {  	[dreg:$0x4] =	wrdreg s12;
	s14 =	sadd.s32 s29, s13  }
0xa: {  	s16 =	sor.u32 $0x4000, s30;
	s15 =	sadd.s32 s13, s31;
	[dreg:$0x5] =	wrdreg s14  }
0xb: {  	s17 =	sadd.s32 s29, s16;
	[dreg:$0x6] =	wrdreg s15  }
0xc: {  	s19 =	sor.u32 $0x6000, s30;
	s18 =	sadd.s32 s16, s31;
	[dreg:$0x7] =	wrdreg s17  }
0xd: {  	s20 =	sadd.s32 s29, s19;
	[dreg:$0x8] =	wrdreg s18  }
0xe: {  	s22 =	sor.u32 $0x8000, s30;
	s21 =	sadd.s32 s19, s31;
	[dreg:$0x9] =	wrdreg s20  }
0xf: {  	s23 =	sadd.s32 s29, s22;
	[dreg:$0xa] =	wrdreg s21  }
0x10: {  	[dreg:$0xb] =	wrdreg s23  }
0x11: {  	s24 =	sadd.s32 s22, s31;
	s22 =	sor.u32 $0xA000, s30;
	s25 =	rddreg [dreg:$0x2]  }
0x12: {  	[dreg:$0xc] =	wrdreg s24;
	s26 =	sadd.s32 s29, s22  }
0x13: {  	s3 =	simm.s32 $0x5;
	[dreg:$0xd] =	wrdreg s26  }
0x14: {  	[tilespmem:s2], [sflag:$0x5] =	stream.linear.gather [hbm4b:s25+s2], $0x1000, $0x38;
	[tilespmem:$0x11000] =	vst v63  }
0x15: {  	_ =	swait.ge [sflag:s3], $0x1000  }
0x16: {  	s6 =	simm.s32 $0x1000;
	s7 =	simm.s32 $0x3;
	[sflag:s3] =	ssyncset.done $0x0  }
0x17: {  	s4 =	sadd.s32 $0x10C000, s4;
	s5 =	simm.s32 $0x100;
	[sflag:s3] =	ssyncadd.s32 $0xFFFFF000  }
0x18: {  	[tilespmem:s6], [sflag:$0x3] =	stream.indirect.gather [hbm4b:s4+s5], $0x80, s2, s5, $0xb8;
	[tilespmem:$0x11000] =	vst v63  }
0x19: {  	_ =	swait.ge [sflag:s7], $0x8000  }
0x1a: {  	[sflag:s7] =	ssyncset.done $0x0  }
0x1b: {  	s8 =	rddreg [dreg:$0x3];
	[sflag:s7] =	ssyncadd.s32 $0xFFFF8000  }
0x1c: {  	[hbm4b:s8+s2] =	stream.linear.scatter [tilespmem:s6], [sflag:$0x1], $0x8000, $0x38;
	[tilespmem:$0x11000] =	vst v63  }
0x1d: {  	s9 =	simm.s32 $0x4;
	s8 =	simm.s32 $0x9000  }
0x1e: {  	[tilespmem:s8], [sflag:$0x4] =	stream.indirect.gather [hbm4b:s4+s5], $0x80, s5, s5, $0xb8;
	[tilespmem:$0x11000] =	vst v63  }
0x1f: {  	_ =	swait.ge [sflag:s9], $0x8000  }
0x20: {  	[sflag:s9] =	ssyncset.done $0x0  }
0x21: {  	s10 =	simm.s32 $0x1;
	s11 =	rddreg [dreg:$0x4];
	[sflag:s9] =	ssyncadd.s32 $0xFFFF8000  }
0x22: {  	[hbm4b:s11+s2] =	stream.linear.scatter [tilespmem:s8], [sflag:$0x2], $0x8000, $0x38;
	[tilespmem:$0x11000] =	vst v63  }
0x23: {  	_ =	swait.ge [sflag:s10], $0x8000  }
0x24: {  	[sflag:s10] =	ssyncset.done $0x0  }
0x25: {  	s11 =	simm.s32 $0x200;
	[sflag:s10] =	ssyncadd.s32 $0xFFFF8000  }
0x26: {  	[tilespmem:s6], [sflag:$0x3] =	stream.indirect.gather [hbm4b:s4+s5], $0x80, s11, s5, $0xb8;
	[tilespmem:$0x11000] =	vst v63  }
0x27: {  	_ =	swait.ge [sflag:s7], $0x8000  }
0x28: {  	[sflag:s7] =	ssyncset.done $0x0  }
0x29: {  	s12 =	simm.s32 $0x2;
	s13 =	rddreg [dreg:$0x5];
	[sflag:s7] =	ssyncadd.s32 $0xFFFF8000  }
0x2a: {  	[hbm4b:s13+s2] =	stream.linear.scatter [tilespmem:s6], [sflag:$0x1], $0x8000, $0x38;
	[tilespmem:$0x11000] =	vst v63  }
0x2b: {  	_ =	swait.ge [sflag:s12], $0x8000  }
0x2c: {  	[sflag:s12] =	ssyncset.done $0x0  }
0x2d: {  	s13 =	simm.s32 $0x300;
	[sflag:s12] =	ssyncadd.s32 $0xFFFF8000  }
0x2e: {  	[tilespmem:s8], [sflag:$0x4] =	stream.indirect.gather [hbm4b:s4+s5], $0x80, s13, s5, $0xb8;
	[tilespmem:$0x11000] =	vst v63  }
0x2f: {  	_ =	swait.ge [sflag:s9], $0x8000  }
0x30: {  	[sflag:s9] =	ssyncset.done $0x0  }
0x31: {  	s14 =	rddreg [dreg:$0x6];
	[sflag:s9] =	ssyncadd.s32 $0xFFFF8000  }
0x32: {  	[hbm4b:s14+s2] =	stream.linear.scatter [tilespmem:s8], [sflag:$0x2], $0x8000, $0x38;
	[tilespmem:$0x11000] =	vst v63  }
0x33: {  	_ =	swait.ge [sflag:s10], $0x8000  }
0x34: {  	[sflag:s10] =	ssyncset.done $0x0  }
0x35: {  	s14 =	simm.s32 $0x400;
	[sflag:s10] =	ssyncadd.s32 $0xFFFF8000  }
0x36: {  	[tilespmem:s6], [sflag:$0x3] =	stream.indirect.gather [hbm4b:s4+s5], $0x80, s14, s5, $0xb8;
	[tilespmem:$0x11000] =	vst v63  }
0x37: {  	_ =	swait.ge [sflag:s7], $0x8000  }
0x38: {  	[sflag:s7] =	ssyncset.done $0x0  }
0x39: {  	s15 =	rddreg [dreg:$0x7];
	[sflag:s7] =	ssyncadd.s32 $0xFFFF8000  }
0x3a: {  	[hbm4b:s15+s2] =	stream.linear.scatter [tilespmem:s6], [sflag:$0x1], $0x8000, $0x38;
	[tilespmem:$0x11000] =	vst v63  }
0x3b: {  	_ =	swait.ge [sflag:s12], $0x8000  }
0x3c: {  	[sflag:s12] =	ssyncset.done $0x0  }
0x3d: {  	s15 =	simm.s32 $0x500;
	[sflag:s12] =	ssyncadd.s32 $0xFFFF8000  }
0x3e: {  	[tilespmem:s8], [sflag:$0x4] =	stream.indirect.gather [hbm4b:s4+s5], $0x80, s15, s5, $0xb8;
	[tilespmem:$0x11000] =	vst v63  }
0x3f: {  	_ =	swait.ge [sflag:s9], $0x8000  }
0x40: {  	[sflag:s9] =	ssyncset.done $0x0  }
0x41: {  	s16 =	rddreg [dreg:$0x8];
	[sflag:s9] =	ssyncadd.s32 $0xFFFF8000  }
0x42: {  	[hbm4b:s16+s2] =	stream.linear.scatter [tilespmem:s8], [sflag:$0x2], $0x8000, $0x38;
	[tilespmem:$0x11000] =	vst v63  }
0x43: {  	_ =	swait.ge [sflag:s10], $0x8000  }
0x44: {  	[sflag:s10] =	ssyncset.done $0x0  }
0x45: {  	s16 =	simm.s32 $0x600;
	[sflag:s10] =	ssyncadd.s32 $0xFFFF8000  }
0x46: {  	[tilespmem:s6], [sflag:$0x3] =	stream.indirect.gather [hbm4b:s4+s5], $0x80, s16, s5, $0xb8;
	[tilespmem:$0x11000] =	vst v63  }
0x47: {  	_ =	swait.ge [sflag:s7], $0x8000  }
0x48: {  	[sflag:s7] =	ssyncset.done $0x0  }
0x49: {  	s17 =	rddreg [dreg:$0x9];
	[sflag:s7] =	ssyncadd.s32 $0xFFFF8000  }
0x4a: {  	[hbm4b:s17+s2] =	stream.linear.scatter [tilespmem:s6], [sflag:$0x1], $0x8000, $0x38;
	[tilespmem:$0x11000] =	vst v63  }
0x4b: {  	_ =	swait.ge [sflag:s12], $0x8000  }
0x4c: {  	[sflag:s12] =	ssyncset.done $0x0  }
0x4d: {  	s17 =	simm.s32 $0x700;
	[sflag:s12] =	ssyncadd.s32 $0xFFFF8000  }
0x4e: {  	[tilespmem:s8], [sflag:$0x4] =	stream.indirect.gather [hbm4b:s4+s5], $0x80, s17, s5, $0xb8;
	[tilespmem:$0x11000] =	vst v63  }
0x4f: {  	_ =	swait.ge [sflag:s9], $0x8000  }
0x50: {  	[sflag:s9] =	ssyncset.done $0x0  }
0x51: {  	s18 =	rddreg [dreg:$0xa];
	[sflag:s9] =	ssyncadd.s32 $0xFFFF8000  }
0x52: {  	[hbm4b:s18+s2] =	stream.linear.scatter [tilespmem:s8], [sflag:$0x2], $0x8000, $0x38;
	[tilespmem:$0x11000] =	vst v63  }
0x53: {  	_ =	swait.ge [sflag:s10], $0x8000  }
0x54: {  	[sflag:s10] =	ssyncset.done $0x0  }
0x55: {  	s18 =	simm.s32 $0x800;
	[sflag:s10] =	ssyncadd.s32 $0xFFFF8000  }
0x56: {  	[tilespmem:s6], [sflag:$0x3] =	stream.indirect.gather [hbm4b:s4+s5], $0x80, s18, s5, $0xb8;
	[tilespmem:$0x11000] =	vst v63  }
0x57: {  	_ =	swait.ge [sflag:s7], $0x8000  }
0x58: {  	[sflag:s7] =	ssyncset.done $0x0  }
0x59: {  	s19 =	rddreg [dreg:$0xb];
	[sflag:s7] =	ssyncadd.s32 $0xFFFF8000  }
0x5a: {  	[hbm4b:s19+s2] =	stream.linear.scatter [tilespmem:s6], [sflag:$0x1], $0x8000, $0x38;
	[tilespmem:$0x11000] =	vst v63  }
0x5b: {  	_ =	swait.ge [sflag:s12], $0x8000  }
0x5c: {  	[sflag:s12] =	ssyncset.done $0x0  }
0x5d: {  	s19 =	simm.s32 $0x900;
	[sflag:s12] =	ssyncadd.s32 $0xFFFF8000  }
0x5e: {  	[tilespmem:s8], [sflag:$0x4] =	stream.indirect.gather [hbm4b:s4+s5], $0x80, s19, s5, $0xb8;
	[tilespmem:$0x11000] =	vst v63  }
0x5f: {  	_ =	swait.ge [sflag:s9], $0x8000  }
0x60: {  	[sflag:s9] =	ssyncset.done $0x0  }
0x61: {  	s20 =	rddreg [dreg:$0xc];
	[sflag:s9] =	ssyncadd.s32 $0xFFFF8000  }
0x62: {  	[hbm4b:s20+s2] =	stream.linear.scatter [tilespmem:s8], [sflag:$0x2], $0x8000, $0x38;
	[tilespmem:$0x11000] =	vst v63  }
0x63: {  	_ =	swait.ge [sflag:s10], $0x8000  }
0x64: {  	[sflag:s10] =	ssyncset.done $0x0  }
0x65: {  	s20 =	simm.s32 $0xA00;
	[sflag:s10] =	ssyncadd.s32 $0xFFFF8000  }
0x66: {  	[tilespmem:s6], [sflag:$0x3] =	stream.indirect.gather [hbm4b:s4+s5], $0x80, s20, s5, $0xb8;
	[tilespmem:$0x11000] =	vst v63  }
0x67: {  	_ =	swait.ge [sflag:s7], $0x8000  }
0x68: {  	[sflag:s7] =	ssyncset.done $0x0  }
0x69: {  	s21 =	rddreg [dreg:$0xd];
	[sflag:s7] =	ssyncadd.s32 $0xFFFF8000  }
0x6a: {  	[hbm4b:s21+s2] =	stream.linear.scatter [tilespmem:s6], [sflag:$0x1], $0x8000, $0x38;
	[tilespmem:$0x11000] =	vst v63  }
0x6b: {  	_ =	swait.ge [sflag:s12], $0x8000  }
0x6c: {  	[sflag:s12] =	ssyncset.done $0x0  }
0x6d: {  	s21 =	simm.s32 $0xB00;
	[sflag:s12] =	ssyncadd.s32 $0xFFFF8000  }
0x6e: {  	[tilespmem:s8], [sflag:$0x4] =	stream.indirect.gather [hbm4b:s4+s5], $0x80, s21, s5, $0xb8;
	[tilespmem:$0x11000] =	vst v63  }
0x6f: {  	_ =	swait.ge [sflag:s9], $0x8000  }
0x70: {  	[sflag:s9] =	ssyncset.done $0x0  }
0x71: {  	s22 =	sadd.s32 s22, s31;
	[sflag:s9] =	ssyncadd.s32 $0xFFFF8000  }
0x72: {  	[hbm4b:s22+s2] =	stream.linear.scatter [tilespmem:s8], [sflag:$0x2], $0x8000, $0x38;
	[tilespmem:$0x11000] =	vst v63  }
0x73: {  	_ =	swait.ge [sflag:s10], $0x8000  }
0x74: {  	[sflag:s10] =	ssyncset.done $0x0  }
0x75: {  	s23 =	simm.s32 $0xC00;
	[sflag:s10] =	ssyncadd.s32 $0xFFFF8000  }
0x76: {  	[tilespmem:s6], [sflag:$0x3] =	stream.indirect.gather [hbm4b:s4+s5], $0x80, s23, s5, $0xb8;
	[tilespmem:$0x11000] =	vst v63  }
0x77: {  	_ =	swait.ge [sflag:s7], $0x8000  }
0x78: {  	s26 =	sor.u32 $0xC000, s30;
	[sflag:s7] =	ssyncset.done $0x0  }
0x79: {  	s24 =	sadd.s32 s29, s26;
	[sflag:s7] =	ssyncadd.s32 $0xFFFF8000  }
0x7a: {  	[hbm4b:s24+s2] =	stream.linear.scatter [tilespmem:s6], [sflag:$0x1], $0x8000, $0x38;
	[tilespmem:$0x11000] =	vst v63  }
0x7b: {  	_ =	swait.ge [sflag:s12], $0x8000  }
0x7c: {  	[sflag:s12] =	ssyncset.done $0x0  }
0x7d: {  	s25 =	simm.s32 $0xD00;
	[sflag:s12] =	ssyncadd.s32 $0xFFFF8000  }
0x7e: {  	[tilespmem:s8], [sflag:$0x4] =	stream.indirect.gather [hbm4b:s4+s5], $0x80, s25, s5, $0xb8;
	[tilespmem:$0x11000] =	vst v63  }
0x7f: {  	_ =	swait.ge [sflag:s9], $0x8000  }
0x80: {  	[sflag:s9] =	ssyncset.done $0x0  }
0x81: {  	s26 =	sadd.s32 s26, s31;
	[sflag:s9] =	ssyncadd.s32 $0xFFFF8000  }
0x82: {  	[hbm4b:s26+s2] =	stream.linear.scatter [tilespmem:s8], [sflag:$0x2], $0x8000, $0x38;
	[tilespmem:$0x11000] =	vst v63  }
0x83: {  	_ =	swait.ge [sflag:s10], $0x8000  }
0x84: {  	[sflag:s10] =	ssyncset.done $0x0  }
0x85: {  	s28 =	simm.s32 $0xE00;
	[sflag:s10] =	ssyncadd.s32 $0xFFFF8000  }
0x86: {  	[tilespmem:s6], [sflag:$0x3] =	stream.indirect.gather [hbm4b:s4+s5], $0x80, s28, s5, $0xb8;
	[tilespmem:$0x11000] =	vst v63  }
0x87: {  	_ =	swait.ge [sflag:s7], $0x8000  }
0x88: {  	s1 =	sor.u32 $0xE000, s30;
	[sflag:s7] =	ssyncset.done $0x0  }
0x89: {  	s29 =	sadd.s32 s29, s1;
	[sflag:s7] =	ssyncadd.s32 $0xFFFF8000  }
0x8a: {  	[hbm4b:s29+s2] =	stream.linear.scatter [tilespmem:s6], [sflag:$0x1], $0x8000, $0x38;
	[tilespmem:$0x11000] =	vst v63  }
0x8b: {  	_ =	swait.ge [sflag:s12], $0x8000  }
0x8c: {  	s0 =	ssub.s32 $0x2, s0;
	s30 =	simm.s32 $0xF00;
	[sflag:s12] =	ssyncset.done $0x0  }
0x8d: {  	s31 =	sadd.s32 s1, s31;
	s1 =	sshrl.u32 s0, $0x1;
	[sflag:s12] =	ssyncadd.s32 $0xFFFF8000  }
0x8e: {  	[tilespmem:s8], [sflag:$0x4] =	stream.indirect.gather [hbm4b:s4+s5], $0x80, s30, s5, $0xb8;
	[tilespmem:$0x11000] =	vst v63  }
0x8f: {  	s0 =	ssub.s32 s0, s1;
	_ =	swait.ge [sflag:s9], $0x8000  }
0x90: {  	s0 =	smax.u32 s0, $0x1;
	[sflag:s9] =	ssyncset.done $0x0  }
0x91: {  	p0 =	sne.s32 s0, $0x1;
	[sflag:s9] =	ssyncadd.s32 $0xFFFF8000  }
0x92: {  	[hbm4b:s31+s2] =	stream.linear.scatter [tilespmem:s8], [sflag:$0x2], $0x8000, $0x38;
	[tilespmem:$0x11000] =	vst v63  }
.Ltmp0:
0x93: {  	_ =	swait.ge [sflag:s10], $0x8000;
	(pc) =	sbr.rel @!p0 .LBB2_2-.Ltmp0, $4  }
0x94: {  	[sflag:s10] =	ssyncset.done $0x0  }
0x95: {  	[sflag:s10] =	ssyncadd.s32 $0xFFFF8000  }
0x96: {  	_ =	swait.ge [sflag:s12], $0x8000  }
0x97: {  	s0 =	sadd.s32 $0xFFFFFFFF, s0;
	[sflag:s12] =	ssyncset.done $0x0  }
.LBB2_1:
0x98: {  	s1 =	rddreg [dreg:$0x2];
	[sflag:s12] =	ssyncadd.s32 $0xFFFF8000  }
0x99: {  	[tilespmem:s2], [sflag:$0x5] =	stream.linear.gather [hbm4b:s1+s2], $0x1000, $0x38;
	[tilespmem:$0x11000] =	vst v63  }
0x9a: {  	_ =	swait.ge [sflag:s3], $0x1000  }
0x9b: {  	[sflag:s3] =	ssyncset.done $0x0  }
0x9c: {  	[sflag:s3] =	ssyncadd.s32 $0xFFFFF000  }
0x9d: {  	[tilespmem:s6], [sflag:$0x3] =	stream.indirect.gather [hbm4b:s4+s5], $0x80, s2, s5, $0xb8;
	[tilespmem:$0x11000] =	vst v63  }
0x9e: {  	_ =	swait.ge [sflag:s7], $0x8000  }
0x9f: {  	[sflag:s7] =	ssyncset.done $0x0  }
0xa0: {  	s1 =	rddreg [dreg:$0x3];
	[sflag:s7] =	ssyncadd.s32 $0xFFFF8000  }
0xa1: {  	[hbm4b:s1+s2] =	stream.linear.scatter [tilespmem:s6], [sflag:$0x1], $0x8000, $0x38;
	[tilespmem:$0x11000] =	vst v63  }
0xa2: {  	_ = 	snop  }
0xa3: {  	[tilespmem:s8], [sflag:$0x4] =	stream.indirect.gather [hbm4b:s4+s5], $0x80, s5, s5, $0xb8;
	[tilespmem:$0x11000] =	vst v63  }
0xa4: {  	_ =	swait.ge [sflag:s9], $0x8000  }
0xa5: {  	[sflag:s9] =	ssyncset.done $0x0  }
0xa6: {  	s1 =	rddreg [dreg:$0x4];
	[sflag:s9] =	ssyncadd.s32 $0xFFFF8000  }
0xa7: {  	[hbm4b:s1+s2] =	stream.linear.scatter [tilespmem:s8], [sflag:$0x2], $0x8000, $0x38;
	[tilespmem:$0x11000] =	vst v63  }
0xa8: {  	_ =	swait.ge [sflag:s10], $0x8000  }
0xa9: {  	[sflag:s10] =	ssyncset.done $0x0  }
0xaa: {  	[sflag:s10] =	ssyncadd.s32 $0xFFFF8000  }
0xab: {  	[tilespmem:s6], [sflag:$0x3] =	stream.indirect.gather [hbm4b:s4+s5], $0x80, s11, s5, $0xb8;
	[tilespmem:$0x11000] =	vst v63  }
0xac: {  	_ =	swait.ge [sflag:s7], $0x8000  }
0xad: {  	[sflag:s7] =	ssyncset.done $0x0  }
0xae: {  	s1 =	rddreg [dreg:$0x5];
	[sflag:s7] =	ssyncadd.s32 $0xFFFF8000  }
0xaf: {  	[hbm4b:s1+s2] =	stream.linear.scatter [tilespmem:s6], [sflag:$0x1], $0x8000, $0x38;
	[tilespmem:$0x11000] =	vst v63  }
0xb0: {  	_ =	swait.ge [sflag:s12], $0x8000  }
0xb1: {  	[sflag:s12] =	ssyncset.done $0x0  }
0xb2: {  	[sflag:s12] =	ssyncadd.s32 $0xFFFF8000  }
0xb3: {  	[tilespmem:s8], [sflag:$0x4] =	stream.indirect.gather [hbm4b:s4+s5], $0x80, s13, s5, $0xb8;
	[tilespmem:$0x11000] =	vst v63  }
0xb4: {  	_ =	swait.ge [sflag:s9], $0x8000  }
0xb5: {  	[sflag:s9] =	ssyncset.done $0x0  }
0xb6: {  	s1 =	rddreg [dreg:$0x6];
	[sflag:s9] =	ssyncadd.s32 $0xFFFF8000  }
0xb7: {  	[hbm4b:s1+s2] =	stream.linear.scatter [tilespmem:s8], [sflag:$0x2], $0x8000, $0x38;
	[tilespmem:$0x11000] =	vst v63  }
0xb8: {  	_ =	swait.ge [sflag:s10], $0x8000  }
0xb9: {  	[sflag:s10] =	ssyncset.done $0x0  }
0xba: {  	[sflag:s10] =	ssyncadd.s32 $0xFFFF8000  }
0xbb: {  	[tilespmem:s6], [sflag:$0x3] =	stream.indirect.gather [hbm4b:s4+s5], $0x80, s14, s5, $0xb8;
	[tilespmem:$0x11000] =	vst v63  }
0xbc: {  	_ =	swait.ge [sflag:s7], $0x8000  }
0xbd: {  	[sflag:s7] =	ssyncset.done $0x0  }
0xbe: {  	s1 =	rddreg [dreg:$0x7];
	[sflag:s7] =	ssyncadd.s32 $0xFFFF8000  }
0xbf: {  	[hbm4b:s1+s2] =	stream.linear.scatter [tilespmem:s6], [sflag:$0x1], $0x8000, $0x38;
	[tilespmem:$0x11000] =	vst v63  }
0xc0: {  	_ =	swait.ge [sflag:s12], $0x8000  }
0xc1: {  	[sflag:s12] =	ssyncset.done $0x0  }
0xc2: {  	[sflag:s12] =	ssyncadd.s32 $0xFFFF8000  }
0xc3: {  	[tilespmem:s8], [sflag:$0x4] =	stream.indirect.gather [hbm4b:s4+s5], $0x80, s15, s5, $0xb8;
	[tilespmem:$0x11000] =	vst v63  }
0xc4: {  	_ =	swait.ge [sflag:s9], $0x8000  }
0xc5: {  	[sflag:s9] =	ssyncset.done $0x0  }
0xc6: {  	s1 =	rddreg [dreg:$0x8];
	[sflag:s9] =	ssyncadd.s32 $0xFFFF8000  }
0xc7: {  	[hbm4b:s1+s2] =	stream.linear.scatter [tilespmem:s8], [sflag:$0x2], $0x8000, $0x38;
	[tilespmem:$0x11000] =	vst v63  }
0xc8: {  	_ =	swait.ge [sflag:s10], $0x8000  }
0xc9: {  	[sflag:s10] =	ssyncset.done $0x0  }
0xca: {  	[sflag:s10] =	ssyncadd.s32 $0xFFFF8000  }
0xcb: {  	[tilespmem:s6], [sflag:$0x3] =	stream.indirect.gather [hbm4b:s4+s5], $0x80, s16, s5, $0xb8;
	[tilespmem:$0x11000] =	vst v63  }
0xcc: {  	_ =	swait.ge [sflag:s7], $0x8000  }
0xcd: {  	[sflag:s7] =	ssyncset.done $0x0  }
0xce: {  	s1 =	rddreg [dreg:$0x9];
	[sflag:s7] =	ssyncadd.s32 $0xFFFF8000  }
0xcf: {  	[hbm4b:s1+s2] =	stream.linear.scatter [tilespmem:s6], [sflag:$0x1], $0x8000, $0x38;
	[tilespmem:$0x11000] =	vst v63  }
0xd0: {  	_ =	swait.ge [sflag:s12], $0x8000  }
0xd1: {  	[sflag:s12] =	ssyncset.done $0x0  }
0xd2: {  	[sflag:s12] =	ssyncadd.s32 $0xFFFF8000  }
0xd3: {  	[tilespmem:s8], [sflag:$0x4] =	stream.indirect.gather [hbm4b:s4+s5], $0x80, s17, s5, $0xb8;
	[tilespmem:$0x11000] =	vst v63  }
0xd4: {  	_ =	swait.ge [sflag:s9], $0x8000  }
0xd5: {  	[sflag:s9] =	ssyncset.done $0x0  }
0xd6: {  	s1 =	rddreg [dreg:$0xa];
	[sflag:s9] =	ssyncadd.s32 $0xFFFF8000  }
0xd7: {  	[hbm4b:s1+s2] =	stream.linear.scatter [tilespmem:s8], [sflag:$0x2], $0x8000, $0x38;
	[tilespmem:$0x11000] =	vst v63  }
0xd8: {  	_ =	swait.ge [sflag:s10], $0x8000  }
0xd9: {  	[sflag:s10] =	ssyncset.done $0x0  }
0xda: {  	[sflag:s10] =	ssyncadd.s32 $0xFFFF8000  }
0xdb: {  	[tilespmem:s6], [sflag:$0x3] =	stream.indirect.gather [hbm4b:s4+s5], $0x80, s18, s5, $0xb8;
	[tilespmem:$0x11000] =	vst v63  }
0xdc: {  	_ =	swait.ge [sflag:s7], $0x8000  }
0xdd: {  	[sflag:s7] =	ssyncset.done $0x0  }
0xde: {  	s1 =	rddreg [dreg:$0xb];
	[sflag:s7] =	ssyncadd.s32 $0xFFFF8000  }
0xdf: {  	[hbm4b:s1+s2] =	stream.linear.scatter [tilespmem:s6], [sflag:$0x1], $0x8000, $0x38;
	[tilespmem:$0x11000] =	vst v63  }
0xe0: {  	_ =	swait.ge [sflag:s12], $0x8000  }
0xe1: {  	[sflag:s12] =	ssyncset.done $0x0  }
0xe2: {  	[sflag:s12] =	ssyncadd.s32 $0xFFFF8000  }
0xe3: {  	[tilespmem:s8], [sflag:$0x4] =	stream.indirect.gather [hbm4b:s4+s5], $0x80, s19, s5, $0xb8;
	[tilespmem:$0x11000] =	vst v63  }
0xe4: {  	_ =	swait.ge [sflag:s9], $0x8000  }
0xe5: {  	[sflag:s9] =	ssyncset.done $0x0  }
0xe6: {  	s1 =	rddreg [dreg:$0xc];
	[sflag:s9] =	ssyncadd.s32 $0xFFFF8000  }
0xe7: {  	[hbm4b:s1+s2] =	stream.linear.scatter [tilespmem:s8], [sflag:$0x2], $0x8000, $0x38;
	[tilespmem:$0x11000] =	vst v63  }
0xe8: {  	_ =	swait.ge [sflag:s10], $0x8000  }
0xe9: {  	[sflag:s10] =	ssyncset.done $0x0  }
0xea: {  	[sflag:s10] =	ssyncadd.s32 $0xFFFF8000  }
0xeb: {  	[tilespmem:s6], [sflag:$0x3] =	stream.indirect.gather [hbm4b:s4+s5], $0x80, s20, s5, $0xb8;
	[tilespmem:$0x11000] =	vst v63  }
0xec: {  	_ =	swait.ge [sflag:s7], $0x8000  }
0xed: {  	[sflag:s7] =	ssyncset.done $0x0  }
0xee: {  	s1 =	rddreg [dreg:$0xd];
	[sflag:s7] =	ssyncadd.s32 $0xFFFF8000  }
0xef: {  	[hbm4b:s1+s2] =	stream.linear.scatter [tilespmem:s6], [sflag:$0x1], $0x8000, $0x38;
	[tilespmem:$0x11000] =	vst v63  }
0xf0: {  	_ =	swait.ge [sflag:s12], $0x8000  }
0xf1: {  	[sflag:s12] =	ssyncset.done $0x0  }
0xf2: {  	[sflag:s12] =	ssyncadd.s32 $0xFFFF8000  }
0xf3: {  	[tilespmem:s8], [sflag:$0x4] =	stream.indirect.gather [hbm4b:s4+s5], $0x80, s21, s5, $0xb8;
	[tilespmem:$0x11000] =	vst v63  }
0xf4: {  	_ =	swait.ge [sflag:s9], $0x8000  }
0xf5: {  	[sflag:s9] =	ssyncset.done $0x0  }
0xf6: {  	[sflag:s9] =	ssyncadd.s32 $0xFFFF8000  }
0xf7: {  	[hbm4b:s22+s2] =	stream.linear.scatter [tilespmem:s8], [sflag:$0x2], $0x8000, $0x38;
	[tilespmem:$0x11000] =	vst v63  }
0xf8: {  	_ =	swait.ge [sflag:s10], $0x8000  }
0xf9: {  	[sflag:s10] =	ssyncset.done $0x0  }
0xfa: {  	[sflag:s10] =	ssyncadd.s32 $0xFFFF8000  }
0xfb: {  	[tilespmem:s6], [sflag:$0x3] =	stream.indirect.gather [hbm4b:s4+s5], $0x80, s23, s5, $0xb8;
	[tilespmem:$0x11000] =	vst v63  }
0xfc: {  	_ =	swait.ge [sflag:s7], $0x8000  }
0xfd: {  	[sflag:s7] =	ssyncset.done $0x0  }
0xfe: {  	[sflag:s7] =	ssyncadd.s32 $0xFFFF8000  }
0xff: {  	[hbm4b:s24+s2] =	stream.linear.scatter [tilespmem:s6], [sflag:$0x1], $0x8000, $0x38;
	[tilespmem:$0x11000] =	vst v63  }
0x100: {  	_ =	swait.ge [sflag:s12], $0x8000  }
0x101: {  	[sflag:s12] =	ssyncset.done $0x0  }
0x102: {  	[sflag:s12] =	ssyncadd.s32 $0xFFFF8000  }
0x103: {  	[tilespmem:s8], [sflag:$0x4] =	stream.indirect.gather [hbm4b:s4+s5], $0x80, s25, s5, $0xb8;
	[tilespmem:$0x11000] =	vst v63  }
0x104: {  	_ =	swait.ge [sflag:s9], $0x8000  }
0x105: {  	[sflag:s9] =	ssyncset.done $0x0  }
0x106: {  	[sflag:s9] =	ssyncadd.s32 $0xFFFF8000  }
0x107: {  	[hbm4b:s26+s2] =	stream.linear.scatter [tilespmem:s8], [sflag:$0x2], $0x8000, $0x38;
	[tilespmem:$0x11000] =	vst v63  }
0x108: {  	_ =	swait.ge [sflag:s10], $0x8000  }
0x109: {  	[sflag:s10] =	ssyncset.done $0x0  }
0x10a: {  	[sflag:s10] =	ssyncadd.s32 $0xFFFF8000  }
0x10b: {  	[tilespmem:s6], [sflag:$0x3] =	stream.indirect.gather [hbm4b:s4+s5], $0x80, s28, s5, $0xb8;
	[tilespmem:$0x11000] =	vst v63  }
0x10c: {  	_ =	swait.ge [sflag:s7], $0x8000  }
0x10d: {  	[sflag:s7] =	ssyncset.done $0x0  }
0x10e: {  	[sflag:s7] =	ssyncadd.s32 $0xFFFF8000  }
0x10f: {  	[hbm4b:s29+s2] =	stream.linear.scatter [tilespmem:s6], [sflag:$0x1], $0x8000, $0x38;
	[tilespmem:$0x11000] =	vst v63  }
0x110: {  	_ =	swait.ge [sflag:s12], $0x8000  }
0x111: {  	[sflag:s12] =	ssyncset.done $0x0  }
0x112: {  	[sflag:s12] =	ssyncadd.s32 $0xFFFF8000  }
0x113: {  	[tilespmem:s8], [sflag:$0x4] =	stream.indirect.gather [hbm4b:s4+s5], $0x80, s30, s5, $0xb8;
	[tilespmem:$0x11000] =	vst v63  }
0x114: {  	_ =	swait.ge [sflag:s9], $0x8000  }
0x115: {  	[sflag:s9] =	ssyncset.done $0x0  }
0x116: {  	p0 =	sne.s32 s0, $0x1;
	[sflag:s9] =	ssyncadd.s32 $0xFFFF8000  }
0x117: {  	[hbm4b:s31+s2] =	stream.linear.scatter [tilespmem:s8], [sflag:$0x2], $0x8000, $0x38;
	[tilespmem:$0x11000] =	vst v63  }
.Ltmp1:
0x118: {  	_ =	swait.ge [sflag:s10], $0x8000;
	(pc) =	sbr.rel @p0 .LBB2_1-.Ltmp1, $4  }
0x119: {  	[sflag:s10] =	ssyncset.done $0x0  }
0x11a: {  	[sflag:s10] =	ssyncadd.s32 $0xFFFF8000  }
0x11b: {  	_ =	swait.ge [sflag:s12], $0x8000  }
0x11c: {  	s0 =	sadd.s32 $0xFFFFFFFF, s0;
	[sflag:s12] =	ssyncset.done $0x0  }
.LBB2_2:
0x11d: {  	[sflag:s12] =	ssyncadd.s32 $0xFFFF8000  }
0x11e: {  	_ =	sfence.sel $0x180000  }
0x11f: {  	[bflag:$0x0] =	sbarrier.arrive $0xFFFF  }
0x120: {  	_ =	strace $0x9000004D  }
0x121: {  	s0 =	stileid.u32;
	[bflag:$0x2] =	sbarrier.arrive $0xFFFF  }
0x122: {  	p0 =	sne.s32 s0, $0x0;
	s0 =	rddreg [dreg:$0x1]  }
0x123: {  	s0 =	sadd.s32 @!p0 $0x100000, s0  }
0x124: {  	[sflag:s0] =	ssyncadd.tile.s32 @!p0 $0x1;
	_ =	shalt  }
.Lfunc_end2:
_tile_overlayer_lowered:
.L_overlay_start_2:
0x125: {  	(tag) =	ssettag $0x2  }
0x126: {  	s0 =	rddreg [dreg:$0x0];
	s2 =	stileid.u32  }
0x127: {  	s1 =	rddreg [dreg:$0x1];
	p0 =	sne.s32 s2, $0x0  }
0x128: {  	s3 =	rddreg [dreg:$0x2];
	[bflag:$0x3] =	sbarrier.arrive $0xFFFF;
	s2 =	simm.s32 @!p0 $0x1C05  }
0x129: {  	[timem:s3], [sflag:s2] =	dma.local @!p0 [hbm:s0], s1  }
0x12a: {  	s0 =	simm.s32 @!p0 $0x5  }
0x12b: {  	_ =	swait.ge @!p0 [sflag:s0], s1  }
0x12c: {  	s1 =	ssub.s32 @!p0 $0x0, s1;
	[sflag:s0] =	ssyncset.done @!p0 $0x0  }
0x12d: {  	[sflag:s0] =	ssyncadd.s32 @!p0 s1  }
0x12e: {  	[bflag:$0x3] =	sbarrier.arrive $0xFFFF  }
0x12f: {  	_ =	shalt  }

// kernel: kernel.24.cloned.1.call-start
scs
__scs_entry_jumppad:
0x0: {  	(pc) =	sbr.rel $0x88, $3  }
0x1: {  	(tag) =	ssettag $0x0;
	lr =	simm.s32 $0x1  }
0x2: {  	[smem:$0x3F9E] =	sst lr;
	_ =	strace $0xD0000000  }
0x3: {  	_ = 	snop  }
0x4: {  	_ = 	snop  }
0x5: {  	_ = 	snop  }
0x6: {  	_ = 	snop  }
0x7: {  	_ = 	snop  }
__scs_overlays_trampoline_lowered:
0x8: {  	[smem:$0x3FAD] =	sst s0  }
0x9: {  	[smem:$0x3FAE] =	sst s1  }
0xa: {  	[smem:$0x3FAF] =	sst s2  }
0xb: {  	[smem:$0x3FB0] =	sst s3  }
0xc: {  	[smem:$0x3FB1] =	sst s4  }
0xd: {  	[smem:$0x3FB2] =	sst s5  }
0xe: {  	[smem:$0x3FB3] =	sst s6  }
0xf: {  	[smem:$0x3FB4] =	sst s7  }
0x10: {  	[smem:$0x3FB5] =	sst s8  }
0x11: {  	[smem:$0x3FB6] =	sst s9;
	s0 =	simm.s32 @!p0 $0x0  }
0x12: {  	s1 =	sld [smem:$0x3F9C];
	s0 =	simm.s32 @p0 $0x1  }
0x13: {  	[smem:$0x3FB7] =	sst s0;
	s0 =	simm.s32 @!p1 $0x0  }
0x14: {  	s2 =	sld [smem:$0x3F9B];
	s0 =	simm.s32 @p1 $0x1  }
0x15: {  	[smem:$0x3FB8] =	sst s0;
	s0 =	simm.s32 @!p2 $0x0  }
0x16: {  	s3 =	sld [smem:$0x3FDB];
	s0 =	simm.s32 @p2 $0x1  }
0x17: {  	s4 =	simm.s32 $0x1BF5;
	[smem:$0x3FBA] =	sst s0  }
0x18: {  	s0 =	sld [smem:$0x3F9D];
	_ =	swait.ge [sflag:s4], $0x0  }
0x19: {  	s7 =	sld [smem:$0x3F9E]  }
0x1a: {  	s8 =	sadd.s32 $0xFFFFE003, lr  }
0x1b: {  	s9 =	sadd.s32 $0xFFFFFEF7, lr;
	s5 =	simm.s32 $0xFFFFFFFF;
	p2 =	slt.u32 s8, $0xFFFFF086  }
0x1c: {  	p1 =	slt.u32 s9, $0xF7A;
	s5 =	simm.s32 @!p2 $0x0  }
0x1d: {  	s5 =	simm.s32 @p1 $0x1;
	p0 =	seq.s32 s7, s2  }
0x1e: {  	s7 =	smul.u32 @!p0 $0xF7A, s2;
	p2 =	seq.s32 @!p0 s5, $0x0  }
0x1f: {  	s9 =	smul.u32 $0xF7A, s1;
	s8 =	simm.s32 @!p0 $0x1BF5;
	p2 =	por !p2, p0  }
0x20: {  	[sflag:s8] =	ssyncset.s32 @!p0 $0xFFFFF086;
	s6 =	sadd.s32 @!p0 s3, s7;
	s7 =	simm.s32 @!p0 $0x108  }
0x21: {  	s3 =	sadd.s32 s3, s9;
	s6 =	sadd.s32 @!p0 $0x88, s6;
	s7 =	simm.s32 @p2 $0x1082  }
0x22: {  	[simem:s7], [sflag:s8] =	dma.local @!p0 [hbm:s6], $0xF7A  }
0x23: {  	s9 =	sor.u32 $0xD0000000, s2;
	s6 =	simm.s32 $0x108;
	_ =	swait.ge @!p0 [sflag:s8], $0x0  }
0x24: {  	s3 =	sadd.s32 $0x88, s3;
	s6 =	simm.s32 @!p1 $0x1082;
	[sflag:s4] =	ssyncset.s32 $0xFFFFF086  }
0x25: {  	[simem:s6], [sflag:s4] =	dma.local [hbm:s3], $0xF7A  }
0x26: {  	[smem:$0x3F9E] =	sst s1;
	(tag) =	ssettag s2;
	_ =	strace s9  }
0x27: {  	s1 =	sld [smem:$0x3FAE]  }
0x28: {  	s2 =	sld [smem:$0x3FAF]  }
0x29: {  	s4 =	sld [smem:$0x3FB1]  }
0x2a: {  	p0 =	seq.s32 s5, $0x0;
	s5 =	sld [smem:$0x3FB2]  }
0x2b: {  	s6 =	sld [smem:$0x3FB3]  }
0x2c: {  	s7 =	sld [smem:$0x3FB4]  }
0x2d: {  	s3 =	simm.s32 $0x108;
	s8 =	sld [smem:$0x3FB5]  }
0x2e: {  	s3 =	simm.s32 @!p0 $0x1082;
	s9 =	sld [smem:$0x3FB6]  }
0x2f: {  	lr =	sadd.s32 s0, s3;
	s0 =	sld [smem:$0x3FAD]  }
0x30: {  	s3 =	sld [smem:$0x3FB0]  }
0x31: {  	[smem:$0x3FB9] =	sst s10  }
0x32: {  	s10 =	sld [smem:$0x3FB7];
	_ =	sdelay $0x3  }
0x33: {  	p0 =	seq.s32 s10, $0x1;
	s10 =	sld [smem:$0x3FB9];
	_ =	sdelay $0x3  }
0x34: {  	[smem:$0x3FB9] =	sst s10  }
0x35: {  	s10 =	sld [smem:$0x3FB8];
	_ =	sdelay $0x3  }
0x36: {  	p1 =	seq.s32 s10, $0x1;
	s10 =	sld [smem:$0x3FB9];
	_ =	sdelay $0x3  }
0x37: {  	[smem:$0x3FB9] =	sst s10  }
0x38: {  	s10 =	sld [smem:$0x3FBA]  }
0x39: {  	_ = 	snop;
	(pc) =	sbr.ind lr, $3  }
0x3a: {  	_ = 	snop  }
0x3b: {  	_ = 	snop  }
0x3c: {  	p2 =	seq.s32 s10, $0x1;
	s10 =	sld [smem:$0x3FB9]  }
0x3d: {  	_ =	shalt  }
0x3e: {  	_ =	shalt  }
0x3f: {  	_ =	shalt  }
0x40: {  	_ =	shalt  }
0x41: {  	_ =	shalt  }
0x42: {  	_ =	shalt  }
0x43: {  	_ =	shalt  }
0x44: {  	_ =	shalt  }
0x45: {  	_ =	shalt  }
0x46: {  	_ =	shalt  }
0x47: {  	_ =	shalt  }
0x48: {  	_ =	shalt  }
0x49: {  	_ =	shalt  }
0x4a: {  	_ =	shalt  }
0x4b: {  	_ =	shalt  }
0x4c: {  	_ =	shalt  }
0x4d: {  	_ =	shalt  }
0x4e: {  	_ =	shalt  }
0x4f: {  	_ =	shalt  }
0x50: {  	_ =	shalt  }
0x51: {  	_ =	shalt  }
0x52: {  	_ =	shalt  }
0x53: {  	_ =	shalt  }
0x54: {  	_ =	shalt  }
0x55: {  	_ =	shalt  }
0x56: {  	_ =	shalt  }
0x57: {  	_ =	shalt  }
0x58: {  	_ =	shalt  }
0x59: {  	_ =	shalt  }
0x5a: {  	_ =	shalt  }
0x5b: {  	_ =	shalt  }
0x5c: {  	_ =	shalt  }
0x5d: {  	_ =	shalt  }
0x5e: {  	_ =	shalt  }
0x5f: {  	_ =	shalt  }
0x60: {  	_ =	shalt  }
0x61: {  	_ =	shalt  }
0x62: {  	_ =	shalt  }
0x63: {  	_ =	shalt  }
0x64: {  	_ =	shalt  }
0x65: {  	_ =	shalt  }
0x66: {  	_ =	shalt  }
0x67: {  	_ =	shalt  }
0x68: {  	_ =	shalt  }
0x69: {  	_ =	shalt  }
0x6a: {  	_ =	shalt  }
0x6b: {  	_ =	shalt  }
0x6c: {  	_ =	shalt  }
0x6d: {  	_ =	shalt  }
0x6e: {  	_ =	shalt  }
0x6f: {  	_ =	shalt  }
0x70: {  	_ =	shalt  }
0x71: {  	_ =	shalt  }
0x72: {  	_ =	shalt  }
0x73: {  	_ =	shalt  }
0x74: {  	_ =	shalt  }
0x75: {  	_ =	shalt  }
0x76: {  	_ =	shalt  }
0x77: {  	_ =	shalt  }
0x78: {  	_ =	shalt  }
0x79: {  	_ =	shalt  }
0x7a: {  	_ =	shalt  }
0x7b: {  	_ =	shalt  }
0x7c: {  	_ =	shalt  }
0x7d: {  	_ =	shalt  }
0x7e: {  	_ =	shalt  }
0x7f: {  	_ =	shalt  }
0x80: {  	_ =	shalt  }
0x81: {  	_ =	shalt  }
0x82: {  	_ =	shalt  }
0x83: {  	_ =	shalt  }
0x84: {  	_ =	shalt  }
0x85: {  	_ =	shalt  }
0x86: {  	_ =	shalt  }
0x87: {  	_ =	shalt  }
.Lfunc_end0:
.L_simem_size_0:
called_computation.3_lowered:
.L_overlay_start_0:
0x88: {  	s2 =	sld [smem:$0x3FD9]  }
0x89: {  	s3 =	sld [smem:$0x3FFE];
	_ =	sdelay $0x1  }
0x8a: {  	s1 =	srdreg.scid  }
0x8b: {  	s0 =	sand.u32 $0x1, s1  }
0x8c: {  	s17 =	sshll.u32 s0, $0xA;
	s2 =	sadd.s32 s3, s2  }
0x8d: {  	s2 =	sadd.s32 s2, s17  }
0x8e: {  	[smem:$0x3FC5] =	sst s2  }
0x8f: {  	_ = 	snop  }
0x90: {  	(tm) =	ssettm $0x1  }
0x91: {  	s18 =	sld [smem:$0x3FFB];
	_ =	sdelay $0x3  }
0x92: {  	_ =	strace s18  }
0x93: {  	s2 =	sld [smem:$0x3FFC];
	_ =	sdelay $0x3  }
0x94: {  	_ =	strace s2  }
0x95: {  	s2 =	sld [smem:$0x3FFD];
	_ =	sdelay $0x3  }
0x96: {  	_ =	strace s2  }
0x97: {  	_ =	strace $0x8FFFFFFF  }
0x98: {  	s19 =	sld [smem:$0x3FDB];
	_ =	sdelay $0x1  }
0x99: {  	s20 =	simm.s32 $_scs_section_size  }
0x9a: {  	s4 =	simm.s32 $_size__tile_overlayer_lowered;
	s5 =	simm.s32 $_tile_overlayer_lowered  }
0x9b: {  	s6 =	simm.s32 $0x1BFF;
	s21 =	sshll.u32 s5, $0x1;
	s3 =	sadd.s32 s20, s19  }
0x9c: {  	s22 =	simm.s32 $0x0;
	s4 =	sshll.u32 s4, $0x1;
	s5 =	sadd.s32 s21, s3  }
0x9d: {  	[timem:s22], [sflag:s6] =	dma.local [hbm:s5], s4  }
0x9e: {  	_ =	swait.ge [sflag:s6], s4  }
0x9f: {  	s4 =	ssub.s32 $0x0, s4;
	[sflag:s6] =	ssyncset.done $0x0  }
0xa0: {  	[sflag:s6] =	ssyncadd.s32 s4;
	_ =	sdelay $0x1  }
0xa1: {  	s23 =	simm.s32 $0x1B8B  }
0xa2: {  	_ =	swait.ge [sflag:s23], $0x1  }
0xa3: {  	[sflag:s23] =	ssyncset.done $0x0  }
0xa4: {  	[sflag:s23] =	ssyncadd.s32 $0xFFFFFFFF  }
0xa5: {  	s4 =	sld [smem:$0x0]  }
0xa6: {  	s5 =	sand.u32 $0xFFFFFFFE, s1  }
0xa7: {  	p0 =	sne.s32 s1, s5  }
0xa8: {  	s5 =	sshll.u32 @p0 s5, $0xE  }
0xa9: {  	s5 =	sadd.s32 @p0 $0x11B8D, s5;
	s6 =	sshll.u32 @p0 s4, $0x11  }
0xaa: {  	s5 =	sor.u32 @p0 s6, s5  }
0xab: {  	[sflag:s5] =	ssyncadd.remote.s32 @p0 $0x1;
	_ =	sdelay $0x1  }
0xac: {  	s5 =	simm.s32 @p0 $0x1B8D  }
0xad: {  	_ =	swait.eq @p0 [sflag:s5], $0x1  }
0xae: {  	[sflag:s5] =	ssyncadd.s32 @p0 $0xFFFFFFFF  }
0xaf: {  	s6 =	sshll.u32 @!p0 s1, $0xE  }
0xb0: {  	s6 =	sor.u32 @!p0 $0x4000, s6;
	s5 =	simm.s32 @!p0 $0x1B8D  }
0xb1: {  	s4 =	sshll.u32 @!p0 s4, $0x11;
	s6 =	sadd.s32 @!p0 $0x11B8D, s6;
	_ =	swait.eq @!p0 [sflag:s5], $0x1  }
0xb2: {  	s4 =	sor.u32 @!p0 s4, s6;
	[sflag:s5] =	ssyncadd.s32 @!p0 $0xFFFFFFFF  }
0xb3: {  	s25 =	simm.s32 $0x1B8E;
	s24 =	sld [smem:$0x3FFE];
	[sflag:s4] =	ssyncadd.remote.s32 @!p0 $0x1  }
0xb4: {  	s26 =	simm.s32 $execute0_lowered;
	[smem:$0x3FD2] =	sst s25  }
0xb5: {  	s5 =	sshll.u32 s26, $0x1;
	_ =	strace $0x80000058;
	[dreg:$0x1] =	wrdreg $0xFFFFFFFF  }
0xb6: {  	s28 =	simm.s32 $_size_execute0_lowered;
	s3 =	sadd.s32 s3, s5;
	[dreg:$0x0] =	wrdreg $0x0  }
0xb7: {  	s5 =	sshll.u32 s28, $0x1;
	[dreg:$0x2] =	wrdreg s3  }
0xb8: {  	[dreg:$0x3] =	wrdreg s5  }
0xb9: {  	[dreg:$0x4] =	wrdreg $0xC0  }
0xba: {  	_ =	task [dreg:s22], $0x5FFFF  }
0xbb: {  	[dreg:$0x1] =	wrdreg $0xFFFFFFFF  }
0xbc: {  	[dreg:$0x0] =	wrdreg $0x60  }
0xbd: {  	[dreg:$0x2] =	wrdreg s24  }
0xbe: {  	[dreg:$0x3] =	wrdreg $0xB  }
0xbf: {  	_ =	task.clear_ibuf [dreg:s22], $0x4FFFF;
	_ =	strace $0x90000058  }
0xc0: {  	s29 =	simm.s32 $0xB;
	_ =	strace $0x8000005A  }
0xc1: {  	_ =	swait.ge [sflag:s29], $0x1  }
0xc2: {  	[sflag:s29] =	ssyncadd.s32 $0xFFFFFFFF  }
0xc3: {  	_ =	strace $0x9000005A  }
0xc4: {  	_ =	sfence  }
0xc5: {  	s30 =	sld [smem:$0x0];
	_ =	sdelay $0x2  }
0xc6: {  	s31 =	sshll.u32 s1, $0xD;
	s1 =	sshrl.u32 s1, $0x2  }
0xc7: {  	s4 =	sand.u32 $0x4000, s31;
	s1 =	sadd.s32 s1, s30  }
0xc8: {  	s0 =	sor.u32 s4, s0;
	s1 =	sshll.u32 s1, $0x11  }
0xc9: {  	s0 =	sor.u32 s1, s0  }
0xca: {  	s0 =	sadd.s32 $0x8F2B, s0  }
0xcb: {  	[sflag:s0] =	ssyncadd.remote.s32 $0x1  }
0xcc: {  	_ =	sfence.sel $0xFFFF  }
0xcd: {  	[dreg:$0x0] =	wrdreg $0xFFFFFFFF;
	(pc) =	sbr.abs _section_cstart, $3  }
0xce: {  	[dreg:$0x1] =	wrdreg $0xFFFFFFFF  }
0xcf: {  	_ =	task.clear_ibuf [dreg:s22], $0x2FFFF;
	_ =	strace $0x9FFFFFFF  }
0xd0: {  	(tm) =	ssettm $0x7FFFFFFF  }
0xd1: {  	_ =	shalt  }
tec
execute0_lowered:
.L_overlay_start_1:
0x0: {  	(tag) =	ssettag $0x1  }
0x1: {  	s1 =	srdreg.scid  }
0x2: {  	s0 =	stileid.u32;
	s28 =	sand.u32 $0x1, s1  }
0x3: {  	s30 =	sshll.u32 s0, $0xC;
	s2 =	sshll.u32 s28, $0xB  }
0x4: {  	s9 =	sor.u32 s2, s30  }
0x5: {  	s12 =	rddreg [dreg:$0x0];
	s2 =	simm.s32 $0x0;
	s3 =	sshrl.u32 s9, $0x3  }
0x6: {  	s4 =	simm.s32 $0x5;
	[smem:$0x7FF] =	sst s2;
	s3 =	sadd.s32 s3, s12  }
0x7: {  	s1 =	rddreg [dreg:$0x1];
	_ =	strace $0x80000059;
	s3 =	sadd.s32 $0xE000, s3  }
0x8: {  	[tilespmem:s2], [sflag:$0x5] =	stream.linear.gather [hbm4b:s3+s2], $0x800, $0x38;
	[tilespmem:$0x10800] =	vst v63  }
0x9: {  	_ =	swait.ge [sflag:s4], $0x800  }
0xa: {  	s6 =	simm.s32 $0x100;
	s7 =	simm.s32 $0x800;
	[sflag:s4] =	ssyncset.done $0x0  }
0xb: {  	s8 =	simm.s32 $0x3;
	s5 =	sadd.s32 $0x50C000, s12;
	[sflag:s4] =	ssyncadd.s32 $0xFFFFF800  }
0xc: {  	[tilespmem:s7], [sflag:$0x3] =	stream.indirect.gather [hbm4b:s5+s6], $0x80, s2, s6, $0xb8;
	[tilespmem:$0x10800] =	vst v63  }
0xd: {  	_ =	swait.ge [sflag:s8], $0x8000  }
0xe: {  	s24 =	sadd.s32 $0x60C000, s12;
	s25 =	sshll.u32 s9, $0x4;
	[sflag:s8] =	ssyncset.done $0x0  }
0xf: {  	s9 =	sadd.s32 s24, s25;
	[sflag:s8] =	ssyncadd.s32 $0xFFFF8000  }
0x10: {  	[hbm4b:s9+s2] =	stream.linear.scatter [tilespmem:s7], [sflag:$0x1], $0x8000, $0x38;
	[tilespmem:$0x10800] =	vst v63  }
0x11: {  	s10 =	simm.s32 $0x8800;
	s11 =	simm.s32 $0x4  }
0x12: {  	[tilespmem:s10], [sflag:$0x4] =	stream.indirect.gather [hbm4b:s5+s6], $0x80, s6, s6, $0xb8;
	[tilespmem:$0x10800] =	vst v63  }
0x13: {  	_ =	swait.ge [sflag:s11], $0x8000  }
0x14: {  	s26 =	sadd.s32 $0x60D000, s12;
	[sflag:s11] =	ssyncset.done $0x0  }
0x15: {  	s13 =	simm.s32 $0x1;
	s12 =	sadd.s32 s25, s26;
	[sflag:s11] =	ssyncadd.s32 $0xFFFF8000  }
0x16: {  	[hbm4b:s12+s2] =	stream.linear.scatter [tilespmem:s10], [sflag:$0x2], $0x8000, $0x38;
	[tilespmem:$0x10800] =	vst v63  }
0x17: {  	_ =	swait.ge [sflag:s13], $0x8000  }
0x18: {  	[sflag:s13] =	ssyncset.done $0x0  }
0x19: {  	s14 =	simm.s32 $0x200;
	[sflag:s13] =	ssyncadd.s32 $0xFFFF8000  }
0x1a: {  	[tilespmem:s7], [sflag:$0x3] =	stream.indirect.gather [hbm4b:s5+s6], $0x80, s14, s6, $0xb8;
	[tilespmem:$0x10800] =	vst v63  }
0x1b: {  	_ =	swait.ge [sflag:s8], $0x8000  }
0x1c: {  	s18 =	sor.u32 $0x2000, s25;
	[sflag:s8] =	ssyncset.done $0x0  }
0x1d: {  	s15 =	simm.s32 $0x2;
	s16 =	sadd.s32 s24, s18;
	[sflag:s8] =	ssyncadd.s32 $0xFFFF8000  }
0x1e: {  	[hbm4b:s16+s2] =	stream.linear.scatter [tilespmem:s7], [sflag:$0x1], $0x8000, $0x38;
	[tilespmem:$0x10800] =	vst v63  }
0x1f: {  	_ =	swait.ge [sflag:s15], $0x8000  }
0x20: {  	[sflag:s15] =	ssyncset.done $0x0  }
0x21: {  	s17 =	simm.s32 $0x300;
	[sflag:s15] =	ssyncadd.s32 $0xFFFF8000  }
0x22: {  	[tilespmem:s10], [sflag:$0x4] =	stream.indirect.gather [hbm4b:s5+s6], $0x80, s17, s6, $0xb8;
	[tilespmem:$0x10800] =	vst v63  }
0x23: {  	_ =	swait.ge [sflag:s11], $0x8000  }
0x24: {  	[sflag:s11] =	ssyncset.done $0x0  }
0x25: {  	s18 =	sadd.s32 s18, s26;
	[sflag:s11] =	ssyncadd.s32 $0xFFFF8000  }
0x26: {  	[hbm4b:s18+s2] =	stream.linear.scatter [tilespmem:s10], [sflag:$0x2], $0x8000, $0x38;
	[tilespmem:$0x10800] =	vst v63  }
0x27: {  	_ =	swait.ge [sflag:s13], $0x8000  }
0x28: {  	[sflag:s13] =	ssyncset.done $0x0  }
0x29: {  	s19 =	simm.s32 $0x400;
	[sflag:s13] =	ssyncadd.s32 $0xFFFF8000  }
0x2a: {  	[tilespmem:s7], [sflag:$0x3] =	stream.indirect.gather [hbm4b:s5+s6], $0x80, s19, s6, $0xb8;
	[tilespmem:$0x10800] =	vst v63  }
0x2b: {  	_ =	swait.ge [sflag:s8], $0x8000  }
0x2c: {  	s22 =	sor.u32 $0x4000, s25;
	[sflag:s8] =	ssyncset.done $0x0  }
0x2d: {  	s20 =	sadd.s32 s24, s22;
	[sflag:s8] =	ssyncadd.s32 $0xFFFF8000  }
0x2e: {  	[hbm4b:s20+s2] =	stream.linear.scatter [tilespmem:s7], [sflag:$0x1], $0x8000, $0x38;
	[tilespmem:$0x10800] =	vst v63  }
0x2f: {  	_ =	swait.ge [sflag:s15], $0x8000  }
0x30: {  	[sflag:s15] =	ssyncset.done $0x0  }
0x31: {  	s21 =	simm.s32 $0x500;
	[sflag:s15] =	ssyncadd.s32 $0xFFFF8000  }
0x32: {  	[tilespmem:s10], [sflag:$0x4] =	stream.indirect.gather [hbm4b:s5+s6], $0x80, s21, s6, $0xb8;
	[tilespmem:$0x10800] =	vst v63  }
0x33: {  	_ =	swait.ge [sflag:s11], $0x8000  }
0x34: {  	[sflag:s11] =	ssyncset.done $0x0  }
0x35: {  	s22 =	sadd.s32 s22, s26;
	[sflag:s11] =	ssyncadd.s32 $0xFFFF8000  }
0x36: {  	[hbm4b:s22+s2] =	stream.linear.scatter [tilespmem:s10], [sflag:$0x2], $0x8000, $0x38;
	[tilespmem:$0x10800] =	vst v63  }
0x37: {  	_ =	swait.ge [sflag:s13], $0x8000  }
0x38: {  	[sflag:s13] =	ssyncset.done $0x0  }
0x39: {  	s23 =	simm.s32 $0x600;
	[sflag:s13] =	ssyncadd.s32 $0xFFFF8000  }
0x3a: {  	[tilespmem:s7], [sflag:$0x3] =	stream.indirect.gather [hbm4b:s5+s6], $0x80, s23, s6, $0xb8;
	[tilespmem:$0x10800] =	vst v63  }
0x3b: {  	_ =	swait.ge [sflag:s8], $0x8000  }
0x3c: {  	s29 =	sor.u32 $0x6000, s25;
	[sflag:s8] =	ssyncset.done $0x0  }
0x3d: {  	s24 =	sadd.s32 s24, s29;
	[sflag:s8] =	ssyncadd.s32 $0xFFFF8000  }
0x3e: {  	[hbm4b:s24+s2] =	stream.linear.scatter [tilespmem:s7], [sflag:$0x1], $0x8000, $0x38;
	[tilespmem:$0x10800] =	vst v63  }
0x3f: {  	_ =	swait.ge [sflag:s15], $0x8000  }
0x40: {  	s28 =	ssub.s32 $0x2, s28;
	[sflag:s15] =	ssyncset.done $0x0  }
0x41: {  	s31 =	sshrl.u32 s28, $0x1;
	s25 =	simm.s32 $0x700;
	[sflag:s15] =	ssyncadd.s32 $0xFFFF8000  }
0x42: {  	[tilespmem:s10], [sflag:$0x4] =	stream.indirect.gather [hbm4b:s5+s6], $0x80, s25, s6, $0xb8;
	[tilespmem:$0x10800] =	vst v63  }
0x43: {  	s28 =	ssub.s32 s28, s31;
	_ =	swait.ge [sflag:s11], $0x8000  }
0x44: {  	s28 =	smax.u32 s28, $0x1;
	[sflag:s11] =	ssyncset.done $0x0  }
0x45: {  	s26 =	sadd.s32 s29, s26;
	p0 =	sne.s32 s28, $0x1;
	[sflag:s11] =	ssyncadd.s32 $0xFFFF8000  }
0x46: {  	[hbm4b:s26+s2] =	stream.linear.scatter [tilespmem:s10], [sflag:$0x2], $0x8000, $0x38;
	[tilespmem:$0x10800] =	vst v63  }
.Ltmp0:
0x47: {  	_ =	swait.ge [sflag:s13], $0x8000;
	(pc) =	sbr.rel @!p0 .LBB2_2-.Ltmp0, $4  }
0x48: {  	[sflag:s13] =	ssyncset.done $0x0  }
0x49: {  	[sflag:s13] =	ssyncadd.s32 $0xFFFF8000  }
0x4a: {  	_ =	swait.ge [sflag:s15], $0x8000  }
0x4b: {  	s28 =	sadd.s32 $0xFFFFFFFF, s28;
	[sflag:s15] =	ssyncset.done $0x0  }
.LBB2_1:
0x4c: {  	p0 =	sne.s32 s28, $0x1;
	s28 =	sadd.s32 $0xFFFFFFFF, s28;
	[sflag:s15] =	ssyncadd.s32 $0xFFFF8000  }
0x4d: {  	[tilespmem:s2], [sflag:$0x5] =	stream.linear.gather [hbm4b:s3+s2], $0x800, $0x38;
	[tilespmem:$0x10800] =	vst v63  }
0x4e: {  	_ =	swait.ge [sflag:s4], $0x800  }
0x4f: {  	[sflag:s4] =	ssyncset.done $0x0  }
0x50: {  	[sflag:s4] =	ssyncadd.s32 $0xFFFFF800  }
0x51: {  	[tilespmem:s7], [sflag:$0x3] =	stream.indirect.gather [hbm4b:s5+s6], $0x80, s2, s6, $0xb8;
	[tilespmem:$0x10800] =	vst v63  }
0x52: {  	_ =	swait.ge [sflag:s8], $0x8000  }
0x53: {  	[sflag:s8] =	ssyncset.done $0x0  }
0x54: {  	[sflag:s8] =	ssyncadd.s32 $0xFFFF8000  }
0x55: {  	[hbm4b:s9+s2] =	stream.linear.scatter [tilespmem:s7], [sflag:$0x1], $0x8000, $0x38;
	[tilespmem:$0x10800] =	vst v63  }
0x56: {  	_ = 	snop  }
0x57: {  	[tilespmem:s10], [sflag:$0x4] =	stream.indirect.gather [hbm4b:s5+s6], $0x80, s6, s6, $0xb8;
	[tilespmem:$0x10800] =	vst v63  }
0x58: {  	_ =	swait.ge [sflag:s11], $0x8000  }
0x59: {  	[sflag:s11] =	ssyncset.done $0x0  }
0x5a: {  	[sflag:s11] =	ssyncadd.s32 $0xFFFF8000  }
0x5b: {  	[hbm4b:s12+s2] =	stream.linear.scatter [tilespmem:s10], [sflag:$0x2], $0x8000, $0x38;
	[tilespmem:$0x10800] =	vst v63  }
0x5c: {  	_ =	swait.ge [sflag:s13], $0x8000  }
0x5d: {  	[sflag:s13] =	ssyncset.done $0x0  }
0x5e: {  	[sflag:s13] =	ssyncadd.s32 $0xFFFF8000  }
0x5f: {  	[tilespmem:s7], [sflag:$0x3] =	stream.indirect.gather [hbm4b:s5+s6], $0x80, s14, s6, $0xb8;
	[tilespmem:$0x10800] =	vst v63  }
0x60: {  	_ =	swait.ge [sflag:s8], $0x8000  }
0x61: {  	[sflag:s8] =	ssyncset.done $0x0  }
0x62: {  	[sflag:s8] =	ssyncadd.s32 $0xFFFF8000  }
0x63: {  	[hbm4b:s16+s2] =	stream.linear.scatter [tilespmem:s7], [sflag:$0x1], $0x8000, $0x38;
	[tilespmem:$0x10800] =	vst v63  }
0x64: {  	_ =	swait.ge [sflag:s15], $0x8000  }
0x65: {  	[sflag:s15] =	ssyncset.done $0x0  }
0x66: {  	[sflag:s15] =	ssyncadd.s32 $0xFFFF8000  }
0x67: {  	[tilespmem:s10], [sflag:$0x4] =	stream.indirect.gather [hbm4b:s5+s6], $0x80, s17, s6, $0xb8;
	[tilespmem:$0x10800] =	vst v63  }
0x68: {  	_ =	swait.ge [sflag:s11], $0x8000  }
0x69: {  	[sflag:s11] =	ssyncset.done $0x0  }
0x6a: {  	[sflag:s11] =	ssyncadd.s32 $0xFFFF8000  }
0x6b: {  	[hbm4b:s18+s2] =	stream.linear.scatter [tilespmem:s10], [sflag:$0x2], $0x8000, $0x38;
	[tilespmem:$0x10800] =	vst v63  }
0x6c: {  	_ =	swait.ge [sflag:s13], $0x8000  }
0x6d: {  	[sflag:s13] =	ssyncset.done $0x0  }
0x6e: {  	[sflag:s13] =	ssyncadd.s32 $0xFFFF8000  }
0x6f: {  	[tilespmem:s7], [sflag:$0x3] =	stream.indirect.gather [hbm4b:s5+s6], $0x80, s19, s6, $0xb8;
	[tilespmem:$0x10800] =	vst v63  }
0x70: {  	_ =	swait.ge [sflag:s8], $0x8000  }
0x71: {  	[sflag:s8] =	ssyncset.done $0x0  }
0x72: {  	[sflag:s8] =	ssyncadd.s32 $0xFFFF8000  }
0x73: {  	[hbm4b:s20+s2] =	stream.linear.scatter [tilespmem:s7], [sflag:$0x1], $0x8000, $0x38;
	[tilespmem:$0x10800] =	vst v63  }
0x74: {  	_ =	swait.ge [sflag:s15], $0x8000  }
0x75: {  	[sflag:s15] =	ssyncset.done $0x0  }
0x76: {  	[sflag:s15] =	ssyncadd.s32 $0xFFFF8000  }
0x77: {  	[tilespmem:s10], [sflag:$0x4] =	stream.indirect.gather [hbm4b:s5+s6], $0x80, s21, s6, $0xb8;
	[tilespmem:$0x10800] =	vst v63  }
0x78: {  	_ =	swait.ge [sflag:s11], $0x8000  }
0x79: {  	[sflag:s11] =	ssyncset.done $0x0  }
0x7a: {  	[sflag:s11] =	ssyncadd.s32 $0xFFFF8000  }
0x7b: {  	[hbm4b:s22+s2] =	stream.linear.scatter [tilespmem:s10], [sflag:$0x2], $0x8000, $0x38;
	[tilespmem:$0x10800] =	vst v63  }
0x7c: {  	_ =	swait.ge [sflag:s13], $0x8000  }
0x7d: {  	[sflag:s13] =	ssyncset.done $0x0  }
0x7e: {  	[sflag:s13] =	ssyncadd.s32 $0xFFFF8000  }
0x7f: {  	[tilespmem:s7], [sflag:$0x3] =	stream.indirect.gather [hbm4b:s5+s6], $0x80, s23, s6, $0xb8;
	[tilespmem:$0x10800] =	vst v63  }
0x80: {  	_ =	swait.ge [sflag:s8], $0x8000  }
0x81: {  	[sflag:s8] =	ssyncset.done $0x0  }
0x82: {  	[sflag:s8] =	ssyncadd.s32 $0xFFFF8000  }
0x83: {  	[hbm4b:s24+s2] =	stream.linear.scatter [tilespmem:s7], [sflag:$0x1], $0x8000, $0x38;
	[tilespmem:$0x10800] =	vst v63  }
0x84: {  	_ =	swait.ge [sflag:s15], $0x8000  }
0x85: {  	[sflag:s15] =	ssyncset.done $0x0  }
0x86: {  	[sflag:s15] =	ssyncadd.s32 $0xFFFF8000  }
0x87: {  	[tilespmem:s10], [sflag:$0x4] =	stream.indirect.gather [hbm4b:s5+s6], $0x80, s25, s6, $0xb8;
	[tilespmem:$0x10800] =	vst v63  }
0x88: {  	_ =	swait.ge [sflag:s11], $0x8000  }
0x89: {  	[sflag:s11] =	ssyncset.done $0x0  }
0x8a: {  	[sflag:s11] =	ssyncadd.s32 $0xFFFF8000  }
0x8b: {  	[hbm4b:s26+s2] =	stream.linear.scatter [tilespmem:s10], [sflag:$0x2], $0x8000, $0x38;
	[tilespmem:$0x10800] =	vst v63  }
.Ltmp1:
0x8c: {  	_ =	swait.ge [sflag:s13], $0x8000;
	(pc) =	sbr.rel @p0 .LBB2_1-.Ltmp1, $4  }
0x8d: {  	[sflag:s13] =	ssyncset.done $0x0  }
0x8e: {  	[sflag:s13] =	ssyncadd.s32 $0xFFFF8000  }
0x8f: {  	_ =	swait.ge [sflag:s15], $0x8000  }
0x90: {  	[sflag:s15] =	ssyncset.done $0x0  }
.LBB2_2:
0x91: {  	[sflag:s15] =	ssyncadd.s32 $0xFFFF8000  }
0x92: {  	_ =	sfence.sel $0x180000  }
0x93: {  	[bflag:$0x0] =	sbarrier.arrive $0xFFFF  }
0x94: {  	p0 =	sne.s32 s0, $0x0;
	_ =	strace $0x90000059  }
0x95: {  	s0 =	sadd.s32 @!p0 $0x100000, s1;
	[bflag:$0x2] =	sbarrier.arrive $0xFFFF  }
0x96: {  	[sflag:s0] =	ssyncadd.tile.s32 @!p0 $0x1;
	_ =	shalt  }
.Lfunc_end2:
_tile_overlayer_lowered:
.L_overlay_start_2:
0x97: {  	(tag) =	ssettag $0x2  }
0x98: {  	s0 =	rddreg [dreg:$0x0];
	s2 =	stileid.u32  }
0x99: {  	s1 =	rddreg [dreg:$0x1];
	p0 =	sne.s32 s2, $0x0  }
0x9a: {  	s3 =	rddreg [dreg:$0x2];
	[bflag:$0x3] =	sbarrier.arrive $0xFFFF;
	s2 =	simm.s32 @!p0 $0x1C05  }
0x9b: {  	[timem:s3], [sflag:s2] =	dma.local @!p0 [hbm:s0], s1  }
0x9c: {  	s0 =	simm.s32 @!p0 $0x5  }
0x9d: {  	_ =	swait.ge @!p0 [sflag:s0], s1  }
0x9e: {  	s1 =	ssub.s32 @!p0 $0x0, s1;
	[sflag:s0] =	ssyncset.done @!p0 $0x0  }
0x9f: {  	[sflag:s0] =	ssyncadd.s32 @!p0 s1  }
0xa0: {  	[bflag:$0x3] =	sbarrier.arrive $0xFFFF  }
0xa1: {  	_ =	shalt  }

// kernel: kernel.27.cloned.1.call-start
scs
__scs_entry_jumppad:
0x0: {  	(pc) =	sbr.rel $0x88, $3  }
0x1: {  	(tag) =	ssettag $0x0;
	lr =	simm.s32 $0x1  }
0x2: {  	[smem:$0x3F9E] =	sst lr;
	_ =	strace $0xD0000000  }
0x3: {  	_ = 	snop  }
0x4: {  	_ = 	snop  }
0x5: {  	_ = 	snop  }
0x6: {  	_ = 	snop  }
0x7: {  	_ = 	snop  }
__scs_overlays_trampoline_lowered:
0x8: {  	[smem:$0x3FAD] =	sst s0  }
0x9: {  	[smem:$0x3FAE] =	sst s1  }
0xa: {  	[smem:$0x3FAF] =	sst s2  }
0xb: {  	[smem:$0x3FB0] =	sst s3  }
0xc: {  	[smem:$0x3FB1] =	sst s4  }
0xd: {  	[smem:$0x3FB2] =	sst s5  }
0xe: {  	[smem:$0x3FB3] =	sst s6  }
0xf: {  	[smem:$0x3FB4] =	sst s7  }
0x10: {  	[smem:$0x3FB5] =	sst s8  }
0x11: {  	[smem:$0x3FB6] =	sst s9;
	s0 =	simm.s32 @!p0 $0x0  }
0x12: {  	s1 =	sld [smem:$0x3F9C];
	s0 =	simm.s32 @p0 $0x1  }
0x13: {  	[smem:$0x3FB7] =	sst s0;
	s0 =	simm.s32 @!p1 $0x0  }
0x14: {  	s2 =	sld [smem:$0x3F9B];
	s0 =	simm.s32 @p1 $0x1  }
0x15: {  	[smem:$0x3FB8] =	sst s0;
	s0 =	simm.s32 @!p2 $0x0  }
0x16: {  	s3 =	sld [smem:$0x3FDB];
	s0 =	simm.s32 @p2 $0x1  }
0x17: {  	s4 =	simm.s32 $0x1BF5;
	[smem:$0x3FBA] =	sst s0  }
0x18: {  	s0 =	sld [smem:$0x3F9D];
	_ =	swait.ge [sflag:s4], $0x0  }
0x19: {  	s7 =	sld [smem:$0x3F9E]  }
0x1a: {  	s8 =	sadd.s32 $0xFFFFE003, lr  }
0x1b: {  	s9 =	sadd.s32 $0xFFFFFEF7, lr;
	s5 =	simm.s32 $0xFFFFFFFF;
	p2 =	slt.u32 s8, $0xFFFFF086  }
0x1c: {  	p1 =	slt.u32 s9, $0xF7A;
	s5 =	simm.s32 @!p2 $0x0  }
0x1d: {  	s5 =	simm.s32 @p1 $0x1;
	p0 =	seq.s32 s7, s2  }
0x1e: {  	s7 =	smul.u32 @!p0 $0xF7A, s2;
	p2 =	seq.s32 @!p0 s5, $0x0  }
0x1f: {  	s9 =	smul.u32 $0xF7A, s1;
	s8 =	simm.s32 @!p0 $0x1BF5;
	p2 =	por !p2, p0  }
0x20: {  	[sflag:s8] =	ssyncset.s32 @!p0 $0xFFFFF086;
	s6 =	sadd.s32 @!p0 s3, s7;
	s7 =	simm.s32 @!p0 $0x108  }
0x21: {  	s3 =	sadd.s32 s3, s9;
	s6 =	sadd.s32 @!p0 $0x88, s6;
	s7 =	simm.s32 @p2 $0x1082  }
0x22: {  	[simem:s7], [sflag:s8] =	dma.local @!p0 [hbm:s6], $0xF7A  }
0x23: {  	s9 =	sor.u32 $0xD0000000, s2;
	s6 =	simm.s32 $0x108;
	_ =	swait.ge @!p0 [sflag:s8], $0x0  }
0x24: {  	s3 =	sadd.s32 $0x88, s3;
	s6 =	simm.s32 @!p1 $0x1082;
	[sflag:s4] =	ssyncset.s32 $0xFFFFF086  }
0x25: {  	[simem:s6], [sflag:s4] =	dma.local [hbm:s3], $0xF7A  }
0x26: {  	[smem:$0x3F9E] =	sst s1;
	(tag) =	ssettag s2;
	_ =	strace s9  }
0x27: {  	s1 =	sld [smem:$0x3FAE]  }
0x28: {  	s2 =	sld [smem:$0x3FAF]  }
0x29: {  	s4 =	sld [smem:$0x3FB1]  }
0x2a: {  	p0 =	seq.s32 s5, $0x0;
	s5 =	sld [smem:$0x3FB2]  }
0x2b: {  	s6 =	sld [smem:$0x3FB3]  }
0x2c: {  	s7 =	sld [smem:$0x3FB4]  }
0x2d: {  	s3 =	simm.s32 $0x108;
	s8 =	sld [smem:$0x3FB5]  }
0x2e: {  	s3 =	simm.s32 @!p0 $0x1082;
	s9 =	sld [smem:$0x3FB6]  }
0x2f: {  	lr =	sadd.s32 s0, s3;
	s0 =	sld [smem:$0x3FAD]  }
0x30: {  	s3 =	sld [smem:$0x3FB0]  }
0x31: {  	[smem:$0x3FB9] =	sst s10  }
0x32: {  	s10 =	sld [smem:$0x3FB7];
	_ =	sdelay $0x3  }
0x33: {  	p0 =	seq.s32 s10, $0x1;
	s10 =	sld [smem:$0x3FB9];
	_ =	sdelay $0x3  }
0x34: {  	[smem:$0x3FB9] =	sst s10  }
0x35: {  	s10 =	sld [smem:$0x3FB8];
	_ =	sdelay $0x3  }
0x36: {  	p1 =	seq.s32 s10, $0x1;
	s10 =	sld [smem:$0x3FB9];
	_ =	sdelay $0x3  }
0x37: {  	[smem:$0x3FB9] =	sst s10  }
0x38: {  	s10 =	sld [smem:$0x3FBA]  }
0x39: {  	_ = 	snop;
	(pc) =	sbr.ind lr, $3  }
0x3a: {  	_ = 	snop  }
0x3b: {  	_ = 	snop  }
0x3c: {  	p2 =	seq.s32 s10, $0x1;
	s10 =	sld [smem:$0x3FB9]  }
0x3d: {  	_ =	shalt  }
0x3e: {  	_ =	shalt  }
0x3f: {  	_ =	shalt  }
0x40: {  	_ =	shalt  }
0x41: {  	_ =	shalt  }
0x42: {  	_ =	shalt  }
0x43: {  	_ =	shalt  }
0x44: {  	_ =	shalt  }
0x45: {  	_ =	shalt  }
0x46: {  	_ =	shalt  }
0x47: {  	_ =	shalt  }
0x48: {  	_ =	shalt  }
0x49: {  	_ =	shalt  }
0x4a: {  	_ =	shalt  }
0x4b: {  	_ =	shalt  }
0x4c: {  	_ =	shalt  }
0x4d: {  	_ =	shalt  }
0x4e: {  	_ =	shalt  }
0x4f: {  	_ =	shalt  }
0x50: {  	_ =	shalt  }
0x51: {  	_ =	shalt  }
0x52: {  	_ =	shalt  }
0x53: {  	_ =	shalt  }
0x54: {  	_ =	shalt  }
0x55: {  	_ =	shalt  }
0x56: {  	_ =	shalt  }
0x57: {  	_ =	shalt  }
0x58: {  	_ =	shalt  }
0x59: {  	_ =	shalt  }
0x5a: {  	_ =	shalt  }
0x5b: {  	_ =	shalt  }
0x5c: {  	_ =	shalt  }
0x5d: {  	_ =	shalt  }
0x5e: {  	_ =	shalt  }
0x5f: {  	_ =	shalt  }
0x60: {  	_ =	shalt  }
0x61: {  	_ =	shalt  }
0x62: {  	_ =	shalt  }
0x63: {  	_ =	shalt  }
0x64: {  	_ =	shalt  }
0x65: {  	_ =	shalt  }
0x66: {  	_ =	shalt  }
0x67: {  	_ =	shalt  }
0x68: {  	_ =	shalt  }
0x69: {  	_ =	shalt  }
0x6a: {  	_ =	shalt  }
0x6b: {  	_ =	shalt  }
0x6c: {  	_ =	shalt  }
0x6d: {  	_ =	shalt  }
0x6e: {  	_ =	shalt  }
0x6f: {  	_ =	shalt  }
0x70: {  	_ =	shalt  }
0x71: {  	_ =	shalt  }
0x72: {  	_ =	shalt  }
0x73: {  	_ =	shalt  }
0x74: {  	_ =	shalt  }
0x75: {  	_ =	shalt  }
0x76: {  	_ =	shalt  }
0x77: {  	_ =	shalt  }
0x78: {  	_ =	shalt  }
0x79: {  	_ =	shalt  }
0x7a: {  	_ =	shalt  }
0x7b: {  	_ =	shalt  }
0x7c: {  	_ =	shalt  }
0x7d: {  	_ =	shalt  }
0x7e: {  	_ =	shalt  }
0x7f: {  	_ =	shalt  }
0x80: {  	_ =	shalt  }
0x81: {  	_ =	shalt  }
0x82: {  	_ =	shalt  }
0x83: {  	_ =	shalt  }
0x84: {  	_ =	shalt  }
0x85: {  	_ =	shalt  }
0x86: {  	_ =	shalt  }
0x87: {  	_ =	shalt  }
.Lfunc_end0:
.L_simem_size_0:
called_computation.4_lowered:
.L_overlay_start_0:
0x88: {  	s2 =	sld [smem:$0x3FD9]  }
0x89: {  	s3 =	sld [smem:$0x3FFE];
	_ =	sdelay $0x1  }
0x8a: {  	s1 =	srdreg.scid  }
0x8b: {  	s0 =	sand.u32 $0x1, s1  }
0x8c: {  	s17 =	sshll.u32 s0, $0xA;
	s2 =	sadd.s32 s3, s2  }
0x8d: {  	s2 =	sadd.s32 s2, s17  }
0x8e: {  	[smem:$0x3FC5] =	sst s2  }
0x8f: {  	_ = 	snop  }
0x90: {  	(tm) =	ssettm $0x1  }
0x91: {  	s18 =	sld [smem:$0x3FFB];
	_ =	sdelay $0x3  }
0x92: {  	_ =	strace s18  }
0x93: {  	s2 =	sld [smem:$0x3FFC];
	_ =	sdelay $0x3  }
0x94: {  	_ =	strace s2  }
0x95: {  	s2 =	sld [smem:$0x3FFD];
	_ =	sdelay $0x3  }
0x96: {  	_ =	strace s2  }
0x97: {  	_ =	strace $0x8FFFFFFF  }
0x98: {  	s19 =	sld [smem:$0x3FDB];
	_ =	sdelay $0x1  }
0x99: {  	s20 =	simm.s32 $_scs_section_size  }
0x9a: {  	s4 =	simm.s32 $_size__tile_overlayer_lowered;
	s5 =	simm.s32 $_tile_overlayer_lowered  }
0x9b: {  	s6 =	simm.s32 $0x1BFF;
	s21 =	sshll.u32 s5, $0x1;
	s3 =	sadd.s32 s20, s19  }
0x9c: {  	s22 =	simm.s32 $0x0;
	s4 =	sshll.u32 s4, $0x1;
	s5 =	sadd.s32 s21, s3  }
0x9d: {  	[timem:s22], [sflag:s6] =	dma.local [hbm:s5], s4  }
0x9e: {  	_ =	swait.ge [sflag:s6], s4  }
0x9f: {  	s4 =	ssub.s32 $0x0, s4;
	[sflag:s6] =	ssyncset.done $0x0  }
0xa0: {  	[sflag:s6] =	ssyncadd.s32 s4;
	_ =	sdelay $0x1  }
0xa1: {  	s23 =	simm.s32 $0x1B8B  }
0xa2: {  	_ =	swait.ge [sflag:s23], $0x1  }
0xa3: {  	[sflag:s23] =	ssyncset.done $0x0  }
0xa4: {  	[sflag:s23] =	ssyncadd.s32 $0xFFFFFFFF  }
0xa5: {  	s4 =	sld [smem:$0x0]  }
0xa6: {  	s5 =	sand.u32 $0xFFFFFFFE, s1  }
0xa7: {  	p0 =	sne.s32 s1, s5  }
0xa8: {  	s5 =	sshll.u32 @p0 s5, $0xE  }
0xa9: {  	s5 =	sadd.s32 @p0 $0x11B8D, s5;
	s6 =	sshll.u32 @p0 s4, $0x11  }
0xaa: {  	s5 =	sor.u32 @p0 s6, s5  }
0xab: {  	[sflag:s5] =	ssyncadd.remote.s32 @p0 $0x1;
	_ =	sdelay $0x1  }
0xac: {  	s5 =	simm.s32 @p0 $0x1B8D  }
0xad: {  	_ =	swait.eq @p0 [sflag:s5], $0x1  }
0xae: {  	[sflag:s5] =	ssyncadd.s32 @p0 $0xFFFFFFFF  }
0xaf: {  	s6 =	sshll.u32 @!p0 s1, $0xE  }
0xb0: {  	s6 =	sor.u32 @!p0 $0x4000, s6;
	s5 =	simm.s32 @!p0 $0x1B8D  }
0xb1: {  	s4 =	sshll.u32 @!p0 s4, $0x11;
	s6 =	sadd.s32 @!p0 $0x11B8D, s6;
	_ =	swait.eq @!p0 [sflag:s5], $0x1  }
0xb2: {  	s4 =	sor.u32 @!p0 s4, s6;
	[sflag:s5] =	ssyncadd.s32 @!p0 $0xFFFFFFFF  }
0xb3: {  	s25 =	simm.s32 $0x1B8E;
	s24 =	sld [smem:$0x3FFE];
	[sflag:s4] =	ssyncadd.remote.s32 @!p0 $0x1  }
0xb4: {  	s26 =	simm.s32 $execute0_lowered;
	[smem:$0x3FD2] =	sst s25  }
0xb5: {  	s5 =	sshll.u32 s26, $0x1;
	_ =	strace $0x80000049;
	[dreg:$0x1] =	wrdreg $0xFFFFFFFF  }
0xb6: {  	s28 =	simm.s32 $_size_execute0_lowered;
	s3 =	sadd.s32 s3, s5;
	[dreg:$0x0] =	wrdreg $0x0  }
0xb7: {  	s5 =	sshll.u32 s28, $0x1;
	[dreg:$0x2] =	wrdreg s3  }
0xb8: {  	[dreg:$0x3] =	wrdreg s5  }
0xb9: {  	[dreg:$0x4] =	wrdreg $0xC0  }
0xba: {  	_ =	task [dreg:s22], $0x5FFFF  }
0xbb: {  	[dreg:$0x1] =	wrdreg $0xFFFFFFFF  }
0xbc: {  	[dreg:$0x0] =	wrdreg $0x60  }
0xbd: {  	[dreg:$0x2] =	wrdreg s24  }
0xbe: {  	[dreg:$0x3] =	wrdreg $0xC  }
0xbf: {  	_ =	task.clear_ibuf [dreg:s22], $0x4FFFF;
	_ =	strace $0x90000049  }
0xc0: {  	s29 =	simm.s32 $0xC;
	_ =	strace $0x8000004B  }
0xc1: {  	_ =	swait.ge [sflag:s29], $0x1  }
0xc2: {  	[sflag:s29] =	ssyncadd.s32 $0xFFFFFFFF  }
0xc3: {  	_ =	strace $0x9000004B  }
0xc4: {  	_ =	sfence  }
0xc5: {  	s30 =	sld [smem:$0x0];
	_ =	sdelay $0x2  }
0xc6: {  	s31 =	sshll.u32 s1, $0xD;
	s1 =	sshrl.u32 s1, $0x2  }
0xc7: {  	s4 =	sand.u32 $0x4000, s31;
	s1 =	sadd.s32 s1, s30  }
0xc8: {  	s0 =	sor.u32 s4, s0;
	s1 =	sshll.u32 s1, $0x11  }
0xc9: {  	s0 =	sor.u32 s1, s0  }
0xca: {  	s0 =	sadd.s32 $0x8F2B, s0  }
0xcb: {  	[sflag:s0] =	ssyncadd.remote.s32 $0x1  }
0xcc: {  	_ =	sfence.sel $0xFFFF  }
0xcd: {  	[dreg:$0x0] =	wrdreg $0xFFFFFFFF;
	(pc) =	sbr.abs _section_cstart, $3  }
0xce: {  	[dreg:$0x1] =	wrdreg $0xFFFFFFFF  }
0xcf: {  	_ =	task.clear_ibuf [dreg:s22], $0x2FFFF;
	_ =	strace $0x9FFFFFFF  }
0xd0: {  	(tm) =	ssettm $0x7FFFFFFF  }
0xd1: {  	_ =	shalt  }
tec
execute0_lowered:
.L_overlay_start_1:
0x0: {  	(tag) =	ssettag $0x1  }
0x1: {  	s1 =	srdreg.scid  }
0x2: {  	s0 =	stileid.u32;
	s4 =	rddreg [dreg:$0x0];
	s1 =	sand.u32 $0x1, s1  }
0x3: {  	s2 =	simm.s32 $0x0;
	s3 =	sshll.u32 s0, $0xD;
	s5 =	sshll.u32 s1, $0xC  }
0x4: {  	[smem:$0x7FF] =	sst s2;
	s3 =	sor.u32 s5, s3  }
0x5: {  	s29 =	sadd.s32 $0x40C000, s4;
	s31 =	sadd.s32 $0x40D000, s4;
	s30 =	sshll.u32 s3, $0x4  }
0x6: {  	_ =	strace $0x8000004A;
	s5 =	sshrl.u32 s3, $0x3;
	s3 =	sadd.s32 s29, s30  }
0x7: {  	s5 =	sadd.s32 s5, s4;
	s12 =	sadd.s32 s30, s31;
	[dreg:$0x3] =	wrdreg s3  }
0x8: {  	s13 =	sor.u32 $0x2000, s30;
	s5 =	sadd.s32 $0x8000, s5;
	[dreg:$0x4] =	wrdreg s12  }
0x9: {  	s14 =	sadd.s32 s29, s13;
	[dreg:$0x2] =	wrdreg s5  }
0xa: {  	s16 =	sor.u32 $0x4000, s30;
	s15 =	sadd.s32 s13, s31;
	[dreg:$0x5] =	wrdreg s14  }
0xb: {  	s17 =	sadd.s32 s29, s16;
	[dreg:$0x6] =	wrdreg s15  }
0xc: {  	s19 =	sor.u32 $0x6000, s30;
	s18 =	sadd.s32 s16, s31;
	[dreg:$0x7] =	wrdreg s17  }
0xd: {  	s20 =	sadd.s32 s29, s19;
	[dreg:$0x8] =	wrdreg s18  }
0xe: {  	s22 =	sor.u32 $0x8000, s30;
	s21 =	sadd.s32 s19, s31;
	[dreg:$0x9] =	wrdreg s20  }
0xf: {  	s23 =	sadd.s32 s29, s22;
	[dreg:$0xa] =	wrdreg s21  }
0x10: {  	s24 =	sadd.s32 s22, s31;
	[dreg:$0xb] =	wrdreg s23  }
0x11: {  	s22 =	sor.u32 $0xA000, s30;
	[dreg:$0xc] =	wrdreg s24  }
0x12: {  	s26 =	sadd.s32 s29, s22;
	s25 =	rddreg [dreg:$0x2]  }
0x13: {  	s3 =	simm.s32 $0x5;
	[dreg:$0xd] =	wrdreg s26  }
0x14: {  	[tilespmem:s2], [sflag:$0x5] =	stream.linear.gather [hbm4b:s25+s2], $0x1000, $0x38;
	[tilespmem:$0x11000] =	vst v63  }
0x15: {  	_ =	swait.ge [sflag:s3], $0x1000  }
0x16: {  	s6 =	simm.s32 $0x1000;
	s7 =	simm.s32 $0x3;
	[sflag:s3] =	ssyncset.done $0x0  }
0x17: {  	s4 =	sadd.s32 $0x10C000, s4;
	s5 =	simm.s32 $0x100;
	[sflag:s3] =	ssyncadd.s32 $0xFFFFF000  }
0x18: {  	[tilespmem:s6], [sflag:$0x3] =	stream.indirect.gather [hbm4b:s4+s5], $0x80, s2, s5, $0xb8;
	[tilespmem:$0x11000] =	vst v63  }
0x19: {  	_ =	swait.ge [sflag:s7], $0x8000  }
0x1a: {  	[sflag:s7] =	ssyncset.done $0x0  }
0x1b: {  	s8 =	rddreg [dreg:$0x3];
	[sflag:s7] =	ssyncadd.s32 $0xFFFF8000  }
0x1c: {  	[hbm4b:s8+s2] =	stream.linear.scatter [tilespmem:s6], [sflag:$0x1], $0x8000, $0x38;
	[tilespmem:$0x11000] =	vst v63  }
0x1d: {  	s9 =	simm.s32 $0x4;
	s8 =	simm.s32 $0x9000  }
0x1e: {  	[tilespmem:s8], [sflag:$0x4] =	stream.indirect.gather [hbm4b:s4+s5], $0x80, s5, s5, $0xb8;
	[tilespmem:$0x11000] =	vst v63  }
0x1f: {  	_ =	swait.ge [sflag:s9], $0x8000  }
0x20: {  	[sflag:s9] =	ssyncset.done $0x0  }
0x21: {  	s10 =	simm.s32 $0x1;
	s11 =	rddreg [dreg:$0x4];
	[sflag:s9] =	ssyncadd.s32 $0xFFFF8000  }
0x22: {  	[hbm4b:s11+s2] =	stream.linear.scatter [tilespmem:s8], [sflag:$0x2], $0x8000, $0x38;
	[tilespmem:$0x11000] =	vst v63  }
0x23: {  	_ =	swait.ge [sflag:s10], $0x8000  }
0x24: {  	[sflag:s10] =	ssyncset.done $0x0  }
0x25: {  	s11 =	simm.s32 $0x200;
	[sflag:s10] =	ssyncadd.s32 $0xFFFF8000  }
0x26: {  	[tilespmem:s6], [sflag:$0x3] =	stream.indirect.gather [hbm4b:s4+s5], $0x80, s11, s5, $0xb8;
	[tilespmem:$0x11000] =	vst v63  }
0x27: {  	_ =	swait.ge [sflag:s7], $0x8000  }
0x28: {  	[sflag:s7] =	ssyncset.done $0x0  }
0x29: {  	s12 =	simm.s32 $0x2;
	s13 =	rddreg [dreg:$0x5];
	[sflag:s7] =	ssyncadd.s32 $0xFFFF8000  }
0x2a: {  	[hbm4b:s13+s2] =	stream.linear.scatter [tilespmem:s6], [sflag:$0x1], $0x8000, $0x38;
	[tilespmem:$0x11000] =	vst v63  }
0x2b: {  	_ =	swait.ge [sflag:s12], $0x8000  }
0x2c: {  	[sflag:s12] =	ssyncset.done $0x0  }
0x2d: {  	s13 =	simm.s32 $0x300;
	[sflag:s12] =	ssyncadd.s32 $0xFFFF8000  }
0x2e: {  	[tilespmem:s8], [sflag:$0x4] =	stream.indirect.gather [hbm4b:s4+s5], $0x80, s13, s5, $0xb8;
	[tilespmem:$0x11000] =	vst v63  }
0x2f: {  	_ =	swait.ge [sflag:s9], $0x8000  }
0x30: {  	[sflag:s9] =	ssyncset.done $0x0  }
0x31: {  	s14 =	rddreg [dreg:$0x6];
	[sflag:s9] =	ssyncadd.s32 $0xFFFF8000  }
0x32: {  	[hbm4b:s14+s2] =	stream.linear.scatter [tilespmem:s8], [sflag:$0x2], $0x8000, $0x38;
	[tilespmem:$0x11000] =	vst v63  }
0x33: {  	_ =	swait.ge [sflag:s10], $0x8000  }
0x34: {  	[sflag:s10] =	ssyncset.done $0x0  }
0x35: {  	s14 =	simm.s32 $0x400;
	[sflag:s10] =	ssyncadd.s32 $0xFFFF8000  }
0x36: {  	[tilespmem:s6], [sflag:$0x3] =	stream.indirect.gather [hbm4b:s4+s5], $0x80, s14, s5, $0xb8;
	[tilespmem:$0x11000] =	vst v63  }
0x37: {  	_ =	swait.ge [sflag:s7], $0x8000  }
0x38: {  	[sflag:s7] =	ssyncset.done $0x0  }
0x39: {  	s15 =	rddreg [dreg:$0x7];
	[sflag:s7] =	ssyncadd.s32 $0xFFFF8000  }
0x3a: {  	[hbm4b:s15+s2] =	stream.linear.scatter [tilespmem:s6], [sflag:$0x1], $0x8000, $0x38;
	[tilespmem:$0x11000] =	vst v63  }
0x3b: {  	_ =	swait.ge [sflag:s12], $0x8000  }
0x3c: {  	[sflag:s12] =	ssyncset.done $0x0  }
0x3d: {  	s15 =	simm.s32 $0x500;
	[sflag:s12] =	ssyncadd.s32 $0xFFFF8000  }
0x3e: {  	[tilespmem:s8], [sflag:$0x4] =	stream.indirect.gather [hbm4b:s4+s5], $0x80, s15, s5, $0xb8;
	[tilespmem:$0x11000] =	vst v63  }
0x3f: {  	_ =	swait.ge [sflag:s9], $0x8000  }
0x40: {  	[sflag:s9] =	ssyncset.done $0x0  }
0x41: {  	s16 =	rddreg [dreg:$0x8];
	[sflag:s9] =	ssyncadd.s32 $0xFFFF8000  }
0x42: {  	[hbm4b:s16+s2] =	stream.linear.scatter [tilespmem:s8], [sflag:$0x2], $0x8000, $0x38;
	[tilespmem:$0x11000] =	vst v63  }
0x43: {  	_ =	swait.ge [sflag:s10], $0x8000  }
0x44: {  	[sflag:s10] =	ssyncset.done $0x0  }
0x45: {  	s16 =	simm.s32 $0x600;
	[sflag:s10] =	ssyncadd.s32 $0xFFFF8000  }
0x46: {  	[tilespmem:s6], [sflag:$0x3] =	stream.indirect.gather [hbm4b:s4+s5], $0x80, s16, s5, $0xb8;
	[tilespmem:$0x11000] =	vst v63  }
0x47: {  	_ =	swait.ge [sflag:s7], $0x8000  }
0x48: {  	[sflag:s7] =	ssyncset.done $0x0  }
0x49: {  	s17 =	rddreg [dreg:$0x9];
	[sflag:s7] =	ssyncadd.s32 $0xFFFF8000  }
0x4a: {  	[hbm4b:s17+s2] =	stream.linear.scatter [tilespmem:s6], [sflag:$0x1], $0x8000, $0x38;
	[tilespmem:$0x11000] =	vst v63  }
0x4b: {  	_ =	swait.ge [sflag:s12], $0x8000  }
0x4c: {  	[sflag:s12] =	ssyncset.done $0x0  }
0x4d: {  	s17 =	simm.s32 $0x700;
	[sflag:s12] =	ssyncadd.s32 $0xFFFF8000  }
0x4e: {  	[tilespmem:s8], [sflag:$0x4] =	stream.indirect.gather [hbm4b:s4+s5], $0x80, s17, s5, $0xb8;
	[tilespmem:$0x11000] =	vst v63  }
0x4f: {  	_ =	swait.ge [sflag:s9], $0x8000  }
0x50: {  	[sflag:s9] =	ssyncset.done $0x0  }
0x51: {  	s18 =	rddreg [dreg:$0xa];
	[sflag:s9] =	ssyncadd.s32 $0xFFFF8000  }
0x52: {  	[hbm4b:s18+s2] =	stream.linear.scatter [tilespmem:s8], [sflag:$0x2], $0x8000, $0x38;
	[tilespmem:$0x11000] =	vst v63  }
0x53: {  	_ =	swait.ge [sflag:s10], $0x8000  }
0x54: {  	[sflag:s10] =	ssyncset.done $0x0  }
0x55: {  	s18 =	simm.s32 $0x800;
	[sflag:s10] =	ssyncadd.s32 $0xFFFF8000  }
0x56: {  	[tilespmem:s6], [sflag:$0x3] =	stream.indirect.gather [hbm4b:s4+s5], $0x80, s18, s5, $0xb8;
	[tilespmem:$0x11000] =	vst v63  }
0x57: {  	_ =	swait.ge [sflag:s7], $0x8000  }
0x58: {  	[sflag:s7] =	ssyncset.done $0x0  }
0x59: {  	s19 =	rddreg [dreg:$0xb];
	[sflag:s7] =	ssyncadd.s32 $0xFFFF8000  }
0x5a: {  	[hbm4b:s19+s2] =	stream.linear.scatter [tilespmem:s6], [sflag:$0x1], $0x8000, $0x38;
	[tilespmem:$0x11000] =	vst v63  }
0x5b: {  	_ =	swait.ge [sflag:s12], $0x8000  }
0x5c: {  	[sflag:s12] =	ssyncset.done $0x0  }
0x5d: {  	s19 =	simm.s32 $0x900;
	[sflag:s12] =	ssyncadd.s32 $0xFFFF8000  }
0x5e: {  	[tilespmem:s8], [sflag:$0x4] =	stream.indirect.gather [hbm4b:s4+s5], $0x80, s19, s5, $0xb8;
	[tilespmem:$0x11000] =	vst v63  }
0x5f: {  	_ =	swait.ge [sflag:s9], $0x8000  }
0x60: {  	[sflag:s9] =	ssyncset.done $0x0  }
0x61: {  	s20 =	rddreg [dreg:$0xc];
	[sflag:s9] =	ssyncadd.s32 $0xFFFF8000  }
0x62: {  	[hbm4b:s20+s2] =	stream.linear.scatter [tilespmem:s8], [sflag:$0x2], $0x8000, $0x38;
	[tilespmem:$0x11000] =	vst v63  }
0x63: {  	_ =	swait.ge [sflag:s10], $0x8000  }
0x64: {  	[sflag:s10] =	ssyncset.done $0x0  }
0x65: {  	s20 =	simm.s32 $0xA00;
	[sflag:s10] =	ssyncadd.s32 $0xFFFF8000  }
0x66: {  	[tilespmem:s6], [sflag:$0x3] =	stream.indirect.gather [hbm4b:s4+s5], $0x80, s20, s5, $0xb8;
	[tilespmem:$0x11000] =	vst v63  }
0x67: {  	_ =	swait.ge [sflag:s7], $0x8000  }
0x68: {  	[sflag:s7] =	ssyncset.done $0x0  }
0x69: {  	s21 =	rddreg [dreg:$0xd];
	[sflag:s7] =	ssyncadd.s32 $0xFFFF8000  }
0x6a: {  	[hbm4b:s21+s2] =	stream.linear.scatter [tilespmem:s6], [sflag:$0x1], $0x8000, $0x38;
	[tilespmem:$0x11000] =	vst v63  }
0x6b: {  	_ =	swait.ge [sflag:s12], $0x8000  }
0x6c: {  	[sflag:s12] =	ssyncset.done $0x0  }
0x6d: {  	s21 =	simm.s32 $0xB00;
	[sflag:s12] =	ssyncadd.s32 $0xFFFF8000  }
0x6e: {  	[tilespmem:s8], [sflag:$0x4] =	stream.indirect.gather [hbm4b:s4+s5], $0x80, s21, s5, $0xb8;
	[tilespmem:$0x11000] =	vst v63  }
0x6f: {  	_ =	swait.ge [sflag:s9], $0x8000  }
0x70: {  	[sflag:s9] =	ssyncset.done $0x0  }
0x71: {  	s22 =	sadd.s32 s22, s31;
	[sflag:s9] =	ssyncadd.s32 $0xFFFF8000  }
0x72: {  	[hbm4b:s22+s2] =	stream.linear.scatter [tilespmem:s8], [sflag:$0x2], $0x8000, $0x38;
	[tilespmem:$0x11000] =	vst v63  }
0x73: {  	_ =	swait.ge [sflag:s10], $0x8000  }
0x74: {  	[sflag:s10] =	ssyncset.done $0x0  }
0x75: {  	s23 =	simm.s32 $0xC00;
	[sflag:s10] =	ssyncadd.s32 $0xFFFF8000  }
0x76: {  	[tilespmem:s6], [sflag:$0x3] =	stream.indirect.gather [hbm4b:s4+s5], $0x80, s23, s5, $0xb8;
	[tilespmem:$0x11000] =	vst v63  }
0x77: {  	_ =	swait.ge [sflag:s7], $0x8000  }
0x78: {  	s26 =	sor.u32 $0xC000, s30;
	[sflag:s7] =	ssyncset.done $0x0  }
0x79: {  	s24 =	sadd.s32 s29, s26;
	[sflag:s7] =	ssyncadd.s32 $0xFFFF8000  }
0x7a: {  	[hbm4b:s24+s2] =	stream.linear.scatter [tilespmem:s6], [sflag:$0x1], $0x8000, $0x38;
	[tilespmem:$0x11000] =	vst v63  }
0x7b: {  	_ =	swait.ge [sflag:s12], $0x8000  }
0x7c: {  	[sflag:s12] =	ssyncset.done $0x0  }
0x7d: {  	s25 =	simm.s32 $0xD00;
	[sflag:s12] =	ssyncadd.s32 $0xFFFF8000  }
0x7e: {  	[tilespmem:s8], [sflag:$0x4] =	stream.indirect.gather [hbm4b:s4+s5], $0x80, s25, s5, $0xb8;
	[tilespmem:$0x11000] =	vst v63  }
0x7f: {  	_ =	swait.ge [sflag:s9], $0x8000  }
0x80: {  	[sflag:s9] =	ssyncset.done $0x0  }
0x81: {  	s26 =	sadd.s32 s26, s31;
	[sflag:s9] =	ssyncadd.s32 $0xFFFF8000  }
0x82: {  	[hbm4b:s26+s2] =	stream.linear.scatter [tilespmem:s8], [sflag:$0x2], $0x8000, $0x38;
	[tilespmem:$0x11000] =	vst v63  }
0x83: {  	_ =	swait.ge [sflag:s10], $0x8000  }
0x84: {  	[sflag:s10] =	ssyncset.done $0x0  }
0x85: {  	s28 =	simm.s32 $0xE00;
	[sflag:s10] =	ssyncadd.s32 $0xFFFF8000  }
0x86: {  	[tilespmem:s6], [sflag:$0x3] =	stream.indirect.gather [hbm4b:s4+s5], $0x80, s28, s5, $0xb8;
	[tilespmem:$0x11000] =	vst v63  }
0x87: {  	_ =	swait.ge [sflag:s7], $0x8000  }
0x88: {  	s0 =	sor.u32 $0xE000, s30;
	[sflag:s7] =	ssyncset.done $0x0  }
0x89: {  	s29 =	sadd.s32 s29, s0;
	[sflag:s7] =	ssyncadd.s32 $0xFFFF8000  }
0x8a: {  	[hbm4b:s29+s2] =	stream.linear.scatter [tilespmem:s6], [sflag:$0x1], $0x8000, $0x38;
	[tilespmem:$0x11000] =	vst v63  }
0x8b: {  	_ =	swait.ge [sflag:s12], $0x8000  }
0x8c: {  	s31 =	sadd.s32 s0, s31;
	s0 =	ssub.s32 $0x2, s1;
	[sflag:s12] =	ssyncset.done $0x0  }
0x8d: {  	s30 =	simm.s32 $0xF00;
	s1 =	sshrl.u32 s0, $0x1;
	[sflag:s12] =	ssyncadd.s32 $0xFFFF8000  }
0x8e: {  	[tilespmem:s8], [sflag:$0x4] =	stream.indirect.gather [hbm4b:s4+s5], $0x80, s30, s5, $0xb8;
	[tilespmem:$0x11000] =	vst v63  }
0x8f: {  	s0 =	ssub.s32 s0, s1;
	_ =	swait.ge [sflag:s9], $0x8000  }
0x90: {  	s0 =	smax.u32 s0, $0x1;
	[sflag:s9] =	ssyncset.done $0x0  }
0x91: {  	p0 =	sne.s32 s0, $0x1;
	[sflag:s9] =	ssyncadd.s32 $0xFFFF8000  }
0x92: {  	[hbm4b:s31+s2] =	stream.linear.scatter [tilespmem:s8], [sflag:$0x2], $0x8000, $0x38;
	[tilespmem:$0x11000] =	vst v63  }
.Ltmp0:
0x93: {  	_ =	swait.ge [sflag:s10], $0x8000;
	(pc) =	sbr.rel @!p0 .LBB2_2-.Ltmp0, $4  }
0x94: {  	[sflag:s10] =	ssyncset.done $0x0  }
0x95: {  	[sflag:s10] =	ssyncadd.s32 $0xFFFF8000  }
0x96: {  	_ =	swait.ge [sflag:s12], $0x8000  }
0x97: {  	s1 =	sadd.s32 $0xFFFFFFFF, s0;
	[sflag:s12] =	ssyncset.done $0x0  }
.LBB2_1:
0x98: {  	s0 =	rddreg [dreg:$0x2];
	[sflag:s12] =	ssyncadd.s32 $0xFFFF8000  }
0x99: {  	[tilespmem:s2], [sflag:$0x5] =	stream.linear.gather [hbm4b:s0+s2], $0x1000, $0x38;
	[tilespmem:$0x11000] =	vst v63  }
0x9a: {  	_ =	swait.ge [sflag:s3], $0x1000  }
0x9b: {  	[sflag:s3] =	ssyncset.done $0x0  }
0x9c: {  	[sflag:s3] =	ssyncadd.s32 $0xFFFFF000  }
0x9d: {  	[tilespmem:s6], [sflag:$0x3] =	stream.indirect.gather [hbm4b:s4+s5], $0x80, s2, s5, $0xb8;
	[tilespmem:$0x11000] =	vst v63  }
0x9e: {  	_ =	swait.ge [sflag:s7], $0x8000  }
0x9f: {  	[sflag:s7] =	ssyncset.done $0x0  }
0xa0: {  	s0 =	rddreg [dreg:$0x3];
	[sflag:s7] =	ssyncadd.s32 $0xFFFF8000  }
0xa1: {  	[hbm4b:s0+s2] =	stream.linear.scatter [tilespmem:s6], [sflag:$0x1], $0x8000, $0x38;
	[tilespmem:$0x11000] =	vst v63  }
0xa2: {  	_ = 	snop  }
0xa3: {  	[tilespmem:s8], [sflag:$0x4] =	stream.indirect.gather [hbm4b:s4+s5], $0x80, s5, s5, $0xb8;
	[tilespmem:$0x11000] =	vst v63  }
0xa4: {  	_ =	swait.ge [sflag:s9], $0x8000  }
0xa5: {  	[sflag:s9] =	ssyncset.done $0x0  }
0xa6: {  	s0 =	rddreg [dreg:$0x4];
	[sflag:s9] =	ssyncadd.s32 $0xFFFF8000  }
0xa7: {  	[hbm4b:s0+s2] =	stream.linear.scatter [tilespmem:s8], [sflag:$0x2], $0x8000, $0x38;
	[tilespmem:$0x11000] =	vst v63  }
0xa8: {  	_ =	swait.ge [sflag:s10], $0x8000  }
0xa9: {  	[sflag:s10] =	ssyncset.done $0x0  }
0xaa: {  	[sflag:s10] =	ssyncadd.s32 $0xFFFF8000  }
0xab: {  	[tilespmem:s6], [sflag:$0x3] =	stream.indirect.gather [hbm4b:s4+s5], $0x80, s11, s5, $0xb8;
	[tilespmem:$0x11000] =	vst v63  }
0xac: {  	_ =	swait.ge [sflag:s7], $0x8000  }
0xad: {  	[sflag:s7] =	ssyncset.done $0x0  }
0xae: {  	s0 =	rddreg [dreg:$0x5];
	[sflag:s7] =	ssyncadd.s32 $0xFFFF8000  }
0xaf: {  	[hbm4b:s0+s2] =	stream.linear.scatter [tilespmem:s6], [sflag:$0x1], $0x8000, $0x38;
	[tilespmem:$0x11000] =	vst v63  }
0xb0: {  	_ =	swait.ge [sflag:s12], $0x8000  }
0xb1: {  	[sflag:s12] =	ssyncset.done $0x0  }
0xb2: {  	[sflag:s12] =	ssyncadd.s32 $0xFFFF8000  }
0xb3: {  	[tilespmem:s8], [sflag:$0x4] =	stream.indirect.gather [hbm4b:s4+s5], $0x80, s13, s5, $0xb8;
	[tilespmem:$0x11000] =	vst v63  }
0xb4: {  	_ =	swait.ge [sflag:s9], $0x8000  }
0xb5: {  	[sflag:s9] =	ssyncset.done $0x0  }
0xb6: {  	s0 =	rddreg [dreg:$0x6];
	[sflag:s9] =	ssyncadd.s32 $0xFFFF8000  }
0xb7: {  	[hbm4b:s0+s2] =	stream.linear.scatter [tilespmem:s8], [sflag:$0x2], $0x8000, $0x38;
	[tilespmem:$0x11000] =	vst v63  }
0xb8: {  	_ =	swait.ge [sflag:s10], $0x8000  }
0xb9: {  	[sflag:s10] =	ssyncset.done $0x0  }
0xba: {  	[sflag:s10] =	ssyncadd.s32 $0xFFFF8000  }
0xbb: {  	[tilespmem:s6], [sflag:$0x3] =	stream.indirect.gather [hbm4b:s4+s5], $0x80, s14, s5, $0xb8;
	[tilespmem:$0x11000] =	vst v63  }
0xbc: {  	_ =	swait.ge [sflag:s7], $0x8000  }
0xbd: {  	[sflag:s7] =	ssyncset.done $0x0  }
0xbe: {  	s0 =	rddreg [dreg:$0x7];
	[sflag:s7] =	ssyncadd.s32 $0xFFFF8000  }
0xbf: {  	[hbm4b:s0+s2] =	stream.linear.scatter [tilespmem:s6], [sflag:$0x1], $0x8000, $0x38;
	[tilespmem:$0x11000] =	vst v63  }
0xc0: {  	_ =	swait.ge [sflag:s12], $0x8000  }
0xc1: {  	[sflag:s12] =	ssyncset.done $0x0  }
0xc2: {  	[sflag:s12] =	ssyncadd.s32 $0xFFFF8000  }
0xc3: {  	[tilespmem:s8], [sflag:$0x4] =	stream.indirect.gather [hbm4b:s4+s5], $0x80, s15, s5, $0xb8;
	[tilespmem:$0x11000] =	vst v63  }
0xc4: {  	_ =	swait.ge [sflag:s9], $0x8000  }
0xc5: {  	[sflag:s9] =	ssyncset.done $0x0  }
0xc6: {  	s0 =	rddreg [dreg:$0x8];
	[sflag:s9] =	ssyncadd.s32 $0xFFFF8000  }
0xc7: {  	[hbm4b:s0+s2] =	stream.linear.scatter [tilespmem:s8], [sflag:$0x2], $0x8000, $0x38;
	[tilespmem:$0x11000] =	vst v63  }
0xc8: {  	_ =	swait.ge [sflag:s10], $0x8000  }
0xc9: {  	[sflag:s10] =	ssyncset.done $0x0  }
0xca: {  	[sflag:s10] =	ssyncadd.s32 $0xFFFF8000  }
0xcb: {  	[tilespmem:s6], [sflag:$0x3] =	stream.indirect.gather [hbm4b:s4+s5], $0x80, s16, s5, $0xb8;
	[tilespmem:$0x11000] =	vst v63  }
0xcc: {  	_ =	swait.ge [sflag:s7], $0x8000  }
0xcd: {  	[sflag:s7] =	ssyncset.done $0x0  }
0xce: {  	s0 =	rddreg [dreg:$0x9];
	[sflag:s7] =	ssyncadd.s32 $0xFFFF8000  }
0xcf: {  	[hbm4b:s0+s2] =	stream.linear.scatter [tilespmem:s6], [sflag:$0x1], $0x8000, $0x38;
	[tilespmem:$0x11000] =	vst v63  }
0xd0: {  	_ =	swait.ge [sflag:s12], $0x8000  }
0xd1: {  	[sflag:s12] =	ssyncset.done $0x0  }
0xd2: {  	[sflag:s12] =	ssyncadd.s32 $0xFFFF8000  }
0xd3: {  	[tilespmem:s8], [sflag:$0x4] =	stream.indirect.gather [hbm4b:s4+s5], $0x80, s17, s5, $0xb8;
	[tilespmem:$0x11000] =	vst v63  }
0xd4: {  	_ =	swait.ge [sflag:s9], $0x8000  }
0xd5: {  	[sflag:s9] =	ssyncset.done $0x0  }
0xd6: {  	s0 =	rddreg [dreg:$0xa];
	[sflag:s9] =	ssyncadd.s32 $0xFFFF8000  }
0xd7: {  	[hbm4b:s0+s2] =	stream.linear.scatter [tilespmem:s8], [sflag:$0x2], $0x8000, $0x38;
	[tilespmem:$0x11000] =	vst v63  }
0xd8: {  	_ =	swait.ge [sflag:s10], $0x8000  }
0xd9: {  	[sflag:s10] =	ssyncset.done $0x0  }
0xda: {  	[sflag:s10] =	ssyncadd.s32 $0xFFFF8000  }
0xdb: {  	[tilespmem:s6], [sflag:$0x3] =	stream.indirect.gather [hbm4b:s4+s5], $0x80, s18, s5, $0xb8;
	[tilespmem:$0x11000] =	vst v63  }
0xdc: {  	_ =	swait.ge [sflag:s7], $0x8000  }
0xdd: {  	[sflag:s7] =	ssyncset.done $0x0  }
0xde: {  	s0 =	rddreg [dreg:$0xb];
	[sflag:s7] =	ssyncadd.s32 $0xFFFF8000  }
0xdf: {  	[hbm4b:s0+s2] =	stream.linear.scatter [tilespmem:s6], [sflag:$0x1], $0x8000, $0x38;
	[tilespmem:$0x11000] =	vst v63  }
0xe0: {  	_ =	swait.ge [sflag:s12], $0x8000  }
0xe1: {  	[sflag:s12] =	ssyncset.done $0x0  }
0xe2: {  	[sflag:s12] =	ssyncadd.s32 $0xFFFF8000  }
0xe3: {  	[tilespmem:s8], [sflag:$0x4] =	stream.indirect.gather [hbm4b:s4+s5], $0x80, s19, s5, $0xb8;
	[tilespmem:$0x11000] =	vst v63  }
0xe4: {  	_ =	swait.ge [sflag:s9], $0x8000  }
0xe5: {  	[sflag:s9] =	ssyncset.done $0x0  }
0xe6: {  	s0 =	rddreg [dreg:$0xc];
	[sflag:s9] =	ssyncadd.s32 $0xFFFF8000  }
0xe7: {  	[hbm4b:s0+s2] =	stream.linear.scatter [tilespmem:s8], [sflag:$0x2], $0x8000, $0x38;
	[tilespmem:$0x11000] =	vst v63  }
0xe8: {  	_ =	swait.ge [sflag:s10], $0x8000  }
0xe9: {  	[sflag:s10] =	ssyncset.done $0x0  }
0xea: {  	[sflag:s10] =	ssyncadd.s32 $0xFFFF8000  }
0xeb: {  	[tilespmem:s6], [sflag:$0x3] =	stream.indirect.gather [hbm4b:s4+s5], $0x80, s20, s5, $0xb8;
	[tilespmem:$0x11000] =	vst v63  }
0xec: {  	_ =	swait.ge [sflag:s7], $0x8000  }
0xed: {  	[sflag:s7] =	ssyncset.done $0x0  }
0xee: {  	s0 =	rddreg [dreg:$0xd];
	[sflag:s7] =	ssyncadd.s32 $0xFFFF8000  }
0xef: {  	[hbm4b:s0+s2] =	stream.linear.scatter [tilespmem:s6], [sflag:$0x1], $0x8000, $0x38;
	[tilespmem:$0x11000] =	vst v63  }
0xf0: {  	_ =	swait.ge [sflag:s12], $0x8000  }
0xf1: {  	[sflag:s12] =	ssyncset.done $0x0  }
0xf2: {  	[sflag:s12] =	ssyncadd.s32 $0xFFFF8000  }
0xf3: {  	[tilespmem:s8], [sflag:$0x4] =	stream.indirect.gather [hbm4b:s4+s5], $0x80, s21, s5, $0xb8;
	[tilespmem:$0x11000] =	vst v63  }
0xf4: {  	_ =	swait.ge [sflag:s9], $0x8000  }
0xf5: {  	[sflag:s9] =	ssyncset.done $0x0  }
0xf6: {  	[sflag:s9] =	ssyncadd.s32 $0xFFFF8000  }
0xf7: {  	[hbm4b:s22+s2] =	stream.linear.scatter [tilespmem:s8], [sflag:$0x2], $0x8000, $0x38;
	[tilespmem:$0x11000] =	vst v63  }
0xf8: {  	_ =	swait.ge [sflag:s10], $0x8000  }
0xf9: {  	[sflag:s10] =	ssyncset.done $0x0  }
0xfa: {  	[sflag:s10] =	ssyncadd.s32 $0xFFFF8000  }
0xfb: {  	[tilespmem:s6], [sflag:$0x3] =	stream.indirect.gather [hbm4b:s4+s5], $0x80, s23, s5, $0xb8;
	[tilespmem:$0x11000] =	vst v63  }
0xfc: {  	_ =	swait.ge [sflag:s7], $0x8000  }
0xfd: {  	[sflag:s7] =	ssyncset.done $0x0  }
0xfe: {  	[sflag:s7] =	ssyncadd.s32 $0xFFFF8000  }
0xff: {  	[hbm4b:s24+s2] =	stream.linear.scatter [tilespmem:s6], [sflag:$0x1], $0x8000, $0x38;
	[tilespmem:$0x11000] =	vst v63  }
0x100: {  	_ =	swait.ge [sflag:s12], $0x8000  }
0x101: {  	[sflag:s12] =	ssyncset.done $0x0  }
0x102: {  	[sflag:s12] =	ssyncadd.s32 $0xFFFF8000  }
0x103: {  	[tilespmem:s8], [sflag:$0x4] =	stream.indirect.gather [hbm4b:s4+s5], $0x80, s25, s5, $0xb8;
	[tilespmem:$0x11000] =	vst v63  }
0x104: {  	_ =	swait.ge [sflag:s9], $0x8000  }
0x105: {  	[sflag:s9] =	ssyncset.done $0x0  }
0x106: {  	[sflag:s9] =	ssyncadd.s32 $0xFFFF8000  }
0x107: {  	[hbm4b:s26+s2] =	stream.linear.scatter [tilespmem:s8], [sflag:$0x2], $0x8000, $0x38;
	[tilespmem:$0x11000] =	vst v63  }
0x108: {  	_ =	swait.ge [sflag:s10], $0x8000  }
0x109: {  	[sflag:s10] =	ssyncset.done $0x0  }
0x10a: {  	[sflag:s10] =	ssyncadd.s32 $0xFFFF8000  }
0x10b: {  	[tilespmem:s6], [sflag:$0x3] =	stream.indirect.gather [hbm4b:s4+s5], $0x80, s28, s5, $0xb8;
	[tilespmem:$0x11000] =	vst v63  }
0x10c: {  	_ =	swait.ge [sflag:s7], $0x8000  }
0x10d: {  	[sflag:s7] =	ssyncset.done $0x0  }
0x10e: {  	[sflag:s7] =	ssyncadd.s32 $0xFFFF8000  }
0x10f: {  	[hbm4b:s29+s2] =	stream.linear.scatter [tilespmem:s6], [sflag:$0x1], $0x8000, $0x38;
	[tilespmem:$0x11000] =	vst v63  }
0x110: {  	_ =	swait.ge [sflag:s12], $0x8000  }
0x111: {  	[sflag:s12] =	ssyncset.done $0x0  }
0x112: {  	[sflag:s12] =	ssyncadd.s32 $0xFFFF8000  }
0x113: {  	[tilespmem:s8], [sflag:$0x4] =	stream.indirect.gather [hbm4b:s4+s5], $0x80, s30, s5, $0xb8;
	[tilespmem:$0x11000] =	vst v63  }
0x114: {  	_ =	swait.ge [sflag:s9], $0x8000  }
0x115: {  	[sflag:s9] =	ssyncset.done $0x0  }
0x116: {  	p0 =	sne.s32 s1, $0x1;
	[sflag:s9] =	ssyncadd.s32 $0xFFFF8000  }
0x117: {  	[hbm4b:s31+s2] =	stream.linear.scatter [tilespmem:s8], [sflag:$0x2], $0x8000, $0x38;
	[tilespmem:$0x11000] =	vst v63  }
.Ltmp1:
0x118: {  	_ =	swait.ge [sflag:s10], $0x8000;
	(pc) =	sbr.rel @p0 .LBB2_1-.Ltmp1, $4  }
0x119: {  	[sflag:s10] =	ssyncset.done $0x0  }
0x11a: {  	[sflag:s10] =	ssyncadd.s32 $0xFFFF8000  }
0x11b: {  	_ =	swait.ge [sflag:s12], $0x8000  }
0x11c: {  	s1 =	sadd.s32 $0xFFFFFFFF, s1;
	[sflag:s12] =	ssyncset.done $0x0  }
.LBB2_2:
0x11d: {  	[sflag:s12] =	ssyncadd.s32 $0xFFFF8000  }
0x11e: {  	_ =	sfence.sel $0x180000  }
0x11f: {  	[bflag:$0x0] =	sbarrier.arrive $0xFFFF  }
0x120: {  	_ =	strace $0x9000004A  }
0x121: {  	s0 =	stileid.u32;
	[bflag:$0x2] =	sbarrier.arrive $0xFFFF  }
0x122: {  	p0 =	sne.s32 s0, $0x0;
	s0 =	rddreg [dreg:$0x1]  }
0x123: {  	s0 =	sadd.s32 @!p0 $0x100000, s0  }
0x124: {  	[sflag:s0] =	ssyncadd.tile.s32 @!p0 $0x1;
	_ =	shalt  }
.Lfunc_end2:
_tile_overlayer_lowered:
.L_overlay_start_2:
0x125: {  	(tag) =	ssettag $0x2  }
0x126: {  	s0 =	rddreg [dreg:$0x0];
	s2 =	stileid.u32  }
0x127: {  	s1 =	rddreg [dreg:$0x1];
	p0 =	sne.s32 s2, $0x0  }
0x128: {  	s3 =	rddreg [dreg:$0x2];
	[bflag:$0x3] =	sbarrier.arrive $0xFFFF;
	s2 =	simm.s32 @!p0 $0x1C05  }
0x129: {  	[timem:s3], [sflag:s2] =	dma.local @!p0 [hbm:s0], s1  }
0x12a: {  	s0 =	simm.s32 @!p0 $0x5  }
0x12b: {  	_ =	swait.ge @!p0 [sflag:s0], s1  }
0x12c: {  	s1 =	ssub.s32 @!p0 $0x0, s1;
	[sflag:s0] =	ssyncset.done @!p0 $0x0  }
0x12d: {  	[sflag:s0] =	ssyncadd.s32 @!p0 s1  }
0x12e: {  	[bflag:$0x3] =	sbarrier.arrive $0xFFFF  }
0x12f: {  	_ =	shalt  }

// kernel: kernel.30.cloned.1.call-start
scs
__scs_entry_jumppad:
0x0: {  	(pc) =	sbr.rel $0x88, $3  }
0x1: {  	(tag) =	ssettag $0x0;
	lr =	simm.s32 $0x1  }
0x2: {  	[smem:$0x3F9E] =	sst lr;
	_ =	strace $0xD0000000  }
0x3: {  	_ = 	snop  }
0x4: {  	_ = 	snop  }
0x5: {  	_ = 	snop  }
0x6: {  	_ = 	snop  }
0x7: {  	_ = 	snop  }
__scs_overlays_trampoline_lowered:
0x8: {  	[smem:$0x3FAD] =	sst s0  }
0x9: {  	[smem:$0x3FAE] =	sst s1  }
0xa: {  	[smem:$0x3FAF] =	sst s2  }
0xb: {  	[smem:$0x3FB0] =	sst s3  }
0xc: {  	[smem:$0x3FB1] =	sst s4  }
0xd: {  	[smem:$0x3FB2] =	sst s5  }
0xe: {  	[smem:$0x3FB3] =	sst s6  }
0xf: {  	[smem:$0x3FB4] =	sst s7  }
0x10: {  	[smem:$0x3FB5] =	sst s8  }
0x11: {  	[smem:$0x3FB6] =	sst s9;
	s0 =	simm.s32 @!p0 $0x0  }
0x12: {  	s1 =	sld [smem:$0x3F9C];
	s0 =	simm.s32 @p0 $0x1  }
0x13: {  	[smem:$0x3FB7] =	sst s0;
	s0 =	simm.s32 @!p1 $0x0  }
0x14: {  	s2 =	sld [smem:$0x3F9B];
	s0 =	simm.s32 @p1 $0x1  }
0x15: {  	[smem:$0x3FB8] =	sst s0;
	s0 =	simm.s32 @!p2 $0x0  }
0x16: {  	s3 =	sld [smem:$0x3FDB];
	s0 =	simm.s32 @p2 $0x1  }
0x17: {  	s4 =	simm.s32 $0x1BF5;
	[smem:$0x3FBA] =	sst s0  }
0x18: {  	s0 =	sld [smem:$0x3F9D];
	_ =	swait.ge [sflag:s4], $0x0  }
0x19: {  	s7 =	sld [smem:$0x3F9E]  }
0x1a: {  	s8 =	sadd.s32 $0xFFFFE003, lr  }
0x1b: {  	s9 =	sadd.s32 $0xFFFFFEF7, lr;
	s5 =	simm.s32 $0xFFFFFFFF;
	p2 =	slt.u32 s8, $0xFFFFF086  }
0x1c: {  	p1 =	slt.u32 s9, $0xF7A;
	s5 =	simm.s32 @!p2 $0x0  }
0x1d: {  	s5 =	simm.s32 @p1 $0x1;
	p0 =	seq.s32 s7, s2  }
0x1e: {  	s7 =	smul.u32 @!p0 $0xF7A, s2;
	p2 =	seq.s32 @!p0 s5, $0x0  }
0x1f: {  	s9 =	smul.u32 $0xF7A, s1;
	s8 =	simm.s32 @!p0 $0x1BF5;
	p2 =	por !p2, p0  }
0x20: {  	[sflag:s8] =	ssyncset.s32 @!p0 $0xFFFFF086;
	s6 =	sadd.s32 @!p0 s3, s7;
	s7 =	simm.s32 @!p0 $0x108  }
0x21: {  	s3 =	sadd.s32 s3, s9;
	s6 =	sadd.s32 @!p0 $0x88, s6;
	s7 =	simm.s32 @p2 $0x1082  }
0x22: {  	[simem:s7], [sflag:s8] =	dma.local @!p0 [hbm:s6], $0xF7A  }
0x23: {  	s9 =	sor.u32 $0xD0000000, s2;
	s6 =	simm.s32 $0x108;
	_ =	swait.ge @!p0 [sflag:s8], $0x0  }
0x24: {  	s3 =	sadd.s32 $0x88, s3;
	s6 =	simm.s32 @!p1 $0x1082;
	[sflag:s4] =	ssyncset.s32 $0xFFFFF086  }
0x25: {  	[simem:s6], [sflag:s4] =	dma.local [hbm:s3], $0xF7A  }
0x26: {  	[smem:$0x3F9E] =	sst s1;
	(tag) =	ssettag s2;
	_ =	strace s9  }
0x27: {  	s1 =	sld [smem:$0x3FAE]  }
0x28: {  	s2 =	sld [smem:$0x3FAF]  }
0x29: {  	s4 =	sld [smem:$0x3FB1]  }
0x2a: {  	p0 =	seq.s32 s5, $0x0;
	s5 =	sld [smem:$0x3FB2]  }
0x2b: {  	s6 =	sld [smem:$0x3FB3]  }
0x2c: {  	s7 =	sld [smem:$0x3FB4]  }
0x2d: {  	s3 =	simm.s32 $0x108;
	s8 =	sld [smem:$0x3FB5]  }
0x2e: {  	s3 =	simm.s32 @!p0 $0x1082;
	s9 =	sld [smem:$0x3FB6]  }
0x2f: {  	lr =	sadd.s32 s0, s3;
	s0 =	sld [smem:$0x3FAD]  }
0x30: {  	s3 =	sld [smem:$0x3FB0]  }
0x31: {  	[smem:$0x3FB9] =	sst s10  }
0x32: {  	s10 =	sld [smem:$0x3FB7];
	_ =	sdelay $0x3  }
0x33: {  	p0 =	seq.s32 s10, $0x1;
	s10 =	sld [smem:$0x3FB9];
	_ =	sdelay $0x3  }
0x34: {  	[smem:$0x3FB9] =	sst s10  }
0x35: {  	s10 =	sld [smem:$0x3FB8];
	_ =	sdelay $0x3  }
0x36: {  	p1 =	seq.s32 s10, $0x1;
	s10 =	sld [smem:$0x3FB9];
	_ =	sdelay $0x3  }
0x37: {  	[smem:$0x3FB9] =	sst s10  }
0x38: {  	s10 =	sld [smem:$0x3FBA]  }
0x39: {  	_ = 	snop;
	(pc) =	sbr.ind lr, $3  }
0x3a: {  	_ = 	snop  }
0x3b: {  	_ = 	snop  }
0x3c: {  	p2 =	seq.s32 s10, $0x1;
	s10 =	sld [smem:$0x3FB9]  }
0x3d: {  	_ =	shalt  }
0x3e: {  	_ =	shalt  }
0x3f: {  	_ =	shalt  }
0x40: {  	_ =	shalt  }
0x41: {  	_ =	shalt  }
0x42: {  	_ =	shalt  }
0x43: {  	_ =	shalt  }
0x44: {  	_ =	shalt  }
0x45: {  	_ =	shalt  }
0x46: {  	_ =	shalt  }
0x47: {  	_ =	shalt  }
0x48: {  	_ =	shalt  }
0x49: {  	_ =	shalt  }
0x4a: {  	_ =	shalt  }
0x4b: {  	_ =	shalt  }
0x4c: {  	_ =	shalt  }
0x4d: {  	_ =	shalt  }
0x4e: {  	_ =	shalt  }
0x4f: {  	_ =	shalt  }
0x50: {  	_ =	shalt  }
0x51: {  	_ =	shalt  }
0x52: {  	_ =	shalt  }
0x53: {  	_ =	shalt  }
0x54: {  	_ =	shalt  }
0x55: {  	_ =	shalt  }
0x56: {  	_ =	shalt  }
0x57: {  	_ =	shalt  }
0x58: {  	_ =	shalt  }
0x59: {  	_ =	shalt  }
0x5a: {  	_ =	shalt  }
0x5b: {  	_ =	shalt  }
0x5c: {  	_ =	shalt  }
0x5d: {  	_ =	shalt  }
0x5e: {  	_ =	shalt  }
0x5f: {  	_ =	shalt  }
0x60: {  	_ =	shalt  }
0x61: {  	_ =	shalt  }
0x62: {  	_ =	shalt  }
0x63: {  	_ =	shalt  }
0x64: {  	_ =	shalt  }
0x65: {  	_ =	shalt  }
0x66: {  	_ =	shalt  }
0x67: {  	_ =	shalt  }
0x68: {  	_ =	shalt  }
0x69: {  	_ =	shalt  }
0x6a: {  	_ =	shalt  }
0x6b: {  	_ =	shalt  }
0x6c: {  	_ =	shalt  }
0x6d: {  	_ =	shalt  }
0x6e: {  	_ =	shalt  }
0x6f: {  	_ =	shalt  }
0x70: {  	_ =	shalt  }
0x71: {  	_ =	shalt  }
0x72: {  	_ =	shalt  }
0x73: {  	_ =	shalt  }
0x74: {  	_ =	shalt  }
0x75: {  	_ =	shalt  }
0x76: {  	_ =	shalt  }
0x77: {  	_ =	shalt  }
0x78: {  	_ =	shalt  }
0x79: {  	_ =	shalt  }
0x7a: {  	_ =	shalt  }
0x7b: {  	_ =	shalt  }
0x7c: {  	_ =	shalt  }
0x7d: {  	_ =	shalt  }
0x7e: {  	_ =	shalt  }
0x7f: {  	_ =	shalt  }
0x80: {  	_ =	shalt  }
0x81: {  	_ =	shalt  }
0x82: {  	_ =	shalt  }
0x83: {  	_ =	shalt  }
0x84: {  	_ =	shalt  }
0x85: {  	_ =	shalt  }
0x86: {  	_ =	shalt  }
0x87: {  	_ =	shalt  }
.Lfunc_end0:
.L_simem_size_0:
called_computation.5_lowered:
.L_overlay_start_0:
0x88: {  	s2 =	sld [smem:$0x3FD9]  }
0x89: {  	s3 =	sld [smem:$0x3FFE];
	_ =	sdelay $0x1  }
0x8a: {  	s1 =	srdreg.scid  }
0x8b: {  	s0 =	sand.u32 $0x1, s1  }
0x8c: {  	s17 =	sshll.u32 s0, $0xA;
	s2 =	sadd.s32 s3, s2  }
0x8d: {  	s2 =	sadd.s32 s2, s17  }
0x8e: {  	[smem:$0x3FC5] =	sst s2  }
0x8f: {  	_ = 	snop  }
0x90: {  	(tm) =	ssettm $0x1  }
0x91: {  	s18 =	sld [smem:$0x3FFB];
	_ =	sdelay $0x3  }
0x92: {  	_ =	strace s18  }
0x93: {  	s2 =	sld [smem:$0x3FFC];
	_ =	sdelay $0x3  }
0x94: {  	_ =	strace s2  }
0x95: {  	s2 =	sld [smem:$0x3FFD];
	_ =	sdelay $0x3  }
0x96: {  	_ =	strace s2  }
0x97: {  	_ =	strace $0x8FFFFFFF  }
0x98: {  	s19 =	sld [smem:$0x3FDB];
	_ =	sdelay $0x1  }
0x99: {  	s20 =	simm.s32 $_scs_section_size  }
0x9a: {  	s4 =	simm.s32 $_size__tile_overlayer_lowered;
	s5 =	simm.s32 $_tile_overlayer_lowered  }
0x9b: {  	s6 =	simm.s32 $0x1BFF;
	s21 =	sshll.u32 s5, $0x1;
	s3 =	sadd.s32 s20, s19  }
0x9c: {  	s22 =	simm.s32 $0x0;
	s4 =	sshll.u32 s4, $0x1;
	s5 =	sadd.s32 s21, s3  }
0x9d: {  	[timem:s22], [sflag:s6] =	dma.local [hbm:s5], s4  }
0x9e: {  	_ =	swait.ge [sflag:s6], s4  }
0x9f: {  	s4 =	ssub.s32 $0x0, s4;
	[sflag:s6] =	ssyncset.done $0x0  }
0xa0: {  	[sflag:s6] =	ssyncadd.s32 s4;
	_ =	sdelay $0x1  }
0xa1: {  	s23 =	simm.s32 $0x1B8B  }
0xa2: {  	_ =	swait.ge [sflag:s23], $0x1  }
0xa3: {  	[sflag:s23] =	ssyncset.done $0x0  }
0xa4: {  	[sflag:s23] =	ssyncadd.s32 $0xFFFFFFFF  }
0xa5: {  	s4 =	sld [smem:$0x0]  }
0xa6: {  	s5 =	sand.u32 $0xFFFFFFFE, s1  }
0xa7: {  	p0 =	sne.s32 s1, s5  }
0xa8: {  	s5 =	sshll.u32 @p0 s5, $0xE  }
0xa9: {  	s5 =	sadd.s32 @p0 $0x11B8D, s5;
	s6 =	sshll.u32 @p0 s4, $0x11  }
0xaa: {  	s5 =	sor.u32 @p0 s6, s5  }
0xab: {  	[sflag:s5] =	ssyncadd.remote.s32 @p0 $0x1;
	_ =	sdelay $0x1  }
0xac: {  	s5 =	simm.s32 @p0 $0x1B8D  }
0xad: {  	_ =	swait.eq @p0 [sflag:s5], $0x1  }
0xae: {  	[sflag:s5] =	ssyncadd.s32 @p0 $0xFFFFFFFF  }
0xaf: {  	s6 =	sshll.u32 @!p0 s1, $0xE  }
0xb0: {  	s6 =	sor.u32 @!p0 $0x4000, s6;
	s5 =	simm.s32 @!p0 $0x1B8D  }
0xb1: {  	s4 =	sshll.u32 @!p0 s4, $0x11;
	s6 =	sadd.s32 @!p0 $0x11B8D, s6;
	_ =	swait.eq @!p0 [sflag:s5], $0x1  }
0xb2: {  	s4 =	sor.u32 @!p0 s4, s6;
	[sflag:s5] =	ssyncadd.s32 @!p0 $0xFFFFFFFF  }
0xb3: {  	s25 =	simm.s32 $0x1B8E;
	s24 =	sld [smem:$0x3FFE];
	[sflag:s4] =	ssyncadd.remote.s32 @!p0 $0x1  }
0xb4: {  	s26 =	simm.s32 $execute0_lowered;
	[smem:$0x3FD2] =	sst s25  }
0xb5: {  	s5 =	sshll.u32 s26, $0x1;
	_ =	strace $0x80000055;
	[dreg:$0x1] =	wrdreg $0xFFFFFFFF  }
0xb6: {  	s28 =	simm.s32 $_size_execute0_lowered;
	s3 =	sadd.s32 s3, s5;
	[dreg:$0x0] =	wrdreg $0x0  }
0xb7: {  	s5 =	sshll.u32 s28, $0x1;
	[dreg:$0x2] =	wrdreg s3  }
0xb8: {  	[dreg:$0x3] =	wrdreg s5  }
0xb9: {  	[dreg:$0x4] =	wrdreg $0xC0  }
0xba: {  	_ =	task [dreg:s22], $0x5FFFF  }
0xbb: {  	[dreg:$0x1] =	wrdreg $0xFFFFFFFF  }
0xbc: {  	[dreg:$0x0] =	wrdreg $0x60  }
0xbd: {  	[dreg:$0x2] =	wrdreg s24  }
0xbe: {  	[dreg:$0x3] =	wrdreg $0xC  }
0xbf: {  	_ =	task.clear_ibuf [dreg:s22], $0x4FFFF;
	_ =	strace $0x90000055  }
0xc0: {  	s29 =	simm.s32 $0xC;
	_ =	strace $0x80000057  }
0xc1: {  	_ =	swait.ge [sflag:s29], $0x1  }
0xc2: {  	[sflag:s29] =	ssyncadd.s32 $0xFFFFFFFF  }
0xc3: {  	_ =	strace $0x90000057  }
0xc4: {  	_ =	sfence  }
0xc5: {  	s30 =	sld [smem:$0x0];
	_ =	sdelay $0x2  }
0xc6: {  	s31 =	sshll.u32 s1, $0xD;
	s1 =	sshrl.u32 s1, $0x2  }
0xc7: {  	s4 =	sand.u32 $0x4000, s31;
	s1 =	sadd.s32 s1, s30  }
0xc8: {  	s0 =	sor.u32 s4, s0;
	s1 =	sshll.u32 s1, $0x11  }
0xc9: {  	s0 =	sor.u32 s1, s0  }
0xca: {  	s0 =	sadd.s32 $0x8F2B, s0  }
0xcb: {  	[sflag:s0] =	ssyncadd.remote.s32 $0x1  }
0xcc: {  	_ =	sfence.sel $0xFFFF  }
0xcd: {  	[dreg:$0x0] =	wrdreg $0xFFFFFFFF;
	(pc) =	sbr.abs _section_cstart, $3  }
0xce: {  	[dreg:$0x1] =	wrdreg $0xFFFFFFFF  }
0xcf: {  	_ =	task.clear_ibuf [dreg:s22], $0x2FFFF;
	_ =	strace $0x9FFFFFFF  }
0xd0: {  	(tm) =	ssettm $0x7FFFFFFF  }
0xd1: {  	_ =	shalt  }
tec
execute0_lowered:
.L_overlay_start_1:
0x0: {  	(tag) =	ssettag $0x1  }
0x1: {  	s1 =	srdreg.scid  }
0x2: {  	s0 =	stileid.u32;
	s28 =	sand.u32 $0x1, s1  }
0x3: {  	s30 =	sshll.u32 s0, $0xC;
	s2 =	sshll.u32 s28, $0xB  }
0x4: {  	s9 =	sor.u32 s2, s30  }
0x5: {  	s12 =	rddreg [dreg:$0x0];
	s2 =	simm.s32 $0x0;
	s3 =	sshrl.u32 s9, $0x3  }
0x6: {  	s4 =	simm.s32 $0x5;
	[smem:$0x7FF] =	sst s2;
	s3 =	sadd.s32 s3, s12  }
0x7: {  	s1 =	rddreg [dreg:$0x1];
	_ =	strace $0x80000056;
	s3 =	sadd.s32 $0xC000, s3  }
0x8: {  	[tilespmem:s2], [sflag:$0x5] =	stream.linear.gather [hbm4b:s3+s2], $0x800, $0x38;
	[tilespmem:$0x10800] =	vst v63  }
0x9: {  	_ =	swait.ge [sflag:s4], $0x800  }
0xa: {  	s6 =	simm.s32 $0x100;
	s7 =	simm.s32 $0x800;
	[sflag:s4] =	ssyncset.done $0x0  }
0xb: {  	s8 =	simm.s32 $0x3;
	s5 =	sadd.s32 $0x30C000, s12;
	[sflag:s4] =	ssyncadd.s32 $0xFFFFF800  }
0xc: {  	[tilespmem:s7], [sflag:$0x3] =	stream.indirect.gather [hbm4b:s5+s6], $0x80, s2, s6, $0xb8;
	[tilespmem:$0x10800] =	vst v63  }
0xd: {  	_ =	swait.ge [sflag:s8], $0x8000  }
0xe: {  	s24 =	sadd.s32 $0x40C000, s12;
	s25 =	sshll.u32 s9, $0x4;
	[sflag:s8] =	ssyncset.done $0x0  }
0xf: {  	s9 =	sadd.s32 s24, s25;
	[sflag:s8] =	ssyncadd.s32 $0xFFFF8000  }
0x10: {  	[hbm4b:s9+s2] =	stream.linear.scatter [tilespmem:s7], [sflag:$0x1], $0x8000, $0x38;
	[tilespmem:$0x10800] =	vst v63  }
0x11: {  	s10 =	simm.s32 $0x8800;
	s11 =	simm.s32 $0x4  }
0x12: {  	[tilespmem:s10], [sflag:$0x4] =	stream.indirect.gather [hbm4b:s5+s6], $0x80, s6, s6, $0xb8;
	[tilespmem:$0x10800] =	vst v63  }
0x13: {  	_ =	swait.ge [sflag:s11], $0x8000  }
0x14: {  	s26 =	sadd.s32 $0x40D000, s12;
	[sflag:s11] =	ssyncset.done $0x0  }
0x15: {  	s13 =	simm.s32 $0x1;
	s12 =	sadd.s32 s25, s26;
	[sflag:s11] =	ssyncadd.s32 $0xFFFF8000  }
0x16: {  	[hbm4b:s12+s2] =	stream.linear.scatter [tilespmem:s10], [sflag:$0x2], $0x8000, $0x38;
	[tilespmem:$0x10800] =	vst v63  }
0x17: {  	_ =	swait.ge [sflag:s13], $0x8000  }
0x18: {  	[sflag:s13] =	ssyncset.done $0x0  }
0x19: {  	s14 =	simm.s32 $0x200;
	[sflag:s13] =	ssyncadd.s32 $0xFFFF8000  }
0x1a: {  	[tilespmem:s7], [sflag:$0x3] =	stream.indirect.gather [hbm4b:s5+s6], $0x80, s14, s6, $0xb8;
	[tilespmem:$0x10800] =	vst v63  }
0x1b: {  	_ =	swait.ge [sflag:s8], $0x8000  }
0x1c: {  	s18 =	sor.u32 $0x2000, s25;
	[sflag:s8] =	ssyncset.done $0x0  }
0x1d: {  	s15 =	simm.s32 $0x2;
	s16 =	sadd.s32 s24, s18;
	[sflag:s8] =	ssyncadd.s32 $0xFFFF8000  }
0x1e: {  	[hbm4b:s16+s2] =	stream.linear.scatter [tilespmem:s7], [sflag:$0x1], $0x8000, $0x38;
	[tilespmem:$0x10800] =	vst v63  }
0x1f: {  	_ =	swait.ge [sflag:s15], $0x8000  }
0x20: {  	[sflag:s15] =	ssyncset.done $0x0  }
0x21: {  	s17 =	simm.s32 $0x300;
	[sflag:s15] =	ssyncadd.s32 $0xFFFF8000  }
0x22: {  	[tilespmem:s10], [sflag:$0x4] =	stream.indirect.gather [hbm4b:s5+s6], $0x80, s17, s6, $0xb8;
	[tilespmem:$0x10800] =	vst v63  }
0x23: {  	_ =	swait.ge [sflag:s11], $0x8000  }
0x24: {  	[sflag:s11] =	ssyncset.done $0x0  }
0x25: {  	s18 =	sadd.s32 s18, s26;
	[sflag:s11] =	ssyncadd.s32 $0xFFFF8000  }
0x26: {  	[hbm4b:s18+s2] =	stream.linear.scatter [tilespmem:s10], [sflag:$0x2], $0x8000, $0x38;
	[tilespmem:$0x10800] =	vst v63  }
0x27: {  	_ =	swait.ge [sflag:s13], $0x8000  }
0x28: {  	[sflag:s13] =	ssyncset.done $0x0  }
0x29: {  	s19 =	simm.s32 $0x400;
	[sflag:s13] =	ssyncadd.s32 $0xFFFF8000  }
0x2a: {  	[tilespmem:s7], [sflag:$0x3] =	stream.indirect.gather [hbm4b:s5+s6], $0x80, s19, s6, $0xb8;
	[tilespmem:$0x10800] =	vst v63  }
0x2b: {  	_ =	swait.ge [sflag:s8], $0x8000  }
0x2c: {  	s22 =	sor.u32 $0x4000, s25;
	[sflag:s8] =	ssyncset.done $0x0  }
0x2d: {  	s20 =	sadd.s32 s24, s22;
	[sflag:s8] =	ssyncadd.s32 $0xFFFF8000  }
0x2e: {  	[hbm4b:s20+s2] =	stream.linear.scatter [tilespmem:s7], [sflag:$0x1], $0x8000, $0x38;
	[tilespmem:$0x10800] =	vst v63  }
0x2f: {  	_ =	swait.ge [sflag:s15], $0x8000  }
0x30: {  	[sflag:s15] =	ssyncset.done $0x0  }
0x31: {  	s21 =	simm.s32 $0x500;
	[sflag:s15] =	ssyncadd.s32 $0xFFFF8000  }
0x32: {  	[tilespmem:s10], [sflag:$0x4] =	stream.indirect.gather [hbm4b:s5+s6], $0x80, s21, s6, $0xb8;
	[tilespmem:$0x10800] =	vst v63  }
0x33: {  	_ =	swait.ge [sflag:s11], $0x8000  }
0x34: {  	[sflag:s11] =	ssyncset.done $0x0  }
0x35: {  	s22 =	sadd.s32 s22, s26;
	[sflag:s11] =	ssyncadd.s32 $0xFFFF8000  }
0x36: {  	[hbm4b:s22+s2] =	stream.linear.scatter [tilespmem:s10], [sflag:$0x2], $0x8000, $0x38;
	[tilespmem:$0x10800] =	vst v63  }
0x37: {  	_ =	swait.ge [sflag:s13], $0x8000  }
0x38: {  	[sflag:s13] =	ssyncset.done $0x0  }
0x39: {  	s23 =	simm.s32 $0x600;
	[sflag:s13] =	ssyncadd.s32 $0xFFFF8000  }
0x3a: {  	[tilespmem:s7], [sflag:$0x3] =	stream.indirect.gather [hbm4b:s5+s6], $0x80, s23, s6, $0xb8;
	[tilespmem:$0x10800] =	vst v63  }
0x3b: {  	_ =	swait.ge [sflag:s8], $0x8000  }
0x3c: {  	s29 =	sor.u32 $0x6000, s25;
	[sflag:s8] =	ssyncset.done $0x0  }
0x3d: {  	s24 =	sadd.s32 s24, s29;
	[sflag:s8] =	ssyncadd.s32 $0xFFFF8000  }
0x3e: {  	[hbm4b:s24+s2] =	stream.linear.scatter [tilespmem:s7], [sflag:$0x1], $0x8000, $0x38;
	[tilespmem:$0x10800] =	vst v63  }
0x3f: {  	_ =	swait.ge [sflag:s15], $0x8000  }
0x40: {  	s28 =	ssub.s32 $0x2, s28;
	[sflag:s15] =	ssyncset.done $0x0  }
0x41: {  	s31 =	sshrl.u32 s28, $0x1;
	s25 =	simm.s32 $0x700;
	[sflag:s15] =	ssyncadd.s32 $0xFFFF8000  }
0x42: {  	[tilespmem:s10], [sflag:$0x4] =	stream.indirect.gather [hbm4b:s5+s6], $0x80, s25, s6, $0xb8;
	[tilespmem:$0x10800] =	vst v63  }
0x43: {  	s28 =	ssub.s32 s28, s31;
	_ =	swait.ge [sflag:s11], $0x8000  }
0x44: {  	s28 =	smax.u32 s28, $0x1;
	[sflag:s11] =	ssyncset.done $0x0  }
0x45: {  	s26 =	sadd.s32 s29, s26;
	p0 =	sne.s32 s28, $0x1;
	[sflag:s11] =	ssyncadd.s32 $0xFFFF8000  }
0x46: {  	[hbm4b:s26+s2] =	stream.linear.scatter [tilespmem:s10], [sflag:$0x2], $0x8000, $0x38;
	[tilespmem:$0x10800] =	vst v63  }
.Ltmp0:
0x47: {  	_ =	swait.ge [sflag:s13], $0x8000;
	(pc) =	sbr.rel @!p0 .LBB2_2-.Ltmp0, $4  }
0x48: {  	[sflag:s13] =	ssyncset.done $0x0  }
0x49: {  	[sflag:s13] =	ssyncadd.s32 $0xFFFF8000  }
0x4a: {  	_ =	swait.ge [sflag:s15], $0x8000  }
0x4b: {  	s28 =	sadd.s32 $0xFFFFFFFF, s28;
	[sflag:s15] =	ssyncset.done $0x0  }
.LBB2_1:
0x4c: {  	p0 =	sne.s32 s28, $0x1;
	s28 =	sadd.s32 $0xFFFFFFFF, s28;
	[sflag:s15] =	ssyncadd.s32 $0xFFFF8000  }
0x4d: {  	[tilespmem:s2], [sflag:$0x5] =	stream.linear.gather [hbm4b:s3+s2], $0x800, $0x38;
	[tilespmem:$0x10800] =	vst v63  }
0x4e: {  	_ =	swait.ge [sflag:s4], $0x800  }
0x4f: {  	[sflag:s4] =	ssyncset.done $0x0  }
0x50: {  	[sflag:s4] =	ssyncadd.s32 $0xFFFFF800  }
0x51: {  	[tilespmem:s7], [sflag:$0x3] =	stream.indirect.gather [hbm4b:s5+s6], $0x80, s2, s6, $0xb8;
	[tilespmem:$0x10800] =	vst v63  }
0x52: {  	_ =	swait.ge [sflag:s8], $0x8000  }
0x53: {  	[sflag:s8] =	ssyncset.done $0x0  }
0x54: {  	[sflag:s8] =	ssyncadd.s32 $0xFFFF8000  }
0x55: {  	[hbm4b:s9+s2] =	stream.linear.scatter [tilespmem:s7], [sflag:$0x1], $0x8000, $0x38;
	[tilespmem:$0x10800] =	vst v63  }
0x56: {  	_ = 	snop  }
0x57: {  	[tilespmem:s10], [sflag:$0x4] =	stream.indirect.gather [hbm4b:s5+s6], $0x80, s6, s6, $0xb8;
	[tilespmem:$0x10800] =	vst v63  }
0x58: {  	_ =	swait.ge [sflag:s11], $0x8000  }
0x59: {  	[sflag:s11] =	ssyncset.done $0x0  }
0x5a: {  	[sflag:s11] =	ssyncadd.s32 $0xFFFF8000  }
0x5b: {  	[hbm4b:s12+s2] =	stream.linear.scatter [tilespmem:s10], [sflag:$0x2], $0x8000, $0x38;
	[tilespmem:$0x10800] =	vst v63  }
0x5c: {  	_ =	swait.ge [sflag:s13], $0x8000  }
0x5d: {  	[sflag:s13] =	ssyncset.done $0x0  }
0x5e: {  	[sflag:s13] =	ssyncadd.s32 $0xFFFF8000  }
0x5f: {  	[tilespmem:s7], [sflag:$0x3] =	stream.indirect.gather [hbm4b:s5+s6], $0x80, s14, s6, $0xb8;
	[tilespmem:$0x10800] =	vst v63  }
0x60: {  	_ =	swait.ge [sflag:s8], $0x8000  }
0x61: {  	[sflag:s8] =	ssyncset.done $0x0  }
0x62: {  	[sflag:s8] =	ssyncadd.s32 $0xFFFF8000  }
0x63: {  	[hbm4b:s16+s2] =	stream.linear.scatter [tilespmem:s7], [sflag:$0x1], $0x8000, $0x38;
	[tilespmem:$0x10800] =	vst v63  }
0x64: {  	_ =	swait.ge [sflag:s15], $0x8000  }
0x65: {  	[sflag:s15] =	ssyncset.done $0x0  }
0x66: {  	[sflag:s15] =	ssyncadd.s32 $0xFFFF8000  }
0x67: {  	[tilespmem:s10], [sflag:$0x4] =	stream.indirect.gather [hbm4b:s5+s6], $0x80, s17, s6, $0xb8;
	[tilespmem:$0x10800] =	vst v63  }
0x68: {  	_ =	swait.ge [sflag:s11], $0x8000  }
0x69: {  	[sflag:s11] =	ssyncset.done $0x0  }
0x6a: {  	[sflag:s11] =	ssyncadd.s32 $0xFFFF8000  }
0x6b: {  	[hbm4b:s18+s2] =	stream.linear.scatter [tilespmem:s10], [sflag:$0x2], $0x8000, $0x38;
	[tilespmem:$0x10800] =	vst v63  }
0x6c: {  	_ =	swait.ge [sflag:s13], $0x8000  }
0x6d: {  	[sflag:s13] =	ssyncset.done $0x0  }
0x6e: {  	[sflag:s13] =	ssyncadd.s32 $0xFFFF8000  }
0x6f: {  	[tilespmem:s7], [sflag:$0x3] =	stream.indirect.gather [hbm4b:s5+s6], $0x80, s19, s6, $0xb8;
	[tilespmem:$0x10800] =	vst v63  }
0x70: {  	_ =	swait.ge [sflag:s8], $0x8000  }
0x71: {  	[sflag:s8] =	ssyncset.done $0x0  }
0x72: {  	[sflag:s8] =	ssyncadd.s32 $0xFFFF8000  }
0x73: {  	[hbm4b:s20+s2] =	stream.linear.scatter [tilespmem:s7], [sflag:$0x1], $0x8000, $0x38;
	[tilespmem:$0x10800] =	vst v63  }
0x74: {  	_ =	swait.ge [sflag:s15], $0x8000  }
0x75: {  	[sflag:s15] =	ssyncset.done $0x0  }
0x76: {  	[sflag:s15] =	ssyncadd.s32 $0xFFFF8000  }
0x77: {  	[tilespmem:s10], [sflag:$0x4] =	stream.indirect.gather [hbm4b:s5+s6], $0x80, s21, s6, $0xb8;
	[tilespmem:$0x10800] =	vst v63  }
0x78: {  	_ =	swait.ge [sflag:s11], $0x8000  }
0x79: {  	[sflag:s11] =	ssyncset.done $0x0  }
0x7a: {  	[sflag:s11] =	ssyncadd.s32 $0xFFFF8000  }
0x7b: {  	[hbm4b:s22+s2] =	stream.linear.scatter [tilespmem:s10], [sflag:$0x2], $0x8000, $0x38;
	[tilespmem:$0x10800] =	vst v63  }
0x7c: {  	_ =	swait.ge [sflag:s13], $0x8000  }
0x7d: {  	[sflag:s13] =	ssyncset.done $0x0  }
0x7e: {  	[sflag:s13] =	ssyncadd.s32 $0xFFFF8000  }
0x7f: {  	[tilespmem:s7], [sflag:$0x3] =	stream.indirect.gather [hbm4b:s5+s6], $0x80, s23, s6, $0xb8;
	[tilespmem:$0x10800] =	vst v63  }
0x80: {  	_ =	swait.ge [sflag:s8], $0x8000  }
0x81: {  	[sflag:s8] =	ssyncset.done $0x0  }
0x82: {  	[sflag:s8] =	ssyncadd.s32 $0xFFFF8000  }
0x83: {  	[hbm4b:s24+s2] =	stream.linear.scatter [tilespmem:s7], [sflag:$0x1], $0x8000, $0x38;
	[tilespmem:$0x10800] =	vst v63  }
0x84: {  	_ =	swait.ge [sflag:s15], $0x8000  }
0x85: {  	[sflag:s15] =	ssyncset.done $0x0  }
0x86: {  	[sflag:s15] =	ssyncadd.s32 $0xFFFF8000  }
0x87: {  	[tilespmem:s10], [sflag:$0x4] =	stream.indirect.gather [hbm4b:s5+s6], $0x80, s25, s6, $0xb8;
	[tilespmem:$0x10800] =	vst v63  }
0x88: {  	_ =	swait.ge [sflag:s11], $0x8000  }
0x89: {  	[sflag:s11] =	ssyncset.done $0x0  }
0x8a: {  	[sflag:s11] =	ssyncadd.s32 $0xFFFF8000  }
0x8b: {  	[hbm4b:s26+s2] =	stream.linear.scatter [tilespmem:s10], [sflag:$0x2], $0x8000, $0x38;
	[tilespmem:$0x10800] =	vst v63  }
.Ltmp1:
0x8c: {  	_ =	swait.ge [sflag:s13], $0x8000;
	(pc) =	sbr.rel @p0 .LBB2_1-.Ltmp1, $4  }
0x8d: {  	[sflag:s13] =	ssyncset.done $0x0  }
0x8e: {  	[sflag:s13] =	ssyncadd.s32 $0xFFFF8000  }
0x8f: {  	_ =	swait.ge [sflag:s15], $0x8000  }
0x90: {  	[sflag:s15] =	ssyncset.done $0x0  }
.LBB2_2:
0x91: {  	[sflag:s15] =	ssyncadd.s32 $0xFFFF8000  }
0x92: {  	_ =	sfence.sel $0x180000  }
0x93: {  	[bflag:$0x0] =	sbarrier.arrive $0xFFFF  }
0x94: {  	p0 =	sne.s32 s0, $0x0;
	_ =	strace $0x90000056  }
0x95: {  	s0 =	sadd.s32 @!p0 $0x100000, s1;
	[bflag:$0x2] =	sbarrier.arrive $0xFFFF  }
0x96: {  	[sflag:s0] =	ssyncadd.tile.s32 @!p0 $0x1;
	_ =	shalt  }
.Lfunc_end2:
_tile_overlayer_lowered:
.L_overlay_start_2:
0x97: {  	(tag) =	ssettag $0x2  }
0x98: {  	s0 =	rddreg [dreg:$0x0];
	s2 =	stileid.u32  }
0x99: {  	s1 =	rddreg [dreg:$0x1];
	p0 =	sne.s32 s2, $0x0  }
0x9a: {  	s3 =	rddreg [dreg:$0x2];
	[bflag:$0x3] =	sbarrier.arrive $0xFFFF;
	s2 =	simm.s32 @!p0 $0x1C05  }
0x9b: {  	[timem:s3], [sflag:s2] =	dma.local @!p0 [hbm:s0], s1  }
0x9c: {  	s0 =	simm.s32 @!p0 $0x5  }
0x9d: {  	_ =	swait.ge @!p0 [sflag:s0], s1  }
0x9e: {  	s1 =	ssub.s32 @!p0 $0x0, s1;
	[sflag:s0] =	ssyncset.done @!p0 $0x0  }
0x9f: {  	[sflag:s0] =	ssyncadd.s32 @!p0 s1  }
0xa0: {  	[bflag:$0x3] =	sbarrier.arrive $0xFFFF  }
0xa1: {  	_ =	shalt  }

// kernel: kernel.33.cloned.1.call-start
scs
__scs_entry_jumppad:
0x0: {  	(pc) =	sbr.rel $0x88, $3  }
0x1: {  	(tag) =	ssettag $0x0;
	lr =	simm.s32 $0x1  }
0x2: {  	[smem:$0x3F9E] =	sst lr;
	_ =	strace $0xD0000000  }
0x3: {  	_ = 	snop  }
0x4: {  	_ = 	snop  }
0x5: {  	_ = 	snop  }
0x6: {  	_ = 	snop  }
0x7: {  	_ = 	snop  }
__scs_overlays_trampoline_lowered:
0x8: {  	[smem:$0x3FAD] =	sst s0  }
0x9: {  	[smem:$0x3FAE] =	sst s1  }
0xa: {  	[smem:$0x3FAF] =	sst s2  }
0xb: {  	[smem:$0x3FB0] =	sst s3  }
0xc: {  	[smem:$0x3FB1] =	sst s4  }
0xd: {  	[smem:$0x3FB2] =	sst s5  }
0xe: {  	[smem:$0x3FB3] =	sst s6  }
0xf: {  	[smem:$0x3FB4] =	sst s7  }
0x10: {  	[smem:$0x3FB5] =	sst s8  }
0x11: {  	[smem:$0x3FB6] =	sst s9;
	s0 =	simm.s32 @!p0 $0x0  }
0x12: {  	s1 =	sld [smem:$0x3F9C];
	s0 =	simm.s32 @p0 $0x1  }
0x13: {  	[smem:$0x3FB7] =	sst s0;
	s0 =	simm.s32 @!p1 $0x0  }
0x14: {  	s2 =	sld [smem:$0x3F9B];
	s0 =	simm.s32 @p1 $0x1  }
0x15: {  	[smem:$0x3FB8] =	sst s0;
	s0 =	simm.s32 @!p2 $0x0  }
0x16: {  	s3 =	sld [smem:$0x3FDB];
	s0 =	simm.s32 @p2 $0x1  }
0x17: {  	s4 =	simm.s32 $0x1BF5;
	[smem:$0x3FBA] =	sst s0  }
0x18: {  	s0 =	sld [smem:$0x3F9D];
	_ =	swait.ge [sflag:s4], $0x0  }
0x19: {  	s7 =	sld [smem:$0x3F9E]  }
0x1a: {  	s8 =	sadd.s32 $0xFFFFE003, lr  }
0x1b: {  	s9 =	sadd.s32 $0xFFFFFEF7, lr;
	s5 =	simm.s32 $0xFFFFFFFF;
	p2 =	slt.u32 s8, $0xFFFFF086  }
0x1c: {  	p1 =	slt.u32 s9, $0xF7A;
	s5 =	simm.s32 @!p2 $0x0  }
0x1d: {  	s5 =	simm.s32 @p1 $0x1;
	p0 =	seq.s32 s7, s2  }
0x1e: {  	s7 =	smul.u32 @!p0 $0xF7A, s2;
	p2 =	seq.s32 @!p0 s5, $0x0  }
0x1f: {  	s9 =	smul.u32 $0xF7A, s1;
	s8 =	simm.s32 @!p0 $0x1BF5;
	p2 =	por !p2, p0  }
0x20: {  	[sflag:s8] =	ssyncset.s32 @!p0 $0xFFFFF086;
	s6 =	sadd.s32 @!p0 s3, s7;
	s7 =	simm.s32 @!p0 $0x108  }
0x21: {  	s3 =	sadd.s32 s3, s9;
	s6 =	sadd.s32 @!p0 $0x88, s6;
	s7 =	simm.s32 @p2 $0x1082  }
0x22: {  	[simem:s7], [sflag:s8] =	dma.local @!p0 [hbm:s6], $0xF7A  }
0x23: {  	s9 =	sor.u32 $0xD0000000, s2;
	s6 =	simm.s32 $0x108;
	_ =	swait.ge @!p0 [sflag:s8], $0x0  }
0x24: {  	s3 =	sadd.s32 $0x88, s3;
	s6 =	simm.s32 @!p1 $0x1082;
	[sflag:s4] =	ssyncset.s32 $0xFFFFF086  }
0x25: {  	[simem:s6], [sflag:s4] =	dma.local [hbm:s3], $0xF7A  }
0x26: {  	[smem:$0x3F9E] =	sst s1;
	(tag) =	ssettag s2;
	_ =	strace s9  }
0x27: {  	s1 =	sld [smem:$0x3FAE]  }
0x28: {  	s2 =	sld [smem:$0x3FAF]  }
0x29: {  	s4 =	sld [smem:$0x3FB1]  }
0x2a: {  	p0 =	seq.s32 s5, $0x0;
	s5 =	sld [smem:$0x3FB2]  }
0x2b: {  	s6 =	sld [smem:$0x3FB3]  }
0x2c: {  	s7 =	sld [smem:$0x3FB4]  }
0x2d: {  	s3 =	simm.s32 $0x108;
	s8 =	sld [smem:$0x3FB5]  }
0x2e: {  	s3 =	simm.s32 @!p0 $0x1082;
	s9 =	sld [smem:$0x3FB6]  }
0x2f: {  	lr =	sadd.s32 s0, s3;
	s0 =	sld [smem:$0x3FAD]  }
0x30: {  	s3 =	sld [smem:$0x3FB0]  }
0x31: {  	[smem:$0x3FB9] =	sst s10  }
0x32: {  	s10 =	sld [smem:$0x3FB7];
	_ =	sdelay $0x3  }
0x33: {  	p0 =	seq.s32 s10, $0x1;
	s10 =	sld [smem:$0x3FB9];
	_ =	sdelay $0x3  }
0x34: {  	[smem:$0x3FB9] =	sst s10  }
0x35: {  	s10 =	sld [smem:$0x3FB8];
	_ =	sdelay $0x3  }
0x36: {  	p1 =	seq.s32 s10, $0x1;
	s10 =	sld [smem:$0x3FB9];
	_ =	sdelay $0x3  }
0x37: {  	[smem:$0x3FB9] =	sst s10  }
0x38: {  	s10 =	sld [smem:$0x3FBA]  }
0x39: {  	_ = 	snop;
	(pc) =	sbr.ind lr, $3  }
0x3a: {  	_ = 	snop  }
0x3b: {  	_ = 	snop  }
0x3c: {  	p2 =	seq.s32 s10, $0x1;
	s10 =	sld [smem:$0x3FB9]  }
0x3d: {  	_ =	shalt  }
0x3e: {  	_ =	shalt  }
0x3f: {  	_ =	shalt  }
0x40: {  	_ =	shalt  }
0x41: {  	_ =	shalt  }
0x42: {  	_ =	shalt  }
0x43: {  	_ =	shalt  }
0x44: {  	_ =	shalt  }
0x45: {  	_ =	shalt  }
0x46: {  	_ =	shalt  }
0x47: {  	_ =	shalt  }
0x48: {  	_ =	shalt  }
0x49: {  	_ =	shalt  }
0x4a: {  	_ =	shalt  }
0x4b: {  	_ =	shalt  }
0x4c: {  	_ =	shalt  }
0x4d: {  	_ =	shalt  }
0x4e: {  	_ =	shalt  }
0x4f: {  	_ =	shalt  }
0x50: {  	_ =	shalt  }
0x51: {  	_ =	shalt  }
0x52: {  	_ =	shalt  }
0x53: {  	_ =	shalt  }
0x54: {  	_ =	shalt  }
0x55: {  	_ =	shalt  }
0x56: {  	_ =	shalt  }
0x57: {  	_ =	shalt  }
0x58: {  	_ =	shalt  }
0x59: {  	_ =	shalt  }
0x5a: {  	_ =	shalt  }
0x5b: {  	_ =	shalt  }
0x5c: {  	_ =	shalt  }
0x5d: {  	_ =	shalt  }
0x5e: {  	_ =	shalt  }
0x5f: {  	_ =	shalt  }
0x60: {  	_ =	shalt  }
0x61: {  	_ =	shalt  }
0x62: {  	_ =	shalt  }
0x63: {  	_ =	shalt  }
0x64: {  	_ =	shalt  }
0x65: {  	_ =	shalt  }
0x66: {  	_ =	shalt  }
0x67: {  	_ =	shalt  }
0x68: {  	_ =	shalt  }
0x69: {  	_ =	shalt  }
0x6a: {  	_ =	shalt  }
0x6b: {  	_ =	shalt  }
0x6c: {  	_ =	shalt  }
0x6d: {  	_ =	shalt  }
0x6e: {  	_ =	shalt  }
0x6f: {  	_ =	shalt  }
0x70: {  	_ =	shalt  }
0x71: {  	_ =	shalt  }
0x72: {  	_ =	shalt  }
0x73: {  	_ =	shalt  }
0x74: {  	_ =	shalt  }
0x75: {  	_ =	shalt  }
0x76: {  	_ =	shalt  }
0x77: {  	_ =	shalt  }
0x78: {  	_ =	shalt  }
0x79: {  	_ =	shalt  }
0x7a: {  	_ =	shalt  }
0x7b: {  	_ =	shalt  }
0x7c: {  	_ =	shalt  }
0x7d: {  	_ =	shalt  }
0x7e: {  	_ =	shalt  }
0x7f: {  	_ =	shalt  }
0x80: {  	_ =	shalt  }
0x81: {  	_ =	shalt  }
0x82: {  	_ =	shalt  }
0x83: {  	_ =	shalt  }
0x84: {  	_ =	shalt  }
0x85: {  	_ =	shalt  }
0x86: {  	_ =	shalt  }
0x87: {  	_ =	shalt  }
.Lfunc_end0:
.L_simem_size_0:
called_computation.6_lowered:
.L_overlay_start_0:
0x88: {  	s2 =	sld [smem:$0x3FD9]  }
0x89: {  	s3 =	sld [smem:$0x3FFE];
	_ =	sdelay $0x1  }
0x8a: {  	s1 =	srdreg.scid  }
0x8b: {  	s0 =	sand.u32 $0x1, s1  }
0x8c: {  	s16 =	sshll.u32 s0, $0xA;
	s2 =	sadd.s32 s3, s2  }
0x8d: {  	s2 =	sadd.s32 s2, s16  }
0x8e: {  	[smem:$0x3FC5] =	sst s2  }
0x8f: {  	_ = 	snop  }
0x90: {  	(tm) =	ssettm $0x1  }
0x91: {  	s17 =	sld [smem:$0x3FFB];
	_ =	sdelay $0x3  }
0x92: {  	_ =	strace s17  }
0x93: {  	s2 =	sld [smem:$0x3FFC];
	_ =	sdelay $0x3  }
0x94: {  	_ =	strace s2  }
0x95: {  	s2 =	sld [smem:$0x3FFD];
	_ =	sdelay $0x3  }
0x96: {  	_ =	strace s2  }
0x97: {  	_ =	strace $0x8FFFFFFF  }
0x98: {  	s18 =	sld [smem:$0x3FDB];
	_ =	sdelay $0x1  }
0x99: {  	s19 =	simm.s32 $_scs_section_size  }
0x9a: {  	s4 =	simm.s32 $_size__tile_overlayer_lowered;
	s5 =	simm.s32 $_tile_overlayer_lowered  }
0x9b: {  	s22 =	simm.s32 $0x1BFF;
	s21 =	sshll.u32 s5, $0x1;
	s2 =	sadd.s32 s19, s18  }
0x9c: {  	s6 =	simm.s32 $0x0;
	s20 =	sshll.u32 s4, $0x1;
	s4 =	sadd.s32 s21, s2  }
0x9d: {  	[timem:s6], [sflag:s22] =	dma.local [hbm:s4], s20  }
0x9e: {  	_ =	swait.ge [sflag:s22], s20  }
0x9f: {  	s3 =	ssub.s32 $0x0, s20;
	[sflag:s22] =	ssyncset.done $0x0  }
0xa0: {  	[sflag:s22] =	ssyncadd.s32 s3;
	_ =	sdelay $0x1  }
0xa1: {  	s23 =	simm.s32 $0x1B8B  }
0xa2: {  	_ =	swait.ge [sflag:s23], $0x1  }
0xa3: {  	[sflag:s23] =	ssyncset.done $0x0  }
0xa4: {  	s25 =	simm.s32 $0x1B8E;
	s24 =	sld [smem:$0x3FFE];
	[sflag:s23] =	ssyncadd.s32 $0xFFFFFFFF  }
0xa5: {  	s26 =	simm.s32 $execute0_lowered;
	[smem:$0x3FD2] =	sst s25  }
0xa6: {  	s4 =	sshll.u32 s26, $0x1;
	_ =	strace $0x80000046;
	[dreg:$0x1] =	wrdreg $0xFFFFFFFF  }
0xa7: {  	s28 =	simm.s32 $_size_execute0_lowered;
	s2 =	sadd.s32 s2, s4;
	[dreg:$0x0] =	wrdreg $0x0  }
0xa8: {  	s4 =	sshll.u32 s28, $0x1;
	[dreg:$0x2] =	wrdreg s2  }
0xa9: {  	[dreg:$0x3] =	wrdreg s4  }
0xaa: {  	[dreg:$0x4] =	wrdreg $0xC0  }
0xab: {  	_ =	task [dreg:s6], $0x5FFFF  }
0xac: {  	[dreg:$0x1] =	wrdreg $0xFFFFFFFF  }
0xad: {  	[dreg:$0x0] =	wrdreg $0x60  }
0xae: {  	[dreg:$0x2] =	wrdreg s24  }
0xaf: {  	[dreg:$0x3] =	wrdreg $0xA  }
0xb0: {  	_ =	task.clear_ibuf [dreg:s6], $0x4FFFF;
	_ =	strace $0x90000046  }
0xb1: {  	s29 =	simm.s32 $0xA;
	_ =	strace $0x80000048  }
0xb2: {  	_ =	swait.ge [sflag:s29], $0x1  }
0xb3: {  	[sflag:s29] =	ssyncadd.s32 $0xFFFFFFFF  }
0xb4: {  	_ =	strace $0x90000048  }
0xb5: {  	_ =	sfence  }
0xb6: {  	s30 =	sld [smem:$0x0];
	_ =	sdelay $0x2  }
0xb7: {  	s31 =	sshll.u32 s1, $0xD;
	s1 =	sshrl.u32 s1, $0x2  }
0xb8: {  	s3 =	sand.u32 $0x4000, s31;
	s1 =	sadd.s32 s1, s30  }
0xb9: {  	s0 =	sor.u32 s3, s0;
	s1 =	sshll.u32 s1, $0x11  }
0xba: {  	s0 =	sor.u32 s1, s0  }
0xbb: {  	s0 =	sadd.s32 $0x8F2B, s0  }
0xbc: {  	[sflag:s0] =	ssyncadd.remote.s32 $0x1  }
0xbd: {  	_ =	sfence.sel $0xFFFF  }
0xbe: {  	[dreg:$0x0] =	wrdreg $0xFFFFFFFF;
	(pc) =	sbr.abs _section_cstart, $3  }
0xbf: {  	[dreg:$0x1] =	wrdreg $0xFFFFFFFF  }
0xc0: {  	_ =	task.clear_ibuf [dreg:s6], $0x2FFFF;
	_ =	strace $0x9FFFFFFF  }
0xc1: {  	(tm) =	ssettm $0x7FFFFFFF  }
tec
execute0_lowered:
.L_overlay_start_1:
0x0: {  	(tag) =	ssettag $0x1  }
0x1: {  	s1 =	srdreg.scid  }
0x2: {  	s0 =	stileid.u32;
	s4 =	rddreg [dreg:$0x0];
	s1 =	sand.u32 $0x1, s1  }
0x3: {  	s2 =	simm.s32 $0x0;
	s3 =	sshll.u32 s0, $0xD;
	s5 =	sshll.u32 s1, $0xC  }
0x4: {  	[smem:$0x7FF] =	sst s2;
	s3 =	sor.u32 s5, s3  }
0x5: {  	s29 =	sadd.s32 $0x20C000, s4;
	s31 =	sadd.s32 $0x20D000, s4;
	s30 =	sshll.u32 s3, $0x4  }
0x6: {  	_ =	strace $0x80000047;
	s5 =	sshrl.u32 s3, $0x3;
	s3 =	sadd.s32 s29, s30  }
0x7: {  	s5 =	sadd.s32 s5, s4;
	s12 =	sadd.s32 s30, s31;
	[dreg:$0x3] =	wrdreg s3  }
0x8: {  	s13 =	sor.u32 $0x2000, s30;
	s5 =	sadd.s32 $0x108000, s5;
	[dreg:$0x4] =	wrdreg s12  }
0x9: {  	s14 =	sadd.s32 s29, s13;
	[dreg:$0x2] =	wrdreg s5  }
0xa: {  	s16 =	sor.u32 $0x4000, s30;
	s15 =	sadd.s32 s13, s31;
	[dreg:$0x5] =	wrdreg s14  }
0xb: {  	s17 =	sadd.s32 s29, s16;
	[dreg:$0x6] =	wrdreg s15  }
0xc: {  	s19 =	sor.u32 $0x6000, s30;
	s18 =	sadd.s32 s16, s31;
	[dreg:$0x7] =	wrdreg s17  }
0xd: {  	s20 =	sadd.s32 s29, s19;
	[dreg:$0x8] =	wrdreg s18  }
0xe: {  	s22 =	sor.u32 $0x8000, s30;
	s21 =	sadd.s32 s19, s31;
	[dreg:$0x9] =	wrdreg s20  }
0xf: {  	s23 =	sadd.s32 s29, s22;
	[dreg:$0xa] =	wrdreg s21  }
0x10: {  	s24 =	sadd.s32 s22, s31;
	[dreg:$0xb] =	wrdreg s23  }
0x11: {  	s22 =	sor.u32 $0xA000, s30;
	[dreg:$0xc] =	wrdreg s24  }
0x12: {  	s26 =	sadd.s32 s29, s22;
	s25 =	rddreg [dreg:$0x2]  }
0x13: {  	s3 =	simm.s32 $0x5;
	[dreg:$0xd] =	wrdreg s26  }
0x14: {  	[tilespmem:s2], [sflag:$0x5] =	stream.linear.gather [hbm4b:s25+s2], $0x1000, $0x38;
	[tilespmem:$0x11000] =	vst v63  }
0x15: {  	_ =	swait.ge [sflag:s3], $0x1000  }
0x16: {  	s6 =	simm.s32 $0x1000;
	s7 =	simm.s32 $0x3;
	[sflag:s3] =	ssyncset.done $0x0  }
0x17: {  	s4 =	sadd.s32 $0x10C000, s4;
	s5 =	simm.s32 $0x100;
	[sflag:s3] =	ssyncadd.s32 $0xFFFFF000  }
0x18: {  	[tilespmem:s6], [sflag:$0x3] =	stream.indirect.gather [hbm4b:s4+s5], $0x80, s2, s5, $0xb8;
	[tilespmem:$0x11000] =	vst v63  }
0x19: {  	_ =	swait.ge [sflag:s7], $0x8000  }
0x1a: {  	[sflag:s7] =	ssyncset.done $0x0  }
0x1b: {  	s8 =	rddreg [dreg:$0x3];
	[sflag:s7] =	ssyncadd.s32 $0xFFFF8000  }
0x1c: {  	[hbm4b:s8+s2] =	stream.linear.scatter [tilespmem:s6], [sflag:$0x1], $0x8000, $0x38;
	[tilespmem:$0x11000] =	vst v63  }
0x1d: {  	s9 =	simm.s32 $0x4;
	s8 =	simm.s32 $0x9000  }
0x1e: {  	[tilespmem:s8], [sflag:$0x4] =	stream.indirect.gather [hbm4b:s4+s5], $0x80, s5, s5, $0xb8;
	[tilespmem:$0x11000] =	vst v63  }
0x1f: {  	_ =	swait.ge [sflag:s9], $0x8000  }
0x20: {  	[sflag:s9] =	ssyncset.done $0x0  }
0x21: {  	s10 =	simm.s32 $0x1;
	s11 =	rddreg [dreg:$0x4];
	[sflag:s9] =	ssyncadd.s32 $0xFFFF8000  }
0x22: {  	[hbm4b:s11+s2] =	stream.linear.scatter [tilespmem:s8], [sflag:$0x2], $0x8000, $0x38;
	[tilespmem:$0x11000] =	vst v63  }
0x23: {  	_ =	swait.ge [sflag:s10], $0x8000  }
0x24: {  	[sflag:s10] =	ssyncset.done $0x0  }
0x25: {  	s11 =	simm.s32 $0x200;
	[sflag:s10] =	ssyncadd.s32 $0xFFFF8000  }
0x26: {  	[tilespmem:s6], [sflag:$0x3] =	stream.indirect.gather [hbm4b:s4+s5], $0x80, s11, s5, $0xb8;
	[tilespmem:$0x11000] =	vst v63  }
0x27: {  	_ =	swait.ge [sflag:s7], $0x8000  }
0x28: {  	[sflag:s7] =	ssyncset.done $0x0  }
0x29: {  	s12 =	simm.s32 $0x2;
	s13 =	rddreg [dreg:$0x5];
	[sflag:s7] =	ssyncadd.s32 $0xFFFF8000  }
0x2a: {  	[hbm4b:s13+s2] =	stream.linear.scatter [tilespmem:s6], [sflag:$0x1], $0x8000, $0x38;
	[tilespmem:$0x11000] =	vst v63  }
0x2b: {  	_ =	swait.ge [sflag:s12], $0x8000  }
0x2c: {  	[sflag:s12] =	ssyncset.done $0x0  }
0x2d: {  	s13 =	simm.s32 $0x300;
	[sflag:s12] =	ssyncadd.s32 $0xFFFF8000  }
0x2e: {  	[tilespmem:s8], [sflag:$0x4] =	stream.indirect.gather [hbm4b:s4+s5], $0x80, s13, s5, $0xb8;
	[tilespmem:$0x11000] =	vst v63  }
0x2f: {  	_ =	swait.ge [sflag:s9], $0x8000  }
0x30: {  	[sflag:s9] =	ssyncset.done $0x0  }
0x31: {  	s14 =	rddreg [dreg:$0x6];
	[sflag:s9] =	ssyncadd.s32 $0xFFFF8000  }
0x32: {  	[hbm4b:s14+s2] =	stream.linear.scatter [tilespmem:s8], [sflag:$0x2], $0x8000, $0x38;
	[tilespmem:$0x11000] =	vst v63  }
0x33: {  	_ =	swait.ge [sflag:s10], $0x8000  }
0x34: {  	[sflag:s10] =	ssyncset.done $0x0  }
0x35: {  	s14 =	simm.s32 $0x400;
	[sflag:s10] =	ssyncadd.s32 $0xFFFF8000  }
0x36: {  	[tilespmem:s6], [sflag:$0x3] =	stream.indirect.gather [hbm4b:s4+s5], $0x80, s14, s5, $0xb8;
	[tilespmem:$0x11000] =	vst v63  }
0x37: {  	_ =	swait.ge [sflag:s7], $0x8000  }
0x38: {  	[sflag:s7] =	ssyncset.done $0x0  }
0x39: {  	s15 =	rddreg [dreg:$0x7];
	[sflag:s7] =	ssyncadd.s32 $0xFFFF8000  }
0x3a: {  	[hbm4b:s15+s2] =	stream.linear.scatter [tilespmem:s6], [sflag:$0x1], $0x8000, $0x38;
	[tilespmem:$0x11000] =	vst v63  }
0x3b: {  	_ =	swait.ge [sflag:s12], $0x8000  }
0x3c: {  	[sflag:s12] =	ssyncset.done $0x0  }
0x3d: {  	s15 =	simm.s32 $0x500;
	[sflag:s12] =	ssyncadd.s32 $0xFFFF8000  }
0x3e: {  	[tilespmem:s8], [sflag:$0x4] =	stream.indirect.gather [hbm4b:s4+s5], $0x80, s15, s5, $0xb8;
	[tilespmem:$0x11000] =	vst v63  }
0x3f: {  	_ =	swait.ge [sflag:s9], $0x8000  }
0x40: {  	[sflag:s9] =	ssyncset.done $0x0  }
0x41: {  	s16 =	rddreg [dreg:$0x8];
	[sflag:s9] =	ssyncadd.s32 $0xFFFF8000  }
0x42: {  	[hbm4b:s16+s2] =	stream.linear.scatter [tilespmem:s8], [sflag:$0x2], $0x8000, $0x38;
	[tilespmem:$0x11000] =	vst v63  }
0x43: {  	_ =	swait.ge [sflag:s10], $0x8000  }
0x44: {  	[sflag:s10] =	ssyncset.done $0x0  }
0x45: {  	s16 =	simm.s32 $0x600;
	[sflag:s10] =	ssyncadd.s32 $0xFFFF8000  }
0x46: {  	[tilespmem:s6], [sflag:$0x3] =	stream.indirect.gather [hbm4b:s4+s5], $0x80, s16, s5, $0xb8;
	[tilespmem:$0x11000] =	vst v63  }
0x47: {  	_ =	swait.ge [sflag:s7], $0x8000  }
0x48: {  	[sflag:s7] =	ssyncset.done $0x0  }
0x49: {  	s17 =	rddreg [dreg:$0x9];
	[sflag:s7] =	ssyncadd.s32 $0xFFFF8000  }
0x4a: {  	[hbm4b:s17+s2] =	stream.linear.scatter [tilespmem:s6], [sflag:$0x1], $0x8000, $0x38;
	[tilespmem:$0x11000] =	vst v63  }
0x4b: {  	_ =	swait.ge [sflag:s12], $0x8000  }
0x4c: {  	[sflag:s12] =	ssyncset.done $0x0  }
0x4d: {  	s17 =	simm.s32 $0x700;
	[sflag:s12] =	ssyncadd.s32 $0xFFFF8000  }
0x4e: {  	[tilespmem:s8], [sflag:$0x4] =	stream.indirect.gather [hbm4b:s4+s5], $0x80, s17, s5, $0xb8;
	[tilespmem:$0x11000] =	vst v63  }
0x4f: {  	_ =	swait.ge [sflag:s9], $0x8000  }
0x50: {  	[sflag:s9] =	ssyncset.done $0x0  }
0x51: {  	s18 =	rddreg [dreg:$0xa];
	[sflag:s9] =	ssyncadd.s32 $0xFFFF8000  }
0x52: {  	[hbm4b:s18+s2] =	stream.linear.scatter [tilespmem:s8], [sflag:$0x2], $0x8000, $0x38;
	[tilespmem:$0x11000] =	vst v63  }
0x53: {  	_ =	swait.ge [sflag:s10], $0x8000  }
0x54: {  	[sflag:s10] =	ssyncset.done $0x0  }
0x55: {  	s18 =	simm.s32 $0x800;
	[sflag:s10] =	ssyncadd.s32 $0xFFFF8000  }
0x56: {  	[tilespmem:s6], [sflag:$0x3] =	stream.indirect.gather [hbm4b:s4+s5], $0x80, s18, s5, $0xb8;
	[tilespmem:$0x11000] =	vst v63  }
0x57: {  	_ =	swait.ge [sflag:s7], $0x8000  }
0x58: {  	[sflag:s7] =	ssyncset.done $0x0  }
0x59: {  	s19 =	rddreg [dreg:$0xb];
	[sflag:s7] =	ssyncadd.s32 $0xFFFF8000  }
0x5a: {  	[hbm4b:s19+s2] =	stream.linear.scatter [tilespmem:s6], [sflag:$0x1], $0x8000, $0x38;
	[tilespmem:$0x11000] =	vst v63  }
0x5b: {  	_ =	swait.ge [sflag:s12], $0x8000  }
0x5c: {  	[sflag:s12] =	ssyncset.done $0x0  }
0x5d: {  	s19 =	simm.s32 $0x900;
	[sflag:s12] =	ssyncadd.s32 $0xFFFF8000  }
0x5e: {  	[tilespmem:s8], [sflag:$0x4] =	stream.indirect.gather [hbm4b:s4+s5], $0x80, s19, s5, $0xb8;
	[tilespmem:$0x11000] =	vst v63  }
0x5f: {  	_ =	swait.ge [sflag:s9], $0x8000  }
0x60: {  	[sflag:s9] =	ssyncset.done $0x0  }
0x61: {  	s20 =	rddreg [dreg:$0xc];
	[sflag:s9] =	ssyncadd.s32 $0xFFFF8000  }
0x62: {  	[hbm4b:s20+s2] =	stream.linear.scatter [tilespmem:s8], [sflag:$0x2], $0x8000, $0x38;
	[tilespmem:$0x11000] =	vst v63  }
0x63: {  	_ =	swait.ge [sflag:s10], $0x8000  }
0x64: {  	[sflag:s10] =	ssyncset.done $0x0  }
0x65: {  	s20 =	simm.s32 $0xA00;
	[sflag:s10] =	ssyncadd.s32 $0xFFFF8000  }
0x66: {  	[tilespmem:s6], [sflag:$0x3] =	stream.indirect.gather [hbm4b:s4+s5], $0x80, s20, s5, $0xb8;
	[tilespmem:$0x11000] =	vst v63  }
0x67: {  	_ =	swait.ge [sflag:s7], $0x8000  }
0x68: {  	[sflag:s7] =	ssyncset.done $0x0  }
0x69: {  	s21 =	rddreg [dreg:$0xd];
	[sflag:s7] =	ssyncadd.s32 $0xFFFF8000  }
0x6a: {  	[hbm4b:s21+s2] =	stream.linear.scatter [tilespmem:s6], [sflag:$0x1], $0x8000, $0x38;
	[tilespmem:$0x11000] =	vst v63  }
0x6b: {  	_ =	swait.ge [sflag:s12], $0x8000  }
0x6c: {  	[sflag:s12] =	ssyncset.done $0x0  }
0x6d: {  	s21 =	simm.s32 $0xB00;
	[sflag:s12] =	ssyncadd.s32 $0xFFFF8000  }
0x6e: {  	[tilespmem:s8], [sflag:$0x4] =	stream.indirect.gather [hbm4b:s4+s5], $0x80, s21, s5, $0xb8;
	[tilespmem:$0x11000] =	vst v63  }
0x6f: {  	_ =	swait.ge [sflag:s9], $0x8000  }
0x70: {  	[sflag:s9] =	ssyncset.done $0x0  }
0x71: {  	s22 =	sadd.s32 s22, s31;
	[sflag:s9] =	ssyncadd.s32 $0xFFFF8000  }
0x72: {  	[hbm4b:s22+s2] =	stream.linear.scatter [tilespmem:s8], [sflag:$0x2], $0x8000, $0x38;
	[tilespmem:$0x11000] =	vst v63  }
0x73: {  	_ =	swait.ge [sflag:s10], $0x8000  }
0x74: {  	[sflag:s10] =	ssyncset.done $0x0  }
0x75: {  	s23 =	simm.s32 $0xC00;
	[sflag:s10] =	ssyncadd.s32 $0xFFFF8000  }
0x76: {  	[tilespmem:s6], [sflag:$0x3] =	stream.indirect.gather [hbm4b:s4+s5], $0x80, s23, s5, $0xb8;
	[tilespmem:$0x11000] =	vst v63  }
0x77: {  	_ =	swait.ge [sflag:s7], $0x8000  }
0x78: {  	s26 =	sor.u32 $0xC000, s30;
	[sflag:s7] =	ssyncset.done $0x0  }
0x79: {  	s24 =	sadd.s32 s29, s26;
	[sflag:s7] =	ssyncadd.s32 $0xFFFF8000  }
0x7a: {  	[hbm4b:s24+s2] =	stream.linear.scatter [tilespmem:s6], [sflag:$0x1], $0x8000, $0x38;
	[tilespmem:$0x11000] =	vst v63  }
0x7b: {  	_ =	swait.ge [sflag:s12], $0x8000  }
0x7c: {  	[sflag:s12] =	ssyncset.done $0x0  }
0x7d: {  	s25 =	simm.s32 $0xD00;
	[sflag:s12] =	ssyncadd.s32 $0xFFFF8000  }
0x7e: {  	[tilespmem:s8], [sflag:$0x4] =	stream.indirect.gather [hbm4b:s4+s5], $0x80, s25, s5, $0xb8;
	[tilespmem:$0x11000] =	vst v63  }
0x7f: {  	_ =	swait.ge [sflag:s9], $0x8000  }
0x80: {  	[sflag:s9] =	ssyncset.done $0x0  }
0x81: {  	s26 =	sadd.s32 s26, s31;
	[sflag:s9] =	ssyncadd.s32 $0xFFFF8000  }
0x82: {  	[hbm4b:s26+s2] =	stream.linear.scatter [tilespmem:s8], [sflag:$0x2], $0x8000, $0x38;
	[tilespmem:$0x11000] =	vst v63  }
0x83: {  	_ =	swait.ge [sflag:s10], $0x8000  }
0x84: {  	[sflag:s10] =	ssyncset.done $0x0  }
0x85: {  	s28 =	simm.s32 $0xE00;
	[sflag:s10] =	ssyncadd.s32 $0xFFFF8000  }
0x86: {  	[tilespmem:s6], [sflag:$0x3] =	stream.indirect.gather [hbm4b:s4+s5], $0x80, s28, s5, $0xb8;
	[tilespmem:$0x11000] =	vst v63  }
0x87: {  	_ =	swait.ge [sflag:s7], $0x8000  }
0x88: {  	s0 =	sor.u32 $0xE000, s30;
	[sflag:s7] =	ssyncset.done $0x0  }
0x89: {  	s29 =	sadd.s32 s29, s0;
	[sflag:s7] =	ssyncadd.s32 $0xFFFF8000  }
0x8a: {  	[hbm4b:s29+s2] =	stream.linear.scatter [tilespmem:s6], [sflag:$0x1], $0x8000, $0x38;
	[tilespmem:$0x11000] =	vst v63  }
0x8b: {  	_ =	swait.ge [sflag:s12], $0x8000  }
0x8c: {  	s31 =	sadd.s32 s0, s31;
	s0 =	ssub.s32 $0x2, s1;
	[sflag:s12] =	ssyncset.done $0x0  }
0x8d: {  	s30 =	simm.s32 $0xF00;
	s1 =	sshrl.u32 s0, $0x1;
	[sflag:s12] =	ssyncadd.s32 $0xFFFF8000  }
0x8e: {  	[tilespmem:s8], [sflag:$0x4] =	stream.indirect.gather [hbm4b:s4+s5], $0x80, s30, s5, $0xb8;
	[tilespmem:$0x11000] =	vst v63  }
0x8f: {  	s0 =	ssub.s32 s0, s1;
	_ =	swait.ge [sflag:s9], $0x8000  }
0x90: {  	s0 =	smax.u32 s0, $0x1;
	[sflag:s9] =	ssyncset.done $0x0  }
0x91: {  	p0 =	sne.s32 s0, $0x1;
	[sflag:s9] =	ssyncadd.s32 $0xFFFF8000  }
0x92: {  	[hbm4b:s31+s2] =	stream.linear.scatter [tilespmem:s8], [sflag:$0x2], $0x8000, $0x38;
	[tilespmem:$0x11000] =	vst v63  }
.Ltmp0:
0x93: {  	_ =	swait.ge [sflag:s10], $0x8000;
	(pc) =	sbr.rel @!p0 .LBB2_2-.Ltmp0, $4  }
0x94: {  	[sflag:s10] =	ssyncset.done $0x0  }
0x95: {  	[sflag:s10] =	ssyncadd.s32 $0xFFFF8000  }
0x96: {  	_ =	swait.ge [sflag:s12], $0x8000  }
0x97: {  	s1 =	sadd.s32 $0xFFFFFFFF, s0;
	[sflag:s12] =	ssyncset.done $0x0  }
.LBB2_1:
0x98: {  	s0 =	rddreg [dreg:$0x2];
	[sflag:s12] =	ssyncadd.s32 $0xFFFF8000  }
0x99: {  	[tilespmem:s2], [sflag:$0x5] =	stream.linear.gather [hbm4b:s0+s2], $0x1000, $0x38;
	[tilespmem:$0x11000] =	vst v63  }
0x9a: {  	_ =	swait.ge [sflag:s3], $0x1000  }
0x9b: {  	[sflag:s3] =	ssyncset.done $0x0  }
0x9c: {  	[sflag:s3] =	ssyncadd.s32 $0xFFFFF000  }
0x9d: {  	[tilespmem:s6], [sflag:$0x3] =	stream.indirect.gather [hbm4b:s4+s5], $0x80, s2, s5, $0xb8;
	[tilespmem:$0x11000] =	vst v63  }
0x9e: {  	_ =	swait.ge [sflag:s7], $0x8000  }
0x9f: {  	[sflag:s7] =	ssyncset.done $0x0  }
0xa0: {  	s0 =	rddreg [dreg:$0x3];
	[sflag:s7] =	ssyncadd.s32 $0xFFFF8000  }
0xa1: {  	[hbm4b:s0+s2] =	stream.linear.scatter [tilespmem:s6], [sflag:$0x1], $0x8000, $0x38;
	[tilespmem:$0x11000] =	vst v63  }
0xa2: {  	_ = 	snop  }
0xa3: {  	[tilespmem:s8], [sflag:$0x4] =	stream.indirect.gather [hbm4b:s4+s5], $0x80, s5, s5, $0xb8;
	[tilespmem:$0x11000] =	vst v63  }
0xa4: {  	_ =	swait.ge [sflag:s9], $0x8000  }
0xa5: {  	[sflag:s9] =	ssyncset.done $0x0  }
0xa6: {  	s0 =	rddreg [dreg:$0x4];
	[sflag:s9] =	ssyncadd.s32 $0xFFFF8000  }
0xa7: {  	[hbm4b:s0+s2] =	stream.linear.scatter [tilespmem:s8], [sflag:$0x2], $0x8000, $0x38;
	[tilespmem:$0x11000] =	vst v63  }
0xa8: {  	_ =	swait.ge [sflag:s10], $0x8000  }
0xa9: {  	[sflag:s10] =	ssyncset.done $0x0  }
0xaa: {  	[sflag:s10] =	ssyncadd.s32 $0xFFFF8000  }
0xab: {  	[tilespmem:s6], [sflag:$0x3] =	stream.indirect.gather [hbm4b:s4+s5], $0x80, s11, s5, $0xb8;
	[tilespmem:$0x11000] =	vst v63  }
0xac: {  	_ =	swait.ge [sflag:s7], $0x8000  }
0xad: {  	[sflag:s7] =	ssyncset.done $0x0  }
0xae: {  	s0 =	rddreg [dreg:$0x5];
	[sflag:s7] =	ssyncadd.s32 $0xFFFF8000  }
0xaf: {  	[hbm4b:s0+s2] =	stream.linear.scatter [tilespmem:s6], [sflag:$0x1], $0x8000, $0x38;
	[tilespmem:$0x11000] =	vst v63  }
0xb0: {  	_ =	swait.ge [sflag:s12], $0x8000  }
0xb1: {  	[sflag:s12] =	ssyncset.done $0x0  }
0xb2: {  	[sflag:s12] =	ssyncadd.s32 $0xFFFF8000  }
0xb3: {  	[tilespmem:s8], [sflag:$0x4] =	stream.indirect.gather [hbm4b:s4+s5], $0x80, s13, s5, $0xb8;
	[tilespmem:$0x11000] =	vst v63  }
0xb4: {  	_ =	swait.ge [sflag:s9], $0x8000  }
0xb5: {  	[sflag:s9] =	ssyncset.done $0x0  }
0xb6: {  	s0 =	rddreg [dreg:$0x6];
	[sflag:s9] =	ssyncadd.s32 $0xFFFF8000  }
0xb7: {  	[hbm4b:s0+s2] =	stream.linear.scatter [tilespmem:s8], [sflag:$0x2], $0x8000, $0x38;
	[tilespmem:$0x11000] =	vst v63  }
0xb8: {  	_ =	swait.ge [sflag:s10], $0x8000  }
0xb9: {  	[sflag:s10] =	ssyncset.done $0x0  }
0xba: {  	[sflag:s10] =	ssyncadd.s32 $0xFFFF8000  }
0xbb: {  	[tilespmem:s6], [sflag:$0x3] =	stream.indirect.gather [hbm4b:s4+s5], $0x80, s14, s5, $0xb8;
	[tilespmem:$0x11000] =	vst v63  }
0xbc: {  	_ =	swait.ge [sflag:s7], $0x8000  }
0xbd: {  	[sflag:s7] =	ssyncset.done $0x0  }
0xbe: {  	s0 =	rddreg [dreg:$0x7];
	[sflag:s7] =	ssyncadd.s32 $0xFFFF8000  }
0xbf: {  	[hbm4b:s0+s2] =	stream.linear.scatter [tilespmem:s6], [sflag:$0x1], $0x8000, $0x38;
	[tilespmem:$0x11000] =	vst v63  }
0xc0: {  	_ =	swait.ge [sflag:s12], $0x8000  }
0xc1: {  	[sflag:s12] =	ssyncset.done $0x0  }
0xc2: {  	[sflag:s12] =	ssyncadd.s32 $0xFFFF8000  }
0xc3: {  	[tilespmem:s8], [sflag:$0x4] =	stream.indirect.gather [hbm4b:s4+s5], $0x80, s15, s5, $0xb8;
	[tilespmem:$0x11000] =	vst v63  }
0xc4: {  	_ =	swait.ge [sflag:s9], $0x8000  }
0xc5: {  	[sflag:s9] =	ssyncset.done $0x0  }
0xc6: {  	s0 =	rddreg [dreg:$0x8];
	[sflag:s9] =	ssyncadd.s32 $0xFFFF8000  }
0xc7: {  	[hbm4b:s0+s2] =	stream.linear.scatter [tilespmem:s8], [sflag:$0x2], $0x8000, $0x38;
	[tilespmem:$0x11000] =	vst v63  }
0xc8: {  	_ =	swait.ge [sflag:s10], $0x8000  }
0xc9: {  	[sflag:s10] =	ssyncset.done $0x0  }
0xca: {  	[sflag:s10] =	ssyncadd.s32 $0xFFFF8000  }
0xcb: {  	[tilespmem:s6], [sflag:$0x3] =	stream.indirect.gather [hbm4b:s4+s5], $0x80, s16, s5, $0xb8;
	[tilespmem:$0x11000] =	vst v63  }
0xcc: {  	_ =	swait.ge [sflag:s7], $0x8000  }
0xcd: {  	[sflag:s7] =	ssyncset.done $0x0  }
0xce: {  	s0 =	rddreg [dreg:$0x9];
	[sflag:s7] =	ssyncadd.s32 $0xFFFF8000  }
0xcf: {  	[hbm4b:s0+s2] =	stream.linear.scatter [tilespmem:s6], [sflag:$0x1], $0x8000, $0x38;
	[tilespmem:$0x11000] =	vst v63  }
0xd0: {  	_ =	swait.ge [sflag:s12], $0x8000  }
0xd1: {  	[sflag:s12] =	ssyncset.done $0x0  }
0xd2: {  	[sflag:s12] =	ssyncadd.s32 $0xFFFF8000  }
0xd3: {  	[tilespmem:s8], [sflag:$0x4] =	stream.indirect.gather [hbm4b:s4+s5], $0x80, s17, s5, $0xb8;
	[tilespmem:$0x11000] =	vst v63  }
0xd4: {  	_ =	swait.ge [sflag:s9], $0x8000  }
0xd5: {  	[sflag:s9] =	ssyncset.done $0x0  }
0xd6: {  	s0 =	rddreg [dreg:$0xa];
	[sflag:s9] =	ssyncadd.s32 $0xFFFF8000  }
0xd7: {  	[hbm4b:s0+s2] =	stream.linear.scatter [tilespmem:s8], [sflag:$0x2], $0x8000, $0x38;
	[tilespmem:$0x11000] =	vst v63  }
0xd8: {  	_ =	swait.ge [sflag:s10], $0x8000  }
0xd9: {  	[sflag:s10] =	ssyncset.done $0x0  }
0xda: {  	[sflag:s10] =	ssyncadd.s32 $0xFFFF8000  }
0xdb: {  	[tilespmem:s6], [sflag:$0x3] =	stream.indirect.gather [hbm4b:s4+s5], $0x80, s18, s5, $0xb8;
	[tilespmem:$0x11000] =	vst v63  }
0xdc: {  	_ =	swait.ge [sflag:s7], $0x8000  }
0xdd: {  	[sflag:s7] =	ssyncset.done $0x0  }
0xde: {  	s0 =	rddreg [dreg:$0xb];
	[sflag:s7] =	ssyncadd.s32 $0xFFFF8000  }
0xdf: {  	[hbm4b:s0+s2] =	stream.linear.scatter [tilespmem:s6], [sflag:$0x1], $0x8000, $0x38;
	[tilespmem:$0x11000] =	vst v63  }
0xe0: {  	_ =	swait.ge [sflag:s12], $0x8000  }
0xe1: {  	[sflag:s12] =	ssyncset.done $0x0  }
0xe2: {  	[sflag:s12] =	ssyncadd.s32 $0xFFFF8000  }
0xe3: {  	[tilespmem:s8], [sflag:$0x4] =	stream.indirect.gather [hbm4b:s4+s5], $0x80, s19, s5, $0xb8;
	[tilespmem:$0x11000] =	vst v63  }
0xe4: {  	_ =	swait.ge [sflag:s9], $0x8000  }
0xe5: {  	[sflag:s9] =	ssyncset.done $0x0  }
0xe6: {  	s0 =	rddreg [dreg:$0xc];
	[sflag:s9] =	ssyncadd.s32 $0xFFFF8000  }
0xe7: {  	[hbm4b:s0+s2] =	stream.linear.scatter [tilespmem:s8], [sflag:$0x2], $0x8000, $0x38;
	[tilespmem:$0x11000] =	vst v63  }
0xe8: {  	_ =	swait.ge [sflag:s10], $0x8000  }
0xe9: {  	[sflag:s10] =	ssyncset.done $0x0  }
0xea: {  	[sflag:s10] =	ssyncadd.s32 $0xFFFF8000  }
0xeb: {  	[tilespmem:s6], [sflag:$0x3] =	stream.indirect.gather [hbm4b:s4+s5], $0x80, s20, s5, $0xb8;
	[tilespmem:$0x11000] =	vst v63  }
0xec: {  	_ =	swait.ge [sflag:s7], $0x8000  }
0xed: {  	[sflag:s7] =	ssyncset.done $0x0  }
0xee: {  	s0 =	rddreg [dreg:$0xd];
	[sflag:s7] =	ssyncadd.s32 $0xFFFF8000  }
0xef: {  	[hbm4b:s0+s2] =	stream.linear.scatter [tilespmem:s6], [sflag:$0x1], $0x8000, $0x38;
	[tilespmem:$0x11000] =	vst v63  }
0xf0: {  	_ =	swait.ge [sflag:s12], $0x8000  }
0xf1: {  	[sflag:s12] =	ssyncset.done $0x0  }
0xf2: {  	[sflag:s12] =	ssyncadd.s32 $0xFFFF8000  }
0xf3: {  	[tilespmem:s8], [sflag:$0x4] =	stream.indirect.gather [hbm4b:s4+s5], $0x80, s21, s5, $0xb8;
	[tilespmem:$0x11000] =	vst v63  }
0xf4: {  	_ =	swait.ge [sflag:s9], $0x8000  }
0xf5: {  	[sflag:s9] =	ssyncset.done $0x0  }
0xf6: {  	[sflag:s9] =	ssyncadd.s32 $0xFFFF8000  }
0xf7: {  	[hbm4b:s22+s2] =	stream.linear.scatter [tilespmem:s8], [sflag:$0x2], $0x8000, $0x38;
	[tilespmem:$0x11000] =	vst v63  }
0xf8: {  	_ =	swait.ge [sflag:s10], $0x8000  }
0xf9: {  	[sflag:s10] =	ssyncset.done $0x0  }
0xfa: {  	[sflag:s10] =	ssyncadd.s32 $0xFFFF8000  }
0xfb: {  	[tilespmem:s6], [sflag:$0x3] =	stream.indirect.gather [hbm4b:s4+s5], $0x80, s23, s5, $0xb8;
	[tilespmem:$0x11000] =	vst v63  }
0xfc: {  	_ =	swait.ge [sflag:s7], $0x8000  }
0xfd: {  	[sflag:s7] =	ssyncset.done $0x0  }
0xfe: {  	[sflag:s7] =	ssyncadd.s32 $0xFFFF8000  }
0xff: {  	[hbm4b:s24+s2] =	stream.linear.scatter [tilespmem:s6], [sflag:$0x1], $0x8000, $0x38;
	[tilespmem:$0x11000] =	vst v63  }
0x100: {  	_ =	swait.ge [sflag:s12], $0x8000  }
0x101: {  	[sflag:s12] =	ssyncset.done $0x0  }
0x102: {  	[sflag:s12] =	ssyncadd.s32 $0xFFFF8000  }
0x103: {  	[tilespmem:s8], [sflag:$0x4] =	stream.indirect.gather [hbm4b:s4+s5], $0x80, s25, s5, $0xb8;
	[tilespmem:$0x11000] =	vst v63  }
0x104: {  	_ =	swait.ge [sflag:s9], $0x8000  }
0x105: {  	[sflag:s9] =	ssyncset.done $0x0  }
0x106: {  	[sflag:s9] =	ssyncadd.s32 $0xFFFF8000  }
0x107: {  	[hbm4b:s26+s2] =	stream.linear.scatter [tilespmem:s8], [sflag:$0x2], $0x8000, $0x38;
	[tilespmem:$0x11000] =	vst v63  }
0x108: {  	_ =	swait.ge [sflag:s10], $0x8000  }
0x109: {  	[sflag:s10] =	ssyncset.done $0x0  }
0x10a: {  	[sflag:s10] =	ssyncadd.s32 $0xFFFF8000  }
0x10b: {  	[tilespmem:s6], [sflag:$0x3] =	stream.indirect.gather [hbm4b:s4+s5], $0x80, s28, s5, $0xb8;
	[tilespmem:$0x11000] =	vst v63  }
0x10c: {  	_ =	swait.ge [sflag:s7], $0x8000  }
0x10d: {  	[sflag:s7] =	ssyncset.done $0x0  }
0x10e: {  	[sflag:s7] =	ssyncadd.s32 $0xFFFF8000  }
0x10f: {  	[hbm4b:s29+s2] =	stream.linear.scatter [tilespmem:s6], [sflag:$0x1], $0x8000, $0x38;
	[tilespmem:$0x11000] =	vst v63  }
0x110: {  	_ =	swait.ge [sflag:s12], $0x8000  }
0x111: {  	[sflag:s12] =	ssyncset.done $0x0  }
0x112: {  	[sflag:s12] =	ssyncadd.s32 $0xFFFF8000  }
0x113: {  	[tilespmem:s8], [sflag:$0x4] =	stream.indirect.gather [hbm4b:s4+s5], $0x80, s30, s5, $0xb8;
	[tilespmem:$0x11000] =	vst v63  }
0x114: {  	_ =	swait.ge [sflag:s9], $0x8000  }
0x115: {  	[sflag:s9] =	ssyncset.done $0x0  }
0x116: {  	p0 =	sne.s32 s1, $0x1;
	[sflag:s9] =	ssyncadd.s32 $0xFFFF8000  }
0x117: {  	[hbm4b:s31+s2] =	stream.linear.scatter [tilespmem:s8], [sflag:$0x2], $0x8000, $0x38;
	[tilespmem:$0x11000] =	vst v63  }
.Ltmp1:
0x118: {  	_ =	swait.ge [sflag:s10], $0x8000;
	(pc) =	sbr.rel @p0 .LBB2_1-.Ltmp1, $4  }
0x119: {  	[sflag:s10] =	ssyncset.done $0x0  }
0x11a: {  	[sflag:s10] =	ssyncadd.s32 $0xFFFF8000  }
0x11b: {  	_ =	swait.ge [sflag:s12], $0x8000  }
0x11c: {  	s1 =	sadd.s32 $0xFFFFFFFF, s1;
	[sflag:s12] =	ssyncset.done $0x0  }
.LBB2_2:
0x11d: {  	[sflag:s12] =	ssyncadd.s32 $0xFFFF8000  }
0x11e: {  	_ =	sfence.sel $0x180000  }
0x11f: {  	[bflag:$0x0] =	sbarrier.arrive $0xFFFF  }
0x120: {  	_ =	strace $0x90000047  }
0x121: {  	s0 =	stileid.u32;
	[bflag:$0x2] =	sbarrier.arrive $0xFFFF  }
0x122: {  	p0 =	sne.s32 s0, $0x0;
	s0 =	rddreg [dreg:$0x1]  }
0x123: {  	s0 =	sadd.s32 @!p0 $0x100000, s0  }
0x124: {  	[sflag:s0] =	ssyncadd.tile.s32 @!p0 $0x1;
	_ =	shalt  }
.Lfunc_end2:
_tile_overlayer_lowered:
.L_overlay_start_2:
0x125: {  	(tag) =	ssettag $0x2  }
0x126: {  	s0 =	rddreg [dreg:$0x0];
	s2 =	stileid.u32  }
0x127: {  	s1 =	rddreg [dreg:$0x1];
	p0 =	sne.s32 s2, $0x0  }
0x128: {  	s3 =	rddreg [dreg:$0x2];
	[bflag:$0x3] =	sbarrier.arrive $0xFFFF;
	s2 =	simm.s32 @!p0 $0x1C05  }
0x129: {  	[timem:s3], [sflag:s2] =	dma.local @!p0 [hbm:s0], s1  }
0x12a: {  	s0 =	simm.s32 @!p0 $0x5  }
0x12b: {  	_ =	swait.ge @!p0 [sflag:s0], s1  }
0x12c: {  	s1 =	ssub.s32 @!p0 $0x0, s1;
	[sflag:s0] =	ssyncset.done @!p0 $0x0  }
0x12d: {  	[sflag:s0] =	ssyncadd.s32 @!p0 s1  }
0x12e: {  	[bflag:$0x3] =	sbarrier.arrive $0xFFFF  }
0x12f: {  	_ =	shalt  }

// kernel: kernel.36.cloned.1.call-start
scs
__scs_entry_jumppad:
0x0: {  	(pc) =	sbr.rel $0x88, $3  }
0x1: {  	(tag) =	ssettag $0x0;
	lr =	simm.s32 $0x1  }
0x2: {  	[smem:$0x3F9E] =	sst lr;
	_ =	strace $0xD0000000  }
0x3: {  	_ = 	snop  }
0x4: {  	_ = 	snop  }
0x5: {  	_ = 	snop  }
0x6: {  	_ = 	snop  }
0x7: {  	_ = 	snop  }
__scs_overlays_trampoline_lowered:
0x8: {  	[smem:$0x3FAD] =	sst s0  }
0x9: {  	[smem:$0x3FAE] =	sst s1  }
0xa: {  	[smem:$0x3FAF] =	sst s2  }
0xb: {  	[smem:$0x3FB0] =	sst s3  }
0xc: {  	[smem:$0x3FB1] =	sst s4  }
0xd: {  	[smem:$0x3FB2] =	sst s5  }
0xe: {  	[smem:$0x3FB3] =	sst s6  }
0xf: {  	[smem:$0x3FB4] =	sst s7  }
0x10: {  	[smem:$0x3FB5] =	sst s8  }
0x11: {  	[smem:$0x3FB6] =	sst s9;
	s0 =	simm.s32 @!p0 $0x0  }
0x12: {  	s1 =	sld [smem:$0x3F9C];
	s0 =	simm.s32 @p0 $0x1  }
0x13: {  	[smem:$0x3FB7] =	sst s0;
	s0 =	simm.s32 @!p1 $0x0  }
0x14: {  	s2 =	sld [smem:$0x3F9B];
	s0 =	simm.s32 @p1 $0x1  }
0x15: {  	[smem:$0x3FB8] =	sst s0;
	s0 =	simm.s32 @!p2 $0x0  }
0x16: {  	s3 =	sld [smem:$0x3FDB];
	s0 =	simm.s32 @p2 $0x1  }
0x17: {  	s4 =	simm.s32 $0x1BF5;
	[smem:$0x3FBA] =	sst s0  }
0x18: {  	s0 =	sld [smem:$0x3F9D];
	_ =	swait.ge [sflag:s4], $0x0  }
0x19: {  	s7 =	sld [smem:$0x3F9E]  }
0x1a: {  	s8 =	sadd.s32 $0xFFFFE003, lr  }
0x1b: {  	s9 =	sadd.s32 $0xFFFFFEF7, lr;
	s5 =	simm.s32 $0xFFFFFFFF;
	p2 =	slt.u32 s8, $0xFFFFF086  }
0x1c: {  	p1 =	slt.u32 s9, $0xF7A;
	s5 =	simm.s32 @!p2 $0x0  }
0x1d: {  	s5 =	simm.s32 @p1 $0x1;
	p0 =	seq.s32 s7, s2  }
0x1e: {  	s7 =	smul.u32 @!p0 $0xF7A, s2;
	p2 =	seq.s32 @!p0 s5, $0x0  }
0x1f: {  	s9 =	smul.u32 $0xF7A, s1;
	s8 =	simm.s32 @!p0 $0x1BF5;
	p2 =	por !p2, p0  }
0x20: {  	[sflag:s8] =	ssyncset.s32 @!p0 $0xFFFFF086;
	s6 =	sadd.s32 @!p0 s3, s7;
	s7 =	simm.s32 @!p0 $0x108  }
0x21: {  	s3 =	sadd.s32 s3, s9;
	s6 =	sadd.s32 @!p0 $0x88, s6;
	s7 =	simm.s32 @p2 $0x1082  }
0x22: {  	[simem:s7], [sflag:s8] =	dma.local @!p0 [hbm:s6], $0xF7A  }
0x23: {  	s9 =	sor.u32 $0xD0000000, s2;
	s6 =	simm.s32 $0x108;
	_ =	swait.ge @!p0 [sflag:s8], $0x0  }
0x24: {  	s3 =	sadd.s32 $0x88, s3;
	s6 =	simm.s32 @!p1 $0x1082;
	[sflag:s4] =	ssyncset.s32 $0xFFFFF086  }
0x25: {  	[simem:s6], [sflag:s4] =	dma.local [hbm:s3], $0xF7A  }
0x26: {  	[smem:$0x3F9E] =	sst s1;
	(tag) =	ssettag s2;
	_ =	strace s9  }
0x27: {  	s1 =	sld [smem:$0x3FAE]  }
0x28: {  	s2 =	sld [smem:$0x3FAF]  }
0x29: {  	s4 =	sld [smem:$0x3FB1]  }
0x2a: {  	p0 =	seq.s32 s5, $0x0;
	s5 =	sld [smem:$0x3FB2]  }
0x2b: {  	s6 =	sld [smem:$0x3FB3]  }
0x2c: {  	s7 =	sld [smem:$0x3FB4]  }
0x2d: {  	s3 =	simm.s32 $0x108;
	s8 =	sld [smem:$0x3FB5]  }
0x2e: {  	s3 =	simm.s32 @!p0 $0x1082;
	s9 =	sld [smem:$0x3FB6]  }
0x2f: {  	lr =	sadd.s32 s0, s3;
	s0 =	sld [smem:$0x3FAD]  }
0x30: {  	s3 =	sld [smem:$0x3FB0]  }
0x31: {  	[smem:$0x3FB9] =	sst s10  }
0x32: {  	s10 =	sld [smem:$0x3FB7];
	_ =	sdelay $0x3  }
0x33: {  	p0 =	seq.s32 s10, $0x1;
	s10 =	sld [smem:$0x3FB9];
	_ =	sdelay $0x3  }
0x34: {  	[smem:$0x3FB9] =	sst s10  }
0x35: {  	s10 =	sld [smem:$0x3FB8];
	_ =	sdelay $0x3  }
0x36: {  	p1 =	seq.s32 s10, $0x1;
	s10 =	sld [smem:$0x3FB9];
	_ =	sdelay $0x3  }
0x37: {  	[smem:$0x3FB9] =	sst s10  }
0x38: {  	s10 =	sld [smem:$0x3FBA]  }
0x39: {  	_ = 	snop;
	(pc) =	sbr.ind lr, $3  }
0x3a: {  	_ = 	snop  }
0x3b: {  	_ = 	snop  }
0x3c: {  	p2 =	seq.s32 s10, $0x1;
	s10 =	sld [smem:$0x3FB9]  }
0x3d: {  	_ =	shalt  }
0x3e: {  	_ =	shalt  }
0x3f: {  	_ =	shalt  }
0x40: {  	_ =	shalt  }
0x41: {  	_ =	shalt  }
0x42: {  	_ =	shalt  }
0x43: {  	_ =	shalt  }
0x44: {  	_ =	shalt  }
0x45: {  	_ =	shalt  }
0x46: {  	_ =	shalt  }
0x47: {  	_ =	shalt  }
0x48: {  	_ =	shalt  }
0x49: {  	_ =	shalt  }
0x4a: {  	_ =	shalt  }
0x4b: {  	_ =	shalt  }
0x4c: {  	_ =	shalt  }
0x4d: {  	_ =	shalt  }
0x4e: {  	_ =	shalt  }
0x4f: {  	_ =	shalt  }
0x50: {  	_ =	shalt  }
0x51: {  	_ =	shalt  }
0x52: {  	_ =	shalt  }
0x53: {  	_ =	shalt  }
0x54: {  	_ =	shalt  }
0x55: {  	_ =	shalt  }
0x56: {  	_ =	shalt  }
0x57: {  	_ =	shalt  }
0x58: {  	_ =	shalt  }
0x59: {  	_ =	shalt  }
0x5a: {  	_ =	shalt  }
0x5b: {  	_ =	shalt  }
0x5c: {  	_ =	shalt  }
0x5d: {  	_ =	shalt  }
0x5e: {  	_ =	shalt  }
0x5f: {  	_ =	shalt  }
0x60: {  	_ =	shalt  }
0x61: {  	_ =	shalt  }
0x62: {  	_ =	shalt  }
0x63: {  	_ =	shalt  }
0x64: {  	_ =	shalt  }
0x65: {  	_ =	shalt  }
0x66: {  	_ =	shalt  }
0x67: {  	_ =	shalt  }
0x68: {  	_ =	shalt  }
0x69: {  	_ =	shalt  }
0x6a: {  	_ =	shalt  }
0x6b: {  	_ =	shalt  }
0x6c: {  	_ =	shalt  }
0x6d: {  	_ =	shalt  }
0x6e: {  	_ =	shalt  }
0x6f: {  	_ =	shalt  }
0x70: {  	_ =	shalt  }
0x71: {  	_ =	shalt  }
0x72: {  	_ =	shalt  }
0x73: {  	_ =	shalt  }
0x74: {  	_ =	shalt  }
0x75: {  	_ =	shalt  }
0x76: {  	_ =	shalt  }
0x77: {  	_ =	shalt  }
0x78: {  	_ =	shalt  }
0x79: {  	_ =	shalt  }
0x7a: {  	_ =	shalt  }
0x7b: {  	_ =	shalt  }
0x7c: {  	_ =	shalt  }
0x7d: {  	_ =	shalt  }
0x7e: {  	_ =	shalt  }
0x7f: {  	_ =	shalt  }
0x80: {  	_ =	shalt  }
0x81: {  	_ =	shalt  }
0x82: {  	_ =	shalt  }
0x83: {  	_ =	shalt  }
0x84: {  	_ =	shalt  }
0x85: {  	_ =	shalt  }
0x86: {  	_ =	shalt  }
0x87: {  	_ =	shalt  }
.Lfunc_end0:
.L_simem_size_0:
called_computation.7_lowered:
.L_overlay_start_0:
0x88: {  	s2 =	sld [smem:$0x3FD9]  }
0x89: {  	s3 =	sld [smem:$0x3FFE];
	_ =	sdelay $0x1  }
0x8a: {  	s1 =	srdreg.scid  }
0x8b: {  	s0 =	sand.u32 $0x1, s1  }
0x8c: {  	s17 =	sshll.u32 s0, $0xA;
	s2 =	sadd.s32 s3, s2  }
0x8d: {  	s2 =	sadd.s32 s2, s17  }
0x8e: {  	[smem:$0x3FC5] =	sst s2  }
0x8f: {  	_ = 	snop  }
0x90: {  	s18 =	sld [smem:$0x3FD0];
	(tm) =	ssettm $0x1  }
0x91: {  	s19 =	sld [smem:$0x3FFB];
	_ =	sdelay $0x3  }
0x92: {  	_ =	strace s19  }
0x93: {  	s2 =	sld [smem:$0x3FFC];
	_ =	sdelay $0x3  }
0x94: {  	_ =	strace s2  }
0x95: {  	s2 =	sld [smem:$0x3FFD];
	_ =	sdelay $0x3  }
0x96: {  	_ =	strace s2  }
0x97: {  	_ =	strace $0x8FFFFFFF  }
0x98: {  	s20 =	sld [smem:$0x3FDB];
	_ =	sdelay $0x1  }
0x99: {  	s4 =	simm.s32 $_scs_section_size  }
0x9a: {  	s5 =	simm.s32 $_size__tile_overlayer_lowered;
	s6 =	simm.s32 $_tile_overlayer_lowered  }
0x9b: {  	s7 =	simm.s32 $0x1BFF;
	s21 =	sshll.u32 s6, $0x1;
	s4 =	sadd.s32 s4, s20  }
0x9c: {  	s22 =	simm.s32 $0x0;
	s5 =	sshll.u32 s5, $0x1;
	s6 =	sadd.s32 s21, s4  }
0x9d: {  	[timem:s22], [sflag:s7] =	dma.local [hbm:s6], s5  }
0x9e: {  	_ =	swait.ge [sflag:s7], s5  }
0x9f: {  	s5 =	ssub.s32 $0x0, s5;
	[sflag:s7] =	ssyncset.done $0x0  }
0xa0: {  	[sflag:s7] =	ssyncadd.s32 s5;
	_ =	sdelay $0x1  }
0xa1: {  	s23 =	simm.s32 $0x1B8B  }
0xa2: {  	_ =	swait.ge [sflag:s23], $0x1  }
0xa3: {  	[sflag:s23] =	ssyncset.done $0x0  }
0xa4: {  	[sflag:s23] =	ssyncadd.s32 $0xFFFFFFFF  }
0xa5: {  	s5 =	sld [smem:$0x0]  }
0xa6: {  	s6 =	sand.u32 $0xFFFFFFFE, s1  }
0xa7: {  	p0 =	sne.s32 s1, s6  }
0xa8: {  	s6 =	sshll.u32 @p0 s6, $0xE  }
0xa9: {  	s6 =	sadd.s32 @p0 $0x11B8D, s6;
	s7 =	sshll.u32 @p0 s5, $0x11  }
0xaa: {  	s6 =	sor.u32 @p0 s7, s6  }
0xab: {  	[sflag:s6] =	ssyncadd.remote.s32 @p0 $0x1;
	_ =	sdelay $0x1  }
0xac: {  	s6 =	simm.s32 @p0 $0x1B8D  }
0xad: {  	_ =	swait.eq @p0 [sflag:s6], $0x1  }
0xae: {  	[sflag:s6] =	ssyncadd.s32 @p0 $0xFFFFFFFF  }
0xaf: {  	s7 =	sshll.u32 @!p0 s1, $0xE  }
0xb0: {  	s7 =	sor.u32 @!p0 $0x4000, s7;
	s6 =	simm.s32 @!p0 $0x1B8D  }
0xb1: {  	s5 =	sshll.u32 @!p0 s5, $0x11;
	s7 =	sadd.s32 @!p0 $0x11B8D, s7;
	_ =	swait.eq @!p0 [sflag:s6], $0x1  }
0xb2: {  	s5 =	sor.u32 @!p0 s5, s7;
	[sflag:s6] =	ssyncadd.s32 @!p0 $0xFFFFFFFF  }
0xb3: {  	s25 =	simm.s32 $0x1B8E;
	s24 =	sld [smem:$0x3FFE];
	[sflag:s5] =	ssyncadd.remote.s32 @!p0 $0x1  }
0xb4: {  	s26 =	simm.s32 $execute0_lowered;
	[smem:$0x3FD2] =	sst s25  }
0xb5: {  	s6 =	sshll.u32 s26, $0x1;
	_ =	strace $0x80000052;
	[dreg:$0x1] =	wrdreg $0xFFFFFFFF  }
0xb6: {  	s28 =	simm.s32 $_size_execute0_lowered;
	s4 =	sadd.s32 s4, s6;
	[dreg:$0x0] =	wrdreg $0x0  }
0xb7: {  	s6 =	sshll.u32 s28, $0x1;
	[dreg:$0x2] =	wrdreg s4  }
0xb8: {  	[dreg:$0x3] =	wrdreg s6  }
0xb9: {  	[dreg:$0x4] =	wrdreg $0xC0  }
0xba: {  	_ =	task [dreg:s22], $0x5FFFF  }
0xbb: {  	[dreg:$0x1] =	wrdreg $0xFFFFFFFF  }
0xbc: {  	[dreg:$0x0] =	wrdreg $0x60  }
0xbd: {  	[dreg:$0x2] =	wrdreg s24  }
0xbe: {  	[dreg:$0x3] =	wrdreg s18  }
0xbf: {  	[dreg:$0x4] =	wrdreg $0xA  }
0xc0: {  	_ =	task.clear_ibuf [dreg:s22], $0x5FFFF;
	_ =	strace $0x90000052  }
0xc1: {  	s29 =	simm.s32 $0xA;
	_ =	strace $0x80000054  }
0xc2: {  	_ =	swait.ge [sflag:s29], $0x1  }
0xc3: {  	[sflag:s29] =	ssyncadd.s32 $0xFFFFFFFF  }
0xc4: {  	_ =	strace $0x90000054  }
0xc5: {  	_ =	sfence  }
0xc6: {  	s30 =	sld [smem:$0x0];
	_ =	sdelay $0x2  }
0xc7: {  	s31 =	sshll.u32 s1, $0xD;
	s1 =	sshrl.u32 s1, $0x2  }
0xc8: {  	s4 =	sand.u32 $0x4000, s31;
	s1 =	sadd.s32 s1, s30  }
0xc9: {  	s0 =	sor.u32 s4, s0;
	s1 =	sshll.u32 s1, $0x11  }
0xca: {  	s0 =	sor.u32 s1, s0  }
0xcb: {  	s0 =	sadd.s32 $0x8F2B, s0  }
0xcc: {  	[sflag:s0] =	ssyncadd.remote.s32 $0x1  }
0xcd: {  	_ =	sfence.sel $0xFFFF  }
0xce: {  	[dreg:$0x0] =	wrdreg $0xFFFFFFFF;
	(pc) =	sbr.abs _section_cstart, $3  }
0xcf: {  	[dreg:$0x1] =	wrdreg $0xFFFFFFFF  }
0xd0: {  	_ =	task.clear_ibuf [dreg:s22], $0x2FFFF;
	_ =	strace $0x9FFFFFFF  }
0xd1: {  	(tm) =	ssettm $0x7FFFFFFF  }
tec
execute0_lowered:
.L_overlay_start_1:
0x0: {  	(tag) =	ssettag $0x1  }
0x1: {  	s1 =	srdreg.scid  }
0x2: {  	s12 =	rddreg [dreg:$0x0];
	s0 =	stileid.u32;
	s28 =	sand.u32 $0x1, s1  }
0x3: {  	s3 =	rddreg [dreg:$0x1];
	s4 =	sshll.u32 s0, $0xC;
	s5 =	sshll.u32 s28, $0xB  }
0x4: {  	s2 =	simm.s32 $0x0;
	s1 =	rddreg [dreg:$0x2];
	s9 =	sor.u32 s5, s4  }
0x5: {  	[smem:$0x7FF] =	sst s2;
	s4 =	sshrl.u32 s9, $0x3  }
0x6: {  	_ =	strace $0x80000053;
	s3 =	sadd.s32 s3, s4;
	s4 =	simm.s32 $0x5  }
0x7: {  	[tilespmem:s2], [sflag:$0x5] =	stream.linear.gather [hbm4b:s3+s2], $0x800, $0x38;
	[tilespmem:$0x10800] =	vst v63  }
0x8: {  	_ =	swait.ge [sflag:s4], $0x800  }
0x9: {  	s6 =	simm.s32 $0x100;
	s7 =	simm.s32 $0x800;
	[sflag:s4] =	ssyncset.done $0x0  }
0xa: {  	s8 =	simm.s32 $0x3;
	s5 =	sadd.s32 $0xA0C000, s12;
	[sflag:s4] =	ssyncadd.s32 $0xFFFFF800  }
0xb: {  	[tilespmem:s7], [sflag:$0x3] =	stream.indirect.gather [hbm4b:s5+s6], $0x80, s2, s6, $0xb8;
	[tilespmem:$0x10800] =	vst v63  }
0xc: {  	_ =	swait.ge [sflag:s8], $0x8000  }
0xd: {  	s24 =	sadd.s32 $0x20C000, s12;
	s25 =	sshll.u32 s9, $0x4;
	[sflag:s8] =	ssyncset.done $0x0  }
0xe: {  	s9 =	sadd.s32 s24, s25;
	[sflag:s8] =	ssyncadd.s32 $0xFFFF8000  }
0xf: {  	[hbm4b:s9+s2] =	stream.linear.scatter [tilespmem:s7], [sflag:$0x1], $0x8000, $0x38;
	[tilespmem:$0x10800] =	vst v63  }
0x10: {  	s10 =	simm.s32 $0x8800;
	s11 =	simm.s32 $0x4  }
0x11: {  	[tilespmem:s10], [sflag:$0x4] =	stream.indirect.gather [hbm4b:s5+s6], $0x80, s6, s6, $0xb8;
	[tilespmem:$0x10800] =	vst v63  }
0x12: {  	_ =	swait.ge [sflag:s11], $0x8000  }
0x13: {  	s26 =	sadd.s32 $0x20D000, s12;
	[sflag:s11] =	ssyncset.done $0x0  }
0x14: {  	s13 =	simm.s32 $0x1;
	s12 =	sadd.s32 s25, s26;
	[sflag:s11] =	ssyncadd.s32 $0xFFFF8000  }
0x15: {  	[hbm4b:s12+s2] =	stream.linear.scatter [tilespmem:s10], [sflag:$0x2], $0x8000, $0x38;
	[tilespmem:$0x10800] =	vst v63  }
0x16: {  	_ =	swait.ge [sflag:s13], $0x8000  }
0x17: {  	[sflag:s13] =	ssyncset.done $0x0  }
0x18: {  	s14 =	simm.s32 $0x200;
	[sflag:s13] =	ssyncadd.s32 $0xFFFF8000  }
0x19: {  	[tilespmem:s7], [sflag:$0x3] =	stream.indirect.gather [hbm4b:s5+s6], $0x80, s14, s6, $0xb8;
	[tilespmem:$0x10800] =	vst v63  }
0x1a: {  	_ =	swait.ge [sflag:s8], $0x8000  }
0x1b: {  	s18 =	sor.u32 $0x2000, s25;
	[sflag:s8] =	ssyncset.done $0x0  }
0x1c: {  	s15 =	simm.s32 $0x2;
	s16 =	sadd.s32 s24, s18;
	[sflag:s8] =	ssyncadd.s32 $0xFFFF8000  }
0x1d: {  	[hbm4b:s16+s2] =	stream.linear.scatter [tilespmem:s7], [sflag:$0x1], $0x8000, $0x38;
	[tilespmem:$0x10800] =	vst v63  }
0x1e: {  	_ =	swait.ge [sflag:s15], $0x8000  }
0x1f: {  	[sflag:s15] =	ssyncset.done $0x0  }
0x20: {  	s17 =	simm.s32 $0x300;
	[sflag:s15] =	ssyncadd.s32 $0xFFFF8000  }
0x21: {  	[tilespmem:s10], [sflag:$0x4] =	stream.indirect.gather [hbm4b:s5+s6], $0x80, s17, s6, $0xb8;
	[tilespmem:$0x10800] =	vst v63  }
0x22: {  	_ =	swait.ge [sflag:s11], $0x8000  }
0x23: {  	[sflag:s11] =	ssyncset.done $0x0  }
0x24: {  	s18 =	sadd.s32 s18, s26;
	[sflag:s11] =	ssyncadd.s32 $0xFFFF8000  }
0x25: {  	[hbm4b:s18+s2] =	stream.linear.scatter [tilespmem:s10], [sflag:$0x2], $0x8000, $0x38;
	[tilespmem:$0x10800] =	vst v63  }
0x26: {  	_ =	swait.ge [sflag:s13], $0x8000  }
0x27: {  	[sflag:s13] =	ssyncset.done $0x0  }
0x28: {  	s19 =	simm.s32 $0x400;
	[sflag:s13] =	ssyncadd.s32 $0xFFFF8000  }
0x29: {  	[tilespmem:s7], [sflag:$0x3] =	stream.indirect.gather [hbm4b:s5+s6], $0x80, s19, s6, $0xb8;
	[tilespmem:$0x10800] =	vst v63  }
0x2a: {  	_ =	swait.ge [sflag:s8], $0x8000  }
0x2b: {  	s22 =	sor.u32 $0x4000, s25;
	[sflag:s8] =	ssyncset.done $0x0  }
0x2c: {  	s20 =	sadd.s32 s24, s22;
	[sflag:s8] =	ssyncadd.s32 $0xFFFF8000  }
0x2d: {  	[hbm4b:s20+s2] =	stream.linear.scatter [tilespmem:s7], [sflag:$0x1], $0x8000, $0x38;
	[tilespmem:$0x10800] =	vst v63  }
0x2e: {  	_ =	swait.ge [sflag:s15], $0x8000  }
0x2f: {  	[sflag:s15] =	ssyncset.done $0x0  }
0x30: {  	s21 =	simm.s32 $0x500;
	[sflag:s15] =	ssyncadd.s32 $0xFFFF8000  }
0x31: {  	[tilespmem:s10], [sflag:$0x4] =	stream.indirect.gather [hbm4b:s5+s6], $0x80, s21, s6, $0xb8;
	[tilespmem:$0x10800] =	vst v63  }
0x32: {  	_ =	swait.ge [sflag:s11], $0x8000  }
0x33: {  	[sflag:s11] =	ssyncset.done $0x0  }
0x34: {  	s22 =	sadd.s32 s22, s26;
	[sflag:s11] =	ssyncadd.s32 $0xFFFF8000  }
0x35: {  	[hbm4b:s22+s2] =	stream.linear.scatter [tilespmem:s10], [sflag:$0x2], $0x8000, $0x38;
	[tilespmem:$0x10800] =	vst v63  }
0x36: {  	_ =	swait.ge [sflag:s13], $0x8000  }
0x37: {  	[sflag:s13] =	ssyncset.done $0x0  }
0x38: {  	s23 =	simm.s32 $0x600;
	[sflag:s13] =	ssyncadd.s32 $0xFFFF8000  }
0x39: {  	[tilespmem:s7], [sflag:$0x3] =	stream.indirect.gather [hbm4b:s5+s6], $0x80, s23, s6, $0xb8;
	[tilespmem:$0x10800] =	vst v63  }
0x3a: {  	_ =	swait.ge [sflag:s8], $0x8000  }
0x3b: {  	s29 =	sor.u32 $0x6000, s25;
	[sflag:s8] =	ssyncset.done $0x0  }
0x3c: {  	s24 =	sadd.s32 s24, s29;
	[sflag:s8] =	ssyncadd.s32 $0xFFFF8000  }
0x3d: {  	[hbm4b:s24+s2] =	stream.linear.scatter [tilespmem:s7], [sflag:$0x1], $0x8000, $0x38;
	[tilespmem:$0x10800] =	vst v63  }
0x3e: {  	_ =	swait.ge [sflag:s15], $0x8000  }
0x3f: {  	s28 =	ssub.s32 $0x2, s28;
	[sflag:s15] =	ssyncset.done $0x0  }
0x40: {  	s31 =	sshrl.u32 s28, $0x1;
	s25 =	simm.s32 $0x700;
	[sflag:s15] =	ssyncadd.s32 $0xFFFF8000  }
0x41: {  	[tilespmem:s10], [sflag:$0x4] =	stream.indirect.gather [hbm4b:s5+s6], $0x80, s25, s6, $0xb8;
	[tilespmem:$0x10800] =	vst v63  }
0x42: {  	s28 =	ssub.s32 s28, s31;
	_ =	swait.ge [sflag:s11], $0x8000  }
0x43: {  	s28 =	smax.u32 s28, $0x1;
	[sflag:s11] =	ssyncset.done $0x0  }
0x44: {  	s26 =	sadd.s32 s29, s26;
	p0 =	sne.s32 s28, $0x1;
	[sflag:s11] =	ssyncadd.s32 $0xFFFF8000  }
0x45: {  	[hbm4b:s26+s2] =	stream.linear.scatter [tilespmem:s10], [sflag:$0x2], $0x8000, $0x38;
	[tilespmem:$0x10800] =	vst v63  }
.Ltmp0:
0x46: {  	_ =	swait.ge [sflag:s13], $0x8000;
	(pc) =	sbr.rel @!p0 .LBB2_2-.Ltmp0, $4  }
0x47: {  	[sflag:s13] =	ssyncset.done $0x0  }
0x48: {  	[sflag:s13] =	ssyncadd.s32 $0xFFFF8000  }
0x49: {  	_ =	swait.ge [sflag:s15], $0x8000  }
0x4a: {  	s28 =	sadd.s32 $0xFFFFFFFF, s28;
	[sflag:s15] =	ssyncset.done $0x0  }
.LBB2_1:
0x4b: {  	p0 =	sne.s32 s28, $0x1;
	s28 =	sadd.s32 $0xFFFFFFFF, s28;
	[sflag:s15] =	ssyncadd.s32 $0xFFFF8000  }
0x4c: {  	[tilespmem:s2], [sflag:$0x5] =	stream.linear.gather [hbm4b:s3+s2], $0x800, $0x38;
	[tilespmem:$0x10800] =	vst v63  }
0x4d: {  	_ =	swait.ge [sflag:s4], $0x800  }
0x4e: {  	[sflag:s4] =	ssyncset.done $0x0  }
0x4f: {  	[sflag:s4] =	ssyncadd.s32 $0xFFFFF800  }
0x50: {  	[tilespmem:s7], [sflag:$0x3] =	stream.indirect.gather [hbm4b:s5+s6], $0x80, s2, s6, $0xb8;
	[tilespmem:$0x10800] =	vst v63  }
0x51: {  	_ =	swait.ge [sflag:s8], $0x8000  }
0x52: {  	[sflag:s8] =	ssyncset.done $0x0  }
0x53: {  	[sflag:s8] =	ssyncadd.s32 $0xFFFF8000  }
0x54: {  	[hbm4b:s9+s2] =	stream.linear.scatter [tilespmem:s7], [sflag:$0x1], $0x8000, $0x38;
	[tilespmem:$0x10800] =	vst v63  }
0x55: {  	_ = 	snop  }
0x56: {  	[tilespmem:s10], [sflag:$0x4] =	stream.indirect.gather [hbm4b:s5+s6], $0x80, s6, s6, $0xb8;
	[tilespmem:$0x10800] =	vst v63  }
0x57: {  	_ =	swait.ge [sflag:s11], $0x8000  }
0x58: {  	[sflag:s11] =	ssyncset.done $0x0  }
0x59: {  	[sflag:s11] =	ssyncadd.s32 $0xFFFF8000  }
0x5a: {  	[hbm4b:s12+s2] =	stream.linear.scatter [tilespmem:s10], [sflag:$0x2], $0x8000, $0x38;
	[tilespmem:$0x10800] =	vst v63  }
0x5b: {  	_ =	swait.ge [sflag:s13], $0x8000  }
0x5c: {  	[sflag:s13] =	ssyncset.done $0x0  }
0x5d: {  	[sflag:s13] =	ssyncadd.s32 $0xFFFF8000  }
0x5e: {  	[tilespmem:s7], [sflag:$0x3] =	stream.indirect.gather [hbm4b:s5+s6], $0x80, s14, s6, $0xb8;
	[tilespmem:$0x10800] =	vst v63  }
0x5f: {  	_ =	swait.ge [sflag:s8], $0x8000  }
0x60: {  	[sflag:s8] =	ssyncset.done $0x0  }
0x61: {  	[sflag:s8] =	ssyncadd.s32 $0xFFFF8000  }
0x62: {  	[hbm4b:s16+s2] =	stream.linear.scatter [tilespmem:s7], [sflag:$0x1], $0x8000, $0x38;
	[tilespmem:$0x10800] =	vst v63  }
0x63: {  	_ =	swait.ge [sflag:s15], $0x8000  }
0x64: {  	[sflag:s15] =	ssyncset.done $0x0  }
0x65: {  	[sflag:s15] =	ssyncadd.s32 $0xFFFF8000  }
0x66: {  	[tilespmem:s10], [sflag:$0x4] =	stream.indirect.gather [hbm4b:s5+s6], $0x80, s17, s6, $0xb8;
	[tilespmem:$0x10800] =	vst v63  }
0x67: {  	_ =	swait.ge [sflag:s11], $0x8000  }
0x68: {  	[sflag:s11] =	ssyncset.done $0x0  }
0x69: {  	[sflag:s11] =	ssyncadd.s32 $0xFFFF8000  }
0x6a: {  	[hbm4b:s18+s2] =	stream.linear.scatter [tilespmem:s10], [sflag:$0x2], $0x8000, $0x38;
	[tilespmem:$0x10800] =	vst v63  }
0x6b: {  	_ =	swait.ge [sflag:s13], $0x8000  }
0x6c: {  	[sflag:s13] =	ssyncset.done $0x0  }
0x6d: {  	[sflag:s13] =	ssyncadd.s32 $0xFFFF8000  }
0x6e: {  	[tilespmem:s7], [sflag:$0x3] =	stream.indirect.gather [hbm4b:s5+s6], $0x80, s19, s6, $0xb8;
	[tilespmem:$0x10800] =	vst v63  }
0x6f: {  	_ =	swait.ge [sflag:s8], $0x8000  }
0x70: {  	[sflag:s8] =	ssyncset.done $0x0  }
0x71: {  	[sflag:s8] =	ssyncadd.s32 $0xFFFF8000  }
0x72: {  	[hbm4b:s20+s2] =	stream.linear.scatter [tilespmem:s7], [sflag:$0x1], $0x8000, $0x38;
	[tilespmem:$0x10800] =	vst v63  }
0x73: {  	_ =	swait.ge [sflag:s15], $0x8000  }
0x74: {  	[sflag:s15] =	ssyncset.done $0x0  }
0x75: {  	[sflag:s15] =	ssyncadd.s32 $0xFFFF8000  }
0x76: {  	[tilespmem:s10], [sflag:$0x4] =	stream.indirect.gather [hbm4b:s5+s6], $0x80, s21, s6, $0xb8;
	[tilespmem:$0x10800] =	vst v63  }
0x77: {  	_ =	swait.ge [sflag:s11], $0x8000  }
0x78: {  	[sflag:s11] =	ssyncset.done $0x0  }
0x79: {  	[sflag:s11] =	ssyncadd.s32 $0xFFFF8000  }
0x7a: {  	[hbm4b:s22+s2] =	stream.linear.scatter [tilespmem:s10], [sflag:$0x2], $0x8000, $0x38;
	[tilespmem:$0x10800] =	vst v63  }
0x7b: {  	_ =	swait.ge [sflag:s13], $0x8000  }
0x7c: {  	[sflag:s13] =	ssyncset.done $0x0  }
0x7d: {  	[sflag:s13] =	ssyncadd.s32 $0xFFFF8000  }
0x7e: {  	[tilespmem:s7], [sflag:$0x3] =	stream.indirect.gather [hbm4b:s5+s6], $0x80, s23, s6, $0xb8;
	[tilespmem:$0x10800] =	vst v63  }
0x7f: {  	_ =	swait.ge [sflag:s8], $0x8000  }
0x80: {  	[sflag:s8] =	ssyncset.done $0x0  }
0x81: {  	[sflag:s8] =	ssyncadd.s32 $0xFFFF8000  }
0x82: {  	[hbm4b:s24+s2] =	stream.linear.scatter [tilespmem:s7], [sflag:$0x1], $0x8000, $0x38;
	[tilespmem:$0x10800] =	vst v63  }
0x83: {  	_ =	swait.ge [sflag:s15], $0x8000  }
0x84: {  	[sflag:s15] =	ssyncset.done $0x0  }
0x85: {  	[sflag:s15] =	ssyncadd.s32 $0xFFFF8000  }
0x86: {  	[tilespmem:s10], [sflag:$0x4] =	stream.indirect.gather [hbm4b:s5+s6], $0x80, s25, s6, $0xb8;
	[tilespmem:$0x10800] =	vst v63  }
0x87: {  	_ =	swait.ge [sflag:s11], $0x8000  }
0x88: {  	[sflag:s11] =	ssyncset.done $0x0  }
0x89: {  	[sflag:s11] =	ssyncadd.s32 $0xFFFF8000  }
0x8a: {  	[hbm4b:s26+s2] =	stream.linear.scatter [tilespmem:s10], [sflag:$0x2], $0x8000, $0x38;
	[tilespmem:$0x10800] =	vst v63  }
.Ltmp1:
0x8b: {  	_ =	swait.ge [sflag:s13], $0x8000;
	(pc) =	sbr.rel @p0 .LBB2_1-.Ltmp1, $4  }
0x8c: {  	[sflag:s13] =	ssyncset.done $0x0  }
0x8d: {  	[sflag:s13] =	ssyncadd.s32 $0xFFFF8000  }
0x8e: {  	_ =	swait.ge [sflag:s15], $0x8000  }
0x8f: {  	[sflag:s15] =	ssyncset.done $0x0  }
.LBB2_2:
0x90: {  	[sflag:s15] =	ssyncadd.s32 $0xFFFF8000  }
0x91: {  	_ =	sfence.sel $0x180000  }
0x92: {  	[bflag:$0x0] =	sbarrier.arrive $0xFFFF  }
0x93: {  	p0 =	sne.s32 s0, $0x0;
	_ =	strace $0x90000053  }
0x94: {  	s0 =	sadd.s32 @!p0 $0x100000, s1;
	[bflag:$0x2] =	sbarrier.arrive $0xFFFF  }
0x95: {  	[sflag:s0] =	ssyncadd.tile.s32 @!p0 $0x1;
	_ =	shalt  }
.Lfunc_end2:
_tile_overlayer_lowered:
.L_overlay_start_2:
0x96: {  	(tag) =	ssettag $0x2  }
0x97: {  	s0 =	rddreg [dreg:$0x0];
	s2 =	stileid.u32  }
0x98: {  	s1 =	rddreg [dreg:$0x1];
	p0 =	sne.s32 s2, $0x0  }
0x99: {  	s3 =	rddreg [dreg:$0x2];
	[bflag:$0x3] =	sbarrier.arrive $0xFFFF;
	s2 =	simm.s32 @!p0 $0x1C05  }
0x9a: {  	[timem:s3], [sflag:s2] =	dma.local @!p0 [hbm:s0], s1  }
0x9b: {  	s0 =	simm.s32 @!p0 $0x5  }
0x9c: {  	_ =	swait.ge @!p0 [sflag:s0], s1  }
0x9d: {  	s1 =	ssub.s32 @!p0 $0x0, s1;
	[sflag:s0] =	ssyncset.done @!p0 $0x0  }
0x9e: {  	[sflag:s0] =	ssyncadd.s32 @!p0 s1  }
0x9f: {  	[bflag:$0x3] =	sbarrier.arrive $0xFFFF  }
0xa0: {  	_ =	shalt  }

</sc_bundles>
